<compile_context>
chip_gen: v7x
topology: tpu7x:2x2x1
jax: 0.10.2.dev20260603
libtpu: 0.0.44.dev20260713+nightly
codegen_flags: <defaults>
</compile_context>

<pallas_src>
import functools

import jax
import jax.numpy as jnp
from jax import lax
from jax.experimental import pallas as pl
from jax.experimental.pallas import tpu as pltpu
from jax.experimental.pallas import tpu_sc as plsc

N_NODES = 10000
N_P = 10240
N_EDGES = 320000
NC, NS = 2, 16
NW = NC * NS
CH = 120
NCH = 84
EW = NCH * CH
E_P = NW * EW
RPS = N_P // NS

_MESH = plsc.VectorSubcoreMesh(
    core_axis_name="c", subcore_axis_name="s", num_cores=NC, num_subcores=NS)
_SC_PARAMS = pltpu.CompilerParams(use_tc_tiling_on_sc=False)



def _deg_body(dst_hbm, ones_hbm, out_hbm, dst_b, ones_v, zero_v, acc_sh, ssem):
  cid = lax.axis_index("c")
  sid = lax.axis_index("s")
  wid = sid * NC + cid
  for j in range(RPS // 16):
    zero_v[pl.ds(j * 16, 16)] = jnp.zeros((16,), jnp.float32)
  pltpu.sync_copy(zero_v, acc_sh.at[pl.ds(sid * RPS, RPS)])
  pltpu.sync_copy(ones_hbm, ones_v)
  pltpu.sync_copy(dst_hbm.at[pl.ds(wid * NCH, NCH)], dst_b)
  plsc.subcore_barrier()

  def fire(i, c):
    pltpu.async_copy(ones_v, acc_sh.at[dst_b.at[i]], ssem, add=True)
    return c

  def drain(i, c):
    pltpu.make_async_copy(ones_v, acc_sh.at[dst_b.at[0]], ssem).wait()
    return c

  lax.fori_loop(0, NCH, fire, 0)
  lax.fori_loop(0, NCH, drain, 0)
  plsc.subcore_barrier()
  pltpu.sync_copy(acc_sh.at[pl.ds(sid * RPS, RPS)],
                  out_hbm.at[cid, pl.ds(sid * RPS, RPS)])


_deg_kernel = functools.partial(
    pl.kernel,
    out_type=jax.ShapeDtypeStruct((NC, N_P), jnp.float32),
    mesh=_MESH,
    compiler_params=_SC_PARAMS,
    scratch_types=[
        pltpu.VMEM((NCH, CH), jnp.int32),
        pltpu.VMEM((CH,), jnp.float32),
        pltpu.VMEM((RPS,), jnp.float32),
        pltpu.VMEM_SHARED((N_P,), jnp.float32),
        pltpu.SemaphoreType.DMA,
    ],
)(_deg_body)


def _make_agg(widths, depth, gahead, ch=CH, nch=NCH):
  nt = len(widths)

  IR = 6

  def body(*refs):
    src_hbm, dst_hbm = refs[0], refs[1]
    tables = refs[2:2 + nt]
    outs = refs[2 + nt:2 + 2 * nt]
    si = 2 + 2 * nt
    src_b, dst_b = refs[si], refs[si + 1]
    rows = refs[si + 2:si + 2 + nt]
    accs = refs[si + 2 + nt:si + 2 + 2 * nt]
    isem = refs[si + 2 + 2 * nt]
    gsem = refs[si + 3 + 2 * nt]
    ssem = refs[si + 4 + 2 * nt]

    cid = lax.axis_index("c")
    sid = lax.axis_index("s")
    wid = sid * NC + cid
    for t in range(nt):
      pltpu.sync_copy(tables[t].at[pl.ds(sid * RPS, RPS)],
                      accs[t].at[pl.ds(sid * RPS, RPS)])

    def ifire(i):
      slot = lax.rem(i, IR)
      pltpu.async_copy(src_hbm.at[wid * nch + i], src_b.at[slot],
                       isem.at[slot])
      pltpu.async_copy(dst_hbm.at[wid * nch + i], dst_b.at[slot],
                       isem.at[slot])

    def iwait(i):
      slot = lax.rem(i, IR)
      pltpu.make_async_copy(src_hbm.at[0], src_b.at[0], isem.at[slot]).wait()
      pltpu.make_async_copy(dst_hbm.at[0], dst_b.at[0], isem.at[slot]).wait()

    def gfire(i, slot):
      for t in range(nt):
        pltpu.async_copy(tables[t].at[src_b.at[lax.rem(i, IR)]],
                         rows[t].at[slot], gsem)

    def gwait():
      for t in range(nt):
        pltpu.make_async_copy(tables[t].at[src_b.at[0]], rows[t].at[0],
                              gsem).wait()

    def sfire(i, slot):
      for t in range(nt):
        pltpu.async_copy(rows[t].at[slot], accs[t].at[dst_b.at[lax.rem(i, IR)]],
                         ssem, add=True)

    def swait():
      for t in range(nt):
        pltpu.make_async_copy(rows[t].at[0], accs[t].at[dst_b.at[0]],
                              ssem).wait()

    T = depth - gahead
    for j in range(min(IR - 2, nch)):
      ifire(j)
    plsc.subcore_barrier()
    for g in range(min(gahead, nch)):
      iwait(g)
      gfire(g, g)

    def step(i, c):
      gwait()

      @pl.when(i >= T)
      def _():
        swait()
      sfire(i, lax.rem(i, depth))

      @pl.when(i + gahead < nch)
      def _():
        iwait(i + gahead)
        gfire(i + gahead, lax.rem(i + gahead, depth))

      @pl.when(i + IR - 2 < nch)
      def _():
        ifire(i + IR - 2)
      return c

    lax.fori_loop(0, nch, step, 0)
    for _ in range(T):
      swait()
    plsc.subcore_barrier()
    for t in range(nt):
      pltpu.sync_copy(accs[t].at[pl.ds(sid * RPS, RPS)],
                      outs[t].at[cid, pl.ds(sid * RPS, RPS)])

  return functools.partial(
      pl.kernel,
      out_type=[jax.ShapeDtypeStruct((NC, N_P, w), jnp.float32)
                for w in widths],
      mesh=_MESH,
      compiler_params=(pltpu.CompilerParams(use_tc_tiling_on_sc=True)
                       if all(w == 128 for w in widths) else _SC_PARAMS),
      scratch_types=(
          [pltpu.VMEM((IR, ch), jnp.int32)] * 2
          + [pltpu.VMEM((depth, ch, w), jnp.float32) for w in widths]
          + [pltpu.VMEM_SHARED((N_P, w), jnp.float32) for w in widths]
          + [pltpu.SemaphoreType.DMA((IR,)),
             pltpu.SemaphoreType.DMA, pltpu.SemaphoreType.DMA]
      ),
  )(body)


CH1, NCH1 = 80, 125
_agg1 = _make_agg([128, 16], 3, 2, CH1, NCH1)
_agg2 = _make_agg([128], 3, 2)
_agg3 = _make_agg([64], 4, 3)



BS = 2560
NBLK = N_P // BS


def _prep_body(degp, feat, cond, wf, dinv_o, xs1_o, xc_o):
  deg = degp[0, :] + degp[1, :] + 1.0
  dv = jnp.broadcast_to(lax.rsqrt(deg)[:, None], (BS, 128))
  dinv_o[...] = dv
  xs1_o[...] = dv * jnp.dot(feat[...], wf[...],
                            preferred_element_type=jnp.float32)
  xc_o[...] = dv[:, :16] * cond[...]


def _mid_body(dinv, p1f, xs1, p1c, xc, wc, wh, bf, bc, xs2_o):
  dv = dinv[...]
  f2h = jnp.tanh(dv * (p1f[0] + p1f[1] - xs1[...]) + bf[...])
  cagg = dv[:, :16] * (p1c[0] + p1c[1] - xc[...])
  c2h = jnp.tanh(jnp.dot(cagg, wc[...], preferred_element_type=jnp.float32)
                 + bc[...])
  xw2 = (jnp.dot(f2h, wh[0], preferred_element_type=jnp.float32)
         + jnp.dot(c2h, wh[1], preferred_element_type=jnp.float32))
  xs2_o[...] = dv * xw2


def _lat_body(dinv, p2, xs2, wl, bh, xs3_o):
  dv = dinv[...]
  h = jnp.tanh(dv * (p2[0] + p2[1] - xs2[...]) + bh[...])
  xs3_o[...] = dv[:, :64] * jnp.dot(h, wl[...],
                                    preferred_element_type=jnp.float32)


def _fin_body(dinv, p3, xs3, bl, z_o):
  z_o[...] = dinv[:, :64] * (p3[0] + p3[1] - xs3[...]) + bl[...]


def _row_spec(w):
  return pl.BlockSpec((BS, w), lambda i: (i, 0))


def _part_spec(w):
  return pl.BlockSpec((NC, BS, w), lambda i: (0, i, 0))


def _full_spec(shape):
  return pl.BlockSpec(shape, lambda i: tuple(0 for _ in shape))



@jax.jit
def kernel(feature, condition, edge_index, W_f2h, b_f2h, W_c2h, b_c2h,
           W_h2h, b_h2h, W_h2l, b_h2l):
  f32 = jnp.float32
  pad_idx = N_NODES + (jnp.arange(E_P - N_EDGES, dtype=jnp.int32)
                       % (N_P - N_NODES))
  src_p = jnp.concatenate([edge_index[0].astype(jnp.int32),
                           pad_idx]).reshape(NW * NCH, CH)
  dst_p = jnp.concatenate([edge_index[1].astype(jnp.int32),
                           pad_idx]).reshape(NW * NCH, CH)
  src1 = edge_index[0].astype(jnp.int32).reshape(NW * NCH1, CH1)
  dst1 = edge_index[1].astype(jnp.int32).reshape(NW * NCH1, CH1)
  ones = jnp.ones((CH,), f32)
  bf = b_f2h.reshape(1, -1)
  bc = b_c2h.reshape(1, -1)
  bh = b_h2h.reshape(1, -1)
  bl = b_h2l.reshape(1, -1)
  wh2 = W_h2h.reshape(2, 128, 128)

  degp = _deg_kernel(dst_p, ones)

  dinv, xs1, xc = pl.pallas_call(
      _prep_body,
      grid=(NBLK,),
      in_specs=[pl.BlockSpec((NC, BS), lambda i: (0, i)),
                _row_spec(128), _row_spec(16), _full_spec((128, 128))],
      out_specs=[_row_spec(128), _row_spec(128), _row_spec(16)],
      out_shape=[jax.ShapeDtypeStruct((N_P, 128), f32),
                 jax.ShapeDtypeStruct((N_P, 128), f32),
                 jax.ShapeDtypeStruct((N_P, 16), f32)],
  )(degp, feature, condition, W_f2h)

  p1f, p1c = _agg1(src1, dst1, xs1, xc)

  xs2 = pl.pallas_call(
      _mid_body,
      grid=(NBLK,),
      in_specs=[_row_spec(128), _part_spec(128), _row_spec(128),
                _part_spec(16), _row_spec(16),
                _full_spec((16, 128)), _full_spec((2, 128, 128)),
                _full_spec((1, 128)), _full_spec((1, 128))],
      out_specs=_row_spec(128),
      out_shape=jax.ShapeDtypeStruct((N_P, 128), f32),
  )(dinv, p1f, xs1, p1c, xc, W_c2h, wh2, bf, bc)

  (p2,) = _agg2(src_p, dst_p, xs2)

  xs3 = pl.pallas_call(
      _lat_body,
      grid=(NBLK,),
      in_specs=[_row_spec(128), _part_spec(128), _row_spec(128),
                _full_spec((128, 64)), _full_spec((1, 128))],
      out_specs=_row_spec(64),
      out_shape=jax.ShapeDtypeStruct((N_P, 64), f32),
  )(dinv, p2, xs2, W_h2l, bh)

  (p3,) = _agg3(src_p, dst_p, xs3)

  z = pl.pallas_call(
      _fin_body,
      grid=(NBLK,),
      in_specs=[_row_spec(128), _part_spec(64), _row_spec(64),
                _full_spec((1, 64))],
      out_specs=_row_spec(64),
      out_shape=jax.ShapeDtypeStruct((N_P, 64), f32),
  )(dinv, p3, xs3, bl)

  return z[:N_NODES]

# --- scband reference (transcript-rebuilt; emitter-appended) ---
"""Pipeline reference for scband-separate-hidden-gcaeencoder-16286515987229 (READ-ONLY COPY).

The authoritative reference and input builder live on the scoring server;
editing this copy changes nothing except your own understanding.
"""

import jax, jax.numpy as jnp
import numpy as np

N_NODES = 10000
N_EDGES = 320000
FEATURE_DIM = 128
CONDITION_DIM = 16
HIDDEN_DIM = 128
LATENT_DIM = 64


def _glorot(key, fan_in, fan_out):
    limit = jnp.sqrt(6.0 / (fan_in + fan_out))
    return jax.random.uniform(key, (fan_in, fan_out), minval=-limit, maxval=limit, dtype=jnp.float32)


def setup_inputs(seed: int = 0) -> dict:
    key = jax.random.key(seed)
    ks = jax.random.split(key, 8)
    feature = jax.random.normal(ks[0], (N_NODES, FEATURE_DIM), dtype=jnp.float32)
    condition = jax.random.normal(ks[1], (N_NODES, CONDITION_DIM), dtype=jnp.float32)
    edge_index = jax.random.randint(ks[2], (2, N_EDGES), 0, N_NODES, dtype=jnp.int64 if jax.config.jax_enable_x64 else jnp.int32)
    W_f2h = _glorot(ks[3], FEATURE_DIM, HIDDEN_DIM)
    b_f2h = jnp.zeros((HIDDEN_DIM,), dtype=jnp.float32)
    W_c2h = _glorot(ks[4], CONDITION_DIM, HIDDEN_DIM)
    b_c2h = jnp.zeros((HIDDEN_DIM,), dtype=jnp.float32)
    W_h2h = _glorot(ks[5], 2 * HIDDEN_DIM, HIDDEN_DIM)
    b_h2h = jnp.zeros((HIDDEN_DIM,), dtype=jnp.float32)
    W_h2l = _glorot(ks[6], HIDDEN_DIM, LATENT_DIM)
    b_h2l = jnp.zeros((LATENT_DIM,), dtype=jnp.float32)
    return {
        "feature": feature,
        "condition": condition,
        "edge_index": edge_index,
        "W_f2h": W_f2h, "b_f2h": b_f2h,
        "W_c2h": W_c2h, "b_c2h": b_c2h,
        "W_h2h": W_h2h, "b_h2h": b_h2h,
        "W_h2l": W_h2l, "b_h2l": b_h2l,
    }


def _gcn_conv(x, edge_index, W, b, n_nodes):
    # PyG GCNConv with add_self_loops=True and symmetric normalization:
    # out = D^{-1/2} (A + I) D^{-1/2} X W + b, aggregation at dst = edge_index[1]
    loops = jnp.arange(n_nodes, dtype=edge_index.dtype)
    src = jnp.concatenate([edge_index[0], loops])
    dst = jnp.concatenate([edge_index[1], loops])
    deg = jnp.zeros((n_nodes,), dtype=x.dtype).at[dst].add(1.0)
    deg_inv_sqrt = jnp.where(deg > 0, jax.lax.rsqrt(deg), 0.0)
    norm = deg_inv_sqrt[src] * deg_inv_sqrt[dst]
    xw = x @ W
    msg = xw[src] * norm[:, None]
    out = jnp.zeros((n_nodes, W.shape[1]), dtype=x.dtype).at[dst].add(msg)
    return out + b


def reference(feature, condition, edge_index, W_f2h, b_f2h, W_c2h, b_c2h, W_h2h, b_h2h, W_h2l, b_h2l):
    n = feature.shape[0]
    f2h = jnp.tanh(_gcn_conv(feature, edge_index, W_f2h, b_f2h, n))
    c2h = jnp.tanh(_gcn_conv(condition, edge_index, W_c2h, b_c2h, n))
    h = jnp.concatenate([f2h, c2h], axis=1)
    h = jnp.tanh(_gcn_conv(h, edge_index, W_h2h, b_h2h, n))
    z = _gcn_conv(h, edge_index, W_h2l, b_h2l, n)
    return z

if __name__ == "__main__":
    import jax
    _d = setup_inputs()
    print(jax.jit(kernel)(*tuple(_d.values())))

</pallas_src>

<mosaic_0001>
#map = affine_map<(d0, d1) -> (0, 0)>
#map1 = affine_map<(d0, d1) -> (0)>
module attributes {stable_mosaic.version = 14 : i64} {
  func.func @_deg_body(%arg0: i32, %arg1: i32, %arg2: memref<2688x120xi32, #tpu.memory_space<hbm>>, %arg3: memref<120xf32, #tpu.memory_space<hbm>>, %arg4: memref<2x10240xf32, #tpu.memory_space<hbm>>, %arg5: memref<84x120xi32, #tpu.memory_space<vmem>>, %arg6: memref<120xf32, #tpu.memory_space<vmem>>, %arg7: memref<640xf32, #tpu.memory_space<vmem>>, %arg8: memref<10240xf32, #tpu.memory_space<vmem_shared>>, %arg9: memref<!tpu.dma_semaphore, #tpu.memory_space<semaphore_mem>>) attributes {dimension_semantics = [#tpu.dimension_semantics<core_parallel>, #tpu.dimension_semantics<subcore_parallel>], iteration_bounds = array<i64: 2, 16>, scalar_prefetch = 0 : i64, scratch_operands = 5 : i64, tpu.core_type = #tpu.core_type<sc_vector_subcore>, window_params = [{transform_indices = #map}, {transform_indices = #map1}, {transform_indices = #map}]} {
    %mul3A = arith.constant 2 : i32
    %mul3A_0 = arith.muli %arg1, %mul3A : i32
    %add3A = arith.addi %mul3A_0, %arg0 : i32
    %broadcast_in_dim3A = arith.constant 0.000000e+00 : f32
    %broadcast_in_dim3A_1 = vector.broadcast %broadcast_in_dim3A : f32 to vector<16xf32>
    %swap3A = arith.constant 0 : index
    %swap3A_2 = tpu.vector_load %arg7[%swap3A] {strides = array<i32>} : memref<640xf32, #tpu.memory_space<vmem>>, vector<16xf32>,
    %swap3A_3 = vector.shape_cast %swap3A_2 : vector<16xf32> to vector<16xf32>
    %swap3A_4 = vector.shape_cast %broadcast_in_dim3A_1 : vector<16xf32> to vector<16xf32>
    tpu.vector_store %arg7[%swap3A], %swap3A_4 {strides = array<i32>} : memref<640xf32, #tpu.memory_space<vmem>>, vector<16xf32>,
    %broadcast_in_dim3A_5 = arith.constant 0.000000e+00 : f32
    %broadcast_in_dim3A_6 = vector.broadcast %broadcast_in_dim3A_5 : f32 to vector<16xf32>
    %swap3A_7 = arith.constant 16 : index
    %swap3A_8 = tpu.vector_load %arg7[%swap3A_7] {strides = array<i32>} : memref<640xf32, #tpu.memory_space<vmem>>, vector<16xf32>,
    %swap3A_9 = vector.shape_cast %swap3A_8 : vector<16xf32> to vector<16xf32>
    %swap3A_10 = vector.shape_cast %broadcast_in_dim3A_6 : vector<16xf32> to vector<16xf32>
    tpu.vector_store %arg7[%swap3A_7], %swap3A_10 {strides = array<i32>} : memref<640xf32, #tpu.memory_space<vmem>>, vector<16xf32>,
    %broadcast_in_dim3A_11 = arith.constant 0.000000e+00 : f32
    %broadcast_in_dim3A_12 = vector.broadcast %broadcast_in_dim3A_11 : f32 to vector<16xf32>
    %swap3A_13 = arith.constant 32 : index
    %swap3A_14 = tpu.vector_load %arg7[%swap3A_13] {strides = array<i32>} : memref<640xf32, #tpu.memory_space<vmem>>, vector<16xf32>,
    %swap3A_15 = vector.shape_cast %swap3A_14 : vector<16xf32> to vector<16xf32>
    %swap3A_16 = vector.shape_cast %broadcast_in_dim3A_12 : vector<16xf32> to vector<16xf32>
    tpu.vector_store %arg7[%swap3A_13], %swap3A_16 {strides = array<i32>} : memref<640xf32, #tpu.memory_space<vmem>>, vector<16xf32>,
    %broadcast_in_dim3A_17 = arith.constant 0.000000e+00 : f32
    %broadcast_in_dim3A_18 = vector.broadcast %broadcast_in_dim3A_17 : f32 to vector<16xf32>
    %swap3A_19 = arith.constant 48 : index
    %swap3A_20 = tpu.vector_load %arg7[%swap3A_19] {strides = array<i32>} : memref<640xf32, #tpu.memory_space<vmem>>, vector<16xf32>,
    %swap3A_21 = vector.shape_cast %swap3A_20 : vector<16xf32> to vector<16xf32>
    %swap3A_22 = vector.shape_cast %broadcast_in_dim3A_18 : vector<16xf32> to vector<16xf32>
    tpu.vector_store %arg7[%swap3A_19], %swap3A_22 {strides = array<i32>} : memref<640xf32, #tpu.memory_space<vmem>>, vector<16xf32>,
    %broadcast_in_dim3A_23 = arith.constant 0.000000e+00 : f32
    %broadcast_in_dim3A_24 = vector.broadcast %broadcast_in_dim3A_23 : f32 to vector<16xf32>
    %swap3A_25 = arith.constant 64 : index
    %swap3A_26 = tpu.vector_load %arg7[%swap3A_25] {strides = array<i32>} : memref<640xf32, #tpu.memory_space<vmem>>, vector<16xf32>,
    %swap3A_27 = vector.shape_cast %swap3A_26 : vector<16xf32> to vector<16xf32>
    %swap3A_28 = vector.shape_cast %broadcast_in_dim3A_24 : vector<16xf32> to vector<16xf32>
    tpu.vector_store %arg7[%swap3A_25], %swap3A_28 {strides = array<i32>} : memref<640xf32, #tpu.memory_space<vmem>>, vector<16xf32>,
    %broadcast_in_dim3A_29 = arith.constant 0.000000e+00 : f32
    %broadcast_in_dim3A_30 = vector.broadcast %broadcast_in_dim3A_29 : f32 to vector<16xf32>
    %swap3A_31 = arith.constant 80 : index
    %swap3A_32 = tpu.vector_load %arg7[%swap3A_31] {strides = array<i32>} : memref<640xf32, #tpu.memory_space<vmem>>, vector<16xf32>,
    %swap3A_33 = vector.shape_cast %swap3A_32 : vector<16xf32> to vector<16xf32>
    %swap3A_34 = vector.shape_cast %broadcast_in_dim3A_30 : vector<16xf32> to vector<16xf32>
    tpu.vector_store %arg7[%swap3A_31], %swap3A_34 {strides = array<i32>} : memref<640xf32, #tpu.memory_space<vmem>>, vector<16xf32>,
    %broadcast_in_dim3A_35 = arith.constant 0.000000e+00 : f32
    %broadcast_in_dim3A_36 = vector.broadcast %broadcast_in_dim3A_35 : f32 to vector<16xf32>
    %swap3A_37 = arith.constant 96 : index
    %swap3A_38 = tpu.vector_load %arg7[%swap3A_37] {strides = array<i32>} : memref<640xf32, #tpu.memory_space<vmem>>, vector<16xf32>,
    %swap3A_39 = vector.shape_cast %swap3A_38 : vector<16xf32> to vector<16xf32>
    %swap3A_40 = vector.shape_cast %broadcast_in_dim3A_36 : vector<16xf32> to vector<16xf32>
    tpu.vector_store %arg7[%swap3A_37], %swap3A_40 {strides = array<i32>} : memref<640xf32, #tpu.memory_space<vmem>>, vector<16xf32>,
    %broadcast_in_dim3A_41 = arith.constant 0.000000e+00 : f32
    %broadcast_in_dim3A_42 = vector.broadcast %broadcast_in_dim3A_41 : f32 to vector<16xf32>
    %swap3A_43 = arith.constant 112 : index
    %swap3A_44 = tpu.vector_load %arg7[%swap3A_43] {strides = array<i32>} : memref<640xf32, #tpu.memory_space<vmem>>, vector<16xf32>,
    %swap3A_45 = vector.shape_cast %swap3A_44 : vector<16xf32> to vector<16xf32>
    %swap3A_46 = vector.shape_cast %broadcast_in_dim3A_42 : vector<16xf32> to vector<16xf32>
    tpu.vector_store %arg7[%swap3A_43], %swap3A_46 {strides = array<i32>} : memref<640xf32, #tpu.memory_space<vmem>>, vector<16xf32>,
    %broadcast_in_dim3A_47 = arith.constant 0.000000e+00 : f32
    %broadcast_in_dim3A_48 = vector.broadcast %broadcast_in_dim3A_47 : f32 to vector<16xf32>
    %swap3A_49 = arith.constant 128 : index
    %swap3A_50 = tpu.vector_load %arg7[%swap3A_49] {strides = array<i32>} : memref<640xf32, #tpu.memory_space<vmem>>, vector<16xf32>,
    %swap3A_51 = vector.shape_cast %swap3A_50 : vector<16xf32> to vector<16xf32>
    %swap3A_52 = vector.shape_cast %broadcast_in_dim3A_48 : vector<16xf32> to vector<16xf32>
    tpu.vector_store %arg7[%swap3A_49], %swap3A_52 {strides = array<i32>} : memref<640xf32, #tpu.memory_space<vmem>>, vector<16xf32>,
    %broadcast_in_dim3A_53 = arith.constant 0.000000e+00 : f32
    %broadcast_in_dim3A_54 = vector.broadcast %broadcast_in_dim3A_53 : f32 to vector<16xf32>
    %swap3A_55 = arith.constant 144 : index
    %swap3A_56 = tpu.vector_load %arg7[%swap3A_55] {strides = array<i32>} : memref<640xf32, #tpu.memory_space<vmem>>, vector<16xf32>,
    %swap3A_57 = vector.shape_cast %swap3A_56 : vector<16xf32> to vector<16xf32>
    %swap3A_58 = vector.shape_cast %broadcast_in_dim3A_54 : vector<16xf32> to vector<16xf32>
    tpu.vector_store %arg7[%swap3A_55], %swap3A_58 {strides = array<i32>} : memref<640xf32, #tpu.memory_space<vmem>>, vector<16xf32>,
    %broadcast_in_dim3A_59 = arith.constant 0.000000e+00 : f32
    %broadcast_in_dim3A_60 = vector.broadcast %broadcast_in_dim3A_59 : f32 to vector<16xf32>
    %swap3A_61 = arith.constant 160 : index
    %swap3A_62 = tpu.vector_load %arg7[%swap3A_61] {strides = array<i32>} : memref<640xf32, #tpu.memory_space<vmem>>, vector<16xf32>,
    %swap3A_63 = vector.shape_cast %swap3A_62 : vector<16xf32> to vector<16xf32>
    %swap3A_64 = vector.shape_cast %broadcast_in_dim3A_60 : vector<16xf32> to vector<16xf32>
    tpu.vector_store %arg7[%swap3A_61], %swap3A_64 {strides = array<i32>} : memref<640xf32, #tpu.memory_space<vmem>>, vector<16xf32>,
    %broadcast_in_dim3A_65 = arith.constant 0.000000e+00 : f32
    %broadcast_in_dim3A_66 = vector.broadcast %broadcast_in_dim3A_65 : f32 to vector<16xf32>
    %swap3A_67 = arith.constant 176 : index
    %swap3A_68 = tpu.vector_load %arg7[%swap3A_67] {strides = array<i32>} : memref<640xf32, #tpu.memory_space<vmem>>, vector<16xf32>,
    %swap3A_69 = vector.shape_cast %swap3A_68 : vector<16xf32> to vector<16xf32>
    %swap3A_70 = vector.shape_cast %broadcast_in_dim3A_66 : vector<16xf32> to vector<16xf32>
    tpu.vector_store %arg7[%swap3A_67], %swap3A_70 {strides = array<i32>} : memref<640xf32, #tpu.memory_space<vmem>>, vector<16xf32>,
    %broadcast_in_dim3A_71 = arith.constant 0.000000e+00 : f32
    %broadcast_in_dim3A_72 = vector.broadcast %broadcast_in_dim3A_71 : f32 to vector<16xf32>
    %swap3A_73 = arith.constant 192 : index
    %swap3A_74 = tpu.vector_load %arg7[%swap3A_73] {strides = array<i32>} : memref<640xf32, #tpu.memory_space<vmem>>, vector<16xf32>,
    %swap3A_75 = vector.shape_cast %swap3A_74 : vector<16xf32> to vector<16xf32>
    %swap3A_76 = vector.shape_cast %broadcast_in_dim3A_72 : vector<16xf32> to vector<16xf32>
    tpu.vector_store %arg7[%swap3A_73], %swap3A_76 {strides = array<i32>} : memref<640xf32, #tpu.memory_space<vmem>>, vector<16xf32>,
    %broadcast_in_dim3A_77 = arith.constant 0.000000e+00 : f32
    %broadcast_in_dim3A_78 = vector.broadcast %broadcast_in_dim3A_77 : f32 to vector<16xf32>
    %swap3A_79 = arith.constant 208 : index
    %swap3A_80 = tpu.vector_load %arg7[%swap3A_79] {strides = array<i32>} : memref<640xf32, #tpu.memory_space<vmem>>, vector<16xf32>,
    %swap3A_81 = vector.shape_cast %swap3A_80 : vector<16xf32> to vector<16xf32>
    %swap3A_82 = vector.shape_cast %broadcast_in_dim3A_78 : vector<16xf32> to vector<16xf32>
    tpu.vector_store %arg7[%swap3A_79], %swap3A_82 {strides = array<i32>} : memref<640xf32, #tpu.memory_space<vmem>>, vector<16xf32>,
    %broadcast_in_dim3A_83 = arith.constant 0.000000e+00 : f32
    %broadcast_in_dim3A_84 = vector.broadcast %broadcast_in_dim3A_83 : f32 to vector<16xf32>
    %swap3A_85 = arith.constant 224 : index
    %swap3A_86 = tpu.vector_load %arg7[%swap3A_85] {strides = array<i32>} : memref<640xf32, #tpu.memory_space<vmem>>, vector<16xf32>,
    %swap3A_87 = vector.shape_cast %swap3A_86 : vector<16xf32> to vector<16xf32>
    %swap3A_88 = vector.shape_cast %broadcast_in_dim3A_84 : vector<16xf32> to vector<16xf32>
    tpu.vector_store %arg7[%swap3A_85], %swap3A_88 {strides = array<i32>} : memref<640xf32, #tpu.memory_space<vmem>>, vector<16xf32>,
    %broadcast_in_dim3A_89 = arith.constant 0.000000e+00 : f32
    %broadcast_in_dim3A_90 = vector.broadcast %broadcast_in_dim3A_89 : f32 to vector<16xf32>
    %swap3A_91 = arith.constant 240 : index
    %swap3A_92 = tpu.vector_load %arg7[%swap3A_91] {strides = array<i32>} : memref<640xf32, #tpu.memory_space<vmem>>, vector<16xf32>,
    %swap3A_93 = vector.shape_cast %swap3A_92 : vector<16xf32> to vector<16xf32>
    %swap3A_94 = vector.shape_cast %broadcast_in_dim3A_90 : vector<16xf32> to vector<16xf32>
    tpu.vector_store %arg7[%swap3A_91], %swap3A_94 {strides = array<i32>} : memref<640xf32, #tpu.memory_space<vmem>>, vector<16xf32>,
    %broadcast_in_dim3A_95 = arith.constant 0.000000e+00 : f32
    %broadcast_in_dim3A_96 = vector.broadcast %broadcast_in_dim3A_95 : f32 to vector<16xf32>
    %swap3A_97 = arith.constant 256 : index
    %swap3A_98 = tpu.vector_load %arg7[%swap3A_97] {strides = array<i32>} : memref<640xf32, #tpu.memory_space<vmem>>, vector<16xf32>,
    %swap3A_99 = vector.shape_cast %swap3A_98 : vector<16xf32> to vector<16xf32>
    %swap3A_100 = vector.shape_cast %broadcast_in_dim3A_96 : vector<16xf32> to vector<16xf32>
    tpu.vector_store %arg7[%swap3A_97], %swap3A_100 {strides = array<i32>} : memref<640xf32, #tpu.memory_space<vmem>>, vector<16xf32>,
    %broadcast_in_dim3A_101 = arith.constant 0.000000e+00 : f32
    %broadcast_in_dim3A_102 = vector.broadcast %broadcast_in_dim3A_101 : f32 to vector<16xf32>
    %swap3A_103 = arith.constant 272 : index
    %swap3A_104 = tpu.vector_load %arg7[%swap3A_103] {strides = array<i32>} : memref<640xf32, #tpu.memory_space<vmem>>, vector<16xf32>,
    %swap3A_105 = vector.shape_cast %swap3A_104 : vector<16xf32> to vector<16xf32>
    %swap3A_106 = vector.shape_cast %broadcast_in_dim3A_102 : vector<16xf32> to vector<16xf32>
    tpu.vector_store %arg7[%swap3A_103], %swap3A_106 {strides = array<i32>} : memref<640xf32, #tpu.memory_space<vmem>>, vector<16xf32>,
    %broadcast_in_dim3A_107 = arith.constant 0.000000e+00 : f32
    %broadcast_in_dim3A_108 = vector.broadcast %broadcast_in_dim3A_107 : f32 to vector<16xf32>
    %swap3A_109 = arith.constant 288 : index
    %swap3A_110 = tpu.vector_load %arg7[%swap3A_109] {strides = array<i32>} : memref<640xf32, #tpu.memory_space<vmem>>, vector<16xf32>,
    %swap3A_111 = vector.shape_cast %swap3A_110 : vector<16xf32> to vector<16xf32>
    %swap3A_112 = vector.shape_cast %broadcast_in_dim3A_108 : vector<16xf32> to vector<16xf32>
    tpu.vector_store %arg7[%swap3A_109], %swap3A_112 {strides = array<i32>} : memref<640xf32, #tpu.memory_space<vmem>>, vector<16xf32>,
    %broadcast_in_dim3A_113 = arith.constant 0.000000e+00 : f32
    %broadcast_in_dim3A_114 = vector.broadcast %broadcast_in_dim3A_113 : f32 to vector<16xf32>
    %swap3A_115 = arith.constant 304 : index
    %swap3A_116 = tpu.vector_load %arg7[%swap3A_115] {strides = array<i32>} : memref<640xf32, #tpu.memory_space<vmem>>, vector<16xf32>,
    %swap3A_117 = vector.shape_cast %swap3A_116 : vector<16xf32> to vector<16xf32>
    %swap3A_118 = vector.shape_cast %broadcast_in_dim3A_114 : vector<16xf32> to vector<16xf32>
    tpu.vector_store %arg7[%swap3A_115], %swap3A_118 {strides = array<i32>} : memref<640xf32, #tpu.memory_space<vmem>>, vector<16xf32>,
    %broadcast_in_dim3A_119 = arith.constant 0.000000e+00 : f32
    %broadcast_in_dim3A_120 = vector.broadcast %broadcast_in_dim3A_119 : f32 to vector<16xf32>
    %swap3A_121 = arith.constant 320 : index
    %swap3A_122 = tpu.vector_load %arg7[%swap3A_121] {strides = array<i32>} : memref<640xf32, #tpu.memory_space<vmem>>, vector<16xf32>,
    %swap3A_123 = vector.shape_cast %swap3A_122 : vector<16xf32> to vector<16xf32>
    %swap3A_124 = vector.shape_cast %broadcast_in_dim3A_120 : vector<16xf32> to vector<16xf32>
    tpu.vector_store %arg7[%swap3A_121], %swap3A_124 {strides = array<i32>} : memref<640xf32, #tpu.memory_space<vmem>>, vector<16xf32>,
    %broadcast_in_dim3A_125 = arith.constant 0.000000e+00 : f32
    %broadcast_in_dim3A_126 = vector.broadcast %broadcast_in_dim3A_125 : f32 to vector<16xf32>
    %swap3A_127 = arith.constant 336 : index
    %swap3A_128 = tpu.vector_load %arg7[%swap3A_127] {strides = array<i32>} : memref<640xf32, #tpu.memory_space<vmem>>, vector<16xf32>,
    %swap3A_129 = vector.shape_cast %swap3A_128 : vector<16xf32> to vector<16xf32>
    %swap3A_130 = vector.shape_cast %broadcast_in_dim3A_126 : vector<16xf32> to vector<16xf32>
    tpu.vector_store %arg7[%swap3A_127], %swap3A_130 {strides = array<i32>} : memref<640xf32, #tpu.memory_space<vmem>>, vector<16xf32>,
    %broadcast_in_dim3A_131 = arith.constant 0.000000e+00 : f32
    %broadcast_in_dim3A_132 = vector.broadcast %broadcast_in_dim3A_131 : f32 to vector<16xf32>
    %swap3A_133 = arith.constant 352 : index
    %swap3A_134 = tpu.vector_load %arg7[%swap3A_133] {strides = array<i32>} : memref<640xf32, #tpu.memory_space<vmem>>, vector<16xf32>,
    %swap3A_135 = vector.shape_cast %swap3A_134 : vector<16xf32> to vector<16xf32>
    %swap3A_136 = vector.shape_cast %broadcast_in_dim3A_132 : vector<16xf32> to vector<16xf32>
    tpu.vector_store %arg7[%swap3A_133], %swap3A_136 {strides = array<i32>} : memref<640xf32, #tpu.memory_space<vmem>>, vector<16xf32>,
    %broadcast_in_dim3A_137 = arith.constant 0.000000e+00 : f32
    %broadcast_in_dim3A_138 = vector.broadcast %broadcast_in_dim3A_137 : f32 to vector<16xf32>
    %swap3A_139 = arith.constant 368 : index
    %swap3A_140 = tpu.vector_load %arg7[%swap3A_139] {strides = array<i32>} : memref<640xf32, #tpu.memory_space<vmem>>, vector<16xf32>,
    %swap3A_141 = vector.shape_cast %swap3A_140 : vector<16xf32> to vector<16xf32>
    %swap3A_142 = vector.shape_cast %broadcast_in_dim3A_138 : vector<16xf32> to vector<16xf32>
    tpu.vector_store %arg7[%swap3A_139], %swap3A_142 {strides = array<i32>} : memref<640xf32, #tpu.memory_space<vmem>>, vector<16xf32>,
    %broadcast_in_dim3A_143 = arith.constant 0.000000e+00 : f32
    %broadcast_in_dim3A_144 = vector.broadcast %broadcast_in_dim3A_143 : f32 to vector<16xf32>
    %swap3A_145 = arith.constant 384 : index
    %swap3A_146 = tpu.vector_load %arg7[%swap3A_145] {strides = array<i32>} : memref<640xf32, #tpu.memory_space<vmem>>, vector<16xf32>,
    %swap3A_147 = vector.shape_cast %swap3A_146 : vector<16xf32> to vector<16xf32>
    %swap3A_148 = vector.shape_cast %broadcast_in_dim3A_144 : vector<16xf32> to vector<16xf32>
    tpu.vector_store %arg7[%swap3A_145], %swap3A_148 {strides = array<i32>} : memref<640xf32, #tpu.memory_space<vmem>>, vector<16xf32>,
    %broadcast_in_dim3A_149 = arith.constant 0.000000e+00 : f32
    %broadcast_in_dim3A_150 = vector.broadcast %broadcast_in_dim3A_149 : f32 to vector<16xf32>
    %swap3A_151 = arith.constant 400 : index
    %swap3A_152 = tpu.vector_load %arg7[%swap3A_151] {strides = array<i32>} : memref<640xf32, #tpu.memory_space<vmem>>, vector<16xf32>,
    %swap3A_153 = vector.shape_cast %swap3A_152 : vector<16xf32> to vector<16xf32>
    %swap3A_154 = vector.shape_cast %broadcast_in_dim3A_150 : vector<16xf32> to vector<16xf32>
    tpu.vector_store %arg7[%swap3A_151], %swap3A_154 {strides = array<i32>} : memref<640xf32, #tpu.memory_space<vmem>>, vector<16xf32>,
    %broadcast_in_dim3A_155 = arith.constant 0.000000e+00 : f32
    %broadcast_in_dim3A_156 = vector.broadcast %broadcast_in_dim3A_155 : f32 to vector<16xf32>
    %swap3A_157 = arith.constant 416 : index
    %swap3A_158 = tpu.vector_load %arg7[%swap3A_157] {strides = array<i32>} : memref<640xf32, #tpu.memory_space<vmem>>, vector<16xf32>,
    %swap3A_159 = vector.shape_cast %swap3A_158 : vector<16xf32> to vector<16xf32>
    %swap3A_160 = vector.shape_cast %broadcast_in_dim3A_156 : vector<16xf32> to vector<16xf32>
    tpu.vector_store %arg7[%swap3A_157], %swap3A_160 {strides = array<i32>} : memref<640xf32, #tpu.memory_space<vmem>>, vector<16xf32>,
    %broadcast_in_dim3A_161 = arith.constant 0.000000e+00 : f32
    %broadcast_in_dim3A_162 = vector.broadcast %broadcast_in_dim3A_161 : f32 to vector<16xf32>
    %swap3A_163 = arith.constant 432 : index
    %swap3A_164 = tpu.vector_load %arg7[%swap3A_163] {strides = array<i32>} : memref<640xf32, #tpu.memory_space<vmem>>, vector<16xf32>,
    %swap3A_165 = vector.shape_cast %swap3A_164 : vector<16xf32> to vector<16xf32>
    %swap3A_166 = vector.shape_cast %broadcast_in_dim3A_162 : vector<16xf32> to vector<16xf32>
    tpu.vector_store %arg7[%swap3A_163], %swap3A_166 {strides = array<i32>} : memref<640xf32, #tpu.memory_space<vmem>>, vector<16xf32>,
    %broadcast_in_dim3A_167 = arith.constant 0.000000e+00 : f32
    %broadcast_in_dim3A_168 = vector.broadcast %broadcast_in_dim3A_167 : f32 to vector<16xf32>
    %swap3A_169 = arith.constant 448 : index
    %swap3A_170 = tpu.vector_load %arg7[%swap3A_169] {strides = array<i32>} : memref<640xf32, #tpu.memory_space<vmem>>, vector<16xf32>,
    %swap3A_171 = vector.shape_cast %swap3A_170 : vector<16xf32> to vector<16xf32>
    %swap3A_172 = vector.shape_cast %broadcast_in_dim3A_168 : vector<16xf32> to vector<16xf32>
    tpu.vector_store %arg7[%swap3A_169], %swap3A_172 {strides = array<i32>} : memref<640xf32, #tpu.memory_space<vmem>>, vector<16xf32>,
    %broadcast_in_dim3A_173 = arith.constant 0.000000e+00 : f32
    %broadcast_in_dim3A_174 = vector.broadcast %broadcast_in_dim3A_173 : f32 to vector<16xf32>
    %swap3A_175 = arith.constant 464 : index
    %swap3A_176 = tpu.vector_load %arg7[%swap3A_175] {strides = array<i32>} : memref<640xf32, #tpu.memory_space<vmem>>, vector<16xf32>,
    %swap3A_177 = vector.shape_cast %swap3A_176 : vector<16xf32> to vector<16xf32>
    %swap3A_178 = vector.shape_cast %broadcast_in_dim3A_174 : vector<16xf32> to vector<16xf32>
    tpu.vector_store %arg7[%swap3A_175], %swap3A_178 {strides = array<i32>} : memref<640xf32, #tpu.memory_space<vmem>>, vector<16xf32>,
    %broadcast_in_dim3A_179 = arith.constant 0.000000e+00 : f32
    %broadcast_in_dim3A_180 = vector.broadcast %broadcast_in_dim3A_179 : f32 to vector<16xf32>
    %swap3A_181 = arith.constant 480 : index
    %swap3A_182 = tpu.vector_load %arg7[%swap3A_181] {strides = array<i32>} : memref<640xf32, #tpu.memory_space<vmem>>, vector<16xf32>,
    %swap3A_183 = vector.shape_cast %swap3A_182 : vector<16xf32> to vector<16xf32>
    %swap3A_184 = vector.shape_cast %broadcast_in_dim3A_180 : vector<16xf32> to vector<16xf32>
    tpu.vector_store %arg7[%swap3A_181], %swap3A_184 {strides = array<i32>} : memref<640xf32, #tpu.memory_space<vmem>>, vector<16xf32>,
    %broadcast_in_dim3A_185 = arith.constant 0.000000e+00 : f32
    %broadcast_in_dim3A_186 = vector.broadcast %broadcast_in_dim3A_185 : f32 to vector<16xf32>
    %swap3A_187 = arith.constant 496 : index
    %swap3A_188 = tpu.vector_load %arg7[%swap3A_187] {strides = array<i32>} : memref<640xf32, #tpu.memory_space<vmem>>, vector<16xf32>,
    %swap3A_189 = vector.shape_cast %swap3A_188 : vector<16xf32> to vector<16xf32>
    %swap3A_190 = vector.shape_cast %broadcast_in_dim3A_186 : vector<16xf32> to vector<16xf32>
    tpu.vector_store %arg7[%swap3A_187], %swap3A_190 {strides = array<i32>} : memref<640xf32, #tpu.memory_space<vmem>>, vector<16xf32>,
    %broadcast_in_dim3A_191 = arith.constant 0.000000e+00 : f32
    %broadcast_in_dim3A_192 = vector.broadcast %broadcast_in_dim3A_191 : f32 to vector<16xf32>
    %swap3A_193 = arith.constant 512 : index
    %swap3A_194 = tpu.vector_load %arg7[%swap3A_193] {strides = array<i32>} : memref<640xf32, #tpu.memory_space<vmem>>, vector<16xf32>,
    %swap3A_195 = vector.shape_cast %swap3A_194 : vector<16xf32> to vector<16xf32>
    %swap3A_196 = vector.shape_cast %broadcast_in_dim3A_192 : vector<16xf32> to vector<16xf32>
    tpu.vector_store %arg7[%swap3A_193], %swap3A_196 {strides = array<i32>} : memref<640xf32, #tpu.memory_space<vmem>>, vector<16xf32>,
    %broadcast_in_dim3A_197 = arith.constant 0.000000e+00 : f32
    %broadcast_in_dim3A_198 = vector.broadcast %broadcast_in_dim3A_197 : f32 to vector<16xf32>
    %swap3A_199 = arith.constant 528 : index
    %swap3A_200 = tpu.vector_load %arg7[%swap3A_199] {strides = array<i32>} : memref<640xf32, #tpu.memory_space<vmem>>, vector<16xf32>,
    %swap3A_201 = vector.shape_cast %swap3A_200 : vector<16xf32> to vector<16xf32>
    %swap3A_202 = vector.shape_cast %broadcast_in_dim3A_198 : vector<16xf32> to vector<16xf32>
    tpu.vector_store %arg7[%swap3A_199], %swap3A_202 {strides = array<i32>} : memref<640xf32, #tpu.memory_space<vmem>>, vector<16xf32>,
    %broadcast_in_dim3A_203 = arith.constant 0.000000e+00 : f32
    %broadcast_in_dim3A_204 = vector.broadcast %broadcast_in_dim3A_203 : f32 to vector<16xf32>
    %swap3A_205 = arith.constant 544 : index
    %swap3A_206 = tpu.vector_load %arg7[%swap3A_205] {strides = array<i32>} : memref<640xf32, #tpu.memory_space<vmem>>, vector<16xf32>,
    %swap3A_207 = vector.shape_cast %swap3A_206 : vector<16xf32> to vector<16xf32>
    %swap3A_208 = vector.shape_cast %broadcast_in_dim3A_204 : vector<16xf32> to vector<16xf32>
    tpu.vector_store %arg7[%swap3A_205], %swap3A_208 {strides = array<i32>} : memref<640xf32, #tpu.memory_space<vmem>>, vector<16xf32>,
    %broadcast_in_dim3A_209 = arith.constant 0.000000e+00 : f32
    %broadcast_in_dim3A_210 = vector.broadcast %broadcast_in_dim3A_209 : f32 to vector<16xf32>
    %swap3A_211 = arith.constant 560 : index
    %swap3A_212 = tpu.vector_load %arg7[%swap3A_211] {strides = array<i32>} : memref<640xf32, #tpu.memory_space<vmem>>, vector<16xf32>,
    %swap3A_213 = vector.shape_cast %swap3A_212 : vector<16xf32> to vector<16xf32>
    %swap3A_214 = vector.shape_cast %broadcast_in_dim3A_210 : vector<16xf32> to vector<16xf32>
    tpu.vector_store %arg7[%swap3A_211], %swap3A_214 {strides = array<i32>} : memref<640xf32, #tpu.memory_space<vmem>>, vector<16xf32>,
    %broadcast_in_dim3A_215 = arith.constant 0.000000e+00 : f32
    %broadcast_in_dim3A_216 = vector.broadcast %broadcast_in_dim3A_215 : f32 to vector<16xf32>
    %swap3A_217 = arith.constant 576 : index
    %swap3A_218 = tpu.vector_load %arg7[%swap3A_217] {strides = array<i32>} : memref<640xf32, #tpu.memory_space<vmem>>, vector<16xf32>,
    %swap3A_219 = vector.shape_cast %swap3A_218 : vector<16xf32> to vector<16xf32>
    %swap3A_220 = vector.shape_cast %broadcast_in_dim3A_216 : vector<16xf32> to vector<16xf32>
    tpu.vector_store %arg7[%swap3A_217], %swap3A_220 {strides = array<i32>} : memref<640xf32, #tpu.memory_space<vmem>>, vector<16xf32>,
    %broadcast_in_dim3A_221 = arith.constant 0.000000e+00 : f32
    %broadcast_in_dim3A_222 = vector.broadcast %broadcast_in_dim3A_221 : f32 to vector<16xf32>
    %swap3A_223 = arith.constant 592 : index
    %swap3A_224 = tpu.vector_load %arg7[%swap3A_223] {strides = array<i32>} : memref<640xf32, #tpu.memory_space<vmem>>, vector<16xf32>,
    %swap3A_225 = vector.shape_cast %swap3A_224 : vector<16xf32> to vector<16xf32>
    %swap3A_226 = vector.shape_cast %broadcast_in_dim3A_222 : vector<16xf32> to vector<16xf32>
    tpu.vector_store %arg7[%swap3A_223], %swap3A_226 {strides = array<i32>} : memref<640xf32, #tpu.memory_space<vmem>>, vector<16xf32>,
    %broadcast_in_dim3A_227 = arith.constant 0.000000e+00 : f32
    %broadcast_in_dim3A_228 = vector.broadcast %broadcast_in_dim3A_227 : f32 to vector<16xf32>
    %swap3A_229 = arith.constant 608 : index
    %swap3A_230 = tpu.vector_load %arg7[%swap3A_229] {strides = array<i32>} : memref<640xf32, #tpu.memory_space<vmem>>, vector<16xf32>,
    %swap3A_231 = vector.shape_cast %swap3A_230 : vector<16xf32> to vector<16xf32>
    %swap3A_232 = vector.shape_cast %broadcast_in_dim3A_228 : vector<16xf32> to vector<16xf32>
    tpu.vector_store %arg7[%swap3A_229], %swap3A_232 {strides = array<i32>} : memref<640xf32, #tpu.memory_space<vmem>>, vector<16xf32>,
    %broadcast_in_dim3A_233 = arith.constant 0.000000e+00 : f32
    %broadcast_in_dim3A_234 = vector.broadcast %broadcast_in_dim3A_233 : f32 to vector<16xf32>
    %swap3A_235 = arith.constant 624 : index
    %swap3A_236 = tpu.vector_load %arg7[%swap3A_235] {strides = array<i32>} : memref<640xf32, #tpu.memory_space<vmem>>, vector<16xf32>,
    %swap3A_237 = vector.shape_cast %swap3A_236 : vector<16xf32> to vector<16xf32>
    %swap3A_238 = vector.shape_cast %broadcast_in_dim3A_234 : vector<16xf32> to vector<16xf32>
    tpu.vector_store %arg7[%swap3A_235], %swap3A_238 {strides = array<i32>} : memref<640xf32, #tpu.memory_space<vmem>>, vector<16xf32>,
    %mul3A_239 = arith.constant 640 : i32
    %mul3A_240 = arith.muli %arg1, %mul3A_239 : i32
    "tpu.region"() ({
      %run_scoped3A = tpu.sem_alloc : memref<!tpu.dma_semaphore, #tpu.memory_space<semaphore_mem>>
      %dma_start3A = tpu.memref_slice %arg8[%mul3A_240] : memref<10240xf32, #tpu.memory_space<vmem_shared>> -> memref<640xf32, #tpu.memory_space<vmem_shared>>
      %dma_start3A_259 = tpu.memref_slice %arg8[%mul3A_240] : memref<10240xf32, #tpu.memory_space<vmem_shared>> -> memref<640xf32, #tpu.memory_space<vmem_shared>>
      tpu.enqueue_dma source(%arg7 : memref<640xf32, #tpu.memory_space<vmem>>) target(%dma_start3A_259 : memref<640xf32, #tpu.memory_space<vmem_shared>>) target_semaphore(%run_scoped3A : memref<!tpu.dma_semaphore, #tpu.memory_space<semaphore_mem>>)
      %dma_wait3A = tpu.memref_slice %arg8[%mul3A_240] : memref<10240xf32, #tpu.memory_space<vmem_shared>> -> memref<640xf32, #tpu.memory_space<vmem_shared>>
      %dma_wait3A_260 = tpu.memref_slice %arg8[%mul3A_240] : memref<10240xf32, #tpu.memory_space<vmem_shared>> -> memref<640xf32, #tpu.memory_space<vmem_shared>>
      tpu.wait_dma2 semaphore(%run_scoped3A : memref<!tpu.dma_semaphore, #tpu.memory_space<semaphore_mem>>) src(%arg7 : memref<640xf32, #tpu.memory_space<vmem>>) dst(%dma_wait3A_260 : memref<640xf32, #tpu.memory_space<vmem_shared>>)
      tpu.yield
    }) : () -> ()
    "tpu.region"() ({
      %run_scoped3A = tpu.sem_alloc : memref<!tpu.dma_semaphore, #tpu.memory_space<semaphore_mem>>
      tpu.enqueue_dma source(%arg3 : memref<120xf32, #tpu.memory_space<hbm>>) target(%arg6 : memref<120xf32, #tpu.memory_space<vmem>>) target_semaphore(%run_scoped3A : memref<!tpu.dma_semaphore, #tpu.memory_space<semaphore_mem>>)
      tpu.wait_dma2 semaphore(%run_scoped3A : memref<!tpu.dma_semaphore, #tpu.memory_space<semaphore_mem>>) src(%arg3 : memref<120xf32, #tpu.memory_space<hbm>>) dst(%arg6 : memref<120xf32, #tpu.memory_space<vmem>>)
      tpu.yield
    }) : () -> ()
    %mul3A_241 = arith.constant 84 : i32
    %mul3A_242 = arith.muli %add3A, %mul3A_241 : i32
    "tpu.region"() ({
      %run_scoped3A = tpu.sem_alloc : memref<!tpu.dma_semaphore, #tpu.memory_space<semaphore_mem>>
      %dma_start3A = arith.constant 0 : i32
      %dma_start3A_259 = tpu.memref_slice %arg2[%mul3A_242, %dma_start3A] : memref<2688x120xi32, #tpu.memory_space<hbm>> -> memref<84x120xi32, #tpu.memory_space<hbm>>
      %dma_start3A_260 = arith.constant 0 : i32
      %dma_start3A_261 = tpu.memref_slice %arg2[%mul3A_242, %dma_start3A_260] : memref<2688x120xi32, #tpu.memory_space<hbm>> -> memref<84x120xi32, #tpu.memory_space<hbm>>
      tpu.enqueue_dma source(%dma_start3A_261 : memref<84x120xi32, #tpu.memory_space<hbm>>) target(%arg5 : memref<84x120xi32, #tpu.memory_space<vmem>>) target_semaphore(%run_scoped3A : memref<!tpu.dma_semaphore, #tpu.memory_space<semaphore_mem>>)
      %dma_wait3A = arith.constant 0 : i32
      %dma_wait3A_262 = tpu.memref_slice %arg2[%mul3A_242, %dma_wait3A] : memref<2688x120xi32, #tpu.memory_space<hbm>> -> memref<84x120xi32, #tpu.memory_space<hbm>>
      %dma_wait3A_263 = arith.constant 0 : i32
      %dma_wait3A_264 = tpu.memref_slice %arg2[%mul3A_242, %dma_wait3A_263] : memref<2688x120xi32, #tpu.memory_space<hbm>> -> memref<84x120xi32, #tpu.memory_space<hbm>>
      tpu.wait_dma2 semaphore(%run_scoped3A : memref<!tpu.dma_semaphore, #tpu.memory_space<semaphore_mem>>) src(%dma_wait3A_264 : memref<84x120xi32, #tpu.memory_space<hbm>>) dst(%arg5 : memref<84x120xi32, #tpu.memory_space<vmem>>)
      tpu.yield
    }) : () -> ()
    %barrier3A = arith.constant 0 : index
    tpu.barrier barrier_id(%barrier3A)
    %scan3A = arith.constant 0 : i32
    %scan3A_243 = arith.constant 0 : i32
    %scan3A_244 = arith.constant 84 : i32
    %scan3A_245 = arith.addi %scan3A_243, %scan3A_244 : i32
    %scan3A_246 = arith.constant 1 : i32
    scf.for %scan3A_259 = %scan3A_243 to %scan3A_245 step %scan3A_246  : i32 {
      %dma_start3A = arith.constant 0 : i32
      %dma_start3A_260 = tpu.memref_slice %arg5[%scan3A_259, %dma_start3A] : memref<84x120xi32, #tpu.memory_space<vmem>> -> memref<1x120xi32, #tpu.memory_space<vmem>>
      %dma_start3A_261 = tpu.memref_squeeze %dma_start3A_260 : memref<1x120xi32, #tpu.memory_space<vmem>> -> memref<120xi32, #tpu.memory_space<vmem>>
      %dma_start3A_262 = arith.constant 0 : i32
      %dma_start3A_263 = tpu.memref_slice %arg8[%dma_start3A_262] : memref<10240xf32, #tpu.memory_space<vmem_shared>> -> memref<10240xf32, #tpu.memory_space<vmem_shared>>
      tpu.enqueue_indirect_dma source(%arg6 : memref<120xf32, #tpu.memory_space<vmem>>) target(%dma_start3A_263 : memref<10240xf32, #tpu.memory_space<vmem_shared>>) offsets(%dma_start3A_261 : memref<120xi32, #tpu.memory_space<vmem>>) semaphore(%arg9 : memref<!tpu.dma_semaphore, #tpu.memory_space<semaphore_mem>>) {add = true}
    }
    %scan3A_247 = arith.constant 84 : i32
    %scan3A_248 = arith.constant 0 : i32
    %scan3A_249 = arith.constant 0 : i32
    %scan3A_250 = arith.constant 84 : i32
    %scan3A_251 = arith.addi %scan3A_249, %scan3A_250 : i32
    %scan3A_252 = arith.constant 1 : i32
    scf.for %scan3A_259 = %scan3A_249 to %scan3A_251 step %scan3A_252  : i32 {
      %dma_wait3A = arith.constant 0 : i32
      %dma_wait3A_260 = arith.constant 0 : i32
      %dma_wait3A_261 = tpu.memref_slice %arg5[%dma_wait3A, %dma_wait3A_260] : memref<84x120xi32, #tpu.memory_space<vmem>> -> memref<1x120xi32, #tpu.memory_space<vmem>>
      %dma_wait3A_262 = tpu.memref_squeeze %dma_wait3A_261 : memref<1x120xi32, #tpu.memory_space<vmem>> -> memref<120xi32, #tpu.memory_space<vmem>>
      %dma_wait3A_263 = arith.constant 0 : i32
      %dma_wait3A_264 = tpu.memref_slice %arg8[%dma_wait3A_263] : memref<10240xf32, #tpu.memory_space<vmem_shared>> -> memref<10240xf32, #tpu.memory_space<vmem_shared>>
      tpu.wait_indirect_dma semaphore(%arg9 : memref<!tpu.dma_semaphore, #tpu.memory_space<semaphore_mem>>) src(%arg6 : memref<120xf32, #tpu.memory_space<vmem>>) dst(%dma_wait3A_264 : memref<10240xf32, #tpu.memory_space<vmem_shared>>)
    }
    %scan3A_253 = arith.constant 84 : i32
    %barrier3A_254 = arith.constant 0 : index
    tpu.barrier barrier_id(%barrier3A_254)
    %mul3A_255 = arith.constant 640 : i32
    %mul3A_256 = arith.muli %arg1, %mul3A_255 : i32
    %mul3A_257 = arith.constant 640 : i32
    %mul3A_258 = arith.muli %arg1, %mul3A_257 : i32
    "tpu.region"() ({
      %run_scoped3A = tpu.sem_alloc : memref<!tpu.dma_semaphore, #tpu.memory_space<semaphore_mem>>
      %dma_start3A = tpu.memref_slice %arg4[%arg0, %mul3A_258] : memref<2x10240xf32, #tpu.memory_space<hbm>> -> memref<1x640xf32, #tpu.memory_space<hbm>>
      %dma_start3A_259 = tpu.memref_squeeze %dma_start3A : memref<1x640xf32, #tpu.memory_space<hbm>> -> memref<640xf32, #tpu.memory_space<hbm>>
      %dma_start3A_260 = tpu.memref_slice %arg8[%mul3A_256] : memref<10240xf32, #tpu.memory_space<vmem_shared>> -> memref<640xf32, #tpu.memory_space<vmem_shared>>
      tpu.enqueue_dma source(%dma_start3A_260 : memref<640xf32, #tpu.memory_space<vmem_shared>>) target(%dma_start3A_259 : memref<640xf32, #tpu.memory_space<hbm>>) target_semaphore(%run_scoped3A : memref<!tpu.dma_semaphore, #tpu.memory_space<semaphore_mem>>)
      %dma_wait3A = tpu.memref_slice %arg4[%arg0, %mul3A_258] : memref<2x10240xf32, #tpu.memory_space<hbm>> -> memref<1x640xf32, #tpu.memory_space<hbm>>
      %dma_wait3A_261 = tpu.memref_squeeze %dma_wait3A : memref<1x640xf32, #tpu.memory_space<hbm>> -> memref<640xf32, #tpu.memory_space<hbm>>
      %dma_wait3A_262 = tpu.memref_slice %arg8[%mul3A_256] : memref<10240xf32, #tpu.memory_space<vmem_shared>> -> memref<640xf32, #tpu.memory_space<vmem_shared>>
      tpu.wait_dma2 semaphore(%run_scoped3A : memref<!tpu.dma_semaphore, #tpu.memory_space<semaphore_mem>>) src(%dma_wait3A_262 : memref<640xf32, #tpu.memory_space<vmem_shared>>) dst(%dma_wait3A_261 : memref<640xf32, #tpu.memory_space<hbm>>)
      tpu.yield
    }) : () -> ()
    return
  }
}

#map = affine_map<(d0, d1) -> (0, 0)>
#map1 = affine_map<(d0, d1) -> (0, 0, 0)>
module attributes {stable_mosaic.version = 14 : i64} {
  func.func @body(%arg0: i32, %arg1: i32, %arg2: memref<2688x120xi32, #tpu.memory_space<hbm>>, %arg3: memref<2688x120xi32, #tpu.memory_space<hbm>>, %arg4: memref<10240x64xf32, #tpu.memory_space<hbm>>, %arg5: memref<2x10240x64xf32, #tpu.memory_space<hbm>>, %arg6: memref<6x120xi32, #tpu.memory_space<vmem>>, %arg7: memref<6x120xi32, #tpu.memory_space<vmem>>, %arg8: memref<4x120x64xf32, #tpu.memory_space<vmem>>, %arg9: memref<10240x64xf32, #tpu.memory_space<vmem_shared>>, %arg10: memref<6x!tpu.dma_semaphore, #tpu.memory_space<semaphore_mem>>, %arg11: memref<!tpu.dma_semaphore, #tpu.memory_space<semaphore_mem>>, %arg12: memref<!tpu.dma_semaphore, #tpu.memory_space<semaphore_mem>>) attributes {dimension_semantics = [#tpu.dimension_semantics<core_parallel>, #tpu.dimension_semantics<subcore_parallel>], iteration_bounds = array<i64: 2, 16>, scalar_prefetch = 0 : i64, scratch_operands = 7 : i64, tpu.core_type = #tpu.core_type<sc_vector_subcore>, window_params = [{transform_indices = #map}, {transform_indices = #map}, {transform_indices = #map}, {transform_indices = #map1}]} {
    %mul3A = arith.constant 2 : i32
    %mul3A_0 = arith.muli %arg1, %mul3A : i32
    %add3A = arith.addi %mul3A_0, %arg0 : i32
    %mul3A_1 = arith.constant 640 : i32
    %mul3A_2 = arith.muli %arg1, %mul3A_1 : i32
    %mul3A_3 = arith.constant 640 : i32
    %mul3A_4 = arith.muli %arg1, %mul3A_3 : i32
    "tpu.region"() ({
      %run_scoped3A = tpu.sem_alloc : memref<!tpu.dma_semaphore, #tpu.memory_space<semaphore_mem>>
      %dma_start3A_327 = arith.constant 0 : i32
      %dma_start3A_328 = tpu.memref_slice %arg9[%mul3A_4, %dma_start3A_327] : memref<10240x64xf32, #tpu.memory_space<vmem_shared>> -> memref<640x64xf32, #tpu.memory_space<vmem_shared>>
      %dma_start3A_329 = arith.constant 0 : i32
      %dma_start3A_330 = tpu.memref_slice %arg4[%mul3A_2, %dma_start3A_329] : memref<10240x64xf32, #tpu.memory_space<hbm>> -> memref<640x64xf32, #tpu.memory_space<hbm>>
      tpu.enqueue_dma source(%dma_start3A_330 : memref<640x64xf32, #tpu.memory_space<hbm>>) target(%dma_start3A_328 : memref<640x64xf32, #tpu.memory_space<vmem_shared>>) target_semaphore(%run_scoped3A : memref<!tpu.dma_semaphore, #tpu.memory_space<semaphore_mem>>)
      %dma_wait3A_331 = arith.constant 0 : i32
      %dma_wait3A_332 = tpu.memref_slice %arg9[%mul3A_4, %dma_wait3A_331] : memref<10240x64xf32, #tpu.memory_space<vmem_shared>> -> memref<640x64xf32, #tpu.memory_space<vmem_shared>>
      %dma_wait3A_333 = arith.constant 0 : i32
      %dma_wait3A_334 = tpu.memref_slice %arg4[%mul3A_2, %dma_wait3A_333] : memref<10240x64xf32, #tpu.memory_space<hbm>> -> memref<640x64xf32, #tpu.memory_space<hbm>>
      tpu.wait_dma2 semaphore(%run_scoped3A : memref<!tpu.dma_semaphore, #tpu.memory_space<semaphore_mem>>) src(%dma_wait3A_334 : memref<640x64xf32, #tpu.memory_space<hbm>>) dst(%dma_wait3A_332 : memref<640x64xf32, #tpu.memory_space<vmem_shared>>)
      tpu.yield
    }) : () -> ()
    %rem3A = arith.constant 0 : i32
    %rem3A_5 = arith.constant 6 : i32
    %rem3A_6 = arith.remsi %rem3A, %rem3A_5 : i32
    %mul3A_7 = arith.constant 84 : i32
    %mul3A_8 = arith.muli %add3A, %mul3A_7 : i32
    %add3A_9 = arith.constant 0 : i32
    %add3A_10 = arith.addi %mul3A_8, %add3A_9 : i32
    %dma_start3A = arith.constant 0 : i32
    %dma_start3A_11 = tpu.memref_slice %arg6[%rem3A_6, %dma_start3A] : memref<6x120xi32, #tpu.memory_space<vmem>> -> memref<1x120xi32, #tpu.memory_space<vmem>>
    %dma_start3A_12 = tpu.memref_squeeze %dma_start3A_11 : memref<1x120xi32, #tpu.memory_space<vmem>> -> memref<120xi32, #tpu.memory_space<vmem>>
    %dma_start3A_13 = arith.constant 0 : i32
    %dma_start3A_14 = tpu.memref_slice %arg2[%add3A_10, %dma_start3A_13] : memref<2688x120xi32, #tpu.memory_space<hbm>> -> memref<1x120xi32, #tpu.memory_space<hbm>>
    %dma_start3A_15 = tpu.memref_squeeze %dma_start3A_14 : memref<1x120xi32, #tpu.memory_space<hbm>> -> memref<120xi32, #tpu.memory_space<hbm>>
    %dma_start3A_16 = tpu.memref_slice %arg10[%rem3A_6] : memref<6x!tpu.dma_semaphore, #tpu.memory_space<semaphore_mem>> -> memref<1x!tpu.dma_semaphore, #tpu.memory_space<semaphore_mem>>
    %dma_start3A_17 = tpu.memref_squeeze %dma_start3A_16 : memref<1x!tpu.dma_semaphore, #tpu.memory_space<semaphore_mem>> -> memref<!tpu.dma_semaphore, #tpu.memory_space<semaphore_mem>>
    %dma_start3A_18 = arith.constant 0 : i32
    %dma_start3A_19 = tpu.memref_slice %arg6[%rem3A_6, %dma_start3A_18] : memref<6x120xi32, #tpu.memory_space<vmem>> -> memref<1x120xi32, #tpu.memory_space<vmem>>
    %dma_start3A_20 = tpu.memref_squeeze %dma_start3A_19 : memref<1x120xi32, #tpu.memory_space<vmem>> -> memref<120xi32, #tpu.memory_space<vmem>>
    %dma_start3A_21 = arith.constant 0 : i32
    %dma_start3A_22 = tpu.memref_slice %arg2[%add3A_10, %dma_start3A_21] : memref<2688x120xi32, #tpu.memory_space<hbm>> -> memref<1x120xi32, #tpu.memory_space<hbm>>
    %dma_start3A_23 = tpu.memref_squeeze %dma_start3A_22 : memref<1x120xi32, #tpu.memory_space<hbm>> -> memref<120xi32, #tpu.memory_space<hbm>>
    tpu.enqueue_dma source(%dma_start3A_23 : memref<120xi32, #tpu.memory_space<hbm>>) target(%dma_start3A_20 : memref<120xi32, #tpu.memory_space<vmem>>) target_semaphore(%dma_start3A_17 : memref<!tpu.dma_semaphore, #tpu.memory_space<semaphore_mem>>)
    %mul3A_24 = arith.constant 84 : i32
    %mul3A_25 = arith.muli %add3A, %mul3A_24 : i32
    %add3A_26 = arith.constant 0 : i32
    %add3A_27 = arith.addi %mul3A_25, %add3A_26 : i32
    %dma_start3A_28 = arith.constant 0 : i32
    %dma_start3A_29 = tpu.memref_slice %arg7[%rem3A_6, %dma_start3A_28] : memref<6x120xi32, #tpu.memory_space<vmem>> -> memref<1x120xi32, #tpu.memory_space<vmem>>
    %dma_start3A_30 = tpu.memref_squeeze %dma_start3A_29 : memref<1x120xi32, #tpu.memory_space<vmem>> -> memref<120xi32, #tpu.memory_space<vmem>>
    %dma_start3A_31 = arith.constant 0 : i32
    %dma_start3A_32 = tpu.memref_slice %arg3[%add3A_27, %dma_start3A_31] : memref<2688x120xi32, #tpu.memory_space<hbm>> -> memref<1x120xi32, #tpu.memory_space<hbm>>
    %dma_start3A_33 = tpu.memref_squeeze %dma_start3A_32 : memref<1x120xi32, #tpu.memory_space<hbm>> -> memref<120xi32, #tpu.memory_space<hbm>>
    %dma_start3A_34 = tpu.memref_slice %arg10[%rem3A_6] : memref<6x!tpu.dma_semaphore, #tpu.memory_space<semaphore_mem>> -> memref<1x!tpu.dma_semaphore, #tpu.memory_space<semaphore_mem>>
    %dma_start3A_35 = tpu.memref_squeeze %dma_start3A_34 : memref<1x!tpu.dma_semaphore, #tpu.memory_space<semaphore_mem>> -> memref<!tpu.dma_semaphore, #tpu.memory_space<semaphore_mem>>
    %dma_start3A_36 = arith.constant 0 : i32
    %dma_start3A_37 = tpu.memref_slice %arg7[%rem3A_6, %dma_start3A_36] : memref<6x120xi32, #tpu.memory_space<vmem>> -> memref<1x120xi32, #tpu.memory_space<vmem>>
    %dma_start3A_38 = tpu.memref_squeeze %dma_start3A_37 : memref<1x120xi32, #tpu.memory_space<vmem>> -> memref<120xi32, #tpu.memory_space<vmem>>
    %dma_start3A_39 = arith.constant 0 : i32
    %dma_start3A_40 = tpu.memref_slice %arg3[%add3A_27, %dma_start3A_39] : memref<2688x120xi32, #tpu.memory_space<hbm>> -> memref<1x120xi32, #tpu.memory_space<hbm>>
    %dma_start3A_41 = tpu.memref_squeeze %dma_start3A_40 : memref<1x120xi32, #tpu.memory_space<hbm>> -> memref<120xi32, #tpu.memory_space<hbm>>
    tpu.enqueue_dma source(%dma_start3A_41 : memref<120xi32, #tpu.memory_space<hbm>>) target(%dma_start3A_38 : memref<120xi32, #tpu.memory_space<vmem>>) target_semaphore(%dma_start3A_35 : memref<!tpu.dma_semaphore, #tpu.memory_space<semaphore_mem>>)
    %rem3A_42 = arith.constant 1 : i32
    %rem3A_43 = arith.constant 6 : i32
    %rem3A_44 = arith.remsi %rem3A_42, %rem3A_43 : i32
    %mul3A_45 = arith.constant 84 : i32
    %mul3A_46 = arith.muli %add3A, %mul3A_45 : i32
    %add3A_47 = arith.constant 1 : i32
    %add3A_48 = arith.addi %mul3A_46, %add3A_47 : i32
    %dma_start3A_49 = arith.constant 0 : i32
    %dma_start3A_50 = tpu.memref_slice %arg6[%rem3A_44, %dma_start3A_49] : memref<6x120xi32, #tpu.memory_space<vmem>> -> memref<1x120xi32, #tpu.memory_space<vmem>>
    %dma_start3A_51 = tpu.memref_squeeze %dma_start3A_50 : memref<1x120xi32, #tpu.memory_space<vmem>> -> memref<120xi32, #tpu.memory_space<vmem>>
    %dma_start3A_52 = arith.constant 0 : i32
    %dma_start3A_53 = tpu.memref_slice %arg2[%add3A_48, %dma_start3A_52] : memref<2688x120xi32, #tpu.memory_space<hbm>> -> memref<1x120xi32, #tpu.memory_space<hbm>>
    %dma_start3A_54 = tpu.memref_squeeze %dma_start3A_53 : memref<1x120xi32, #tpu.memory_space<hbm>> -> memref<120xi32, #tpu.memory_space<hbm>>
    %dma_start3A_55 = tpu.memref_slice %arg10[%rem3A_44] : memref<6x!tpu.dma_semaphore, #tpu.memory_space<semaphore_mem>> -> memref<1x!tpu.dma_semaphore, #tpu.memory_space<semaphore_mem>>
    %dma_start3A_56 = tpu.memref_squeeze %dma_start3A_55 : memref<1x!tpu.dma_semaphore, #tpu.memory_space<semaphore_mem>> -> memref<!tpu.dma_semaphore, #tpu.memory_space<semaphore_mem>>
    %dma_start3A_57 = arith.constant 0 : i32
    %dma_start3A_58 = tpu.memref_slice %arg6[%rem3A_44, %dma_start3A_57] : memref<6x120xi32, #tpu.memory_space<vmem>> -> memref<1x120xi32, #tpu.memory_space<vmem>>
    %dma_start3A_59 = tpu.memref_squeeze %dma_start3A_58 : memref<1x120xi32, #tpu.memory_space<vmem>> -> memref<120xi32, #tpu.memory_space<vmem>>
    %dma_start3A_60 = arith.constant 0 : i32
    %dma_start3A_61 = tpu.memref_slice %arg2[%add3A_48, %dma_start3A_60] : memref<2688x120xi32, #tpu.memory_space<hbm>> -> memref<1x120xi32, #tpu.memory_space<hbm>>
    %dma_start3A_62 = tpu.memref_squeeze %dma_start3A_61 : memref<1x120xi32, #tpu.memory_space<hbm>> -> memref<120xi32, #tpu.memory_space<hbm>>
    tpu.enqueue_dma source(%dma_start3A_62 : memref<120xi32, #tpu.memory_space<hbm>>) target(%dma_start3A_59 : memref<120xi32, #tpu.memory_space<vmem>>) target_semaphore(%dma_start3A_56 : memref<!tpu.dma_semaphore, #tpu.memory_space<semaphore_mem>>)
    %mul3A_63 = arith.constant 84 : i32
    %mul3A_64 = arith.muli %add3A, %mul3A_63 : i32
    %add3A_65 = arith.constant 1 : i32
    %add3A_66 = arith.addi %mul3A_64, %add3A_65 : i32
    %dma_start3A_67 = arith.constant 0 : i32
    %dma_start3A_68 = tpu.memref_slice %arg7[%rem3A_44, %dma_start3A_67] : memref<6x120xi32, #tpu.memory_space<vmem>> -> memref<1x120xi32, #tpu.memory_space<vmem>>
    %dma_start3A_69 = tpu.memref_squeeze %dma_start3A_68 : memref<1x120xi32, #tpu.memory_space<vmem>> -> memref<120xi32, #tpu.memory_space<vmem>>
    %dma_start3A_70 = arith.constant 0 : i32
    %dma_start3A_71 = tpu.memref_slice %arg3[%add3A_66, %dma_start3A_70] : memref<2688x120xi32, #tpu.memory_space<hbm>> -> memref<1x120xi32, #tpu.memory_space<hbm>>
    %dma_start3A_72 = tpu.memref_squeeze %dma_start3A_71 : memref<1x120xi32, #tpu.memory_space<hbm>> -> memref<120xi32, #tpu.memory_space<hbm>>
    %dma_start3A_73 = tpu.memref_slice %arg10[%rem3A_44] : memref<6x!tpu.dma_semaphore, #tpu.memory_space<semaphore_mem>> -> memref<1x!tpu.dma_semaphore, #tpu.memory_space<semaphore_mem>>
    %dma_start3A_74 = tpu.memref_squeeze %dma_start3A_73 : memref<1x!tpu.dma_semaphore, #tpu.memory_space<semaphore_mem>> -> memref<!tpu.dma_semaphore, #tpu.memory_space<semaphore_mem>>
    %dma_start3A_75 = arith.constant 0 : i32
    %dma_start3A_76 = tpu.memref_slice %arg7[%rem3A_44, %dma_start3A_75] : memref<6x120xi32, #tpu.memory_space<vmem>> -> memref<1x120xi32, #tpu.memory_space<vmem>>
    %dma_start3A_77 = tpu.memref_squeeze %dma_start3A_76 : memref<1x120xi32, #tpu.memory_space<vmem>> -> memref<120xi32, #tpu.memory_space<vmem>>
    %dma_start3A_78 = arith.constant 0 : i32
    %dma_start3A_79 = tpu.memref_slice %arg3[%add3A_66, %dma_start3A_78] : memref<2688x120xi32, #tpu.memory_space<hbm>> -> memref<1x120xi32, #tpu.memory_space<hbm>>
    %dma_start3A_80 = tpu.memref_squeeze %dma_start3A_79 : memref<1x120xi32, #tpu.memory_space<hbm>> -> memref<120xi32, #tpu.memory_space<hbm>>
    tpu.enqueue_dma source(%dma_start3A_80 : memref<120xi32, #tpu.memory_space<hbm>>) target(%dma_start3A_77 : memref<120xi32, #tpu.memory_space<vmem>>) target_semaphore(%dma_start3A_74 : memref<!tpu.dma_semaphore, #tpu.memory_space<semaphore_mem>>)
    %rem3A_81 = arith.constant 2 : i32
    %rem3A_82 = arith.constant 6 : i32
    %rem3A_83 = arith.remsi %rem3A_81, %rem3A_82 : i32
    %mul3A_84 = arith.constant 84 : i32
    %mul3A_85 = arith.muli %add3A, %mul3A_84 : i32
    %add3A_86 = arith.constant 2 : i32
    %add3A_87 = arith.addi %mul3A_85, %add3A_86 : i32
    %dma_start3A_88 = arith.constant 0 : i32
    %dma_start3A_89 = tpu.memref_slice %arg6[%rem3A_83, %dma_start3A_88] : memref<6x120xi32, #tpu.memory_space<vmem>> -> memref<1x120xi32, #tpu.memory_space<vmem>>
    %dma_start3A_90 = tpu.memref_squeeze %dma_start3A_89 : memref<1x120xi32, #tpu.memory_space<vmem>> -> memref<120xi32, #tpu.memory_space<vmem>>
    %dma_start3A_91 = arith.constant 0 : i32
    %dma_start3A_92 = tpu.memref_slice %arg2[%add3A_87, %dma_start3A_91] : memref<2688x120xi32, #tpu.memory_space<hbm>> -> memref<1x120xi32, #tpu.memory_space<hbm>>
    %dma_start3A_93 = tpu.memref_squeeze %dma_start3A_92 : memref<1x120xi32, #tpu.memory_space<hbm>> -> memref<120xi32, #tpu.memory_space<hbm>>
    %dma_start3A_94 = tpu.memref_slice %arg10[%rem3A_83] : memref<6x!tpu.dma_semaphore, #tpu.memory_space<semaphore_mem>> -> memref<1x!tpu.dma_semaphore, #tpu.memory_space<semaphore_mem>>
    %dma_start3A_95 = tpu.memref_squeeze %dma_start3A_94 : memref<1x!tpu.dma_semaphore, #tpu.memory_space<semaphore_mem>> -> memref<!tpu.dma_semaphore, #tpu.memory_space<semaphore_mem>>
    %dma_start3A_96 = arith.constant 0 : i32
    %dma_start3A_97 = tpu.memref_slice %arg6[%rem3A_83, %dma_start3A_96] : memref<6x120xi32, #tpu.memory_space<vmem>> -> memref<1x120xi32, #tpu.memory_space<vmem>>
    %dma_start3A_98 = tpu.memref_squeeze %dma_start3A_97 : memref<1x120xi32, #tpu.memory_space<vmem>> -> memref<120xi32, #tpu.memory_space<vmem>>
    %dma_start3A_99 = arith.constant 0 : i32
    %dma_start3A_100 = tpu.memref_slice %arg2[%add3A_87, %dma_start3A_99] : memref<2688x120xi32, #tpu.memory_space<hbm>> -> memref<1x120xi32, #tpu.memory_space<hbm>>
    %dma_start3A_101 = tpu.memref_squeeze %dma_start3A_100 : memref<1x120xi32, #tpu.memory_space<hbm>> -> memref<120xi32, #tpu.memory_space<hbm>>
    tpu.enqueue_dma source(%dma_start3A_101 : memref<120xi32, #tpu.memory_space<hbm>>) target(%dma_start3A_98 : memref<120xi32, #tpu.memory_space<vmem>>) target_semaphore(%dma_start3A_95 : memref<!tpu.dma_semaphore, #tpu.memory_space<semaphore_mem>>)
    %mul3A_102 = arith.constant 84 : i32
    %mul3A_103 = arith.muli %add3A, %mul3A_102 : i32
    %add3A_104 = arith.constant 2 : i32
    %add3A_105 = arith.addi %mul3A_103, %add3A_104 : i32
    %dma_start3A_106 = arith.constant 0 : i32
    %dma_start3A_107 = tpu.memref_slice %arg7[%rem3A_83, %dma_start3A_106] : memref<6x120xi32, #tpu.memory_space<vmem>> -> memref<1x120xi32, #tpu.memory_space<vmem>>
    %dma_start3A_108 = tpu.memref_squeeze %dma_start3A_107 : memref<1x120xi32, #tpu.memory_space<vmem>> -> memref<120xi32, #tpu.memory_space<vmem>>
    %dma_start3A_109 = arith.constant 0 : i32
    %dma_start3A_110 = tpu.memref_slice %arg3[%add3A_105, %dma_start3A_109] : memref<2688x120xi32, #tpu.memory_space<hbm>> -> memref<1x120xi32, #tpu.memory_space<hbm>>
    %dma_start3A_111 = tpu.memref_squeeze %dma_start3A_110 : memref<1x120xi32, #tpu.memory_space<hbm>> -> memref<120xi32, #tpu.memory_space<hbm>>
    %dma_start3A_112 = tpu.memref_slice %arg10[%rem3A_83] : memref<6x!tpu.dma_semaphore, #tpu.memory_space<semaphore_mem>> -> memref<1x!tpu.dma_semaphore, #tpu.memory_space<semaphore_mem>>
    %dma_start3A_113 = tpu.memref_squeeze %dma_start3A_112 : memref<1x!tpu.dma_semaphore, #tpu.memory_space<semaphore_mem>> -> memref<!tpu.dma_semaphore, #tpu.memory_space<semaphore_mem>>
    %dma_start3A_114 = arith.constant 0 : i32
    %dma_start3A_115 = tpu.memref_slice %arg7[%rem3A_83, %dma_start3A_114] : memref<6x120xi32, #tpu.memory_space<vmem>> -> memref<1x120xi32, #tpu.memory_space<vmem>>
    %dma_start3A_116 = tpu.memref_squeeze %dma_start3A_115 : memref<1x120xi32, #tpu.memory_space<vmem>> -> memref<120xi32, #tpu.memory_space<vmem>>
    %dma_start3A_117 = arith.constant 0 : i32
    %dma_start3A_118 = tpu.memref_slice %arg3[%add3A_105, %dma_start3A_117] : memref<2688x120xi32, #tpu.memory_space<hbm>> -> memref<1x120xi32, #tpu.memory_space<hbm>>
    %dma_start3A_119 = tpu.memref_squeeze %dma_start3A_118 : memref<1x120xi32, #tpu.memory_space<hbm>> -> memref<120xi32, #tpu.memory_space<hbm>>
    tpu.enqueue_dma source(%dma_start3A_119 : memref<120xi32, #tpu.memory_space<hbm>>) target(%dma_start3A_116 : memref<120xi32, #tpu.memory_space<vmem>>) target_semaphore(%dma_start3A_113 : memref<!tpu.dma_semaphore, #tpu.memory_space<semaphore_mem>>)
    %rem3A_120 = arith.constant 3 : i32
    %rem3A_121 = arith.constant 6 : i32
    %rem3A_122 = arith.remsi %rem3A_120, %rem3A_121 : i32
    %mul3A_123 = arith.constant 84 : i32
    %mul3A_124 = arith.muli %add3A, %mul3A_123 : i32
    %add3A_125 = arith.constant 3 : i32
    %add3A_126 = arith.addi %mul3A_124, %add3A_125 : i32
    %dma_start3A_127 = arith.constant 0 : i32
    %dma_start3A_128 = tpu.memref_slice %arg6[%rem3A_122, %dma_start3A_127] : memref<6x120xi32, #tpu.memory_space<vmem>> -> memref<1x120xi32, #tpu.memory_space<vmem>>
    %dma_start3A_129 = tpu.memref_squeeze %dma_start3A_128 : memref<1x120xi32, #tpu.memory_space<vmem>> -> memref<120xi32, #tpu.memory_space<vmem>>
    %dma_start3A_130 = arith.constant 0 : i32
    %dma_start3A_131 = tpu.memref_slice %arg2[%add3A_126, %dma_start3A_130] : memref<2688x120xi32, #tpu.memory_space<hbm>> -> memref<1x120xi32, #tpu.memory_space<hbm>>
    %dma_start3A_132 = tpu.memref_squeeze %dma_start3A_131 : memref<1x120xi32, #tpu.memory_space<hbm>> -> memref<120xi32, #tpu.memory_space<hbm>>
    %dma_start3A_133 = tpu.memref_slice %arg10[%rem3A_122] : memref<6x!tpu.dma_semaphore, #tpu.memory_space<semaphore_mem>> -> memref<1x!tpu.dma_semaphore, #tpu.memory_space<semaphore_mem>>
    %dma_start3A_134 = tpu.memref_squeeze %dma_start3A_133 : memref<1x!tpu.dma_semaphore, #tpu.memory_space<semaphore_mem>> -> memref<!tpu.dma_semaphore, #tpu.memory_space<semaphore_mem>>
    %dma_start3A_135 = arith.constant 0 : i32
    %dma_start3A_136 = tpu.memref_slice %arg6[%rem3A_122, %dma_start3A_135] : memref<6x120xi32, #tpu.memory_space<vmem>> -> memref<1x120xi32, #tpu.memory_space<vmem>>
    %dma_start3A_137 = tpu.memref_squeeze %dma_start3A_136 : memref<1x120xi32, #tpu.memory_space<vmem>> -> memref<120xi32, #tpu.memory_space<vmem>>
    %dma_start3A_138 = arith.constant 0 : i32
    %dma_start3A_139 = tpu.memref_slice %arg2[%add3A_126, %dma_start3A_138] : memref<2688x120xi32, #tpu.memory_space<hbm>> -> memref<1x120xi32, #tpu.memory_space<hbm>>
    %dma_start3A_140 = tpu.memref_squeeze %dma_start3A_139 : memref<1x120xi32, #tpu.memory_space<hbm>> -> memref<120xi32, #tpu.memory_space<hbm>>
    tpu.enqueue_dma source(%dma_start3A_140 : memref<120xi32, #tpu.memory_space<hbm>>) target(%dma_start3A_137 : memref<120xi32, #tpu.memory_space<vmem>>) target_semaphore(%dma_start3A_134 : memref<!tpu.dma_semaphore, #tpu.memory_space<semaphore_mem>>)
    %mul3A_141 = arith.constant 84 : i32
    %mul3A_142 = arith.muli %add3A, %mul3A_141 : i32
    %add3A_143 = arith.constant 3 : i32
    %add3A_144 = arith.addi %mul3A_142, %add3A_143 : i32
    %dma_start3A_145 = arith.constant 0 : i32
    %dma_start3A_146 = tpu.memref_slice %arg7[%rem3A_122, %dma_start3A_145] : memref<6x120xi32, #tpu.memory_space<vmem>> -> memref<1x120xi32, #tpu.memory_space<vmem>>
    %dma_start3A_147 = tpu.memref_squeeze %dma_start3A_146 : memref<1x120xi32, #tpu.memory_space<vmem>> -> memref<120xi32, #tpu.memory_space<vmem>>
    %dma_start3A_148 = arith.constant 0 : i32
    %dma_start3A_149 = tpu.memref_slice %arg3[%add3A_144, %dma_start3A_148] : memref<2688x120xi32, #tpu.memory_space<hbm>> -> memref<1x120xi32, #tpu.memory_space<hbm>>
    %dma_start3A_150 = tpu.memref_squeeze %dma_start3A_149 : memref<1x120xi32, #tpu.memory_space<hbm>> -> memref<120xi32, #tpu.memory_space<hbm>>
    %dma_start3A_151 = tpu.memref_slice %arg10[%rem3A_122] : memref<6x!tpu.dma_semaphore, #tpu.memory_space<semaphore_mem>> -> memref<1x!tpu.dma_semaphore, #tpu.memory_space<semaphore_mem>>
    %dma_start3A_152 = tpu.memref_squeeze %dma_start3A_151 : memref<1x!tpu.dma_semaphore, #tpu.memory_space<semaphore_mem>> -> memref<!tpu.dma_semaphore, #tpu.memory_space<semaphore_mem>>
    %dma_start3A_153 = arith.constant 0 : i32
    %dma_start3A_154 = tpu.memref_slice %arg7[%rem3A_122, %dma_start3A_153] : memref<6x120xi32, #tpu.memory_space<vmem>> -> memref<1x120xi32, #tpu.memory_space<vmem>>
    %dma_start3A_155 = tpu.memref_squeeze %dma_start3A_154 : memref<1x120xi32, #tpu.memory_space<vmem>> -> memref<120xi32, #tpu.memory_space<vmem>>
    %dma_start3A_156 = arith.constant 0 : i32
    %dma_start3A_157 = tpu.memref_slice %arg3[%add3A_144, %dma_start3A_156] : memref<2688x120xi32, #tpu.memory_space<hbm>> -> memref<1x120xi32, #tpu.memory_space<hbm>>
    %dma_start3A_158 = tpu.memref_squeeze %dma_start3A_157 : memref<1x120xi32, #tpu.memory_space<hbm>> -> memref<120xi32, #tpu.memory_space<hbm>>
    tpu.enqueue_dma source(%dma_start3A_158 : memref<120xi32, #tpu.memory_space<hbm>>) target(%dma_start3A_155 : memref<120xi32, #tpu.memory_space<vmem>>) target_semaphore(%dma_start3A_152 : memref<!tpu.dma_semaphore, #tpu.memory_space<semaphore_mem>>)
    %barrier3A = arith.constant 0 : index
    tpu.barrier barrier_id(%barrier3A)
    %rem3A_159 = arith.constant 0 : i32
    %rem3A_160 = arith.constant 6 : i32
    %rem3A_161 = arith.remsi %rem3A_159, %rem3A_160 : i32
    %dma_wait3A = arith.constant 0 : i32
    %dma_wait3A_162 = arith.constant 0 : i32
    %dma_wait3A_163 = arith.constant 0 : i32
    %dma_wait3A_164 = tpu.memref_slice %arg6[%dma_wait3A_162, %dma_wait3A_163] : memref<6x120xi32, #tpu.memory_space<vmem>> -> memref<1x120xi32, #tpu.memory_space<vmem>>
    %dma_wait3A_165 = tpu.memref_squeeze %dma_wait3A_164 : memref<1x120xi32, #tpu.memory_space<vmem>> -> memref<120xi32, #tpu.memory_space<vmem>>
    %dma_wait3A_166 = arith.constant 0 : i32
    %dma_wait3A_167 = tpu.memref_slice %arg2[%dma_wait3A, %dma_wait3A_166] : memref<2688x120xi32, #tpu.memory_space<hbm>> -> memref<1x120xi32, #tpu.memory_space<hbm>>
    %dma_wait3A_168 = tpu.memref_squeeze %dma_wait3A_167 : memref<1x120xi32, #tpu.memory_space<hbm>> -> memref<120xi32, #tpu.memory_space<hbm>>
    %dma_wait3A_169 = tpu.memref_slice %arg10[%rem3A_161] : memref<6x!tpu.dma_semaphore, #tpu.memory_space<semaphore_mem>> -> memref<1x!tpu.dma_semaphore, #tpu.memory_space<semaphore_mem>>
    %dma_wait3A_170 = tpu.memref_squeeze %dma_wait3A_169 : memref<1x!tpu.dma_semaphore, #tpu.memory_space<semaphore_mem>> -> memref<!tpu.dma_semaphore, #tpu.memory_space<semaphore_mem>>
    %dma_wait3A_171 = arith.constant 0 : i32
    %dma_wait3A_172 = tpu.memref_slice %arg6[%dma_wait3A_162, %dma_wait3A_171] : memref<6x120xi32, #tpu.memory_space<vmem>> -> memref<1x120xi32, #tpu.memory_space<vmem>>
    %dma_wait3A_173 = tpu.memref_squeeze %dma_wait3A_172 : memref<1x120xi32, #tpu.memory_space<vmem>> -> memref<120xi32, #tpu.memory_space<vmem>>
    %dma_wait3A_174 = arith.constant 0 : i32
    %dma_wait3A_175 = tpu.memref_slice %arg2[%dma_wait3A, %dma_wait3A_174] : memref<2688x120xi32, #tpu.memory_space<hbm>> -> memref<1x120xi32, #tpu.memory_space<hbm>>
    %dma_wait3A_176 = tpu.memref_squeeze %dma_wait3A_175 : memref<1x120xi32, #tpu.memory_space<hbm>> -> memref<120xi32, #tpu.memory_space<hbm>>
    tpu.wait_dma2 semaphore(%dma_wait3A_170 : memref<!tpu.dma_semaphore, #tpu.memory_space<semaphore_mem>>) src(%dma_wait3A_176 : memref<120xi32, #tpu.memory_space<hbm>>) dst(%dma_wait3A_173 : memref<120xi32, #tpu.memory_space<vmem>>)
    %dma_wait3A_177 = arith.constant 0 : i32
    %dma_wait3A_178 = arith.constant 0 : i32
    %dma_wait3A_179 = arith.constant 0 : i32
    %dma_wait3A_180 = tpu.memref_slice %arg7[%dma_wait3A_178, %dma_wait3A_179] : memref<6x120xi32, #tpu.memory_space<vmem>> -> memref<1x120xi32, #tpu.memory_space<vmem>>
    %dma_wait3A_181 = tpu.memref_squeeze %dma_wait3A_180 : memref<1x120xi32, #tpu.memory_space<vmem>> -> memref<120xi32, #tpu.memory_space<vmem>>
    %dma_wait3A_182 = arith.constant 0 : i32
    %dma_wait3A_183 = tpu.memref_slice %arg3[%dma_wait3A_177, %dma_wait3A_182] : memref<2688x120xi32, #tpu.memory_space<hbm>> -> memref<1x120xi32, #tpu.memory_space<hbm>>
    %dma_wait3A_184 = tpu.memref_squeeze %dma_wait3A_183 : memref<1x120xi32, #tpu.memory_space<hbm>> -> memref<120xi32, #tpu.memory_space<hbm>>
    %dma_wait3A_185 = tpu.memref_slice %arg10[%rem3A_161] : memref<6x!tpu.dma_semaphore, #tpu.memory_space<semaphore_mem>> -> memref<1x!tpu.dma_semaphore, #tpu.memory_space<semaphore_mem>>
    %dma_wait3A_186 = tpu.memref_squeeze %dma_wait3A_185 : memref<1x!tpu.dma_semaphore, #tpu.memory_space<semaphore_mem>> -> memref<!tpu.dma_semaphore, #tpu.memory_space<semaphore_mem>>
    %dma_wait3A_187 = arith.constant 0 : i32
    %dma_wait3A_188 = tpu.memref_slice %arg7[%dma_wait3A_178, %dma_wait3A_187] : memref<6x120xi32, #tpu.memory_space<vmem>> -> memref<1x120xi32, #tpu.memory_space<vmem>>
    %dma_wait3A_189 = tpu.memref_squeeze %dma_wait3A_188 : memref<1x120xi32, #tpu.memory_space<vmem>> -> memref<120xi32, #tpu.memory_space<vmem>>
    %dma_wait3A_190 = arith.constant 0 : i32
    %dma_wait3A_191 = tpu.memref_slice %arg3[%dma_wait3A_177, %dma_wait3A_190] : memref<2688x120xi32, #tpu.memory_space<hbm>> -> memref<1x120xi32, #tpu.memory_space<hbm>>
    %dma_wait3A_192 = tpu.memref_squeeze %dma_wait3A_191 : memref<1x120xi32, #tpu.memory_space<hbm>> -> memref<120xi32, #tpu.memory_space<hbm>>
    tpu.wait_dma2 semaphore(%dma_wait3A_186 : memref<!tpu.dma_semaphore, #tpu.memory_space<semaphore_mem>>) src(%dma_wait3A_192 : memref<120xi32, #tpu.memory_space<hbm>>) dst(%dma_wait3A_189 : memref<120xi32, #tpu.memory_space<vmem>>)
    %rem3A_193 = arith.constant 0 : i32
    %rem3A_194 = arith.constant 6 : i32
    %rem3A_195 = arith.remsi %rem3A_193, %rem3A_194 : i32
    %dma_start3A_196 = arith.constant 0 : i32
    %dma_start3A_197 = arith.constant 0 : i32
    %dma_start3A_198 = arith.constant 0 : i32
    %dma_start3A_199 = tpu.memref_slice %arg8[%dma_start3A_196, %dma_start3A_197, %dma_start3A_198] : memref<4x120x64xf32, #tpu.memory_space<vmem>> -> memref<1x120x64xf32, #tpu.memory_space<vmem>>
    %dma_start3A_200 = tpu.memref_squeeze %dma_start3A_199 : memref<1x120x64xf32, #tpu.memory_space<vmem>> -> memref<120x64xf32, #tpu.memory_space<vmem>>
    %dma_start3A_201 = arith.constant 0 : i32
    %dma_start3A_202 = tpu.memref_slice %arg6[%rem3A_195, %dma_start3A_201] : memref<6x120xi32, #tpu.memory_space<vmem>> -> memref<1x120xi32, #tpu.memory_space<vmem>>
    %dma_start3A_203 = tpu.memref_squeeze %dma_start3A_202 : memref<1x120xi32, #tpu.memory_space<vmem>> -> memref<120xi32, #tpu.memory_space<vmem>>
    %dma_start3A_204 = arith.constant 0 : i32
    %dma_start3A_205 = arith.constant 0 : i32
    %dma_start3A_206 = tpu.memref_slice %arg4[%dma_start3A_204, %dma_start3A_205] : memref<10240x64xf32, #tpu.memory_space<hbm>> -> memref<10240x64xf32, #tpu.memory_space<hbm>>
    tpu.enqueue_indirect_dma source(%dma_start3A_206 : memref<10240x64xf32, #tpu.memory_space<hbm>>) target(%dma_start3A_200 : memref<120x64xf32, #tpu.memory_space<vmem>>) offsets(%dma_start3A_203 : memref<120xi32, #tpu.memory_space<vmem>>) semaphore(%arg11 : memref<!tpu.dma_semaphore, #tpu.memory_space<semaphore_mem>>)
    %rem3A_207 = arith.constant 1 : i32
    %rem3A_208 = arith.constant 6 : i32
    %rem3A_209 = arith.remsi %rem3A_207, %rem3A_208 : i32
    %dma_wait3A_210 = arith.constant 0 : i32
    %dma_wait3A_211 = arith.constant 0 : i32
    %dma_wait3A_212 = arith.constant 0 : i32
    %dma_wait3A_213 = tpu.memref_slice %arg6[%dma_wait3A_211, %dma_wait3A_212] : memref<6x120xi32, #tpu.memory_space<vmem>> -> memref<1x120xi32, #tpu.memory_space<vmem>>
    %dma_wait3A_214 = tpu.memref_squeeze %dma_wait3A_213 : memref<1x120xi32, #tpu.memory_space<vmem>> -> memref<120xi32, #tpu.memory_space<vmem>>
    %dma_wait3A_215 = arith.constant 0 : i32
    %dma_wait3A_216 = tpu.memref_slice %arg2[%dma_wait3A_210, %dma_wait3A_215] : memref<2688x120xi32, #tpu.memory_space<hbm>> -> memref<1x120xi32, #tpu.memory_space<hbm>>
    %dma_wait3A_217 = tpu.memref_squeeze %dma_wait3A_216 : memref<1x120xi32, #tpu.memory_space<hbm>> -> memref<120xi32, #tpu.memory_space<hbm>>
    %dma_wait3A_218 = tpu.memref_slice %arg10[%rem3A_209] : memref<6x!tpu.dma_semaphore, #tpu.memory_space<semaphore_mem>> -> memref<1x!tpu.dma_semaphore, #tpu.memory_space<semaphore_mem>>
    %dma_wait3A_219 = tpu.memref_squeeze %dma_wait3A_218 : memref<1x!tpu.dma_semaphore, #tpu.memory_space<semaphore_mem>> -> memref<!tpu.dma_semaphore, #tpu.memory_space<semaphore_mem>>
    %dma_wait3A_220 = arith.constant 0 : i32
    %dma_wait3A_221 = tpu.memref_slice %arg6[%dma_wait3A_211, %dma_wait3A_220] : memref<6x120xi32, #tpu.memory_space<vmem>> -> memref<1x120xi32, #tpu.memory_space<vmem>>
    %dma_wait3A_222 = tpu.memref_squeeze %dma_wait3A_221 : memref<1x120xi32, #tpu.memory_space<vmem>> -> memref<120xi32, #tpu.memory_space<vmem>>
    %dma_wait3A_223 = arith.constant 0 : i32
    %dma_wait3A_224 = tpu.memref_slice %arg2[%dma_wait3A_210, %dma_wait3A_223] : memref<2688x120xi32, #tpu.memory_space<hbm>> -> memref<1x120xi32, #tpu.memory_space<hbm>>
    %dma_wait3A_225 = tpu.memref_squeeze %dma_wait3A_224 : memref<1x120xi32, #tpu.memory_space<hbm>> -> memref<120xi32, #tpu.memory_space<hbm>>
    tpu.wait_dma2 semaphore(%dma_wait3A_219 : memref<!tpu.dma_semaphore, #tpu.memory_space<semaphore_mem>>) src(%dma_wait3A_225 : memref<120xi32, #tpu.memory_space<hbm>>) dst(%dma_wait3A_222 : memref<120xi32, #tpu.memory_space<vmem>>)
    %dma_wait3A_226 = arith.constant 0 : i32
    %dma_wait3A_227 = arith.constant 0 : i32
    %dma_wait3A_228 = arith.constant 0 : i32
    %dma_wait3A_229 = tpu.memref_slice %arg7[%dma_wait3A_227, %dma_wait3A_228] : memref<6x120xi32, #tpu.memory_space<vmem>> -> memref<1x120xi32, #tpu.memory_space<vmem>>
    %dma_wait3A_230 = tpu.memref_squeeze %dma_wait3A_229 : memref<1x120xi32, #tpu.memory_space<vmem>> -> memref<120xi32, #tpu.memory_space<vmem>>
    %dma_wait3A_231 = arith.constant 0 : i32
    %dma_wait3A_232 = tpu.memref_slice %arg3[%dma_wait3A_226, %dma_wait3A_231] : memref<2688x120xi32, #tpu.memory_space<hbm>> -> memref<1x120xi32, #tpu.memory_space<hbm>>
    %dma_wait3A_233 = tpu.memref_squeeze %dma_wait3A_232 : memref<1x120xi32, #tpu.memory_space<hbm>> -> memref<120xi32, #tpu.memory_space<hbm>>
    %dma_wait3A_234 = tpu.memref_slice %arg10[%rem3A_209] : memref<6x!tpu.dma_semaphore, #tpu.memory_space<semaphore_mem>> -> memref<1x!tpu.dma_semaphore, #tpu.memory_space<semaphore_mem>>
    %dma_wait3A_235 = tpu.memref_squeeze %dma_wait3A_234 : memref<1x!tpu.dma_semaphore, #tpu.memory_space<semaphore_mem>> -> memref<!tpu.dma_semaphore, #tpu.memory_space<semaphore_mem>>
    %dma_wait3A_236 = arith.constant 0 : i32
    %dma_wait3A_237 = tpu.memref_slice %arg7[%dma_wait3A_227, %dma_wait3A_236] : memref<6x120xi32, #tpu.memory_space<vmem>> -> memref<1x120xi32, #tpu.memory_space<vmem>>
    %dma_wait3A_238 = tpu.memref_squeeze %dma_wait3A_237 : memref<1x120xi32, #tpu.memory_space<vmem>> -> memref<120xi32, #tpu.memory_space<vmem>>
    %dma_wait3A_239 = arith.constant 0 : i32
    %dma_wait3A_240 = tpu.memref_slice %arg3[%dma_wait3A_226, %dma_wait3A_239] : memref<2688x120xi32, #tpu.memory_space<hbm>> -> memref<1x120xi32, #tpu.memory_space<hbm>>
    %dma_wait3A_241 = tpu.memref_squeeze %dma_wait3A_240 : memref<1x120xi32, #tpu.memory_space<hbm>> -> memref<120xi32, #tpu.memory_space<hbm>>
    tpu.wait_dma2 semaphore(%dma_wait3A_235 : memref<!tpu.dma_semaphore, #tpu.memory_space<semaphore_mem>>) src(%dma_wait3A_241 : memref<120xi32, #tpu.memory_space<hbm>>) dst(%dma_wait3A_238 : memref<120xi32, #tpu.memory_space<vmem>>)
    %rem3A_242 = arith.constant 1 : i32
    %rem3A_243 = arith.constant 6 : i32
    %rem3A_244 = arith.remsi %rem3A_242, %rem3A_243 : i32
    %dma_start3A_245 = arith.constant 1 : i32
    %dma_start3A_246 = arith.constant 0 : i32
    %dma_start3A_247 = arith.constant 0 : i32
    %dma_start3A_248 = tpu.memref_slice %arg8[%dma_start3A_245, %dma_start3A_246, %dma_start3A_247] : memref<4x120x64xf32, #tpu.memory_space<vmem>> -> memref<1x120x64xf32, #tpu.memory_space<vmem>>
    %dma_start3A_249 = tpu.memref_squeeze %dma_start3A_248 : memref<1x120x64xf32, #tpu.memory_space<vmem>> -> memref<120x64xf32, #tpu.memory_space<vmem>>
    %dma_start3A_250 = arith.constant 0 : i32
    %dma_start3A_251 = tpu.memref_slice %arg6[%rem3A_244, %dma_start3A_250] : memref<6x120xi32, #tpu.memory_space<vmem>> -> memref<1x120xi32, #tpu.memory_space<vmem>>
    %dma_start3A_252 = tpu.memref_squeeze %dma_start3A_251 : memref<1x120xi32, #tpu.memory_space<vmem>> -> memref<120xi32, #tpu.memory_space<vmem>>
    %dma_start3A_253 = arith.constant 0 : i32
    %dma_start3A_254 = arith.constant 0 : i32
    %dma_start3A_255 = tpu.memref_slice %arg4[%dma_start3A_253, %dma_start3A_254] : memref<10240x64xf32, #tpu.memory_space<hbm>> -> memref<10240x64xf32, #tpu.memory_space<hbm>>
    tpu.enqueue_indirect_dma source(%dma_start3A_255 : memref<10240x64xf32, #tpu.memory_space<hbm>>) target(%dma_start3A_249 : memref<120x64xf32, #tpu.memory_space<vmem>>) offsets(%dma_start3A_252 : memref<120xi32, #tpu.memory_space<vmem>>) semaphore(%arg11 : memref<!tpu.dma_semaphore, #tpu.memory_space<semaphore_mem>>)
    %rem3A_256 = arith.constant 2 : i32
    %rem3A_257 = arith.constant 6 : i32
    %rem3A_258 = arith.remsi %rem3A_256, %rem3A_257 : i32
    %dma_wait3A_259 = arith.constant 0 : i32
    %dma_wait3A_260 = arith.constant 0 : i32
    %dma_wait3A_261 = arith.constant 0 : i32
    %dma_wait3A_262 = tpu.memref_slice %arg6[%dma_wait3A_260, %dma_wait3A_261] : memref<6x120xi32, #tpu.memory_space<vmem>> -> memref<1x120xi32, #tpu.memory_space<vmem>>
    %dma_wait3A_263 = tpu.memref_squeeze %dma_wait3A_262 : memref<1x120xi32, #tpu.memory_space<vmem>> -> memref<120xi32, #tpu.memory_space<vmem>>
    %dma_wait3A_264 = arith.constant 0 : i32
    %dma_wait3A_265 = tpu.memref_slice %arg2[%dma_wait3A_259, %dma_wait3A_264] : memref<2688x120xi32, #tpu.memory_space<hbm>> -> memref<1x120xi32, #tpu.memory_space<hbm>>
    %dma_wait3A_266 = tpu.memref_squeeze %dma_wait3A_265 : memref<1x120xi32, #tpu.memory_space<hbm>> -> memref<120xi32, #tpu.memory_space<hbm>>
    %dma_wait3A_267 = tpu.memref_slice %arg10[%rem3A_258] : memref<6x!tpu.dma_semaphore, #tpu.memory_space<semaphore_mem>> -> memref<1x!tpu.dma_semaphore, #tpu.memory_space<semaphore_mem>>
    %dma_wait3A_268 = tpu.memref_squeeze %dma_wait3A_267 : memref<1x!tpu.dma_semaphore, #tpu.memory_space<semaphore_mem>> -> memref<!tpu.dma_semaphore, #tpu.memory_space<semaphore_mem>>
    %dma_wait3A_269 = arith.constant 0 : i32
    %dma_wait3A_270 = tpu.memref_slice %arg6[%dma_wait3A_260, %dma_wait3A_269] : memref<6x120xi32, #tpu.memory_space<vmem>> -> memref<1x120xi32, #tpu.memory_space<vmem>>
    %dma_wait3A_271 = tpu.memref_squeeze %dma_wait3A_270 : memref<1x120xi32, #tpu.memory_space<vmem>> -> memref<120xi32, #tpu.memory_space<vmem>>
    %dma_wait3A_272 = arith.constant 0 : i32
    %dma_wait3A_273 = tpu.memref_slice %arg2[%dma_wait3A_259, %dma_wait3A_272] : memref<2688x120xi32, #tpu.memory_space<hbm>> -> memref<1x120xi32, #tpu.memory_space<hbm>>
    %dma_wait3A_274 = tpu.memref_squeeze %dma_wait3A_273 : memref<1x120xi32, #tpu.memory_space<hbm>> -> memref<120xi32, #tpu.memory_space<hbm>>
    tpu.wait_dma2 semaphore(%dma_wait3A_268 : memref<!tpu.dma_semaphore, #tpu.memory_space<semaphore_mem>>) src(%dma_wait3A_274 : memref<120xi32, #tpu.memory_space<hbm>>) dst(%dma_wait3A_271 : memref<120xi32, #tpu.memory_space<vmem>>)
    %dma_wait3A_275 = arith.constant 0 : i32
    %dma_wait3A_276 = arith.constant 0 : i32
    %dma_wait3A_277 = arith.constant 0 : i32
    %dma_wait3A_278 = tpu.memref_slice %arg7[%dma_wait3A_276, %dma_wait3A_277] : memref<6x120xi32, #tpu.memory_space<vmem>> -> memref<1x120xi32, #tpu.memory_space<vmem>>
    %dma_wait3A_279 = tpu.memref_squeeze %dma_wait3A_278 : memref<1x120xi32, #tpu.memory_space<vmem>> -> memref<120xi32, #tpu.memory_space<vmem>>
    %dma_wait3A_280 = arith.constant 0 : i32
    %dma_wait3A_281 = tpu.memref_slice %arg3[%dma_wait3A_275, %dma_wait3A_280] : memref<2688x120xi32, #tpu.memory_space<hbm>> -> memref<1x120xi32, #tpu.memory_space<hbm>>
    %dma_wait3A_282 = tpu.memref_squeeze %dma_wait3A_281 : memref<1x120xi32, #tpu.memory_space<hbm>> -> memref<120xi32, #tpu.memory_space<hbm>>
    %dma_wait3A_283 = tpu.memref_slice %arg10[%rem3A_258] : memref<6x!tpu.dma_semaphore, #tpu.memory_space<semaphore_mem>> -> memref<1x!tpu.dma_semaphore, #tpu.memory_space<semaphore_mem>>
    %dma_wait3A_284 = tpu.memref_squeeze %dma_wait3A_283 : memref<1x!tpu.dma_semaphore, #tpu.memory_space<semaphore_mem>> -> memref<!tpu.dma_semaphore, #tpu.memory_space<semaphore_mem>>
    %dma_wait3A_285 = arith.constant 0 : i32
    %dma_wait3A_286 = tpu.memref_slice %arg7[%dma_wait3A_276, %dma_wait3A_285] : memref<6x120xi32, #tpu.memory_space<vmem>> -> memref<1x120xi32, #tpu.memory_space<vmem>>
    %dma_wait3A_287 = tpu.memref_squeeze %dma_wait3A_286 : memref<1x120xi32, #tpu.memory_space<vmem>> -> memref<120xi32, #tpu.memory_space<vmem>>
    %dma_wait3A_288 = arith.constant 0 : i32
    %dma_wait3A_289 = tpu.memref_slice %arg3[%dma_wait3A_275, %dma_wait3A_288] : memref<2688x120xi32, #tpu.memory_space<hbm>> -> memref<1x120xi32, #tpu.memory_space<hbm>>
    %dma_wait3A_290 = tpu.memref_squeeze %dma_wait3A_289 : memref<1x120xi32, #tpu.memory_space<hbm>> -> memref<120xi32, #tpu.memory_space<hbm>>
    tpu.wait_dma2 semaphore(%dma_wait3A_284 : memref<!tpu.dma_semaphore, #tpu.memory_space<semaphore_mem>>) src(%dma_wait3A_290 : memref<120xi32, #tpu.memory_space<hbm>>) dst(%dma_wait3A_287 : memref<120xi32, #tpu.memory_space<vmem>>)
    %rem3A_291 = arith.constant 2 : i32
    %rem3A_292 = arith.constant 6 : i32
    %rem3A_293 = arith.remsi %rem3A_291, %rem3A_292 : i32
    %dma_start3A_294 = arith.constant 2 : i32
    %dma_start3A_295 = arith.constant 0 : i32
    %dma_start3A_296 = arith.constant 0 : i32
    %dma_start3A_297 = tpu.memref_slice %arg8[%dma_start3A_294, %dma_start3A_295, %dma_start3A_296] : memref<4x120x64xf32, #tpu.memory_space<vmem>> -> memref<1x120x64xf32, #tpu.memory_space<vmem>>
    %dma_start3A_298 = tpu.memref_squeeze %dma_start3A_297 : memref<1x120x64xf32, #tpu.memory_space<vmem>> -> memref<120x64xf32, #tpu.memory_space<vmem>>
    %dma_start3A_299 = arith.constant 0 : i32
    %dma_start3A_300 = tpu.memref_slice %arg6[%rem3A_293, %dma_start3A_299] : memref<6x120xi32, #tpu.memory_space<vmem>> -> memref<1x120xi32, #tpu.memory_space<vmem>>
    %dma_start3A_301 = tpu.memref_squeeze %dma_start3A_300 : memref<1x120xi32, #tpu.memory_space<vmem>> -> memref<120xi32, #tpu.memory_space<vmem>>
    %dma_start3A_302 = arith.constant 0 : i32
    %dma_start3A_303 = arith.constant 0 : i32
    %dma_start3A_304 = tpu.memref_slice %arg4[%dma_start3A_302, %dma_start3A_303] : memref<10240x64xf32, #tpu.memory_space<hbm>> -> memref<10240x64xf32, #tpu.memory_space<hbm>>
    tpu.enqueue_indirect_dma source(%dma_start3A_304 : memref<10240x64xf32, #tpu.memory_space<hbm>>) target(%dma_start3A_298 : memref<120x64xf32, #tpu.memory_space<vmem>>) offsets(%dma_start3A_301 : memref<120xi32, #tpu.memory_space<vmem>>) semaphore(%arg11 : memref<!tpu.dma_semaphore, #tpu.memory_space<semaphore_mem>>)
    %scan3A = arith.constant 0 : i32
    %scan3A_305 = arith.constant 0 : i32
    %scan3A_306 = arith.constant 84 : i32
    %scan3A_307 = arith.addi %scan3A_305, %scan3A_306 : i32
    %scan3A_308 = arith.constant 1 : i32
    scf.for %scan3A_327 = %scan3A_305 to %scan3A_307 step %scan3A_308  : i32 {
      %dma_wait3A_328 = arith.constant 0 : i32
      %dma_wait3A_329 = arith.constant 0 : i32
      %dma_wait3A_330 = arith.constant 0 : i32
      %dma_wait3A_331 = arith.constant 0 : i32
      %dma_wait3A_332 = tpu.memref_slice %arg8[%dma_wait3A_329, %dma_wait3A_330, %dma_wait3A_331] : memref<4x120x64xf32, #tpu.memory_space<vmem>> -> memref<1x120x64xf32, #tpu.memory_space<vmem>>
      %dma_wait3A_333 = tpu.memref_squeeze %dma_wait3A_332 : memref<1x120x64xf32, #tpu.memory_space<vmem>> -> memref<120x64xf32, #tpu.memory_space<vmem>>
      %dma_wait3A_334 = arith.constant 0 : i32
      %dma_wait3A_335 = tpu.memref_slice %arg6[%dma_wait3A_328, %dma_wait3A_334] : memref<6x120xi32, #tpu.memory_space<vmem>> -> memref<1x120xi32, #tpu.memory_space<vmem>>
      %dma_wait3A_336 = tpu.memref_squeeze %dma_wait3A_335 : memref<1x120xi32, #tpu.memory_space<vmem>> -> memref<120xi32, #tpu.memory_space<vmem>>
      %dma_wait3A_337 = arith.constant 0 : i32
      %dma_wait3A_338 = arith.constant 0 : i32
      %dma_wait3A_339 = tpu.memref_slice %arg4[%dma_wait3A_337, %dma_wait3A_338] : memref<10240x64xf32, #tpu.memory_space<hbm>> -> memref<10240x64xf32, #tpu.memory_space<hbm>>
      tpu.wait_indirect_dma semaphore(%arg11 : memref<!tpu.dma_semaphore, #tpu.memory_space<semaphore_mem>>) src(%dma_wait3A_339 : memref<10240x64xf32, #tpu.memory_space<hbm>>) dst(%dma_wait3A_333 : memref<120x64xf32, #tpu.memory_space<vmem>>)
      %ge3A = arith.constant 1 : i32
      %ge3A_340 = arith.cmpi sge, %scan3A_327, %ge3A : i32
      %convert_element_type3A = arith.extui %ge3A_340 : i1 to i32
      %cond3A = arith.constant 0 : i32
      %cond3A_341 = arith.cmpi ne, %convert_element_type3A, %cond3A : i32
      scf.if %cond3A_341 {
        %dma_wait3A_370 = arith.constant 0 : i32
        %dma_wait3A_371 = arith.constant 0 : i32
        %dma_wait3A_372 = arith.constant 0 : i32
        %dma_wait3A_373 = arith.constant 0 : i32
        %dma_wait3A_374 = tpu.memref_slice %arg8[%dma_wait3A_370, %dma_wait3A_372, %dma_wait3A_373] : memref<4x120x64xf32, #tpu.memory_space<vmem>> -> memref<1x120x64xf32, #tpu.memory_space<vmem>>
        %dma_wait3A_375 = tpu.memref_squeeze %dma_wait3A_374 : memref<1x120x64xf32, #tpu.memory_space<vmem>> -> memref<120x64xf32, #tpu.memory_space<vmem>>
        %dma_wait3A_376 = arith.constant 0 : i32
        %dma_wait3A_377 = tpu.memref_slice %arg7[%dma_wait3A_371, %dma_wait3A_376] : memref<6x120xi32, #tpu.memory_space<vmem>> -> memref<1x120xi32, #tpu.memory_space<vmem>>
        %dma_wait3A_378 = tpu.memref_squeeze %dma_wait3A_377 : memref<1x120xi32, #tpu.memory_space<vmem>> -> memref<120xi32, #tpu.memory_space<vmem>>
        %dma_wait3A_379 = arith.constant 0 : i32
        %dma_wait3A_380 = arith.constant 0 : i32
        %dma_wait3A_381 = tpu.memref_slice %arg9[%dma_wait3A_379, %dma_wait3A_380] : memref<10240x64xf32, #tpu.memory_space<vmem_shared>> -> memref<10240x64xf32, #tpu.memory_space<vmem_shared>>
        tpu.wait_indirect_dma semaphore(%arg12 : memref<!tpu.dma_semaphore, #tpu.memory_space<semaphore_mem>>) src(%dma_wait3A_375 : memref<120x64xf32, #tpu.memory_space<vmem>>) dst(%dma_wait3A_381 : memref<10240x64xf32, #tpu.memory_space<vmem_shared>>)
      } else {
      }
      %rem3A_342 = arith.constant 4 : i32
      %rem3A_343 = arith.remsi %scan3A_327, %rem3A_342 : i32
      %rem3A_344 = arith.constant 6 : i32
      %rem3A_345 = arith.remsi %scan3A_327, %rem3A_344 : i32
      %dma_start3A_346 = arith.constant 0 : i32
      %dma_start3A_347 = arith.constant 0 : i32
      %dma_start3A_348 = tpu.memref_slice %arg8[%rem3A_343, %dma_start3A_346, %dma_start3A_347] : memref<4x120x64xf32, #tpu.memory_space<vmem>> -> memref<1x120x64xf32, #tpu.memory_space<vmem>>
      %dma_start3A_349 = tpu.memref_squeeze %dma_start3A_348 : memref<1x120x64xf32, #tpu.memory_space<vmem>> -> memref<120x64xf32, #tpu.memory_space<vmem>>
      %dma_start3A_350 = arith.constant 0 : i32
      %dma_start3A_351 = tpu.memref_slice %arg7[%rem3A_345, %dma_start3A_350] : memref<6x120xi32, #tpu.memory_space<vmem>> -> memref<1x120xi32, #tpu.memory_space<vmem>>
      %dma_start3A_352 = tpu.memref_squeeze %dma_start3A_351 : memref<1x120xi32, #tpu.memory_space<vmem>> -> memref<120xi32, #tpu.memory_space<vmem>>
      %dma_start3A_353 = arith.constant 0 : i32
      %dma_start3A_354 = arith.constant 0 : i32
      %dma_start3A_355 = tpu.memref_slice %arg9[%dma_start3A_353, %dma_start3A_354] : memref<10240x64xf32, #tpu.memory_space<vmem_shared>> -> memref<10240x64xf32, #tpu.memory_space<vmem_shared>>
      tpu.enqueue_indirect_dma source(%dma_start3A_349 : memref<120x64xf32, #tpu.memory_space<vmem>>) target(%dma_start3A_355 : memref<10240x64xf32, #tpu.memory_space<vmem_shared>>) offsets(%dma_start3A_352 : memref<120xi32, #tpu.memory_space<vmem>>) semaphore(%arg12 : memref<!tpu.dma_semaphore, #tpu.memory_space<semaphore_mem>>) {add = true}
      %add3A_356 = arith.constant 3 : i32
      %add3A_357 = arith.addi %scan3A_327, %add3A_356 : i32
      %lt3A = arith.constant 84 : i32
      %lt3A_358 = arith.cmpi slt, %add3A_357, %lt3A : i32
      %convert_element_type3A_359 = arith.extui %lt3A_358 : i1 to i32
      %cond3A_360 = arith.constant 0 : i32
      %cond3A_361 = arith.cmpi ne, %convert_element_type3A_359, %cond3A_360 : i32
      scf.if %cond3A_361 {
        %add3A_370 = arith.constant 3 : i32
        %add3A_371 = arith.addi %scan3A_327, %add3A_370 : i32
        %rem3A_372 = arith.constant 6 : i32
        %rem3A_373 = arith.remsi %add3A_371, %rem3A_372 : i32
        %dma_wait3A_374 = arith.constant 0 : i32
        %dma_wait3A_375 = arith.constant 0 : i32
        %dma_wait3A_376 = arith.constant 0 : i32
        %dma_wait3A_377 = tpu.memref_slice %arg6[%dma_wait3A_375, %dma_wait3A_376] : memref<6x120xi32, #tpu.memory_space<vmem>> -> memref<1x120xi32, #tpu.memory_space<vmem>>
        %dma_wait3A_378 = tpu.memref_squeeze %dma_wait3A_377 : memref<1x120xi32, #tpu.memory_space<vmem>> -> memref<120xi32, #tpu.memory_space<vmem>>
        %dma_wait3A_379 = arith.constant 0 : i32
        %dma_wait3A_380 = tpu.memref_slice %arg2[%dma_wait3A_374, %dma_wait3A_379] : memref<2688x120xi32, #tpu.memory_space<hbm>> -> memref<1x120xi32, #tpu.memory_space<hbm>>
        %dma_wait3A_381 = tpu.memref_squeeze %dma_wait3A_380 : memref<1x120xi32, #tpu.memory_space<hbm>> -> memref<120xi32, #tpu.memory_space<hbm>>
        %dma_wait3A_382 = tpu.memref_slice %arg10[%rem3A_373] : memref<6x!tpu.dma_semaphore, #tpu.memory_space<semaphore_mem>> -> memref<1x!tpu.dma_semaphore, #tpu.memory_space<semaphore_mem>>
        %dma_wait3A_383 = tpu.memref_squeeze %dma_wait3A_382 : memref<1x!tpu.dma_semaphore, #tpu.memory_space<semaphore_mem>> -> memref<!tpu.dma_semaphore, #tpu.memory_space<semaphore_mem>>
        %dma_wait3A_384 = arith.constant 0 : i32
        %dma_wait3A_385 = tpu.memref_slice %arg6[%dma_wait3A_375, %dma_wait3A_384] : memref<6x120xi32, #tpu.memory_space<vmem>> -> memref<1x120xi32, #tpu.memory_space<vmem>>
        %dma_wait3A_386 = tpu.memref_squeeze %dma_wait3A_385 : memref<1x120xi32, #tpu.memory_space<vmem>> -> memref<120xi32, #tpu.memory_space<vmem>>
        %dma_wait3A_387 = arith.constant 0 : i32
        %dma_wait3A_388 = tpu.memref_slice %arg2[%dma_wait3A_374, %dma_wait3A_387] : memref<2688x120xi32, #tpu.memory_space<hbm>> -> memref<1x120xi32, #tpu.memory_space<hbm>>
        %dma_wait3A_389 = tpu.memref_squeeze %dma_wait3A_388 : memref<1x120xi32, #tpu.memory_space<hbm>> -> memref<120xi32, #tpu.memory_space<hbm>>
        tpu.wait_dma2 semaphore(%dma_wait3A_383 : memref<!tpu.dma_semaphore, #tpu.memory_space<semaphore_mem>>) src(%dma_wait3A_389 : memref<120xi32, #tpu.memory_space<hbm>>) dst(%dma_wait3A_386 : memref<120xi32, #tpu.memory_space<vmem>>)
        %dma_wait3A_390 = arith.constant 0 : i32
        %dma_wait3A_391 = arith.constant 0 : i32
        %dma_wait3A_392 = arith.constant 0 : i32
        %dma_wait3A_393 = tpu.memref_slice %arg7[%dma_wait3A_391, %dma_wait3A_392] : memref<6x120xi32, #tpu.memory_space<vmem>> -> memref<1x120xi32, #tpu.memory_space<vmem>>
        %dma_wait3A_394 = tpu.memref_squeeze %dma_wait3A_393 : memref<1x120xi32, #tpu.memory_space<vmem>> -> memref<120xi32, #tpu.memory_space<vmem>>
        %dma_wait3A_395 = arith.constant 0 : i32
        %dma_wait3A_396 = tpu.memref_slice %arg3[%dma_wait3A_390, %dma_wait3A_395] : memref<2688x120xi32, #tpu.memory_space<hbm>> -> memref<1x120xi32, #tpu.memory_space<hbm>>
        %dma_wait3A_397 = tpu.memref_squeeze %dma_wait3A_396 : memref<1x120xi32, #tpu.memory_space<hbm>> -> memref<120xi32, #tpu.memory_space<hbm>>
        %dma_wait3A_398 = tpu.memref_slice %arg10[%rem3A_373] : memref<6x!tpu.dma_semaphore, #tpu.memory_space<semaphore_mem>> -> memref<1x!tpu.dma_semaphore, #tpu.memory_space<semaphore_mem>>
        %dma_wait3A_399 = tpu.memref_squeeze %dma_wait3A_398 : memref<1x!tpu.dma_semaphore, #tpu.memory_space<semaphore_mem>> -> memref<!tpu.dma_semaphore, #tpu.memory_space<semaphore_mem>>
        %dma_wait3A_400 = arith.constant 0 : i32
        %dma_wait3A_401 = tpu.memref_slice %arg7[%dma_wait3A_391, %dma_wait3A_400] : memref<6x120xi32, #tpu.memory_space<vmem>> -> memref<1x120xi32, #tpu.memory_space<vmem>>
        %dma_wait3A_402 = tpu.memref_squeeze %dma_wait3A_401 : memref<1x120xi32, #tpu.memory_space<vmem>> -> memref<120xi32, #tpu.memory_space<vmem>>
        %dma_wait3A_403 = arith.constant 0 : i32
        %dma_wait3A_404 = tpu.memref_slice %arg3[%dma_wait3A_390, %dma_wait3A_403] : memref<2688x120xi32, #tpu.memory_space<hbm>> -> memref<1x120xi32, #tpu.memory_space<hbm>>
        %dma_wait3A_405 = tpu.memref_squeeze %dma_wait3A_404 : memref<1x120xi32, #tpu.memory_space<hbm>> -> memref<120xi32, #tpu.memory_space<hbm>>
        tpu.wait_dma2 semaphore(%dma_wait3A_399 : memref<!tpu.dma_semaphore, #tpu.memory_space<semaphore_mem>>) src(%dma_wait3A_405 : memref<120xi32, #tpu.memory_space<hbm>>) dst(%dma_wait3A_402 : memref<120xi32, #tpu.memory_space<vmem>>)
        %add3A_406 = arith.constant 3 : i32
        %add3A_407 = arith.addi %scan3A_327, %add3A_406 : i32
        %add3A_408 = arith.constant 3 : i32
        %add3A_409 = arith.addi %scan3A_327, %add3A_408 : i32
        %rem3A_410 = arith.constant 4 : i32
        %rem3A_411 = arith.remsi %add3A_409, %rem3A_410 : i32
        %rem3A_412 = arith.constant 6 : i32
        %rem3A_413 = arith.remsi %add3A_407, %rem3A_412 : i32
        %dma_start3A_414 = arith.constant 0 : i32
        %dma_start3A_415 = arith.constant 0 : i32
        %dma_start3A_416 = tpu.memref_slice %arg8[%rem3A_411, %dma_start3A_414, %dma_start3A_415] : memref<4x120x64xf32, #tpu.memory_space<vmem>> -> memref<1x120x64xf32, #tpu.memory_space<vmem>>
        %dma_start3A_417 = tpu.memref_squeeze %dma_start3A_416 : memref<1x120x64xf32, #tpu.memory_space<vmem>> -> memref<120x64xf32, #tpu.memory_space<vmem>>
        %dma_start3A_418 = arith.constant 0 : i32
        %dma_start3A_419 = tpu.memref_slice %arg6[%rem3A_413, %dma_start3A_418] : memref<6x120xi32, #tpu.memory_space<vmem>> -> memref<1x120xi32, #tpu.memory_space<vmem>>
        %dma_start3A_420 = tpu.memref_squeeze %dma_start3A_419 : memref<1x120xi32, #tpu.memory_space<vmem>> -> memref<120xi32, #tpu.memory_space<vmem>>
        %dma_start3A_421 = arith.constant 0 : i32
        %dma_start3A_422 = arith.constant 0 : i32
        %dma_start3A_423 = tpu.memref_slice %arg4[%dma_start3A_421, %dma_start3A_422] : memref<10240x64xf32, #tpu.memory_space<hbm>> -> memref<10240x64xf32, #tpu.memory_space<hbm>>
        tpu.enqueue_indirect_dma source(%dma_start3A_423 : memref<10240x64xf32, #tpu.memory_space<hbm>>) target(%dma_start3A_417 : memref<120x64xf32, #tpu.memory_space<vmem>>) offsets(%dma_start3A_420 : memref<120xi32, #tpu.memory_space<vmem>>) semaphore(%arg11 : memref<!tpu.dma_semaphore, #tpu.memory_space<semaphore_mem>>)
      } else {
      }
      %add3A_362 = arith.constant 6 : i32
      %add3A_363 = arith.addi %scan3A_327, %add3A_362 : i32
      %sub3A = arith.constant 2 : i32
      %sub3A_364 = arith.subi %add3A_363, %sub3A : i32
      %lt3A_365 = arith.constant 84 : i32
      %lt3A_366 = arith.cmpi slt, %sub3A_364, %lt3A_365 : i32
      %convert_element_type3A_367 = arith.extui %lt3A_366 : i1 to i32
      %cond3A_368 = arith.constant 0 : i32
      %cond3A_369 = arith.cmpi ne, %convert_element_type3A_367, %cond3A_368 : i32
      scf.if %cond3A_369 {
        %add3A_370 = arith.constant 6 : i32
        %add3A_371 = arith.addi %scan3A_327, %add3A_370 : i32
        %sub3A_372 = arith.constant 2 : i32
        %sub3A_373 = arith.subi %add3A_371, %sub3A_372 : i32
        %rem3A_374 = arith.constant 6 : i32
        %rem3A_375 = arith.remsi %sub3A_373, %rem3A_374 : i32
        %mul3A_376 = arith.constant 84 : i32
        %mul3A_377 = arith.muli %add3A, %mul3A_376 : i32
        %add3A_378 = arith.addi %mul3A_377, %sub3A_373 : i32
        %dma_start3A_379 = arith.constant 0 : i32
        %dma_start3A_380 = tpu.memref_slice %arg6[%rem3A_375, %dma_start3A_379] : memref<6x120xi32, #tpu.memory_space<vmem>> -> memref<1x120xi32, #tpu.memory_space<vmem>>
        %dma_start3A_381 = tpu.memref_squeeze %dma_start3A_380 : memref<1x120xi32, #tpu.memory_space<vmem>> -> memref<120xi32, #tpu.memory_space<vmem>>
        %dma_start3A_382 = arith.constant 0 : i32
        %dma_start3A_383 = tpu.memref_slice %arg2[%add3A_378, %dma_start3A_382] : memref<2688x120xi32, #tpu.memory_space<hbm>> -> memref<1x120xi32, #tpu.memory_space<hbm>>
        %dma_start3A_384 = tpu.memref_squeeze %dma_start3A_383 : memref<1x120xi32, #tpu.memory_space<hbm>> -> memref<120xi32, #tpu.memory_space<hbm>>
        %dma_start3A_385 = tpu.memref_slice %arg10[%rem3A_375] : memref<6x!tpu.dma_semaphore, #tpu.memory_space<semaphore_mem>> -> memref<1x!tpu.dma_semaphore, #tpu.memory_space<semaphore_mem>>
        %dma_start3A_386 = tpu.memref_squeeze %dma_start3A_385 : memref<1x!tpu.dma_semaphore, #tpu.memory_space<semaphore_mem>> -> memref<!tpu.dma_semaphore, #tpu.memory_space<semaphore_mem>>
        %dma_start3A_387 = arith.constant 0 : i32
        %dma_start3A_388 = tpu.memref_slice %arg6[%rem3A_375, %dma_start3A_387] : memref<6x120xi32, #tpu.memory_space<vmem>> -> memref<1x120xi32, #tpu.memory_space<vmem>>
        %dma_start3A_389 = tpu.memref_squeeze %dma_start3A_388 : memref<1x120xi32, #tpu.memory_space<vmem>> -> memref<120xi32, #tpu.memory_space<vmem>>
        %dma_start3A_390 = arith.constant 0 : i32
        %dma_start3A_391 = tpu.memref_slice %arg2[%add3A_378, %dma_start3A_390] : memref<2688x120xi32, #tpu.memory_space<hbm>> -> memref<1x120xi32, #tpu.memory_space<hbm>>
        %dma_start3A_392 = tpu.memref_squeeze %dma_start3A_391 : memref<1x120xi32, #tpu.memory_space<hbm>> -> memref<120xi32, #tpu.memory_space<hbm>>
        tpu.enqueue_dma source(%dma_start3A_392 : memref<120xi32, #tpu.memory_space<hbm>>) target(%dma_start3A_389 : memref<120xi32, #tpu.memory_space<vmem>>) target_semaphore(%dma_start3A_386 : memref<!tpu.dma_semaphore, #tpu.memory_space<semaphore_mem>>)
        %mul3A_393 = arith.constant 84 : i32
        %mul3A_394 = arith.muli %add3A, %mul3A_393 : i32
        %add3A_395 = arith.addi %mul3A_394, %sub3A_373 : i32
        %dma_start3A_396 = arith.constant 0 : i32
        %dma_start3A_397 = tpu.memref_slice %arg7[%rem3A_375, %dma_start3A_396] : memref<6x120xi32, #tpu.memory_space<vmem>> -> memref<1x120xi32, #tpu.memory_space<vmem>>
        %dma_start3A_398 = tpu.memref_squeeze %dma_start3A_397 : memref<1x120xi32, #tpu.memory_space<vmem>> -> memref<120xi32, #tpu.memory_space<vmem>>
        %dma_start3A_399 = arith.constant 0 : i32
        %dma_start3A_400 = tpu.memref_slice %arg3[%add3A_395, %dma_start3A_399] : memref<2688x120xi32, #tpu.memory_space<hbm>> -> memref<1x120xi32, #tpu.memory_space<hbm>>
        %dma_start3A_401 = tpu.memref_squeeze %dma_start3A_400 : memref<1x120xi32, #tpu.memory_space<hbm>> -> memref<120xi32, #tpu.memory_space<hbm>>
        %dma_start3A_402 = tpu.memref_slice %arg10[%rem3A_375] : memref<6x!tpu.dma_semaphore, #tpu.memory_space<semaphore_mem>> -> memref<1x!tpu.dma_semaphore, #tpu.memory_space<semaphore_mem>>
        %dma_start3A_403 = tpu.memref_squeeze %dma_start3A_402 : memref<1x!tpu.dma_semaphore, #tpu.memory_space<semaphore_mem>> -> memref<!tpu.dma_semaphore, #tpu.memory_space<semaphore_mem>>
        %dma_start3A_404 = arith.constant 0 : i32
        %dma_start3A_405 = tpu.memref_slice %arg7[%rem3A_375, %dma_start3A_404] : memref<6x120xi32, #tpu.memory_space<vmem>> -> memref<1x120xi32, #tpu.memory_space<vmem>>
        %dma_start3A_406 = tpu.memref_squeeze %dma_start3A_405 : memref<1x120xi32, #tpu.memory_space<vmem>> -> memref<120xi32, #tpu.memory_space<vmem>>
        %dma_start3A_407 = arith.constant 0 : i32
        %dma_start3A_408 = tpu.memref_slice %arg3[%add3A_395, %dma_start3A_407] : memref<2688x120xi32, #tpu.memory_space<hbm>> -> memref<1x120xi32, #tpu.memory_space<hbm>>
        %dma_start3A_409 = tpu.memref_squeeze %dma_start3A_408 : memref<1x120xi32, #tpu.memory_space<hbm>> -> memref<120xi32, #tpu.memory_space<hbm>>
        tpu.enqueue_dma source(%dma_start3A_409 : memref<120xi32, #tpu.memory_space<hbm>>) target(%dma_start3A_406 : memref<120xi32, #tpu.memory_space<vmem>>) target_semaphore(%dma_start3A_403 : memref<!tpu.dma_semaphore, #tpu.memory_space<semaphore_mem>>)
      } else {
      }
    }
    %scan3A_309 = arith.constant 84 : i32
    %dma_wait3A_310 = arith.constant 0 : i32
    %dma_wait3A_311 = arith.constant 0 : i32
    %dma_wait3A_312 = arith.constant 0 : i32
    %dma_wait3A_313 = arith.constant 0 : i32
    %dma_wait3A_314 = tpu.memref_slice %arg8[%dma_wait3A_310, %dma_wait3A_312, %dma_wait3A_313] : memref<4x120x64xf32, #tpu.memory_space<vmem>> -> memref<1x120x64xf32, #tpu.memory_space<vmem>>
    %dma_wait3A_315 = tpu.memref_squeeze %dma_wait3A_314 : memref<1x120x64xf32, #tpu.memory_space<vmem>> -> memref<120x64xf32, #tpu.memory_space<vmem>>
    %dma_wait3A_316 = arith.constant 0 : i32
    %dma_wait3A_317 = tpu.memref_slice %arg7[%dma_wait3A_311, %dma_wait3A_316] : memref<6x120xi32, #tpu.memory_space<vmem>> -> memref<1x120xi32, #tpu.memory_space<vmem>>
    %dma_wait3A_318 = tpu.memref_squeeze %dma_wait3A_317 : memref<1x120xi32, #tpu.memory_space<vmem>> -> memref<120xi32, #tpu.memory_space<vmem>>
    %dma_wait3A_319 = arith.constant 0 : i32
    %dma_wait3A_320 = arith.constant 0 : i32
    %dma_wait3A_321 = tpu.memref_slice %arg9[%dma_wait3A_319, %dma_wait3A_320] : memref<10240x64xf32, #tpu.memory_space<vmem_shared>> -> memref<10240x64xf32, #tpu.memory_space<vmem_shared>>
    tpu.wait_indirect_dma semaphore(%arg12 : memref<!tpu.dma_semaphore, #tpu.memory_space<semaphore_mem>>) src(%dma_wait3A_315 : memref<120x64xf32, #tpu.memory_space<vmem>>) dst(%dma_wait3A_321 : memref<10240x64xf32, #tpu.memory_space<vmem_shared>>)
    %barrier3A_322 = arith.constant 0 : index
    tpu.barrier barrier_id(%barrier3A_322)
    %mul3A_323 = arith.constant 640 : i32
    %mul3A_324 = arith.muli %arg1, %mul3A_323 : i32
    %mul3A_325 = arith.constant 640 : i32
    %mul3A_326 = arith.muli %arg1, %mul3A_325 : i32
    "tpu.region"() ({
      %run_scoped3A = tpu.sem_alloc : memref<!tpu.dma_semaphore, #tpu.memory_space<semaphore_mem>>
      %dma_start3A_327 = arith.constant 0 : i32
      %dma_start3A_328 = tpu.memref_slice %arg5[%arg0, %mul3A_326, %dma_start3A_327] : memref<2x10240x64xf32, #tpu.memory_space<hbm>> -> memref<1x640x64xf32, #tpu.memory_space<hbm>>
      %dma_start3A_329 = tpu.memref_squeeze %dma_start3A_328 : memref<1x640x64xf32, #tpu.memory_space<hbm>> -> memref<640x64xf32, #tpu.memory_space<hbm>>
      %dma_start3A_330 = arith.constant 0 : i32
      %dma_start3A_331 = tpu.memref_slice %arg9[%mul3A_324, %dma_start3A_330] : memref<10240x64xf32, #tpu.memory_space<vmem_shared>> -> memref<640x64xf32, #tpu.memory_space<vmem_shared>>
      tpu.enqueue_dma source(%dma_start3A_331 : memref<640x64xf32, #tpu.memory_space<vmem_shared>>) target(%dma_start3A_329 : memref<640x64xf32, #tpu.memory_space<hbm>>) target_semaphore(%run_scoped3A : memref<!tpu.dma_semaphore, #tpu.memory_space<semaphore_mem>>)
      %dma_wait3A_332 = arith.constant 0 : i32
      %dma_wait3A_333 = tpu.memref_slice %arg5[%arg0, %mul3A_326, %dma_wait3A_332] : memref<2x10240x64xf32, #tpu.memory_space<hbm>> -> memref<1x640x64xf32, #tpu.memory_space<hbm>>
      %dma_wait3A_334 = tpu.memref_squeeze %dma_wait3A_333 : memref<1x640x64xf32, #tpu.memory_space<hbm>> -> memref<640x64xf32, #tpu.memory_space<hbm>>
      %dma_wait3A_335 = arith.constant 0 : i32
      %dma_wait3A_336 = tpu.memref_slice %arg9[%mul3A_324, %dma_wait3A_335] : memref<10240x64xf32, #tpu.memory_space<vmem_shared>> -> memref<640x64xf32, #tpu.memory_space<vmem_shared>>
      tpu.wait_dma2 semaphore(%run_scoped3A : memref<!tpu.dma_semaphore, #tpu.memory_space<semaphore_mem>>) src(%dma_wait3A_336 : memref<640x64xf32, #tpu.memory_space<vmem_shared>>) dst(%dma_wait3A_334 : memref<640x64xf32, #tpu.memory_space<hbm>>)
      tpu.yield
    }) : () -> ()
    return
  }
}

#map = affine_map<(d0, d1) -> (0, 0)>
#map1 = affine_map<(d0, d1) -> (0, 0, 0)>
module attributes {stable_mosaic.version = 14 : i64} {
  func.func @body(%arg0: i32, %arg1: i32, %arg2: memref<2688x120xi32, #tpu.memory_space<hbm>>, %arg3: memref<2688x120xi32, #tpu.memory_space<hbm>>, %arg4: memref<10240x128xf32, #tpu.memory_space<hbm>>, %arg5: memref<2x10240x128xf32, #tpu.memory_space<hbm>>, %arg6: memref<6x120xi32, #tpu.memory_space<vmem>>, %arg7: memref<6x120xi32, #tpu.memory_space<vmem>>, %arg8: memref<3x120x128xf32, #tpu.memory_space<vmem>>, %arg9: memref<10240x128xf32, #tpu.memory_space<vmem_shared>>, %arg10: memref<6x!tpu.dma_semaphore, #tpu.memory_space<semaphore_mem>>, %arg11: memref<!tpu.dma_semaphore, #tpu.memory_space<semaphore_mem>>, %arg12: memref<!tpu.dma_semaphore, #tpu.memory_space<semaphore_mem>>) attributes {dimension_semantics = [#tpu.dimension_semantics<core_parallel>, #tpu.dimension_semantics<subcore_parallel>], iteration_bounds = array<i64: 2, 16>, scalar_prefetch = 0 : i64, scratch_operands = 7 : i64, tpu.core_type = #tpu.core_type<sc_vector_subcore>, window_params = [{transform_indices = #map}, {transform_indices = #map}, {transform_indices = #map}, {transform_indices = #map1}]} {
    %mul3A = arith.constant 2 : i32
    %mul3A_0 = arith.muli %arg1, %mul3A : i32
    %add3A = arith.addi %mul3A_0, %arg0 : i32
    %mul3A_1 = arith.constant 640 : i32
    %mul3A_2 = arith.muli %arg1, %mul3A_1 : i32
    %mul3A_3 = arith.constant 640 : i32
    %mul3A_4 = arith.muli %arg1, %mul3A_3 : i32
    "tpu.region"() ({
      %run_scoped3A = tpu.sem_alloc : memref<!tpu.dma_semaphore, #tpu.memory_space<semaphore_mem>>
      %dma_start3A_278 = arith.constant 0 : i32
      %dma_start3A_279 = tpu.memref_slice %arg9[%mul3A_4, %dma_start3A_278] : memref<10240x128xf32, #tpu.memory_space<vmem_shared>> -> memref<640x128xf32, #tpu.memory_space<vmem_shared>>
      %dma_start3A_280 = arith.constant 0 : i32
      %dma_start3A_281 = tpu.memref_slice %arg4[%mul3A_2, %dma_start3A_280] : memref<10240x128xf32, #tpu.memory_space<hbm>> -> memref<640x128xf32, #tpu.memory_space<hbm>>
      tpu.enqueue_dma source(%dma_start3A_281 : memref<640x128xf32, #tpu.memory_space<hbm>>) target(%dma_start3A_279 : memref<640x128xf32, #tpu.memory_space<vmem_shared>>) target_semaphore(%run_scoped3A : memref<!tpu.dma_semaphore, #tpu.memory_space<semaphore_mem>>)
      %dma_wait3A_282 = arith.constant 0 : i32
      %dma_wait3A_283 = tpu.memref_slice %arg9[%mul3A_4, %dma_wait3A_282] : memref<10240x128xf32, #tpu.memory_space<vmem_shared>> -> memref<640x128xf32, #tpu.memory_space<vmem_shared>>
      %dma_wait3A_284 = arith.constant 0 : i32
      %dma_wait3A_285 = tpu.memref_slice %arg4[%mul3A_2, %dma_wait3A_284] : memref<10240x128xf32, #tpu.memory_space<hbm>> -> memref<640x128xf32, #tpu.memory_space<hbm>>
      tpu.wait_dma2 semaphore(%run_scoped3A : memref<!tpu.dma_semaphore, #tpu.memory_space<semaphore_mem>>) src(%dma_wait3A_285 : memref<640x128xf32, #tpu.memory_space<hbm>>) dst(%dma_wait3A_283 : memref<640x128xf32, #tpu.memory_space<vmem_shared>>)
      tpu.yield
    }) : () -> ()
    %rem3A = arith.constant 0 : i32
    %rem3A_5 = arith.constant 6 : i32
    %rem3A_6 = arith.remsi %rem3A, %rem3A_5 : i32
    %mul3A_7 = arith.constant 84 : i32
    %mul3A_8 = arith.muli %add3A, %mul3A_7 : i32
    %add3A_9 = arith.constant 0 : i32
    %add3A_10 = arith.addi %mul3A_8, %add3A_9 : i32
    %dma_start3A = arith.constant 0 : i32
    %dma_start3A_11 = tpu.memref_slice %arg6[%rem3A_6, %dma_start3A] : memref<6x120xi32, #tpu.memory_space<vmem>> -> memref<1x120xi32, #tpu.memory_space<vmem>>
    %dma_start3A_12 = tpu.memref_squeeze %dma_start3A_11 : memref<1x120xi32, #tpu.memory_space<vmem>> -> memref<120xi32, #tpu.memory_space<vmem>>
    %dma_start3A_13 = arith.constant 0 : i32
    %dma_start3A_14 = tpu.memref_slice %arg2[%add3A_10, %dma_start3A_13] : memref<2688x120xi32, #tpu.memory_space<hbm>> -> memref<1x120xi32, #tpu.memory_space<hbm>>
    %dma_start3A_15 = tpu.memref_squeeze %dma_start3A_14 : memref<1x120xi32, #tpu.memory_space<hbm>> -> memref<120xi32, #tpu.memory_space<hbm>>
    %dma_start3A_16 = tpu.memref_slice %arg10[%rem3A_6] : memref<6x!tpu.dma_semaphore, #tpu.memory_space<semaphore_mem>> -> memref<1x!tpu.dma_semaphore, #tpu.memory_space<semaphore_mem>>
    %dma_start3A_17 = tpu.memref_squeeze %dma_start3A_16 : memref<1x!tpu.dma_semaphore, #tpu.memory_space<semaphore_mem>> -> memref<!tpu.dma_semaphore, #tpu.memory_space<semaphore_mem>>
    %dma_start3A_18 = arith.constant 0 : i32
    %dma_start3A_19 = tpu.memref_slice %arg6[%rem3A_6, %dma_start3A_18] : memref<6x120xi32, #tpu.memory_space<vmem>> -> memref<1x120xi32, #tpu.memory_space<vmem>>
    %dma_start3A_20 = tpu.memref_squeeze %dma_start3A_19 : memref<1x120xi32, #tpu.memory_space<vmem>> -> memref<120xi32, #tpu.memory_space<vmem>>
    %dma_start3A_21 = arith.constant 0 : i32
    %dma_start3A_22 = tpu.memref_slice %arg2[%add3A_10, %dma_start3A_21] : memref<2688x120xi32, #tpu.memory_space<hbm>> -> memref<1x120xi32, #tpu.memory_space<hbm>>
    %dma_start3A_23 = tpu.memref_squeeze %dma_start3A_22 : memref<1x120xi32, #tpu.memory_space<hbm>> -> memref<120xi32, #tpu.memory_space<hbm>>
    tpu.enqueue_dma source(%dma_start3A_23 : memref<120xi32, #tpu.memory_space<hbm>>) target(%dma_start3A_20 : memref<120xi32, #tpu.memory_space<vmem>>) target_semaphore(%dma_start3A_17 : memref<!tpu.dma_semaphore, #tpu.memory_space<semaphore_mem>>)
    %mul3A_24 = arith.constant 84 : i32
    %mul3A_25 = arith.muli %add3A, %mul3A_24 : i32
    %add3A_26 = arith.constant 0 : i32
    %add3A_27 = arith.addi %mul3A_25, %add3A_26 : i32
    %dma_start3A_28 = arith.constant 0 : i32
    %dma_start3A_29 = tpu.memref_slice %arg7[%rem3A_6, %dma_start3A_28] : memref<6x120xi32, #tpu.memory_space<vmem>> -> memref<1x120xi32, #tpu.memory_space<vmem>>
    %dma_start3A_30 = tpu.memref_squeeze %dma_start3A_29 : memref<1x120xi32, #tpu.memory_space<vmem>> -> memref<120xi32, #tpu.memory_space<vmem>>
    %dma_start3A_31 = arith.constant 0 : i32
    %dma_start3A_32 = tpu.memref_slice %arg3[%add3A_27, %dma_start3A_31] : memref<2688x120xi32, #tpu.memory_space<hbm>> -> memref<1x120xi32, #tpu.memory_space<hbm>>
    %dma_start3A_33 = tpu.memref_squeeze %dma_start3A_32 : memref<1x120xi32, #tpu.memory_space<hbm>> -> memref<120xi32, #tpu.memory_space<hbm>>
    %dma_start3A_34 = tpu.memref_slice %arg10[%rem3A_6] : memref<6x!tpu.dma_semaphore, #tpu.memory_space<semaphore_mem>> -> memref<1x!tpu.dma_semaphore, #tpu.memory_space<semaphore_mem>>
    %dma_start3A_35 = tpu.memref_squeeze %dma_start3A_34 : memref<1x!tpu.dma_semaphore, #tpu.memory_space<semaphore_mem>> -> memref<!tpu.dma_semaphore, #tpu.memory_space<semaphore_mem>>
    %dma_start3A_36 = arith.constant 0 : i32
    %dma_start3A_37 = tpu.memref_slice %arg7[%rem3A_6, %dma_start3A_36] : memref<6x120xi32, #tpu.memory_space<vmem>> -> memref<1x120xi32, #tpu.memory_space<vmem>>
    %dma_start3A_38 = tpu.memref_squeeze %dma_start3A_37 : memref<1x120xi32, #tpu.memory_space<vmem>> -> memref<120xi32, #tpu.memory_space<vmem>>
    %dma_start3A_39 = arith.constant 0 : i32
    %dma_start3A_40 = tpu.memref_slice %arg3[%add3A_27, %dma_start3A_39] : memref<2688x120xi32, #tpu.memory_space<hbm>> -> memref<1x120xi32, #tpu.memory_space<hbm>>
    %dma_start3A_41 = tpu.memref_squeeze %dma_start3A_40 : memref<1x120xi32, #tpu.memory_space<hbm>> -> memref<120xi32, #tpu.memory_space<hbm>>
    tpu.enqueue_dma source(%dma_start3A_41 : memref<120xi32, #tpu.memory_space<hbm>>) target(%dma_start3A_38 : memref<120xi32, #tpu.memory_space<vmem>>) target_semaphore(%dma_start3A_35 : memref<!tpu.dma_semaphore, #tpu.memory_space<semaphore_mem>>)
    %rem3A_42 = arith.constant 1 : i32
    %rem3A_43 = arith.constant 6 : i32
    %rem3A_44 = arith.remsi %rem3A_42, %rem3A_43 : i32
    %mul3A_45 = arith.constant 84 : i32
    %mul3A_46 = arith.muli %add3A, %mul3A_45 : i32
    %add3A_47 = arith.constant 1 : i32
    %add3A_48 = arith.addi %mul3A_46, %add3A_47 : i32
    %dma_start3A_49 = arith.constant 0 : i32
    %dma_start3A_50 = tpu.memref_slice %arg6[%rem3A_44, %dma_start3A_49] : memref<6x120xi32, #tpu.memory_space<vmem>> -> memref<1x120xi32, #tpu.memory_space<vmem>>
    %dma_start3A_51 = tpu.memref_squeeze %dma_start3A_50 : memref<1x120xi32, #tpu.memory_space<vmem>> -> memref<120xi32, #tpu.memory_space<vmem>>
    %dma_start3A_52 = arith.constant 0 : i32
    %dma_start3A_53 = tpu.memref_slice %arg2[%add3A_48, %dma_start3A_52] : memref<2688x120xi32, #tpu.memory_space<hbm>> -> memref<1x120xi32, #tpu.memory_space<hbm>>
    %dma_start3A_54 = tpu.memref_squeeze %dma_start3A_53 : memref<1x120xi32, #tpu.memory_space<hbm>> -> memref<120xi32, #tpu.memory_space<hbm>>
    %dma_start3A_55 = tpu.memref_slice %arg10[%rem3A_44] : memref<6x!tpu.dma_semaphore, #tpu.memory_space<semaphore_mem>> -> memref<1x!tpu.dma_semaphore, #tpu.memory_space<semaphore_mem>>
    %dma_start3A_56 = tpu.memref_squeeze %dma_start3A_55 : memref<1x!tpu.dma_semaphore, #tpu.memory_space<semaphore_mem>> -> memref<!tpu.dma_semaphore, #tpu.memory_space<semaphore_mem>>
    %dma_start3A_57 = arith.constant 0 : i32
    %dma_start3A_58 = tpu.memref_slice %arg6[%rem3A_44, %dma_start3A_57] : memref<6x120xi32, #tpu.memory_space<vmem>> -> memref<1x120xi32, #tpu.memory_space<vmem>>
    %dma_start3A_59 = tpu.memref_squeeze %dma_start3A_58 : memref<1x120xi32, #tpu.memory_space<vmem>> -> memref<120xi32, #tpu.memory_space<vmem>>
    %dma_start3A_60 = arith.constant 0 : i32
    %dma_start3A_61 = tpu.memref_slice %arg2[%add3A_48, %dma_start3A_60] : memref<2688x120xi32, #tpu.memory_space<hbm>> -> memref<1x120xi32, #tpu.memory_space<hbm>>
    %dma_start3A_62 = tpu.memref_squeeze %dma_start3A_61 : memref<1x120xi32, #tpu.memory_space<hbm>> -> memref<120xi32, #tpu.memory_space<hbm>>
    tpu.enqueue_dma source(%dma_start3A_62 : memref<120xi32, #tpu.memory_space<hbm>>) target(%dma_start3A_59 : memref<120xi32, #tpu.memory_space<vmem>>) target_semaphore(%dma_start3A_56 : memref<!tpu.dma_semaphore, #tpu.memory_space<semaphore_mem>>)
    %mul3A_63 = arith.constant 84 : i32
    %mul3A_64 = arith.muli %add3A, %mul3A_63 : i32
    %add3A_65 = arith.constant 1 : i32
    %add3A_66 = arith.addi %mul3A_64, %add3A_65 : i32
    %dma_start3A_67 = arith.constant 0 : i32
    %dma_start3A_68 = tpu.memref_slice %arg7[%rem3A_44, %dma_start3A_67] : memref<6x120xi32, #tpu.memory_space<vmem>> -> memref<1x120xi32, #tpu.memory_space<vmem>>
    %dma_start3A_69 = tpu.memref_squeeze %dma_start3A_68 : memref<1x120xi32, #tpu.memory_space<vmem>> -> memref<120xi32, #tpu.memory_space<vmem>>
    %dma_start3A_70 = arith.constant 0 : i32
    %dma_start3A_71 = tpu.memref_slice %arg3[%add3A_66, %dma_start3A_70] : memref<2688x120xi32, #tpu.memory_space<hbm>> -> memref<1x120xi32, #tpu.memory_space<hbm>>
    %dma_start3A_72 = tpu.memref_squeeze %dma_start3A_71 : memref<1x120xi32, #tpu.memory_space<hbm>> -> memref<120xi32, #tpu.memory_space<hbm>>
    %dma_start3A_73 = tpu.memref_slice %arg10[%rem3A_44] : memref<6x!tpu.dma_semaphore, #tpu.memory_space<semaphore_mem>> -> memref<1x!tpu.dma_semaphore, #tpu.memory_space<semaphore_mem>>
    %dma_start3A_74 = tpu.memref_squeeze %dma_start3A_73 : memref<1x!tpu.dma_semaphore, #tpu.memory_space<semaphore_mem>> -> memref<!tpu.dma_semaphore, #tpu.memory_space<semaphore_mem>>
    %dma_start3A_75 = arith.constant 0 : i32
    %dma_start3A_76 = tpu.memref_slice %arg7[%rem3A_44, %dma_start3A_75] : memref<6x120xi32, #tpu.memory_space<vmem>> -> memref<1x120xi32, #tpu.memory_space<vmem>>
    %dma_start3A_77 = tpu.memref_squeeze %dma_start3A_76 : memref<1x120xi32, #tpu.memory_space<vmem>> -> memref<120xi32, #tpu.memory_space<vmem>>
    %dma_start3A_78 = arith.constant 0 : i32
    %dma_start3A_79 = tpu.memref_slice %arg3[%add3A_66, %dma_start3A_78] : memref<2688x120xi32, #tpu.memory_space<hbm>> -> memref<1x120xi32, #tpu.memory_space<hbm>>
    %dma_start3A_80 = tpu.memref_squeeze %dma_start3A_79 : memref<1x120xi32, #tpu.memory_space<hbm>> -> memref<120xi32, #tpu.memory_space<hbm>>
    tpu.enqueue_dma source(%dma_start3A_80 : memref<120xi32, #tpu.memory_space<hbm>>) target(%dma_start3A_77 : memref<120xi32, #tpu.memory_space<vmem>>) target_semaphore(%dma_start3A_74 : memref<!tpu.dma_semaphore, #tpu.memory_space<semaphore_mem>>)
    %rem3A_81 = arith.constant 2 : i32
    %rem3A_82 = arith.constant 6 : i32
    %rem3A_83 = arith.remsi %rem3A_81, %rem3A_82 : i32
    %mul3A_84 = arith.constant 84 : i32
    %mul3A_85 = arith.muli %add3A, %mul3A_84 : i32
    %add3A_86 = arith.constant 2 : i32
    %add3A_87 = arith.addi %mul3A_85, %add3A_86 : i32
    %dma_start3A_88 = arith.constant 0 : i32
    %dma_start3A_89 = tpu.memref_slice %arg6[%rem3A_83, %dma_start3A_88] : memref<6x120xi32, #tpu.memory_space<vmem>> -> memref<1x120xi32, #tpu.memory_space<vmem>>
    %dma_start3A_90 = tpu.memref_squeeze %dma_start3A_89 : memref<1x120xi32, #tpu.memory_space<vmem>> -> memref<120xi32, #tpu.memory_space<vmem>>
    %dma_start3A_91 = arith.constant 0 : i32
    %dma_start3A_92 = tpu.memref_slice %arg2[%add3A_87, %dma_start3A_91] : memref<2688x120xi32, #tpu.memory_space<hbm>> -> memref<1x120xi32, #tpu.memory_space<hbm>>
    %dma_start3A_93 = tpu.memref_squeeze %dma_start3A_92 : memref<1x120xi32, #tpu.memory_space<hbm>> -> memref<120xi32, #tpu.memory_space<hbm>>
    %dma_start3A_94 = tpu.memref_slice %arg10[%rem3A_83] : memref<6x!tpu.dma_semaphore, #tpu.memory_space<semaphore_mem>> -> memref<1x!tpu.dma_semaphore, #tpu.memory_space<semaphore_mem>>
    %dma_start3A_95 = tpu.memref_squeeze %dma_start3A_94 : memref<1x!tpu.dma_semaphore, #tpu.memory_space<semaphore_mem>> -> memref<!tpu.dma_semaphore, #tpu.memory_space<semaphore_mem>>
    %dma_start3A_96 = arith.constant 0 : i32
    %dma_start3A_97 = tpu.memref_slice %arg6[%rem3A_83, %dma_start3A_96] : memref<6x120xi32, #tpu.memory_space<vmem>> -> memref<1x120xi32, #tpu.memory_space<vmem>>
    %dma_start3A_98 = tpu.memref_squeeze %dma_start3A_97 : memref<1x120xi32, #tpu.memory_space<vmem>> -> memref<120xi32, #tpu.memory_space<vmem>>
    %dma_start3A_99 = arith.constant 0 : i32
    %dma_start3A_100 = tpu.memref_slice %arg2[%add3A_87, %dma_start3A_99] : memref<2688x120xi32, #tpu.memory_space<hbm>> -> memref<1x120xi32, #tpu.memory_space<hbm>>
    %dma_start3A_101 = tpu.memref_squeeze %dma_start3A_100 : memref<1x120xi32, #tpu.memory_space<hbm>> -> memref<120xi32, #tpu.memory_space<hbm>>
    tpu.enqueue_dma source(%dma_start3A_101 : memref<120xi32, #tpu.memory_space<hbm>>) target(%dma_start3A_98 : memref<120xi32, #tpu.memory_space<vmem>>) target_semaphore(%dma_start3A_95 : memref<!tpu.dma_semaphore, #tpu.memory_space<semaphore_mem>>)
    %mul3A_102 = arith.constant 84 : i32
    %mul3A_103 = arith.muli %add3A, %mul3A_102 : i32
    %add3A_104 = arith.constant 2 : i32
    %add3A_105 = arith.addi %mul3A_103, %add3A_104 : i32
    %dma_start3A_106 = arith.constant 0 : i32
    %dma_start3A_107 = tpu.memref_slice %arg7[%rem3A_83, %dma_start3A_106] : memref<6x120xi32, #tpu.memory_space<vmem>> -> memref<1x120xi32, #tpu.memory_space<vmem>>
    %dma_start3A_108 = tpu.memref_squeeze %dma_start3A_107 : memref<1x120xi32, #tpu.memory_space<vmem>> -> memref<120xi32, #tpu.memory_space<vmem>>
    %dma_start3A_109 = arith.constant 0 : i32
    %dma_start3A_110 = tpu.memref_slice %arg3[%add3A_105, %dma_start3A_109] : memref<2688x120xi32, #tpu.memory_space<hbm>> -> memref<1x120xi32, #tpu.memory_space<hbm>>
    %dma_start3A_111 = tpu.memref_squeeze %dma_start3A_110 : memref<1x120xi32, #tpu.memory_space<hbm>> -> memref<120xi32, #tpu.memory_space<hbm>>
    %dma_start3A_112 = tpu.memref_slice %arg10[%rem3A_83] : memref<6x!tpu.dma_semaphore, #tpu.memory_space<semaphore_mem>> -> memref<1x!tpu.dma_semaphore, #tpu.memory_space<semaphore_mem>>
    %dma_start3A_113 = tpu.memref_squeeze %dma_start3A_112 : memref<1x!tpu.dma_semaphore, #tpu.memory_space<semaphore_mem>> -> memref<!tpu.dma_semaphore, #tpu.memory_space<semaphore_mem>>
    %dma_start3A_114 = arith.constant 0 : i32
    %dma_start3A_115 = tpu.memref_slice %arg7[%rem3A_83, %dma_start3A_114] : memref<6x120xi32, #tpu.memory_space<vmem>> -> memref<1x120xi32, #tpu.memory_space<vmem>>
    %dma_start3A_116 = tpu.memref_squeeze %dma_start3A_115 : memref<1x120xi32, #tpu.memory_space<vmem>> -> memref<120xi32, #tpu.memory_space<vmem>>
    %dma_start3A_117 = arith.constant 0 : i32
    %dma_start3A_118 = tpu.memref_slice %arg3[%add3A_105, %dma_start3A_117] : memref<2688x120xi32, #tpu.memory_space<hbm>> -> memref<1x120xi32, #tpu.memory_space<hbm>>
    %dma_start3A_119 = tpu.memref_squeeze %dma_start3A_118 : memref<1x120xi32, #tpu.memory_space<hbm>> -> memref<120xi32, #tpu.memory_space<hbm>>
    tpu.enqueue_dma source(%dma_start3A_119 : memref<120xi32, #tpu.memory_space<hbm>>) target(%dma_start3A_116 : memref<120xi32, #tpu.memory_space<vmem>>) target_semaphore(%dma_start3A_113 : memref<!tpu.dma_semaphore, #tpu.memory_space<semaphore_mem>>)
    %rem3A_120 = arith.constant 3 : i32
    %rem3A_121 = arith.constant 6 : i32
    %rem3A_122 = arith.remsi %rem3A_120, %rem3A_121 : i32
    %mul3A_123 = arith.constant 84 : i32
    %mul3A_124 = arith.muli %add3A, %mul3A_123 : i32
    %add3A_125 = arith.constant 3 : i32
    %add3A_126 = arith.addi %mul3A_124, %add3A_125 : i32
    %dma_start3A_127 = arith.constant 0 : i32
    %dma_start3A_128 = tpu.memref_slice %arg6[%rem3A_122, %dma_start3A_127] : memref<6x120xi32, #tpu.memory_space<vmem>> -> memref<1x120xi32, #tpu.memory_space<vmem>>
    %dma_start3A_129 = tpu.memref_squeeze %dma_start3A_128 : memref<1x120xi32, #tpu.memory_space<vmem>> -> memref<120xi32, #tpu.memory_space<vmem>>
    %dma_start3A_130 = arith.constant 0 : i32
    %dma_start3A_131 = tpu.memref_slice %arg2[%add3A_126, %dma_start3A_130] : memref<2688x120xi32, #tpu.memory_space<hbm>> -> memref<1x120xi32, #tpu.memory_space<hbm>>
    %dma_start3A_132 = tpu.memref_squeeze %dma_start3A_131 : memref<1x120xi32, #tpu.memory_space<hbm>> -> memref<120xi32, #tpu.memory_space<hbm>>
    %dma_start3A_133 = tpu.memref_slice %arg10[%rem3A_122] : memref<6x!tpu.dma_semaphore, #tpu.memory_space<semaphore_mem>> -> memref<1x!tpu.dma_semaphore, #tpu.memory_space<semaphore_mem>>
    %dma_start3A_134 = tpu.memref_squeeze %dma_start3A_133 : memref<1x!tpu.dma_semaphore, #tpu.memory_space<semaphore_mem>> -> memref<!tpu.dma_semaphore, #tpu.memory_space<semaphore_mem>>
    %dma_start3A_135 = arith.constant 0 : i32
    %dma_start3A_136 = tpu.memref_slice %arg6[%rem3A_122, %dma_start3A_135] : memref<6x120xi32, #tpu.memory_space<vmem>> -> memref<1x120xi32, #tpu.memory_space<vmem>>
    %dma_start3A_137 = tpu.memref_squeeze %dma_start3A_136 : memref<1x120xi32, #tpu.memory_space<vmem>> -> memref<120xi32, #tpu.memory_space<vmem>>
    %dma_start3A_138 = arith.constant 0 : i32
    %dma_start3A_139 = tpu.memref_slice %arg2[%add3A_126, %dma_start3A_138] : memref<2688x120xi32, #tpu.memory_space<hbm>> -> memref<1x120xi32, #tpu.memory_space<hbm>>
    %dma_start3A_140 = tpu.memref_squeeze %dma_start3A_139 : memref<1x120xi32, #tpu.memory_space<hbm>> -> memref<120xi32, #tpu.memory_space<hbm>>
    tpu.enqueue_dma source(%dma_start3A_140 : memref<120xi32, #tpu.memory_space<hbm>>) target(%dma_start3A_137 : memref<120xi32, #tpu.memory_space<vmem>>) target_semaphore(%dma_start3A_134 : memref<!tpu.dma_semaphore, #tpu.memory_space<semaphore_mem>>)
    %mul3A_141 = arith.constant 84 : i32
    %mul3A_142 = arith.muli %add3A, %mul3A_141 : i32
    %add3A_143 = arith.constant 3 : i32
    %add3A_144 = arith.addi %mul3A_142, %add3A_143 : i32
    %dma_start3A_145 = arith.constant 0 : i32
    %dma_start3A_146 = tpu.memref_slice %arg7[%rem3A_122, %dma_start3A_145] : memref<6x120xi32, #tpu.memory_space<vmem>> -> memref<1x120xi32, #tpu.memory_space<vmem>>
    %dma_start3A_147 = tpu.memref_squeeze %dma_start3A_146 : memref<1x120xi32, #tpu.memory_space<vmem>> -> memref<120xi32, #tpu.memory_space<vmem>>
    %dma_start3A_148 = arith.constant 0 : i32
    %dma_start3A_149 = tpu.memref_slice %arg3[%add3A_144, %dma_start3A_148] : memref<2688x120xi32, #tpu.memory_space<hbm>> -> memref<1x120xi32, #tpu.memory_space<hbm>>
    %dma_start3A_150 = tpu.memref_squeeze %dma_start3A_149 : memref<1x120xi32, #tpu.memory_space<hbm>> -> memref<120xi32, #tpu.memory_space<hbm>>
    %dma_start3A_151 = tpu.memref_slice %arg10[%rem3A_122] : memref<6x!tpu.dma_semaphore, #tpu.memory_space<semaphore_mem>> -> memref<1x!tpu.dma_semaphore, #tpu.memory_space<semaphore_mem>>
    %dma_start3A_152 = tpu.memref_squeeze %dma_start3A_151 : memref<1x!tpu.dma_semaphore, #tpu.memory_space<semaphore_mem>> -> memref<!tpu.dma_semaphore, #tpu.memory_space<semaphore_mem>>
    %dma_start3A_153 = arith.constant 0 : i32
    %dma_start3A_154 = tpu.memref_slice %arg7[%rem3A_122, %dma_start3A_153] : memref<6x120xi32, #tpu.memory_space<vmem>> -> memref<1x120xi32, #tpu.memory_space<vmem>>
    %dma_start3A_155 = tpu.memref_squeeze %dma_start3A_154 : memref<1x120xi32, #tpu.memory_space<vmem>> -> memref<120xi32, #tpu.memory_space<vmem>>
    %dma_start3A_156 = arith.constant 0 : i32
    %dma_start3A_157 = tpu.memref_slice %arg3[%add3A_144, %dma_start3A_156] : memref<2688x120xi32, #tpu.memory_space<hbm>> -> memref<1x120xi32, #tpu.memory_space<hbm>>
    %dma_start3A_158 = tpu.memref_squeeze %dma_start3A_157 : memref<1x120xi32, #tpu.memory_space<hbm>> -> memref<120xi32, #tpu.memory_space<hbm>>
    tpu.enqueue_dma source(%dma_start3A_158 : memref<120xi32, #tpu.memory_space<hbm>>) target(%dma_start3A_155 : memref<120xi32, #tpu.memory_space<vmem>>) target_semaphore(%dma_start3A_152 : memref<!tpu.dma_semaphore, #tpu.memory_space<semaphore_mem>>)
    %barrier3A = arith.constant 0 : index
    tpu.barrier barrier_id(%barrier3A)
    %rem3A_159 = arith.constant 0 : i32
    %rem3A_160 = arith.constant 6 : i32
    %rem3A_161 = arith.remsi %rem3A_159, %rem3A_160 : i32
    %dma_wait3A = arith.constant 0 : i32
    %dma_wait3A_162 = arith.constant 0 : i32
    %dma_wait3A_163 = arith.constant 0 : i32
    %dma_wait3A_164 = tpu.memref_slice %arg6[%dma_wait3A_162, %dma_wait3A_163] : memref<6x120xi32, #tpu.memory_space<vmem>> -> memref<1x120xi32, #tpu.memory_space<vmem>>
    %dma_wait3A_165 = tpu.memref_squeeze %dma_wait3A_164 : memref<1x120xi32, #tpu.memory_space<vmem>> -> memref<120xi32, #tpu.memory_space<vmem>>
    %dma_wait3A_166 = arith.constant 0 : i32
    %dma_wait3A_167 = tpu.memref_slice %arg2[%dma_wait3A, %dma_wait3A_166] : memref<2688x120xi32, #tpu.memory_space<hbm>> -> memref<1x120xi32, #tpu.memory_space<hbm>>
    %dma_wait3A_168 = tpu.memref_squeeze %dma_wait3A_167 : memref<1x120xi32, #tpu.memory_space<hbm>> -> memref<120xi32, #tpu.memory_space<hbm>>
    %dma_wait3A_169 = tpu.memref_slice %arg10[%rem3A_161] : memref<6x!tpu.dma_semaphore, #tpu.memory_space<semaphore_mem>> -> memref<1x!tpu.dma_semaphore, #tpu.memory_space<semaphore_mem>>
    %dma_wait3A_170 = tpu.memref_squeeze %dma_wait3A_169 : memref<1x!tpu.dma_semaphore, #tpu.memory_space<semaphore_mem>> -> memref<!tpu.dma_semaphore, #tpu.memory_space<semaphore_mem>>
    %dma_wait3A_171 = arith.constant 0 : i32
    %dma_wait3A_172 = tpu.memref_slice %arg6[%dma_wait3A_162, %dma_wait3A_171] : memref<6x120xi32, #tpu.memory_space<vmem>> -> memref<1x120xi32, #tpu.memory_space<vmem>>
    %dma_wait3A_173 = tpu.memref_squeeze %dma_wait3A_172 : memref<1x120xi32, #tpu.memory_space<vmem>> -> memref<120xi32, #tpu.memory_space<vmem>>
    %dma_wait3A_174 = arith.constant 0 : i32
    %dma_wait3A_175 = tpu.memref_slice %arg2[%dma_wait3A, %dma_wait3A_174] : memref<2688x120xi32, #tpu.memory_space<hbm>> -> memref<1x120xi32, #tpu.memory_space<hbm>>
    %dma_wait3A_176 = tpu.memref_squeeze %dma_wait3A_175 : memref<1x120xi32, #tpu.memory_space<hbm>> -> memref<120xi32, #tpu.memory_space<hbm>>
    tpu.wait_dma2 semaphore(%dma_wait3A_170 : memref<!tpu.dma_semaphore, #tpu.memory_space<semaphore_mem>>) src(%dma_wait3A_176 : memref<120xi32, #tpu.memory_space<hbm>>) dst(%dma_wait3A_173 : memref<120xi32, #tpu.memory_space<vmem>>)
    %dma_wait3A_177 = arith.constant 0 : i32
    %dma_wait3A_178 = arith.constant 0 : i32
    %dma_wait3A_179 = arith.constant 0 : i32
    %dma_wait3A_180 = tpu.memref_slice %arg7[%dma_wait3A_178, %dma_wait3A_179] : memref<6x120xi32, #tpu.memory_space<vmem>> -> memref<1x120xi32, #tpu.memory_space<vmem>>
    %dma_wait3A_181 = tpu.memref_squeeze %dma_wait3A_180 : memref<1x120xi32, #tpu.memory_space<vmem>> -> memref<120xi32, #tpu.memory_space<vmem>>
    %dma_wait3A_182 = arith.constant 0 : i32
    %dma_wait3A_183 = tpu.memref_slice %arg3[%dma_wait3A_177, %dma_wait3A_182] : memref<2688x120xi32, #tpu.memory_space<hbm>> -> memref<1x120xi32, #tpu.memory_space<hbm>>
    %dma_wait3A_184 = tpu.memref_squeeze %dma_wait3A_183 : memref<1x120xi32, #tpu.memory_space<hbm>> -> memref<120xi32, #tpu.memory_space<hbm>>
    %dma_wait3A_185 = tpu.memref_slice %arg10[%rem3A_161] : memref<6x!tpu.dma_semaphore, #tpu.memory_space<semaphore_mem>> -> memref<1x!tpu.dma_semaphore, #tpu.memory_space<semaphore_mem>>
    %dma_wait3A_186 = tpu.memref_squeeze %dma_wait3A_185 : memref<1x!tpu.dma_semaphore, #tpu.memory_space<semaphore_mem>> -> memref<!tpu.dma_semaphore, #tpu.memory_space<semaphore_mem>>
    %dma_wait3A_187 = arith.constant 0 : i32
    %dma_wait3A_188 = tpu.memref_slice %arg7[%dma_wait3A_178, %dma_wait3A_187] : memref<6x120xi32, #tpu.memory_space<vmem>> -> memref<1x120xi32, #tpu.memory_space<vmem>>
    %dma_wait3A_189 = tpu.memref_squeeze %dma_wait3A_188 : memref<1x120xi32, #tpu.memory_space<vmem>> -> memref<120xi32, #tpu.memory_space<vmem>>
    %dma_wait3A_190 = arith.constant 0 : i32
    %dma_wait3A_191 = tpu.memref_slice %arg3[%dma_wait3A_177, %dma_wait3A_190] : memref<2688x120xi32, #tpu.memory_space<hbm>> -> memref<1x120xi32, #tpu.memory_space<hbm>>
    %dma_wait3A_192 = tpu.memref_squeeze %dma_wait3A_191 : memref<1x120xi32, #tpu.memory_space<hbm>> -> memref<120xi32, #tpu.memory_space<hbm>>
    tpu.wait_dma2 semaphore(%dma_wait3A_186 : memref<!tpu.dma_semaphore, #tpu.memory_space<semaphore_mem>>) src(%dma_wait3A_192 : memref<120xi32, #tpu.memory_space<hbm>>) dst(%dma_wait3A_189 : memref<120xi32, #tpu.memory_space<vmem>>)
    %rem3A_193 = arith.constant 0 : i32
    %rem3A_194 = arith.constant 6 : i32
    %rem3A_195 = arith.remsi %rem3A_193, %rem3A_194 : i32
    %dma_start3A_196 = arith.constant 0 : i32
    %dma_start3A_197 = arith.constant 0 : i32
    %dma_start3A_198 = arith.constant 0 : i32
    %dma_start3A_199 = tpu.memref_slice %arg8[%dma_start3A_196, %dma_start3A_197, %dma_start3A_198] : memref<3x120x128xf32, #tpu.memory_space<vmem>> -> memref<1x120x128xf32, #tpu.memory_space<vmem>>
    %dma_start3A_200 = tpu.memref_squeeze %dma_start3A_199 : memref<1x120x128xf32, #tpu.memory_space<vmem>> -> memref<120x128xf32, #tpu.memory_space<vmem>>
    %dma_start3A_201 = arith.constant 0 : i32
    %dma_start3A_202 = tpu.memref_slice %arg6[%rem3A_195, %dma_start3A_201] : memref<6x120xi32, #tpu.memory_space<vmem>> -> memref<1x120xi32, #tpu.memory_space<vmem>>
    %dma_start3A_203 = tpu.memref_squeeze %dma_start3A_202 : memref<1x120xi32, #tpu.memory_space<vmem>> -> memref<120xi32, #tpu.memory_space<vmem>>
    %dma_start3A_204 = arith.constant 0 : i32
    %dma_start3A_205 = arith.constant 0 : i32
    %dma_start3A_206 = tpu.memref_slice %arg4[%dma_start3A_204, %dma_start3A_205] : memref<10240x128xf32, #tpu.memory_space<hbm>> -> memref<10240x128xf32, #tpu.memory_space<hbm>>
    tpu.enqueue_indirect_dma source(%dma_start3A_206 : memref<10240x128xf32, #tpu.memory_space<hbm>>) target(%dma_start3A_200 : memref<120x128xf32, #tpu.memory_space<vmem>>) offsets(%dma_start3A_203 : memref<120xi32, #tpu.memory_space<vmem>>) semaphore(%arg11 : memref<!tpu.dma_semaphore, #tpu.memory_space<semaphore_mem>>)
    %rem3A_207 = arith.constant 1 : i32
    %rem3A_208 = arith.constant 6 : i32
    %rem3A_209 = arith.remsi %rem3A_207, %rem3A_208 : i32
    %dma_wait3A_210 = arith.constant 0 : i32
    %dma_wait3A_211 = arith.constant 0 : i32
    %dma_wait3A_212 = arith.constant 0 : i32
    %dma_wait3A_213 = tpu.memref_slice %arg6[%dma_wait3A_211, %dma_wait3A_212] : memref<6x120xi32, #tpu.memory_space<vmem>> -> memref<1x120xi32, #tpu.memory_space<vmem>>
    %dma_wait3A_214 = tpu.memref_squeeze %dma_wait3A_213 : memref<1x120xi32, #tpu.memory_space<vmem>> -> memref<120xi32, #tpu.memory_space<vmem>>
    %dma_wait3A_215 = arith.constant 0 : i32
    %dma_wait3A_216 = tpu.memref_slice %arg2[%dma_wait3A_210, %dma_wait3A_215] : memref<2688x120xi32, #tpu.memory_space<hbm>> -> memref<1x120xi32, #tpu.memory_space<hbm>>
    %dma_wait3A_217 = tpu.memref_squeeze %dma_wait3A_216 : memref<1x120xi32, #tpu.memory_space<hbm>> -> memref<120xi32, #tpu.memory_space<hbm>>
    %dma_wait3A_218 = tpu.memref_slice %arg10[%rem3A_209] : memref<6x!tpu.dma_semaphore, #tpu.memory_space<semaphore_mem>> -> memref<1x!tpu.dma_semaphore, #tpu.memory_space<semaphore_mem>>
    %dma_wait3A_219 = tpu.memref_squeeze %dma_wait3A_218 : memref<1x!tpu.dma_semaphore, #tpu.memory_space<semaphore_mem>> -> memref<!tpu.dma_semaphore, #tpu.memory_space<semaphore_mem>>
    %dma_wait3A_220 = arith.constant 0 : i32
    %dma_wait3A_221 = tpu.memref_slice %arg6[%dma_wait3A_211, %dma_wait3A_220] : memref<6x120xi32, #tpu.memory_space<vmem>> -> memref<1x120xi32, #tpu.memory_space<vmem>>
    %dma_wait3A_222 = tpu.memref_squeeze %dma_wait3A_221 : memref<1x120xi32, #tpu.memory_space<vmem>> -> memref<120xi32, #tpu.memory_space<vmem>>
    %dma_wait3A_223 = arith.constant 0 : i32
    %dma_wait3A_224 = tpu.memref_slice %arg2[%dma_wait3A_210, %dma_wait3A_223] : memref<2688x120xi32, #tpu.memory_space<hbm>> -> memref<1x120xi32, #tpu.memory_space<hbm>>
    %dma_wait3A_225 = tpu.memref_squeeze %dma_wait3A_224 : memref<1x120xi32, #tpu.memory_space<hbm>> -> memref<120xi32, #tpu.memory_space<hbm>>
    tpu.wait_dma2 semaphore(%dma_wait3A_219 : memref<!tpu.dma_semaphore, #tpu.memory_space<semaphore_mem>>) src(%dma_wait3A_225 : memref<120xi32, #tpu.memory_space<hbm>>) dst(%dma_wait3A_222 : memref<120xi32, #tpu.memory_space<vmem>>)
    %dma_wait3A_226 = arith.constant 0 : i32
    %dma_wait3A_227 = arith.constant 0 : i32
    %dma_wait3A_228 = arith.constant 0 : i32
    %dma_wait3A_229 = tpu.memref_slice %arg7[%dma_wait3A_227, %dma_wait3A_228] : memref<6x120xi32, #tpu.memory_space<vmem>> -> memref<1x120xi32, #tpu.memory_space<vmem>>
    %dma_wait3A_230 = tpu.memref_squeeze %dma_wait3A_229 : memref<1x120xi32, #tpu.memory_space<vmem>> -> memref<120xi32, #tpu.memory_space<vmem>>
    %dma_wait3A_231 = arith.constant 0 : i32
    %dma_wait3A_232 = tpu.memref_slice %arg3[%dma_wait3A_226, %dma_wait3A_231] : memref<2688x120xi32, #tpu.memory_space<hbm>> -> memref<1x120xi32, #tpu.memory_space<hbm>>
    %dma_wait3A_233 = tpu.memref_squeeze %dma_wait3A_232 : memref<1x120xi32, #tpu.memory_space<hbm>> -> memref<120xi32, #tpu.memory_space<hbm>>
    %dma_wait3A_234 = tpu.memref_slice %arg10[%rem3A_209] : memref<6x!tpu.dma_semaphore, #tpu.memory_space<semaphore_mem>> -> memref<1x!tpu.dma_semaphore, #tpu.memory_space<semaphore_mem>>
    %dma_wait3A_235 = tpu.memref_squeeze %dma_wait3A_234 : memref<1x!tpu.dma_semaphore, #tpu.memory_space<semaphore_mem>> -> memref<!tpu.dma_semaphore, #tpu.memory_space<semaphore_mem>>
    %dma_wait3A_236 = arith.constant 0 : i32
    %dma_wait3A_237 = tpu.memref_slice %arg7[%dma_wait3A_227, %dma_wait3A_236] : memref<6x120xi32, #tpu.memory_space<vmem>> -> memref<1x120xi32, #tpu.memory_space<vmem>>
    %dma_wait3A_238 = tpu.memref_squeeze %dma_wait3A_237 : memref<1x120xi32, #tpu.memory_space<vmem>> -> memref<120xi32, #tpu.memory_space<vmem>>
    %dma_wait3A_239 = arith.constant 0 : i32
    %dma_wait3A_240 = tpu.memref_slice %arg3[%dma_wait3A_226, %dma_wait3A_239] : memref<2688x120xi32, #tpu.memory_space<hbm>> -> memref<1x120xi32, #tpu.memory_space<hbm>>
    %dma_wait3A_241 = tpu.memref_squeeze %dma_wait3A_240 : memref<1x120xi32, #tpu.memory_space<hbm>> -> memref<120xi32, #tpu.memory_space<hbm>>
    tpu.wait_dma2 semaphore(%dma_wait3A_235 : memref<!tpu.dma_semaphore, #tpu.memory_space<semaphore_mem>>) src(%dma_wait3A_241 : memref<120xi32, #tpu.memory_space<hbm>>) dst(%dma_wait3A_238 : memref<120xi32, #tpu.memory_space<vmem>>)
    %rem3A_242 = arith.constant 1 : i32
    %rem3A_243 = arith.constant 6 : i32
    %rem3A_244 = arith.remsi %rem3A_242, %rem3A_243 : i32
    %dma_start3A_245 = arith.constant 1 : i32
    %dma_start3A_246 = arith.constant 0 : i32
    %dma_start3A_247 = arith.constant 0 : i32
    %dma_start3A_248 = tpu.memref_slice %arg8[%dma_start3A_245, %dma_start3A_246, %dma_start3A_247] : memref<3x120x128xf32, #tpu.memory_space<vmem>> -> memref<1x120x128xf32, #tpu.memory_space<vmem>>
    %dma_start3A_249 = tpu.memref_squeeze %dma_start3A_248 : memref<1x120x128xf32, #tpu.memory_space<vmem>> -> memref<120x128xf32, #tpu.memory_space<vmem>>
    %dma_start3A_250 = arith.constant 0 : i32
    %dma_start3A_251 = tpu.memref_slice %arg6[%rem3A_244, %dma_start3A_250] : memref<6x120xi32, #tpu.memory_space<vmem>> -> memref<1x120xi32, #tpu.memory_space<vmem>>
    %dma_start3A_252 = tpu.memref_squeeze %dma_start3A_251 : memref<1x120xi32, #tpu.memory_space<vmem>> -> memref<120xi32, #tpu.memory_space<vmem>>
    %dma_start3A_253 = arith.constant 0 : i32
    %dma_start3A_254 = arith.constant 0 : i32
    %dma_start3A_255 = tpu.memref_slice %arg4[%dma_start3A_253, %dma_start3A_254] : memref<10240x128xf32, #tpu.memory_space<hbm>> -> memref<10240x128xf32, #tpu.memory_space<hbm>>
    tpu.enqueue_indirect_dma source(%dma_start3A_255 : memref<10240x128xf32, #tpu.memory_space<hbm>>) target(%dma_start3A_249 : memref<120x128xf32, #tpu.memory_space<vmem>>) offsets(%dma_start3A_252 : memref<120xi32, #tpu.memory_space<vmem>>) semaphore(%arg11 : memref<!tpu.dma_semaphore, #tpu.memory_space<semaphore_mem>>)
    %scan3A = arith.constant 0 : i32
    %scan3A_256 = arith.constant 0 : i32
    %scan3A_257 = arith.constant 84 : i32
    %scan3A_258 = arith.addi %scan3A_256, %scan3A_257 : i32
    %scan3A_259 = arith.constant 1 : i32
    scf.for %scan3A_278 = %scan3A_256 to %scan3A_258 step %scan3A_259  : i32 {
      %dma_wait3A_279 = arith.constant 0 : i32
      %dma_wait3A_280 = arith.constant 0 : i32
      %dma_wait3A_281 = arith.constant 0 : i32
      %dma_wait3A_282 = arith.constant 0 : i32
      %dma_wait3A_283 = tpu.memref_slice %arg8[%dma_wait3A_280, %dma_wait3A_281, %dma_wait3A_282] : memref<3x120x128xf32, #tpu.memory_space<vmem>> -> memref<1x120x128xf32, #tpu.memory_space<vmem>>
      %dma_wait3A_284 = tpu.memref_squeeze %dma_wait3A_283 : memref<1x120x128xf32, #tpu.memory_space<vmem>> -> memref<120x128xf32, #tpu.memory_space<vmem>>
      %dma_wait3A_285 = arith.constant 0 : i32
      %dma_wait3A_286 = tpu.memref_slice %arg6[%dma_wait3A_279, %dma_wait3A_285] : memref<6x120xi32, #tpu.memory_space<vmem>> -> memref<1x120xi32, #tpu.memory_space<vmem>>
      %dma_wait3A_287 = tpu.memref_squeeze %dma_wait3A_286 : memref<1x120xi32, #tpu.memory_space<vmem>> -> memref<120xi32, #tpu.memory_space<vmem>>
      %dma_wait3A_288 = arith.constant 0 : i32
      %dma_wait3A_289 = arith.constant 0 : i32
      %dma_wait3A_290 = tpu.memref_slice %arg4[%dma_wait3A_288, %dma_wait3A_289] : memref<10240x128xf32, #tpu.memory_space<hbm>> -> memref<10240x128xf32, #tpu.memory_space<hbm>>
      tpu.wait_indirect_dma semaphore(%arg11 : memref<!tpu.dma_semaphore, #tpu.memory_space<semaphore_mem>>) src(%dma_wait3A_290 : memref<10240x128xf32, #tpu.memory_space<hbm>>) dst(%dma_wait3A_284 : memref<120x128xf32, #tpu.memory_space<vmem>>)
      %ge3A = arith.constant 1 : i32
      %ge3A_291 = arith.cmpi sge, %scan3A_278, %ge3A : i32
      %convert_element_type3A = arith.extui %ge3A_291 : i1 to i32
      %cond3A = arith.constant 0 : i32
      %cond3A_292 = arith.cmpi ne, %convert_element_type3A, %cond3A : i32
      scf.if %cond3A_292 {
        %dma_wait3A_321 = arith.constant 0 : i32
        %dma_wait3A_322 = arith.constant 0 : i32
        %dma_wait3A_323 = arith.constant 0 : i32
        %dma_wait3A_324 = arith.constant 0 : i32
        %dma_wait3A_325 = tpu.memref_slice %arg8[%dma_wait3A_321, %dma_wait3A_323, %dma_wait3A_324] : memref<3x120x128xf32, #tpu.memory_space<vmem>> -> memref<1x120x128xf32, #tpu.memory_space<vmem>>
        %dma_wait3A_326 = tpu.memref_squeeze %dma_wait3A_325 : memref<1x120x128xf32, #tpu.memory_space<vmem>> -> memref<120x128xf32, #tpu.memory_space<vmem>>
        %dma_wait3A_327 = arith.constant 0 : i32
        %dma_wait3A_328 = tpu.memref_slice %arg7[%dma_wait3A_322, %dma_wait3A_327] : memref<6x120xi32, #tpu.memory_space<vmem>> -> memref<1x120xi32, #tpu.memory_space<vmem>>
        %dma_wait3A_329 = tpu.memref_squeeze %dma_wait3A_328 : memref<1x120xi32, #tpu.memory_space<vmem>> -> memref<120xi32, #tpu.memory_space<vmem>>
        %dma_wait3A_330 = arith.constant 0 : i32
        %dma_wait3A_331 = arith.constant 0 : i32
        %dma_wait3A_332 = tpu.memref_slice %arg9[%dma_wait3A_330, %dma_wait3A_331] : memref<10240x128xf32, #tpu.memory_space<vmem_shared>> -> memref<10240x128xf32, #tpu.memory_space<vmem_shared>>
        tpu.wait_indirect_dma semaphore(%arg12 : memref<!tpu.dma_semaphore, #tpu.memory_space<semaphore_mem>>) src(%dma_wait3A_326 : memref<120x128xf32, #tpu.memory_space<vmem>>) dst(%dma_wait3A_332 : memref<10240x128xf32, #tpu.memory_space<vmem_shared>>)
      } else {
      }
      %rem3A_293 = arith.constant 3 : i32
      %rem3A_294 = arith.remsi %scan3A_278, %rem3A_293 : i32
      %rem3A_295 = arith.constant 6 : i32
      %rem3A_296 = arith.remsi %scan3A_278, %rem3A_295 : i32
      %dma_start3A_297 = arith.constant 0 : i32
      %dma_start3A_298 = arith.constant 0 : i32
      %dma_start3A_299 = tpu.memref_slice %arg8[%rem3A_294, %dma_start3A_297, %dma_start3A_298] : memref<3x120x128xf32, #tpu.memory_space<vmem>> -> memref<1x120x128xf32, #tpu.memory_space<vmem>>
      %dma_start3A_300 = tpu.memref_squeeze %dma_start3A_299 : memref<1x120x128xf32, #tpu.memory_space<vmem>> -> memref<120x128xf32, #tpu.memory_space<vmem>>
      %dma_start3A_301 = arith.constant 0 : i32
      %dma_start3A_302 = tpu.memref_slice %arg7[%rem3A_296, %dma_start3A_301] : memref<6x120xi32, #tpu.memory_space<vmem>> -> memref<1x120xi32, #tpu.memory_space<vmem>>
      %dma_start3A_303 = tpu.memref_squeeze %dma_start3A_302 : memref<1x120xi32, #tpu.memory_space<vmem>> -> memref<120xi32, #tpu.memory_space<vmem>>
      %dma_start3A_304 = arith.constant 0 : i32
      %dma_start3A_305 = arith.constant 0 : i32
      %dma_start3A_306 = tpu.memref_slice %arg9[%dma_start3A_304, %dma_start3A_305] : memref<10240x128xf32, #tpu.memory_space<vmem_shared>> -> memref<10240x128xf32, #tpu.memory_space<vmem_shared>>
      tpu.enqueue_indirect_dma source(%dma_start3A_300 : memref<120x128xf32, #tpu.memory_space<vmem>>) target(%dma_start3A_306 : memref<10240x128xf32, #tpu.memory_space<vmem_shared>>) offsets(%dma_start3A_303 : memref<120xi32, #tpu.memory_space<vmem>>) semaphore(%arg12 : memref<!tpu.dma_semaphore, #tpu.memory_space<semaphore_mem>>) {add = true}
      %add3A_307 = arith.constant 2 : i32
      %add3A_308 = arith.addi %scan3A_278, %add3A_307 : i32
      %lt3A = arith.constant 84 : i32
      %lt3A_309 = arith.cmpi slt, %add3A_308, %lt3A : i32
      %convert_element_type3A_310 = arith.extui %lt3A_309 : i1 to i32
      %cond3A_311 = arith.constant 0 : i32
      %cond3A_312 = arith.cmpi ne, %convert_element_type3A_310, %cond3A_311 : i32
      scf.if %cond3A_312 {
        %add3A_321 = arith.constant 2 : i32
        %add3A_322 = arith.addi %scan3A_278, %add3A_321 : i32
        %rem3A_323 = arith.constant 6 : i32
        %rem3A_324 = arith.remsi %add3A_322, %rem3A_323 : i32
        %dma_wait3A_325 = arith.constant 0 : i32
        %dma_wait3A_326 = arith.constant 0 : i32
        %dma_wait3A_327 = arith.constant 0 : i32
        %dma_wait3A_328 = tpu.memref_slice %arg6[%dma_wait3A_326, %dma_wait3A_327] : memref<6x120xi32, #tpu.memory_space<vmem>> -> memref<1x120xi32, #tpu.memory_space<vmem>>
        %dma_wait3A_329 = tpu.memref_squeeze %dma_wait3A_328 : memref<1x120xi32, #tpu.memory_space<vmem>> -> memref<120xi32, #tpu.memory_space<vmem>>
        %dma_wait3A_330 = arith.constant 0 : i32
        %dma_wait3A_331 = tpu.memref_slice %arg2[%dma_wait3A_325, %dma_wait3A_330] : memref<2688x120xi32, #tpu.memory_space<hbm>> -> memref<1x120xi32, #tpu.memory_space<hbm>>
        %dma_wait3A_332 = tpu.memref_squeeze %dma_wait3A_331 : memref<1x120xi32, #tpu.memory_space<hbm>> -> memref<120xi32, #tpu.memory_space<hbm>>
        %dma_wait3A_333 = tpu.memref_slice %arg10[%rem3A_324] : memref<6x!tpu.dma_semaphore, #tpu.memory_space<semaphore_mem>> -> memref<1x!tpu.dma_semaphore, #tpu.memory_space<semaphore_mem>>
        %dma_wait3A_334 = tpu.memref_squeeze %dma_wait3A_333 : memref<1x!tpu.dma_semaphore, #tpu.memory_space<semaphore_mem>> -> memref<!tpu.dma_semaphore, #tpu.memory_space<semaphore_mem>>
        %dma_wait3A_335 = arith.constant 0 : i32
        %dma_wait3A_336 = tpu.memref_slice %arg6[%dma_wait3A_326, %dma_wait3A_335] : memref<6x120xi32, #tpu.memory_space<vmem>> -> memref<1x120xi32, #tpu.memory_space<vmem>>
        %dma_wait3A_337 = tpu.memref_squeeze %dma_wait3A_336 : memref<1x120xi32, #tpu.memory_space<vmem>> -> memref<120xi32, #tpu.memory_space<vmem>>
        %dma_wait3A_338 = arith.constant 0 : i32
        %dma_wait3A_339 = tpu.memref_slice %arg2[%dma_wait3A_325, %dma_wait3A_338] : memref<2688x120xi32, #tpu.memory_space<hbm>> -> memref<1x120xi32, #tpu.memory_space<hbm>>
        %dma_wait3A_340 = tpu.memref_squeeze %dma_wait3A_339 : memref<1x120xi32, #tpu.memory_space<hbm>> -> memref<120xi32, #tpu.memory_space<hbm>>
        tpu.wait_dma2 semaphore(%dma_wait3A_334 : memref<!tpu.dma_semaphore, #tpu.memory_space<semaphore_mem>>) src(%dma_wait3A_340 : memref<120xi32, #tpu.memory_space<hbm>>) dst(%dma_wait3A_337 : memref<120xi32, #tpu.memory_space<vmem>>)
        %dma_wait3A_341 = arith.constant 0 : i32
        %dma_wait3A_342 = arith.constant 0 : i32
        %dma_wait3A_343 = arith.constant 0 : i32
        %dma_wait3A_344 = tpu.memref_slice %arg7[%dma_wait3A_342, %dma_wait3A_343] : memref<6x120xi32, #tpu.memory_space<vmem>> -> memref<1x120xi32, #tpu.memory_space<vmem>>
        %dma_wait3A_345 = tpu.memref_squeeze %dma_wait3A_344 : memref<1x120xi32, #tpu.memory_space<vmem>> -> memref<120xi32, #tpu.memory_space<vmem>>
        %dma_wait3A_346 = arith.constant 0 : i32
        %dma_wait3A_347 = tpu.memref_slice %arg3[%dma_wait3A_341, %dma_wait3A_346] : memref<2688x120xi32, #tpu.memory_space<hbm>> -> memref<1x120xi32, #tpu.memory_space<hbm>>
        %dma_wait3A_348 = tpu.memref_squeeze %dma_wait3A_347 : memref<1x120xi32, #tpu.memory_space<hbm>> -> memref<120xi32, #tpu.memory_space<hbm>>
        %dma_wait3A_349 = tpu.memref_slice %arg10[%rem3A_324] : memref<6x!tpu.dma_semaphore, #tpu.memory_space<semaphore_mem>> -> memref<1x!tpu.dma_semaphore, #tpu.memory_space<semaphore_mem>>
        %dma_wait3A_350 = tpu.memref_squeeze %dma_wait3A_349 : memref<1x!tpu.dma_semaphore, #tpu.memory_space<semaphore_mem>> -> memref<!tpu.dma_semaphore, #tpu.memory_space<semaphore_mem>>
        %dma_wait3A_351 = arith.constant 0 : i32
        %dma_wait3A_352 = tpu.memref_slice %arg7[%dma_wait3A_342, %dma_wait3A_351] : memref<6x120xi32, #tpu.memory_space<vmem>> -> memref<1x120xi32, #tpu.memory_space<vmem>>
        %dma_wait3A_353 = tpu.memref_squeeze %dma_wait3A_352 : memref<1x120xi32, #tpu.memory_space<vmem>> -> memref<120xi32, #tpu.memory_space<vmem>>
        %dma_wait3A_354 = arith.constant 0 : i32
        %dma_wait3A_355 = tpu.memref_slice %arg3[%dma_wait3A_341, %dma_wait3A_354] : memref<2688x120xi32, #tpu.memory_space<hbm>> -> memref<1x120xi32, #tpu.memory_space<hbm>>
        %dma_wait3A_356 = tpu.memref_squeeze %dma_wait3A_355 : memref<1x120xi32, #tpu.memory_space<hbm>> -> memref<120xi32, #tpu.memory_space<hbm>>
        tpu.wait_dma2 semaphore(%dma_wait3A_350 : memref<!tpu.dma_semaphore, #tpu.memory_space<semaphore_mem>>) src(%dma_wait3A_356 : memref<120xi32, #tpu.memory_space<hbm>>) dst(%dma_wait3A_353 : memref<120xi32, #tpu.memory_space<vmem>>)
        %add3A_357 = arith.constant 2 : i32
        %add3A_358 = arith.addi %scan3A_278, %add3A_357 : i32
        %add3A_359 = arith.constant 2 : i32
        %add3A_360 = arith.addi %scan3A_278, %add3A_359 : i32
        %rem3A_361 = arith.constant 3 : i32
        %rem3A_362 = arith.remsi %add3A_360, %rem3A_361 : i32
        %rem3A_363 = arith.constant 6 : i32
        %rem3A_364 = arith.remsi %add3A_358, %rem3A_363 : i32
        %dma_start3A_365 = arith.constant 0 : i32
        %dma_start3A_366 = arith.constant 0 : i32
        %dma_start3A_367 = tpu.memref_slice %arg8[%rem3A_362, %dma_start3A_365, %dma_start3A_366] : memref<3x120x128xf32, #tpu.memory_space<vmem>> -> memref<1x120x128xf32, #tpu.memory_space<vmem>>
        %dma_start3A_368 = tpu.memref_squeeze %dma_start3A_367 : memref<1x120x128xf32, #tpu.memory_space<vmem>> -> memref<120x128xf32, #tpu.memory_space<vmem>>
        %dma_start3A_369 = arith.constant 0 : i32
        %dma_start3A_370 = tpu.memref_slice %arg6[%rem3A_364, %dma_start3A_369] : memref<6x120xi32, #tpu.memory_space<vmem>> -> memref<1x120xi32, #tpu.memory_space<vmem>>
        %dma_start3A_371 = tpu.memref_squeeze %dma_start3A_370 : memref<1x120xi32, #tpu.memory_space<vmem>> -> memref<120xi32, #tpu.memory_space<vmem>>
        %dma_start3A_372 = arith.constant 0 : i32
        %dma_start3A_373 = arith.constant 0 : i32
        %dma_start3A_374 = tpu.memref_slice %arg4[%dma_start3A_372, %dma_start3A_373] : memref<10240x128xf32, #tpu.memory_space<hbm>> -> memref<10240x128xf32, #tpu.memory_space<hbm>>
        tpu.enqueue_indirect_dma source(%dma_start3A_374 : memref<10240x128xf32, #tpu.memory_space<hbm>>) target(%dma_start3A_368 : memref<120x128xf32, #tpu.memory_space<vmem>>) offsets(%dma_start3A_371 : memref<120xi32, #tpu.memory_space<vmem>>) semaphore(%arg11 : memref<!tpu.dma_semaphore, #tpu.memory_space<semaphore_mem>>)
      } else {
      }
      %add3A_313 = arith.constant 6 : i32
      %add3A_314 = arith.addi %scan3A_278, %add3A_313 : i32
      %sub3A = arith.constant 2 : i32
      %sub3A_315 = arith.subi %add3A_314, %sub3A : i32
      %lt3A_316 = arith.constant 84 : i32
      %lt3A_317 = arith.cmpi slt, %sub3A_315, %lt3A_316 : i32
      %convert_element_type3A_318 = arith.extui %lt3A_317 : i1 to i32
      %cond3A_319 = arith.constant 0 : i32
      %cond3A_320 = arith.cmpi ne, %convert_element_type3A_318, %cond3A_319 : i32
      scf.if %cond3A_320 {
        %add3A_321 = arith.constant 6 : i32
        %add3A_322 = arith.addi %scan3A_278, %add3A_321 : i32
        %sub3A_323 = arith.constant 2 : i32
        %sub3A_324 = arith.subi %add3A_322, %sub3A_323 : i32
        %rem3A_325 = arith.constant 6 : i32
        %rem3A_326 = arith.remsi %sub3A_324, %rem3A_325 : i32
        %mul3A_327 = arith.constant 84 : i32
        %mul3A_328 = arith.muli %add3A, %mul3A_327 : i32
        %add3A_329 = arith.addi %mul3A_328, %sub3A_324 : i32
        %dma_start3A_330 = arith.constant 0 : i32
        %dma_start3A_331 = tpu.memref_slice %arg6[%rem3A_326, %dma_start3A_330] : memref<6x120xi32, #tpu.memory_space<vmem>> -> memref<1x120xi32, #tpu.memory_space<vmem>>
        %dma_start3A_332 = tpu.memref_squeeze %dma_start3A_331 : memref<1x120xi32, #tpu.memory_space<vmem>> -> memref<120xi32, #tpu.memory_space<vmem>>
        %dma_start3A_333 = arith.constant 0 : i32
        %dma_start3A_334 = tpu.memref_slice %arg2[%add3A_329, %dma_start3A_333] : memref<2688x120xi32, #tpu.memory_space<hbm>> -> memref<1x120xi32, #tpu.memory_space<hbm>>
        %dma_start3A_335 = tpu.memref_squeeze %dma_start3A_334 : memref<1x120xi32, #tpu.memory_space<hbm>> -> memref<120xi32, #tpu.memory_space<hbm>>
        %dma_start3A_336 = tpu.memref_slice %arg10[%rem3A_326] : memref<6x!tpu.dma_semaphore, #tpu.memory_space<semaphore_mem>> -> memref<1x!tpu.dma_semaphore, #tpu.memory_space<semaphore_mem>>
        %dma_start3A_337 = tpu.memref_squeeze %dma_start3A_336 : memref<1x!tpu.dma_semaphore, #tpu.memory_space<semaphore_mem>> -> memref<!tpu.dma_semaphore, #tpu.memory_space<semaphore_mem>>
        %dma_start3A_338 = arith.constant 0 : i32
        %dma_start3A_339 = tpu.memref_slice %arg6[%rem3A_326, %dma_start3A_338] : memref<6x120xi32, #tpu.memory_space<vmem>> -> memref<1x120xi32, #tpu.memory_space<vmem>>
        %dma_start3A_340 = tpu.memref_squeeze %dma_start3A_339 : memref<1x120xi32, #tpu.memory_space<vmem>> -> memref<120xi32, #tpu.memory_space<vmem>>
        %dma_start3A_341 = arith.constant 0 : i32
        %dma_start3A_342 = tpu.memref_slice %arg2[%add3A_329, %dma_start3A_341] : memref<2688x120xi32, #tpu.memory_space<hbm>> -> memref<1x120xi32, #tpu.memory_space<hbm>>
        %dma_start3A_343 = tpu.memref_squeeze %dma_start3A_342 : memref<1x120xi32, #tpu.memory_space<hbm>> -> memref<120xi32, #tpu.memory_space<hbm>>
        tpu.enqueue_dma source(%dma_start3A_343 : memref<120xi32, #tpu.memory_space<hbm>>) target(%dma_start3A_340 : memref<120xi32, #tpu.memory_space<vmem>>) target_semaphore(%dma_start3A_337 : memref<!tpu.dma_semaphore, #tpu.memory_space<semaphore_mem>>)
        %mul3A_344 = arith.constant 84 : i32
        %mul3A_345 = arith.muli %add3A, %mul3A_344 : i32
        %add3A_346 = arith.addi %mul3A_345, %sub3A_324 : i32
        %dma_start3A_347 = arith.constant 0 : i32
        %dma_start3A_348 = tpu.memref_slice %arg7[%rem3A_326, %dma_start3A_347] : memref<6x120xi32, #tpu.memory_space<vmem>> -> memref<1x120xi32, #tpu.memory_space<vmem>>
        %dma_start3A_349 = tpu.memref_squeeze %dma_start3A_348 : memref<1x120xi32, #tpu.memory_space<vmem>> -> memref<120xi32, #tpu.memory_space<vmem>>
        %dma_start3A_350 = arith.constant 0 : i32
        %dma_start3A_351 = tpu.memref_slice %arg3[%add3A_346, %dma_start3A_350] : memref<2688x120xi32, #tpu.memory_space<hbm>> -> memref<1x120xi32, #tpu.memory_space<hbm>>
        %dma_start3A_352 = tpu.memref_squeeze %dma_start3A_351 : memref<1x120xi32, #tpu.memory_space<hbm>> -> memref<120xi32, #tpu.memory_space<hbm>>
        %dma_start3A_353 = tpu.memref_slice %arg10[%rem3A_326] : memref<6x!tpu.dma_semaphore, #tpu.memory_space<semaphore_mem>> -> memref<1x!tpu.dma_semaphore, #tpu.memory_space<semaphore_mem>>
        %dma_start3A_354 = tpu.memref_squeeze %dma_start3A_353 : memref<1x!tpu.dma_semaphore, #tpu.memory_space<semaphore_mem>> -> memref<!tpu.dma_semaphore, #tpu.memory_space<semaphore_mem>>
        %dma_start3A_355 = arith.constant 0 : i32
        %dma_start3A_356 = tpu.memref_slice %arg7[%rem3A_326, %dma_start3A_355] : memref<6x120xi32, #tpu.memory_space<vmem>> -> memref<1x120xi32, #tpu.memory_space<vmem>>
        %dma_start3A_357 = tpu.memref_squeeze %dma_start3A_356 : memref<1x120xi32, #tpu.memory_space<vmem>> -> memref<120xi32, #tpu.memory_space<vmem>>
        %dma_start3A_358 = arith.constant 0 : i32
        %dma_start3A_359 = tpu.memref_slice %arg3[%add3A_346, %dma_start3A_358] : memref<2688x120xi32, #tpu.memory_space<hbm>> -> memref<1x120xi32, #tpu.memory_space<hbm>>
        %dma_start3A_360 = tpu.memref_squeeze %dma_start3A_359 : memref<1x120xi32, #tpu.memory_space<hbm>> -> memref<120xi32, #tpu.memory_space<hbm>>
        tpu.enqueue_dma source(%dma_start3A_360 : memref<120xi32, #tpu.memory_space<hbm>>) target(%dma_start3A_357 : memref<120xi32, #tpu.memory_space<vmem>>) target_semaphore(%dma_start3A_354 : memref<!tpu.dma_semaphore, #tpu.memory_space<semaphore_mem>>)
      } else {
      }
    }
    %scan3A_260 = arith.constant 84 : i32
    %dma_wait3A_261 = arith.constant 0 : i32
    %dma_wait3A_262 = arith.constant 0 : i32
    %dma_wait3A_263 = arith.constant 0 : i32
    %dma_wait3A_264 = arith.constant 0 : i32
    %dma_wait3A_265 = tpu.memref_slice %arg8[%dma_wait3A_261, %dma_wait3A_263, %dma_wait3A_264] : memref<3x120x128xf32, #tpu.memory_space<vmem>> -> memref<1x120x128xf32, #tpu.memory_space<vmem>>
    %dma_wait3A_266 = tpu.memref_squeeze %dma_wait3A_265 : memref<1x120x128xf32, #tpu.memory_space<vmem>> -> memref<120x128xf32, #tpu.memory_space<vmem>>
    %dma_wait3A_267 = arith.constant 0 : i32
    %dma_wait3A_268 = tpu.memref_slice %arg7[%dma_wait3A_262, %dma_wait3A_267] : memref<6x120xi32, #tpu.memory_space<vmem>> -> memref<1x120xi32, #tpu.memory_space<vmem>>
    %dma_wait3A_269 = tpu.memref_squeeze %dma_wait3A_268 : memref<1x120xi32, #tpu.memory_space<vmem>> -> memref<120xi32, #tpu.memory_space<vmem>>
    %dma_wait3A_270 = arith.constant 0 : i32
    %dma_wait3A_271 = arith.constant 0 : i32
    %dma_wait3A_272 = tpu.memref_slice %arg9[%dma_wait3A_270, %dma_wait3A_271] : memref<10240x128xf32, #tpu.memory_space<vmem_shared>> -> memref<10240x128xf32, #tpu.memory_space<vmem_shared>>
    tpu.wait_indirect_dma semaphore(%arg12 : memref<!tpu.dma_semaphore, #tpu.memory_space<semaphore_mem>>) src(%dma_wait3A_266 : memref<120x128xf32, #tpu.memory_space<vmem>>) dst(%dma_wait3A_272 : memref<10240x128xf32, #tpu.memory_space<vmem_shared>>)
    %barrier3A_273 = arith.constant 0 : index
    tpu.barrier barrier_id(%barrier3A_273)
    %mul3A_274 = arith.constant 640 : i32
    %mul3A_275 = arith.muli %arg1, %mul3A_274 : i32
    %mul3A_276 = arith.constant 640 : i32
    %mul3A_277 = arith.muli %arg1, %mul3A_276 : i32
    "tpu.region"() ({
      %run_scoped3A = tpu.sem_alloc : memref<!tpu.dma_semaphore, #tpu.memory_space<semaphore_mem>>
      %dma_start3A_278 = arith.constant 0 : i32
      %dma_start3A_279 = tpu.memref_slice %arg5[%arg0, %mul3A_277, %dma_start3A_278] : memref<2x10240x128xf32, #tpu.memory_space<hbm>> -> memref<1x640x128xf32, #tpu.memory_space<hbm>>
      %dma_start3A_280 = tpu.memref_squeeze %dma_start3A_279 : memref<1x640x128xf32, #tpu.memory_space<hbm>> -> memref<640x128xf32, #tpu.memory_space<hbm>>
      %dma_start3A_281 = arith.constant 0 : i32
      %dma_start3A_282 = tpu.memref_slice %arg9[%mul3A_275, %dma_start3A_281] : memref<10240x128xf32, #tpu.memory_space<vmem_shared>> -> memref<640x128xf32, #tpu.memory_space<vmem_shared>>
      tpu.enqueue_dma source(%dma_start3A_282 : memref<640x128xf32, #tpu.memory_space<vmem_shared>>) target(%dma_start3A_280 : memref<640x128xf32, #tpu.memory_space<hbm>>) target_semaphore(%run_scoped3A : memref<!tpu.dma_semaphore, #tpu.memory_space<semaphore_mem>>)
      %dma_wait3A_283 = arith.constant 0 : i32
      %dma_wait3A_284 = tpu.memref_slice %arg5[%arg0, %mul3A_277, %dma_wait3A_283] : memref<2x10240x128xf32, #tpu.memory_space<hbm>> -> memref<1x640x128xf32, #tpu.memory_space<hbm>>
      %dma_wait3A_285 = tpu.memref_squeeze %dma_wait3A_284 : memref<1x640x128xf32, #tpu.memory_space<hbm>> -> memref<640x128xf32, #tpu.memory_space<hbm>>
      %dma_wait3A_286 = arith.constant 0 : i32
      %dma_wait3A_287 = tpu.memref_slice %arg9[%mul3A_275, %dma_wait3A_286] : memref<10240x128xf32, #tpu.memory_space<vmem_shared>> -> memref<640x128xf32, #tpu.memory_space<vmem_shared>>
      tpu.wait_dma2 semaphore(%run_scoped3A : memref<!tpu.dma_semaphore, #tpu.memory_space<semaphore_mem>>) src(%dma_wait3A_287 : memref<640x128xf32, #tpu.memory_space<vmem_shared>>) dst(%dma_wait3A_285 : memref<640x128xf32, #tpu.memory_space<hbm>>)
      tpu.yield
    }) : () -> ()
    return
  }
}

#map = affine_map<(d0, d1) -> (0, 0)>
#map1 = affine_map<(d0, d1) -> (0, 0, 0)>
module attributes {stable_mosaic.version = 14 : i64} {
  func.func @body(%arg0: i32, %arg1: i32, %arg2: memref<4000x80xi32, #tpu.memory_space<hbm>>, %arg3: memref<4000x80xi32, #tpu.memory_space<hbm>>, %arg4: memref<10240x128xf32, #tpu.memory_space<hbm>>, %arg5: memref<10240x16xf32, #tpu.memory_space<hbm>>, %arg6: memref<2x10240x128xf32, #tpu.memory_space<hbm>>, %arg7: memref<2x10240x16xf32, #tpu.memory_space<hbm>>, %arg8: memref<6x80xi32, #tpu.memory_space<vmem>>, %arg9: memref<6x80xi32, #tpu.memory_space<vmem>>, %arg10: memref<3x80x128xf32, #tpu.memory_space<vmem>>, %arg11: memref<3x80x16xf32, #tpu.memory_space<vmem>>, %arg12: memref<10240x128xf32, #tpu.memory_space<vmem_shared>>, %arg13: memref<10240x16xf32, #tpu.memory_space<vmem_shared>>, %arg14: memref<6x!tpu.dma_semaphore, #tpu.memory_space<semaphore_mem>>, %arg15: memref<!tpu.dma_semaphore, #tpu.memory_space<semaphore_mem>>, %arg16: memref<!tpu.dma_semaphore, #tpu.memory_space<semaphore_mem>>) attributes {dimension_semantics = [#tpu.dimension_semantics<core_parallel>, #tpu.dimension_semantics<subcore_parallel>], iteration_bounds = array<i64: 2, 16>, scalar_prefetch = 0 : i64, scratch_operands = 9 : i64, tpu.core_type = #tpu.core_type<sc_vector_subcore>, window_params = [{transform_indices = #map}, {transform_indices = #map}, {transform_indices = #map}, {transform_indices = #map}, {transform_indices = #map1}, {transform_indices = #map1}]} {
    %mul3A = arith.constant 2 : i32
    %mul3A_0 = arith.muli %arg1, %mul3A : i32
    %add3A = arith.addi %mul3A_0, %arg0 : i32
    %mul3A_1 = arith.constant 640 : i32
    %mul3A_2 = arith.muli %arg1, %mul3A_1 : i32
    %mul3A_3 = arith.constant 640 : i32
    %mul3A_4 = arith.muli %arg1, %mul3A_3 : i32
    "tpu.region"() ({
      %run_scoped3A = tpu.sem_alloc : memref<!tpu.dma_semaphore, #tpu.memory_space<semaphore_mem>>
      %dma_start3A_326 = arith.constant 0 : i32
      %dma_start3A_327 = tpu.memref_slice %arg12[%mul3A_4, %dma_start3A_326] : memref<10240x128xf32, #tpu.memory_space<vmem_shared>> -> memref<640x128xf32, #tpu.memory_space<vmem_shared>>
      %dma_start3A_328 = arith.constant 0 : i32
      %dma_start3A_329 = tpu.memref_slice %arg4[%mul3A_2, %dma_start3A_328] : memref<10240x128xf32, #tpu.memory_space<hbm>> -> memref<640x128xf32, #tpu.memory_space<hbm>>
      tpu.enqueue_dma source(%dma_start3A_329 : memref<640x128xf32, #tpu.memory_space<hbm>>) target(%dma_start3A_327 : memref<640x128xf32, #tpu.memory_space<vmem_shared>>) target_semaphore(%run_scoped3A : memref<!tpu.dma_semaphore, #tpu.memory_space<semaphore_mem>>)
      %dma_wait3A_330 = arith.constant 0 : i32
      %dma_wait3A_331 = tpu.memref_slice %arg12[%mul3A_4, %dma_wait3A_330] : memref<10240x128xf32, #tpu.memory_space<vmem_shared>> -> memref<640x128xf32, #tpu.memory_space<vmem_shared>>
      %dma_wait3A_332 = arith.constant 0 : i32
      %dma_wait3A_333 = tpu.memref_slice %arg4[%mul3A_2, %dma_wait3A_332] : memref<10240x128xf32, #tpu.memory_space<hbm>> -> memref<640x128xf32, #tpu.memory_space<hbm>>
      tpu.wait_dma2 semaphore(%run_scoped3A : memref<!tpu.dma_semaphore, #tpu.memory_space<semaphore_mem>>) src(%dma_wait3A_333 : memref<640x128xf32, #tpu.memory_space<hbm>>) dst(%dma_wait3A_331 : memref<640x128xf32, #tpu.memory_space<vmem_shared>>)
      tpu.yield
    }) : () -> ()
    %mul3A_5 = arith.constant 640 : i32
    %mul3A_6 = arith.muli %arg1, %mul3A_5 : i32
    %mul3A_7 = arith.constant 640 : i32
    %mul3A_8 = arith.muli %arg1, %mul3A_7 : i32
    "tpu.region"() ({
      %run_scoped3A = tpu.sem_alloc : memref<!tpu.dma_semaphore, #tpu.memory_space<semaphore_mem>>
      %dma_start3A_326 = arith.constant 0 : i32
      %dma_start3A_327 = tpu.memref_slice %arg13[%mul3A_8, %dma_start3A_326] : memref<10240x16xf32, #tpu.memory_space<vmem_shared>> -> memref<640x16xf32, #tpu.memory_space<vmem_shared>>
      %dma_start3A_328 = arith.constant 0 : i32
      %dma_start3A_329 = tpu.memref_slice %arg5[%mul3A_6, %dma_start3A_328] : memref<10240x16xf32, #tpu.memory_space<hbm>> -> memref<640x16xf32, #tpu.memory_space<hbm>>
      tpu.enqueue_dma source(%dma_start3A_329 : memref<640x16xf32, #tpu.memory_space<hbm>>) target(%dma_start3A_327 : memref<640x16xf32, #tpu.memory_space<vmem_shared>>) target_semaphore(%run_scoped3A : memref<!tpu.dma_semaphore, #tpu.memory_space<semaphore_mem>>)
      %dma_wait3A_330 = arith.constant 0 : i32
      %dma_wait3A_331 = tpu.memref_slice %arg13[%mul3A_8, %dma_wait3A_330] : memref<10240x16xf32, #tpu.memory_space<vmem_shared>> -> memref<640x16xf32, #tpu.memory_space<vmem_shared>>
      %dma_wait3A_332 = arith.constant 0 : i32
      %dma_wait3A_333 = tpu.memref_slice %arg5[%mul3A_6, %dma_wait3A_332] : memref<10240x16xf32, #tpu.memory_space<hbm>> -> memref<640x16xf32, #tpu.memory_space<hbm>>
      tpu.wait_dma2 semaphore(%run_scoped3A : memref<!tpu.dma_semaphore, #tpu.memory_space<semaphore_mem>>) src(%dma_wait3A_333 : memref<640x16xf32, #tpu.memory_space<hbm>>) dst(%dma_wait3A_331 : memref<640x16xf32, #tpu.memory_space<vmem_shared>>)
      tpu.yield
    }) : () -> ()
    %rem3A = arith.constant 0 : i32
    %rem3A_9 = arith.constant 6 : i32
    %rem3A_10 = arith.remsi %rem3A, %rem3A_9 : i32
    %mul3A_11 = arith.constant 125 : i32
    %mul3A_12 = arith.muli %add3A, %mul3A_11 : i32
    %add3A_13 = arith.constant 0 : i32
    %add3A_14 = arith.addi %mul3A_12, %add3A_13 : i32
    %dma_start3A = arith.constant 0 : i32
    %dma_start3A_15 = tpu.memref_slice %arg8[%rem3A_10, %dma_start3A] : memref<6x80xi32, #tpu.memory_space<vmem>> -> memref<1x80xi32, #tpu.memory_space<vmem>>
    %dma_start3A_16 = tpu.memref_squeeze %dma_start3A_15 : memref<1x80xi32, #tpu.memory_space<vmem>> -> memref<80xi32, #tpu.memory_space<vmem>>
    %dma_start3A_17 = arith.constant 0 : i32
    %dma_start3A_18 = tpu.memref_slice %arg2[%add3A_14, %dma_start3A_17] : memref<4000x80xi32, #tpu.memory_space<hbm>> -> memref<1x80xi32, #tpu.memory_space<hbm>>
    %dma_start3A_19 = tpu.memref_squeeze %dma_start3A_18 : memref<1x80xi32, #tpu.memory_space<hbm>> -> memref<80xi32, #tpu.memory_space<hbm>>
    %dma_start3A_20 = tpu.memref_slice %arg14[%rem3A_10] : memref<6x!tpu.dma_semaphore, #tpu.memory_space<semaphore_mem>> -> memref<1x!tpu.dma_semaphore, #tpu.memory_space<semaphore_mem>>
    %dma_start3A_21 = tpu.memref_squeeze %dma_start3A_20 : memref<1x!tpu.dma_semaphore, #tpu.memory_space<semaphore_mem>> -> memref<!tpu.dma_semaphore, #tpu.memory_space<semaphore_mem>>
    %dma_start3A_22 = arith.constant 0 : i32
    %dma_start3A_23 = tpu.memref_slice %arg8[%rem3A_10, %dma_start3A_22] : memref<6x80xi32, #tpu.memory_space<vmem>> -> memref<1x80xi32, #tpu.memory_space<vmem>>
    %dma_start3A_24 = tpu.memref_squeeze %dma_start3A_23 : memref<1x80xi32, #tpu.memory_space<vmem>> -> memref<80xi32, #tpu.memory_space<vmem>>
    %dma_start3A_25 = arith.constant 0 : i32
    %dma_start3A_26 = tpu.memref_slice %arg2[%add3A_14, %dma_start3A_25] : memref<4000x80xi32, #tpu.memory_space<hbm>> -> memref<1x80xi32, #tpu.memory_space<hbm>>
    %dma_start3A_27 = tpu.memref_squeeze %dma_start3A_26 : memref<1x80xi32, #tpu.memory_space<hbm>> -> memref<80xi32, #tpu.memory_space<hbm>>
    tpu.enqueue_dma source(%dma_start3A_27 : memref<80xi32, #tpu.memory_space<hbm>>) target(%dma_start3A_24 : memref<80xi32, #tpu.memory_space<vmem>>) target_semaphore(%dma_start3A_21 : memref<!tpu.dma_semaphore, #tpu.memory_space<semaphore_mem>>)
    %mul3A_28 = arith.constant 125 : i32
    %mul3A_29 = arith.muli %add3A, %mul3A_28 : i32
    %add3A_30 = arith.constant 0 : i32
    %add3A_31 = arith.addi %mul3A_29, %add3A_30 : i32
    %dma_start3A_32 = arith.constant 0 : i32
    %dma_start3A_33 = tpu.memref_slice %arg9[%rem3A_10, %dma_start3A_32] : memref<6x80xi32, #tpu.memory_space<vmem>> -> memref<1x80xi32, #tpu.memory_space<vmem>>
    %dma_start3A_34 = tpu.memref_squeeze %dma_start3A_33 : memref<1x80xi32, #tpu.memory_space<vmem>> -> memref<80xi32, #tpu.memory_space<vmem>>
    %dma_start3A_35 = arith.constant 0 : i32
    %dma_start3A_36 = tpu.memref_slice %arg3[%add3A_31, %dma_start3A_35] : memref<4000x80xi32, #tpu.memory_space<hbm>> -> memref<1x80xi32, #tpu.memory_space<hbm>>
    %dma_start3A_37 = tpu.memref_squeeze %dma_start3A_36 : memref<1x80xi32, #tpu.memory_space<hbm>> -> memref<80xi32, #tpu.memory_space<hbm>>
    %dma_start3A_38 = tpu.memref_slice %arg14[%rem3A_10] : memref<6x!tpu.dma_semaphore, #tpu.memory_space<semaphore_mem>> -> memref<1x!tpu.dma_semaphore, #tpu.memory_space<semaphore_mem>>
    %dma_start3A_39 = tpu.memref_squeeze %dma_start3A_38 : memref<1x!tpu.dma_semaphore, #tpu.memory_space<semaphore_mem>> -> memref<!tpu.dma_semaphore, #tpu.memory_space<semaphore_mem>>
    %dma_start3A_40 = arith.constant 0 : i32
    %dma_start3A_41 = tpu.memref_slice %arg9[%rem3A_10, %dma_start3A_40] : memref<6x80xi32, #tpu.memory_space<vmem>> -> memref<1x80xi32, #tpu.memory_space<vmem>>
    %dma_start3A_42 = tpu.memref_squeeze %dma_start3A_41 : memref<1x80xi32, #tpu.memory_space<vmem>> -> memref<80xi32, #tpu.memory_space<vmem>>
    %dma_start3A_43 = arith.constant 0 : i32
    %dma_start3A_44 = tpu.memref_slice %arg3[%add3A_31, %dma_start3A_43] : memref<4000x80xi32, #tpu.memory_space<hbm>> -> memref<1x80xi32, #tpu.memory_space<hbm>>
    %dma_start3A_45 = tpu.memref_squeeze %dma_start3A_44 : memref<1x80xi32, #tpu.memory_space<hbm>> -> memref<80xi32, #tpu.memory_space<hbm>>
    tpu.enqueue_dma source(%dma_start3A_45 : memref<80xi32, #tpu.memory_space<hbm>>) target(%dma_start3A_42 : memref<80xi32, #tpu.memory_space<vmem>>) target_semaphore(%dma_start3A_39 : memref<!tpu.dma_semaphore, #tpu.memory_space<semaphore_mem>>)
    %rem3A_46 = arith.constant 1 : i32
    %rem3A_47 = arith.constant 6 : i32
    %rem3A_48 = arith.remsi %rem3A_46, %rem3A_47 : i32
    %mul3A_49 = arith.constant 125 : i32
    %mul3A_50 = arith.muli %add3A, %mul3A_49 : i32
    %add3A_51 = arith.constant 1 : i32
    %add3A_52 = arith.addi %mul3A_50, %add3A_51 : i32
    %dma_start3A_53 = arith.constant 0 : i32
    %dma_start3A_54 = tpu.memref_slice %arg8[%rem3A_48, %dma_start3A_53] : memref<6x80xi32, #tpu.memory_space<vmem>> -> memref<1x80xi32, #tpu.memory_space<vmem>>
    %dma_start3A_55 = tpu.memref_squeeze %dma_start3A_54 : memref<1x80xi32, #tpu.memory_space<vmem>> -> memref<80xi32, #tpu.memory_space<vmem>>
    %dma_start3A_56 = arith.constant 0 : i32
    %dma_start3A_57 = tpu.memref_slice %arg2[%add3A_52, %dma_start3A_56] : memref<4000x80xi32, #tpu.memory_space<hbm>> -> memref<1x80xi32, #tpu.memory_space<hbm>>
    %dma_start3A_58 = tpu.memref_squeeze %dma_start3A_57 : memref<1x80xi32, #tpu.memory_space<hbm>> -> memref<80xi32, #tpu.memory_space<hbm>>
    %dma_start3A_59 = tpu.memref_slice %arg14[%rem3A_48] : memref<6x!tpu.dma_semaphore, #tpu.memory_space<semaphore_mem>> -> memref<1x!tpu.dma_semaphore, #tpu.memory_space<semaphore_mem>>
    %dma_start3A_60 = tpu.memref_squeeze %dma_start3A_59 : memref<1x!tpu.dma_semaphore, #tpu.memory_space<semaphore_mem>> -> memref<!tpu.dma_semaphore, #tpu.memory_space<semaphore_mem>>
    %dma_start3A_61 = arith.constant 0 : i32
    %dma_start3A_62 = tpu.memref_slice %arg8[%rem3A_48, %dma_start3A_61] : memref<6x80xi32, #tpu.memory_space<vmem>> -> memref<1x80xi32, #tpu.memory_space<vmem>>
    %dma_start3A_63 = tpu.memref_squeeze %dma_start3A_62 : memref<1x80xi32, #tpu.memory_space<vmem>> -> memref<80xi32, #tpu.memory_space<vmem>>
    %dma_start3A_64 = arith.constant 0 : i32
    %dma_start3A_65 = tpu.memref_slice %arg2[%add3A_52, %dma_start3A_64] : memref<4000x80xi32, #tpu.memory_space<hbm>> -> memref<1x80xi32, #tpu.memory_space<hbm>>
    %dma_start3A_66 = tpu.memref_squeeze %dma_start3A_65 : memref<1x80xi32, #tpu.memory_space<hbm>> -> memref<80xi32, #tpu.memory_space<hbm>>
    tpu.enqueue_dma source(%dma_start3A_66 : memref<80xi32, #tpu.memory_space<hbm>>) target(%dma_start3A_63 : memref<80xi32, #tpu.memory_space<vmem>>) target_semaphore(%dma_start3A_60 : memref<!tpu.dma_semaphore, #tpu.memory_space<semaphore_mem>>)
    %mul3A_67 = arith.constant 125 : i32
    %mul3A_68 = arith.muli %add3A, %mul3A_67 : i32
    %add3A_69 = arith.constant 1 : i32
    %add3A_70 = arith.addi %mul3A_68, %add3A_69 : i32
    %dma_start3A_71 = arith.constant 0 : i32
    %dma_start3A_72 = tpu.memref_slice %arg9[%rem3A_48, %dma_start3A_71] : memref<6x80xi32, #tpu.memory_space<vmem>> -> memref<1x80xi32, #tpu.memory_space<vmem>>
    %dma_start3A_73 = tpu.memref_squeeze %dma_start3A_72 : memref<1x80xi32, #tpu.memory_space<vmem>> -> memref<80xi32, #tpu.memory_space<vmem>>
    %dma_start3A_74 = arith.constant 0 : i32
    %dma_start3A_75 = tpu.memref_slice %arg3[%add3A_70, %dma_start3A_74] : memref<4000x80xi32, #tpu.memory_space<hbm>> -> memref<1x80xi32, #tpu.memory_space<hbm>>
    %dma_start3A_76 = tpu.memref_squeeze %dma_start3A_75 : memref<1x80xi32, #tpu.memory_space<hbm>> -> memref<80xi32, #tpu.memory_space<hbm>>
    %dma_start3A_77 = tpu.memref_slice %arg14[%rem3A_48] : memref<6x!tpu.dma_semaphore, #tpu.memory_space<semaphore_mem>> -> memref<1x!tpu.dma_semaphore, #tpu.memory_space<semaphore_mem>>
    %dma_start3A_78 = tpu.memref_squeeze %dma_start3A_77 : memref<1x!tpu.dma_semaphore, #tpu.memory_space<semaphore_mem>> -> memref<!tpu.dma_semaphore, #tpu.memory_space<semaphore_mem>>
    %dma_start3A_79 = arith.constant 0 : i32
    %dma_start3A_80 = tpu.memref_slice %arg9[%rem3A_48, %dma_start3A_79] : memref<6x80xi32, #tpu.memory_space<vmem>> -> memref<1x80xi32, #tpu.memory_space<vmem>>
    %dma_start3A_81 = tpu.memref_squeeze %dma_start3A_80 : memref<1x80xi32, #tpu.memory_space<vmem>> -> memref<80xi32, #tpu.memory_space<vmem>>
    %dma_start3A_82 = arith.constant 0 : i32
    %dma_start3A_83 = tpu.memref_slice %arg3[%add3A_70, %dma_start3A_82] : memref<4000x80xi32, #tpu.memory_space<hbm>> -> memref<1x80xi32, #tpu.memory_space<hbm>>
    %dma_start3A_84 = tpu.memref_squeeze %dma_start3A_83 : memref<1x80xi32, #tpu.memory_space<hbm>> -> memref<80xi32, #tpu.memory_space<hbm>>
    tpu.enqueue_dma source(%dma_start3A_84 : memref<80xi32, #tpu.memory_space<hbm>>) target(%dma_start3A_81 : memref<80xi32, #tpu.memory_space<vmem>>) target_semaphore(%dma_start3A_78 : memref<!tpu.dma_semaphore, #tpu.memory_space<semaphore_mem>>)
    %rem3A_85 = arith.constant 2 : i32
    %rem3A_86 = arith.constant 6 : i32
    %rem3A_87 = arith.remsi %rem3A_85, %rem3A_86 : i32
    %mul3A_88 = arith.constant 125 : i32
    %mul3A_89 = arith.muli %add3A, %mul3A_88 : i32
    %add3A_90 = arith.constant 2 : i32
    %add3A_91 = arith.addi %mul3A_89, %add3A_90 : i32
    %dma_start3A_92 = arith.constant 0 : i32
    %dma_start3A_93 = tpu.memref_slice %arg8[%rem3A_87, %dma_start3A_92] : memref<6x80xi32, #tpu.memory_space<vmem>> -> memref<1x80xi32, #tpu.memory_space<vmem>>
    %dma_start3A_94 = tpu.memref_squeeze %dma_start3A_93 : memref<1x80xi32, #tpu.memory_space<vmem>> -> memref<80xi32, #tpu.memory_space<vmem>>
    %dma_start3A_95 = arith.constant 0 : i32
    %dma_start3A_96 = tpu.memref_slice %arg2[%add3A_91, %dma_start3A_95] : memref<4000x80xi32, #tpu.memory_space<hbm>> -> memref<1x80xi32, #tpu.memory_space<hbm>>
    %dma_start3A_97 = tpu.memref_squeeze %dma_start3A_96 : memref<1x80xi32, #tpu.memory_space<hbm>> -> memref<80xi32, #tpu.memory_space<hbm>>
    %dma_start3A_98 = tpu.memref_slice %arg14[%rem3A_87] : memref<6x!tpu.dma_semaphore, #tpu.memory_space<semaphore_mem>> -> memref<1x!tpu.dma_semaphore, #tpu.memory_space<semaphore_mem>>
    %dma_start3A_99 = tpu.memref_squeeze %dma_start3A_98 : memref<1x!tpu.dma_semaphore, #tpu.memory_space<semaphore_mem>> -> memref<!tpu.dma_semaphore, #tpu.memory_space<semaphore_mem>>
    %dma_start3A_100 = arith.constant 0 : i32
    %dma_start3A_101 = tpu.memref_slice %arg8[%rem3A_87, %dma_start3A_100] : memref<6x80xi32, #tpu.memory_space<vmem>> -> memref<1x80xi32, #tpu.memory_space<vmem>>
    %dma_start3A_102 = tpu.memref_squeeze %dma_start3A_101 : memref<1x80xi32, #tpu.memory_space<vmem>> -> memref<80xi32, #tpu.memory_space<vmem>>
    %dma_start3A_103 = arith.constant 0 : i32
    %dma_start3A_104 = tpu.memref_slice %arg2[%add3A_91, %dma_start3A_103] : memref<4000x80xi32, #tpu.memory_space<hbm>> -> memref<1x80xi32, #tpu.memory_space<hbm>>
    %dma_start3A_105 = tpu.memref_squeeze %dma_start3A_104 : memref<1x80xi32, #tpu.memory_space<hbm>> -> memref<80xi32, #tpu.memory_space<hbm>>
    tpu.enqueue_dma source(%dma_start3A_105 : memref<80xi32, #tpu.memory_space<hbm>>) target(%dma_start3A_102 : memref<80xi32, #tpu.memory_space<vmem>>) target_semaphore(%dma_start3A_99 : memref<!tpu.dma_semaphore, #tpu.memory_space<semaphore_mem>>)
    %mul3A_106 = arith.constant 125 : i32
    %mul3A_107 = arith.muli %add3A, %mul3A_106 : i32
    %add3A_108 = arith.constant 2 : i32
    %add3A_109 = arith.addi %mul3A_107, %add3A_108 : i32
    %dma_start3A_110 = arith.constant 0 : i32
    %dma_start3A_111 = tpu.memref_slice %arg9[%rem3A_87, %dma_start3A_110] : memref<6x80xi32, #tpu.memory_space<vmem>> -> memref<1x80xi32, #tpu.memory_space<vmem>>
    %dma_start3A_112 = tpu.memref_squeeze %dma_start3A_111 : memref<1x80xi32, #tpu.memory_space<vmem>> -> memref<80xi32, #tpu.memory_space<vmem>>
    %dma_start3A_113 = arith.constant 0 : i32
    %dma_start3A_114 = tpu.memref_slice %arg3[%add3A_109, %dma_start3A_113] : memref<4000x80xi32, #tpu.memory_space<hbm>> -> memref<1x80xi32, #tpu.memory_space<hbm>>
    %dma_start3A_115 = tpu.memref_squeeze %dma_start3A_114 : memref<1x80xi32, #tpu.memory_space<hbm>> -> memref<80xi32, #tpu.memory_space<hbm>>
    %dma_start3A_116 = tpu.memref_slice %arg14[%rem3A_87] : memref<6x!tpu.dma_semaphore, #tpu.memory_space<semaphore_mem>> -> memref<1x!tpu.dma_semaphore, #tpu.memory_space<semaphore_mem>>
    %dma_start3A_117 = tpu.memref_squeeze %dma_start3A_116 : memref<1x!tpu.dma_semaphore, #tpu.memory_space<semaphore_mem>> -> memref<!tpu.dma_semaphore, #tpu.memory_space<semaphore_mem>>
    %dma_start3A_118 = arith.constant 0 : i32
    %dma_start3A_119 = tpu.memref_slice %arg9[%rem3A_87, %dma_start3A_118] : memref<6x80xi32, #tpu.memory_space<vmem>> -> memref<1x80xi32, #tpu.memory_space<vmem>>
    %dma_start3A_120 = tpu.memref_squeeze %dma_start3A_119 : memref<1x80xi32, #tpu.memory_space<vmem>> -> memref<80xi32, #tpu.memory_space<vmem>>
    %dma_start3A_121 = arith.constant 0 : i32
    %dma_start3A_122 = tpu.memref_slice %arg3[%add3A_109, %dma_start3A_121] : memref<4000x80xi32, #tpu.memory_space<hbm>> -> memref<1x80xi32, #tpu.memory_space<hbm>>
    %dma_start3A_123 = tpu.memref_squeeze %dma_start3A_122 : memref<1x80xi32, #tpu.memory_space<hbm>> -> memref<80xi32, #tpu.memory_space<hbm>>
    tpu.enqueue_dma source(%dma_start3A_123 : memref<80xi32, #tpu.memory_space<hbm>>) target(%dma_start3A_120 : memref<80xi32, #tpu.memory_space<vmem>>) target_semaphore(%dma_start3A_117 : memref<!tpu.dma_semaphore, #tpu.memory_space<semaphore_mem>>)
    %rem3A_124 = arith.constant 3 : i32
    %rem3A_125 = arith.constant 6 : i32
    %rem3A_126 = arith.remsi %rem3A_124, %rem3A_125 : i32
    %mul3A_127 = arith.constant 125 : i32
    %mul3A_128 = arith.muli %add3A, %mul3A_127 : i32
    %add3A_129 = arith.constant 3 : i32
    %add3A_130 = arith.addi %mul3A_128, %add3A_129 : i32
    %dma_start3A_131 = arith.constant 0 : i32
    %dma_start3A_132 = tpu.memref_slice %arg8[%rem3A_126, %dma_start3A_131] : memref<6x80xi32, #tpu.memory_space<vmem>> -> memref<1x80xi32, #tpu.memory_space<vmem>>
    %dma_start3A_133 = tpu.memref_squeeze %dma_start3A_132 : memref<1x80xi32, #tpu.memory_space<vmem>> -> memref<80xi32, #tpu.memory_space<vmem>>
    %dma_start3A_134 = arith.constant 0 : i32
    %dma_start3A_135 = tpu.memref_slice %arg2[%add3A_130, %dma_start3A_134] : memref<4000x80xi32, #tpu.memory_space<hbm>> -> memref<1x80xi32, #tpu.memory_space<hbm>>
    %dma_start3A_136 = tpu.memref_squeeze %dma_start3A_135 : memref<1x80xi32, #tpu.memory_space<hbm>> -> memref<80xi32, #tpu.memory_space<hbm>>
    %dma_start3A_137 = tpu.memref_slice %arg14[%rem3A_126] : memref<6x!tpu.dma_semaphore, #tpu.memory_space<semaphore_mem>> -> memref<1x!tpu.dma_semaphore, #tpu.memory_space<semaphore_mem>>
    %dma_start3A_138 = tpu.memref_squeeze %dma_start3A_137 : memref<1x!tpu.dma_semaphore, #tpu.memory_space<semaphore_mem>> -> memref<!tpu.dma_semaphore, #tpu.memory_space<semaphore_mem>>
    %dma_start3A_139 = arith.constant 0 : i32
    %dma_start3A_140 = tpu.memref_slice %arg8[%rem3A_126, %dma_start3A_139] : memref<6x80xi32, #tpu.memory_space<vmem>> -> memref<1x80xi32, #tpu.memory_space<vmem>>
    %dma_start3A_141 = tpu.memref_squeeze %dma_start3A_140 : memref<1x80xi32, #tpu.memory_space<vmem>> -> memref<80xi32, #tpu.memory_space<vmem>>
    %dma_start3A_142 = arith.constant 0 : i32
    %dma_start3A_143 = tpu.memref_slice %arg2[%add3A_130, %dma_start3A_142] : memref<4000x80xi32, #tpu.memory_space<hbm>> -> memref<1x80xi32, #tpu.memory_space<hbm>>
    %dma_start3A_144 = tpu.memref_squeeze %dma_start3A_143 : memref<1x80xi32, #tpu.memory_space<hbm>> -> memref<80xi32, #tpu.memory_space<hbm>>
    tpu.enqueue_dma source(%dma_start3A_144 : memref<80xi32, #tpu.memory_space<hbm>>) target(%dma_start3A_141 : memref<80xi32, #tpu.memory_space<vmem>>) target_semaphore(%dma_start3A_138 : memref<!tpu.dma_semaphore, #tpu.memory_space<semaphore_mem>>)
    %mul3A_145 = arith.constant 125 : i32
    %mul3A_146 = arith.muli %add3A, %mul3A_145 : i32
    %add3A_147 = arith.constant 3 : i32
    %add3A_148 = arith.addi %mul3A_146, %add3A_147 : i32
    %dma_start3A_149 = arith.constant 0 : i32
    %dma_start3A_150 = tpu.memref_slice %arg9[%rem3A_126, %dma_start3A_149] : memref<6x80xi32, #tpu.memory_space<vmem>> -> memref<1x80xi32, #tpu.memory_space<vmem>>
    %dma_start3A_151 = tpu.memref_squeeze %dma_start3A_150 : memref<1x80xi32, #tpu.memory_space<vmem>> -> memref<80xi32, #tpu.memory_space<vmem>>
    %dma_start3A_152 = arith.constant 0 : i32
    %dma_start3A_153 = tpu.memref_slice %arg3[%add3A_148, %dma_start3A_152] : memref<4000x80xi32, #tpu.memory_space<hbm>> -> memref<1x80xi32, #tpu.memory_space<hbm>>
    %dma_start3A_154 = tpu.memref_squeeze %dma_start3A_153 : memref<1x80xi32, #tpu.memory_space<hbm>> -> memref<80xi32, #tpu.memory_space<hbm>>
    %dma_start3A_155 = tpu.memref_slice %arg14[%rem3A_126] : memref<6x!tpu.dma_semaphore, #tpu.memory_space<semaphore_mem>> -> memref<1x!tpu.dma_semaphore, #tpu.memory_space<semaphore_mem>>
    %dma_start3A_156 = tpu.memref_squeeze %dma_start3A_155 : memref<1x!tpu.dma_semaphore, #tpu.memory_space<semaphore_mem>> -> memref<!tpu.dma_semaphore, #tpu.memory_space<semaphore_mem>>
    %dma_start3A_157 = arith.constant 0 : i32
    %dma_start3A_158 = tpu.memref_slice %arg9[%rem3A_126, %dma_start3A_157] : memref<6x80xi32, #tpu.memory_space<vmem>> -> memref<1x80xi32, #tpu.memory_space<vmem>>
    %dma_start3A_159 = tpu.memref_squeeze %dma_start3A_158 : memref<1x80xi32, #tpu.memory_space<vmem>> -> memref<80xi32, #tpu.memory_space<vmem>>
    %dma_start3A_160 = arith.constant 0 : i32
    %dma_start3A_161 = tpu.memref_slice %arg3[%add3A_148, %dma_start3A_160] : memref<4000x80xi32, #tpu.memory_space<hbm>> -> memref<1x80xi32, #tpu.memory_space<hbm>>
    %dma_start3A_162 = tpu.memref_squeeze %dma_start3A_161 : memref<1x80xi32, #tpu.memory_space<hbm>> -> memref<80xi32, #tpu.memory_space<hbm>>
    tpu.enqueue_dma source(%dma_start3A_162 : memref<80xi32, #tpu.memory_space<hbm>>) target(%dma_start3A_159 : memref<80xi32, #tpu.memory_space<vmem>>) target_semaphore(%dma_start3A_156 : memref<!tpu.dma_semaphore, #tpu.memory_space<semaphore_mem>>)
    %barrier3A = arith.constant 0 : index
    tpu.barrier barrier_id(%barrier3A)
    %rem3A_163 = arith.constant 0 : i32
    %rem3A_164 = arith.constant 6 : i32
    %rem3A_165 = arith.remsi %rem3A_163, %rem3A_164 : i32
    %dma_wait3A = arith.constant 0 : i32
    %dma_wait3A_166 = arith.constant 0 : i32
    %dma_wait3A_167 = arith.constant 0 : i32
    %dma_wait3A_168 = tpu.memref_slice %arg8[%dma_wait3A_166, %dma_wait3A_167] : memref<6x80xi32, #tpu.memory_space<vmem>> -> memref<1x80xi32, #tpu.memory_space<vmem>>
    %dma_wait3A_169 = tpu.memref_squeeze %dma_wait3A_168 : memref<1x80xi32, #tpu.memory_space<vmem>> -> memref<80xi32, #tpu.memory_space<vmem>>
    %dma_wait3A_170 = arith.constant 0 : i32
    %dma_wait3A_171 = tpu.memref_slice %arg2[%dma_wait3A, %dma_wait3A_170] : memref<4000x80xi32, #tpu.memory_space<hbm>> -> memref<1x80xi32, #tpu.memory_space<hbm>>
    %dma_wait3A_172 = tpu.memref_squeeze %dma_wait3A_171 : memref<1x80xi32, #tpu.memory_space<hbm>> -> memref<80xi32, #tpu.memory_space<hbm>>
    %dma_wait3A_173 = tpu.memref_slice %arg14[%rem3A_165] : memref<6x!tpu.dma_semaphore, #tpu.memory_space<semaphore_mem>> -> memref<1x!tpu.dma_semaphore, #tpu.memory_space<semaphore_mem>>
    %dma_wait3A_174 = tpu.memref_squeeze %dma_wait3A_173 : memref<1x!tpu.dma_semaphore, #tpu.memory_space<semaphore_mem>> -> memref<!tpu.dma_semaphore, #tpu.memory_space<semaphore_mem>>
    %dma_wait3A_175 = arith.constant 0 : i32
    %dma_wait3A_176 = tpu.memref_slice %arg8[%dma_wait3A_166, %dma_wait3A_175] : memref<6x80xi32, #tpu.memory_space<vmem>> -> memref<1x80xi32, #tpu.memory_space<vmem>>
    %dma_wait3A_177 = tpu.memref_squeeze %dma_wait3A_176 : memref<1x80xi32, #tpu.memory_space<vmem>> -> memref<80xi32, #tpu.memory_space<vmem>>
    %dma_wait3A_178 = arith.constant 0 : i32
    %dma_wait3A_179 = tpu.memref_slice %arg2[%dma_wait3A, %dma_wait3A_178] : memref<4000x80xi32, #tpu.memory_space<hbm>> -> memref<1x80xi32, #tpu.memory_space<hbm>>
    %dma_wait3A_180 = tpu.memref_squeeze %dma_wait3A_179 : memref<1x80xi32, #tpu.memory_space<hbm>> -> memref<80xi32, #tpu.memory_space<hbm>>
    tpu.wait_dma2 semaphore(%dma_wait3A_174 : memref<!tpu.dma_semaphore, #tpu.memory_space<semaphore_mem>>) src(%dma_wait3A_180 : memref<80xi32, #tpu.memory_space<hbm>>) dst(%dma_wait3A_177 : memref<80xi32, #tpu.memory_space<vmem>>)
    %dma_wait3A_181 = arith.constant 0 : i32
    %dma_wait3A_182 = arith.constant 0 : i32
    %dma_wait3A_183 = arith.constant 0 : i32
    %dma_wait3A_184 = tpu.memref_slice %arg9[%dma_wait3A_182, %dma_wait3A_183] : memref<6x80xi32, #tpu.memory_space<vmem>> -> memref<1x80xi32, #tpu.memory_space<vmem>>
    %dma_wait3A_185 = tpu.memref_squeeze %dma_wait3A_184 : memref<1x80xi32, #tpu.memory_space<vmem>> -> memref<80xi32, #tpu.memory_space<vmem>>
    %dma_wait3A_186 = arith.constant 0 : i32
    %dma_wait3A_187 = tpu.memref_slice %arg3[%dma_wait3A_181, %dma_wait3A_186] : memref<4000x80xi32, #tpu.memory_space<hbm>> -> memref<1x80xi32, #tpu.memory_space<hbm>>
    %dma_wait3A_188 = tpu.memref_squeeze %dma_wait3A_187 : memref<1x80xi32, #tpu.memory_space<hbm>> -> memref<80xi32, #tpu.memory_space<hbm>>
    %dma_wait3A_189 = tpu.memref_slice %arg14[%rem3A_165] : memref<6x!tpu.dma_semaphore, #tpu.memory_space<semaphore_mem>> -> memref<1x!tpu.dma_semaphore, #tpu.memory_space<semaphore_mem>>
    %dma_wait3A_190 = tpu.memref_squeeze %dma_wait3A_189 : memref<1x!tpu.dma_semaphore, #tpu.memory_space<semaphore_mem>> -> memref<!tpu.dma_semaphore, #tpu.memory_space<semaphore_mem>>
    %dma_wait3A_191 = arith.constant 0 : i32
    %dma_wait3A_192 = tpu.memref_slice %arg9[%dma_wait3A_182, %dma_wait3A_191] : memref<6x80xi32, #tpu.memory_space<vmem>> -> memref<1x80xi32, #tpu.memory_space<vmem>>
    %dma_wait3A_193 = tpu.memref_squeeze %dma_wait3A_192 : memref<1x80xi32, #tpu.memory_space<vmem>> -> memref<80xi32, #tpu.memory_space<vmem>>
    %dma_wait3A_194 = arith.constant 0 : i32
    %dma_wait3A_195 = tpu.memref_slice %arg3[%dma_wait3A_181, %dma_wait3A_194] : memref<4000x80xi32, #tpu.memory_space<hbm>> -> memref<1x80xi32, #tpu.memory_space<hbm>>
    %dma_wait3A_196 = tpu.memref_squeeze %dma_wait3A_195 : memref<1x80xi32, #tpu.memory_space<hbm>> -> memref<80xi32, #tpu.memory_space<hbm>>
    tpu.wait_dma2 semaphore(%dma_wait3A_190 : memref<!tpu.dma_semaphore, #tpu.memory_space<semaphore_mem>>) src(%dma_wait3A_196 : memref<80xi32, #tpu.memory_space<hbm>>) dst(%dma_wait3A_193 : memref<80xi32, #tpu.memory_space<vmem>>)
    %rem3A_197 = arith.constant 0 : i32
    %rem3A_198 = arith.constant 6 : i32
    %rem3A_199 = arith.remsi %rem3A_197, %rem3A_198 : i32
    %dma_start3A_200 = arith.constant 0 : i32
    %dma_start3A_201 = arith.constant 0 : i32
    %dma_start3A_202 = arith.constant 0 : i32
    %dma_start3A_203 = tpu.memref_slice %arg10[%dma_start3A_200, %dma_start3A_201, %dma_start3A_202] : memref<3x80x128xf32, #tpu.memory_space<vmem>> -> memref<1x80x128xf32, #tpu.memory_space<vmem>>
    %dma_start3A_204 = tpu.memref_squeeze %dma_start3A_203 : memref<1x80x128xf32, #tpu.memory_space<vmem>> -> memref<80x128xf32, #tpu.memory_space<vmem>>
    %dma_start3A_205 = arith.constant 0 : i32
    %dma_start3A_206 = tpu.memref_slice %arg8[%rem3A_199, %dma_start3A_205] : memref<6x80xi32, #tpu.memory_space<vmem>> -> memref<1x80xi32, #tpu.memory_space<vmem>>
    %dma_start3A_207 = tpu.memref_squeeze %dma_start3A_206 : memref<1x80xi32, #tpu.memory_space<vmem>> -> memref<80xi32, #tpu.memory_space<vmem>>
    %dma_start3A_208 = arith.constant 0 : i32
    %dma_start3A_209 = arith.constant 0 : i32
    %dma_start3A_210 = tpu.memref_slice %arg4[%dma_start3A_208, %dma_start3A_209] : memref<10240x128xf32, #tpu.memory_space<hbm>> -> memref<10240x128xf32, #tpu.memory_space<hbm>>
    tpu.enqueue_indirect_dma source(%dma_start3A_210 : memref<10240x128xf32, #tpu.memory_space<hbm>>) target(%dma_start3A_204 : memref<80x128xf32, #tpu.memory_space<vmem>>) offsets(%dma_start3A_207 : memref<80xi32, #tpu.memory_space<vmem>>) semaphore(%arg15 : memref<!tpu.dma_semaphore, #tpu.memory_space<semaphore_mem>>)
    %rem3A_211 = arith.constant 0 : i32
    %rem3A_212 = arith.constant 6 : i32
    %rem3A_213 = arith.remsi %rem3A_211, %rem3A_212 : i32
    %dma_start3A_214 = arith.constant 0 : i32
    %dma_start3A_215 = arith.constant 0 : i32
    %dma_start3A_216 = arith.constant 0 : i32
    %dma_start3A_217 = tpu.memref_slice %arg11[%dma_start3A_214, %dma_start3A_215, %dma_start3A_216] : memref<3x80x16xf32, #tpu.memory_space<vmem>> -> memref<1x80x16xf32, #tpu.memory_space<vmem>>
    %dma_start3A_218 = tpu.memref_squeeze %dma_start3A_217 : memref<1x80x16xf32, #tpu.memory_space<vmem>> -> memref<80x16xf32, #tpu.memory_space<vmem>>
    %dma_start3A_219 = arith.constant 0 : i32
    %dma_start3A_220 = tpu.memref_slice %arg8[%rem3A_213, %dma_start3A_219] : memref<6x80xi32, #tpu.memory_space<vmem>> -> memref<1x80xi32, #tpu.memory_space<vmem>>
    %dma_start3A_221 = tpu.memref_squeeze %dma_start3A_220 : memref<1x80xi32, #tpu.memory_space<vmem>> -> memref<80xi32, #tpu.memory_space<vmem>>
    %dma_start3A_222 = arith.constant 0 : i32
    %dma_start3A_223 = arith.constant 0 : i32
    %dma_start3A_224 = tpu.memref_slice %arg5[%dma_start3A_222, %dma_start3A_223] : memref<10240x16xf32, #tpu.memory_space<hbm>> -> memref<10240x16xf32, #tpu.memory_space<hbm>>
    tpu.enqueue_indirect_dma source(%dma_start3A_224 : memref<10240x16xf32, #tpu.memory_space<hbm>>) target(%dma_start3A_218 : memref<80x16xf32, #tpu.memory_space<vmem>>) offsets(%dma_start3A_221 : memref<80xi32, #tpu.memory_space<vmem>>) semaphore(%arg15 : memref<!tpu.dma_semaphore, #tpu.memory_space<semaphore_mem>>)
    %rem3A_225 = arith.constant 1 : i32
    %rem3A_226 = arith.constant 6 : i32
    %rem3A_227 = arith.remsi %rem3A_225, %rem3A_226 : i32
    %dma_wait3A_228 = arith.constant 0 : i32
    %dma_wait3A_229 = arith.constant 0 : i32
    %dma_wait3A_230 = arith.constant 0 : i32
    %dma_wait3A_231 = tpu.memref_slice %arg8[%dma_wait3A_229, %dma_wait3A_230] : memref<6x80xi32, #tpu.memory_space<vmem>> -> memref<1x80xi32, #tpu.memory_space<vmem>>
    %dma_wait3A_232 = tpu.memref_squeeze %dma_wait3A_231 : memref<1x80xi32, #tpu.memory_space<vmem>> -> memref<80xi32, #tpu.memory_space<vmem>>
    %dma_wait3A_233 = arith.constant 0 : i32
    %dma_wait3A_234 = tpu.memref_slice %arg2[%dma_wait3A_228, %dma_wait3A_233] : memref<4000x80xi32, #tpu.memory_space<hbm>> -> memref<1x80xi32, #tpu.memory_space<hbm>>
    %dma_wait3A_235 = tpu.memref_squeeze %dma_wait3A_234 : memref<1x80xi32, #tpu.memory_space<hbm>> -> memref<80xi32, #tpu.memory_space<hbm>>
    %dma_wait3A_236 = tpu.memref_slice %arg14[%rem3A_227] : memref<6x!tpu.dma_semaphore, #tpu.memory_space<semaphore_mem>> -> memref<1x!tpu.dma_semaphore, #tpu.memory_space<semaphore_mem>>
    %dma_wait3A_237 = tpu.memref_squeeze %dma_wait3A_236 : memref<1x!tpu.dma_semaphore, #tpu.memory_space<semaphore_mem>> -> memref<!tpu.dma_semaphore, #tpu.memory_space<semaphore_mem>>
    %dma_wait3A_238 = arith.constant 0 : i32
    %dma_wait3A_239 = tpu.memref_slice %arg8[%dma_wait3A_229, %dma_wait3A_238] : memref<6x80xi32, #tpu.memory_space<vmem>> -> memref<1x80xi32, #tpu.memory_space<vmem>>
    %dma_wait3A_240 = tpu.memref_squeeze %dma_wait3A_239 : memref<1x80xi32, #tpu.memory_space<vmem>> -> memref<80xi32, #tpu.memory_space<vmem>>
    %dma_wait3A_241 = arith.constant 0 : i32
    %dma_wait3A_242 = tpu.memref_slice %arg2[%dma_wait3A_228, %dma_wait3A_241] : memref<4000x80xi32, #tpu.memory_space<hbm>> -> memref<1x80xi32, #tpu.memory_space<hbm>>
    %dma_wait3A_243 = tpu.memref_squeeze %dma_wait3A_242 : memref<1x80xi32, #tpu.memory_space<hbm>> -> memref<80xi32, #tpu.memory_space<hbm>>
    tpu.wait_dma2 semaphore(%dma_wait3A_237 : memref<!tpu.dma_semaphore, #tpu.memory_space<semaphore_mem>>) src(%dma_wait3A_243 : memref<80xi32, #tpu.memory_space<hbm>>) dst(%dma_wait3A_240 : memref<80xi32, #tpu.memory_space<vmem>>)
    %dma_wait3A_244 = arith.constant 0 : i32
    %dma_wait3A_245 = arith.constant 0 : i32
    %dma_wait3A_246 = arith.constant 0 : i32
    %dma_wait3A_247 = tpu.memref_slice %arg9[%dma_wait3A_245, %dma_wait3A_246] : memref<6x80xi32, #tpu.memory_space<vmem>> -> memref<1x80xi32, #tpu.memory_space<vmem>>
    %dma_wait3A_248 = tpu.memref_squeeze %dma_wait3A_247 : memref<1x80xi32, #tpu.memory_space<vmem>> -> memref<80xi32, #tpu.memory_space<vmem>>
    %dma_wait3A_249 = arith.constant 0 : i32
    %dma_wait3A_250 = tpu.memref_slice %arg3[%dma_wait3A_244, %dma_wait3A_249] : memref<4000x80xi32, #tpu.memory_space<hbm>> -> memref<1x80xi32, #tpu.memory_space<hbm>>
    %dma_wait3A_251 = tpu.memref_squeeze %dma_wait3A_250 : memref<1x80xi32, #tpu.memory_space<hbm>> -> memref<80xi32, #tpu.memory_space<hbm>>
    %dma_wait3A_252 = tpu.memref_slice %arg14[%rem3A_227] : memref<6x!tpu.dma_semaphore, #tpu.memory_space<semaphore_mem>> -> memref<1x!tpu.dma_semaphore, #tpu.memory_space<semaphore_mem>>
    %dma_wait3A_253 = tpu.memref_squeeze %dma_wait3A_252 : memref<1x!tpu.dma_semaphore, #tpu.memory_space<semaphore_mem>> -> memref<!tpu.dma_semaphore, #tpu.memory_space<semaphore_mem>>
    %dma_wait3A_254 = arith.constant 0 : i32
    %dma_wait3A_255 = tpu.memref_slice %arg9[%dma_wait3A_245, %dma_wait3A_254] : memref<6x80xi32, #tpu.memory_space<vmem>> -> memref<1x80xi32, #tpu.memory_space<vmem>>
    %dma_wait3A_256 = tpu.memref_squeeze %dma_wait3A_255 : memref<1x80xi32, #tpu.memory_space<vmem>> -> memref<80xi32, #tpu.memory_space<vmem>>
    %dma_wait3A_257 = arith.constant 0 : i32
    %dma_wait3A_258 = tpu.memref_slice %arg3[%dma_wait3A_244, %dma_wait3A_257] : memref<4000x80xi32, #tpu.memory_space<hbm>> -> memref<1x80xi32, #tpu.memory_space<hbm>>
    %dma_wait3A_259 = tpu.memref_squeeze %dma_wait3A_258 : memref<1x80xi32, #tpu.memory_space<hbm>> -> memref<80xi32, #tpu.memory_space<hbm>>
    tpu.wait_dma2 semaphore(%dma_wait3A_253 : memref<!tpu.dma_semaphore, #tpu.memory_space<semaphore_mem>>) src(%dma_wait3A_259 : memref<80xi32, #tpu.memory_space<hbm>>) dst(%dma_wait3A_256 : memref<80xi32, #tpu.memory_space<vmem>>)
    %rem3A_260 = arith.constant 1 : i32
    %rem3A_261 = arith.constant 6 : i32
    %rem3A_262 = arith.remsi %rem3A_260, %rem3A_261 : i32
    %dma_start3A_263 = arith.constant 1 : i32
    %dma_start3A_264 = arith.constant 0 : i32
    %dma_start3A_265 = arith.constant 0 : i32
    %dma_start3A_266 = tpu.memref_slice %arg10[%dma_start3A_263, %dma_start3A_264, %dma_start3A_265] : memref<3x80x128xf32, #tpu.memory_space<vmem>> -> memref<1x80x128xf32, #tpu.memory_space<vmem>>
    %dma_start3A_267 = tpu.memref_squeeze %dma_start3A_266 : memref<1x80x128xf32, #tpu.memory_space<vmem>> -> memref<80x128xf32, #tpu.memory_space<vmem>>
    %dma_start3A_268 = arith.constant 0 : i32
    %dma_start3A_269 = tpu.memref_slice %arg8[%rem3A_262, %dma_start3A_268] : memref<6x80xi32, #tpu.memory_space<vmem>> -> memref<1x80xi32, #tpu.memory_space<vmem>>
    %dma_start3A_270 = tpu.memref_squeeze %dma_start3A_269 : memref<1x80xi32, #tpu.memory_space<vmem>> -> memref<80xi32, #tpu.memory_space<vmem>>
    %dma_start3A_271 = arith.constant 0 : i32
    %dma_start3A_272 = arith.constant 0 : i32
    %dma_start3A_273 = tpu.memref_slice %arg4[%dma_start3A_271, %dma_start3A_272] : memref<10240x128xf32, #tpu.memory_space<hbm>> -> memref<10240x128xf32, #tpu.memory_space<hbm>>
    tpu.enqueue_indirect_dma source(%dma_start3A_273 : memref<10240x128xf32, #tpu.memory_space<hbm>>) target(%dma_start3A_267 : memref<80x128xf32, #tpu.memory_space<vmem>>) offsets(%dma_start3A_270 : memref<80xi32, #tpu.memory_space<vmem>>) semaphore(%arg15 : memref<!tpu.dma_semaphore, #tpu.memory_space<semaphore_mem>>)
    %rem3A_274 = arith.constant 1 : i32
    %rem3A_275 = arith.constant 6 : i32
    %rem3A_276 = arith.remsi %rem3A_274, %rem3A_275 : i32
    %dma_start3A_277 = arith.constant 1 : i32
    %dma_start3A_278 = arith.constant 0 : i32
    %dma_start3A_279 = arith.constant 0 : i32
    %dma_start3A_280 = tpu.memref_slice %arg11[%dma_start3A_277, %dma_start3A_278, %dma_start3A_279] : memref<3x80x16xf32, #tpu.memory_space<vmem>> -> memref<1x80x16xf32, #tpu.memory_space<vmem>>
    %dma_start3A_281 = tpu.memref_squeeze %dma_start3A_280 : memref<1x80x16xf32, #tpu.memory_space<vmem>> -> memref<80x16xf32, #tpu.memory_space<vmem>>
    %dma_start3A_282 = arith.constant 0 : i32
    %dma_start3A_283 = tpu.memref_slice %arg8[%rem3A_276, %dma_start3A_282] : memref<6x80xi32, #tpu.memory_space<vmem>> -> memref<1x80xi32, #tpu.memory_space<vmem>>
    %dma_start3A_284 = tpu.memref_squeeze %dma_start3A_283 : memref<1x80xi32, #tpu.memory_space<vmem>> -> memref<80xi32, #tpu.memory_space<vmem>>
    %dma_start3A_285 = arith.constant 0 : i32
    %dma_start3A_286 = arith.constant 0 : i32
    %dma_start3A_287 = tpu.memref_slice %arg5[%dma_start3A_285, %dma_start3A_286] : memref<10240x16xf32, #tpu.memory_space<hbm>> -> memref<10240x16xf32, #tpu.memory_space<hbm>>
    tpu.enqueue_indirect_dma source(%dma_start3A_287 : memref<10240x16xf32, #tpu.memory_space<hbm>>) target(%dma_start3A_281 : memref<80x16xf32, #tpu.memory_space<vmem>>) offsets(%dma_start3A_284 : memref<80xi32, #tpu.memory_space<vmem>>) semaphore(%arg15 : memref<!tpu.dma_semaphore, #tpu.memory_space<semaphore_mem>>)
    %scan3A = arith.constant 0 : i32
    %scan3A_288 = arith.constant 0 : i32
    %scan3A_289 = arith.constant 125 : i32
    %scan3A_290 = arith.addi %scan3A_288, %scan3A_289 : i32
    %scan3A_291 = arith.constant 1 : i32
    scf.for %scan3A_326 = %scan3A_288 to %scan3A_290 step %scan3A_291  : i32 {
      %dma_wait3A_327 = arith.constant 0 : i32
      %dma_wait3A_328 = arith.constant 0 : i32
      %dma_wait3A_329 = arith.constant 0 : i32
      %dma_wait3A_330 = arith.constant 0 : i32
      %dma_wait3A_331 = tpu.memref_slice %arg10[%dma_wait3A_328, %dma_wait3A_329, %dma_wait3A_330] : memref<3x80x128xf32, #tpu.memory_space<vmem>> -> memref<1x80x128xf32, #tpu.memory_space<vmem>>
      %dma_wait3A_332 = tpu.memref_squeeze %dma_wait3A_331 : memref<1x80x128xf32, #tpu.memory_space<vmem>> -> memref<80x128xf32, #tpu.memory_space<vmem>>
      %dma_wait3A_333 = arith.constant 0 : i32
      %dma_wait3A_334 = tpu.memref_slice %arg8[%dma_wait3A_327, %dma_wait3A_333] : memref<6x80xi32, #tpu.memory_space<vmem>> -> memref<1x80xi32, #tpu.memory_space<vmem>>
      %dma_wait3A_335 = tpu.memref_squeeze %dma_wait3A_334 : memref<1x80xi32, #tpu.memory_space<vmem>> -> memref<80xi32, #tpu.memory_space<vmem>>
      %dma_wait3A_336 = arith.constant 0 : i32
      %dma_wait3A_337 = arith.constant 0 : i32
      %dma_wait3A_338 = tpu.memref_slice %arg4[%dma_wait3A_336, %dma_wait3A_337] : memref<10240x128xf32, #tpu.memory_space<hbm>> -> memref<10240x128xf32, #tpu.memory_space<hbm>>
      tpu.wait_indirect_dma semaphore(%arg15 : memref<!tpu.dma_semaphore, #tpu.memory_space<semaphore_mem>>) src(%dma_wait3A_338 : memref<10240x128xf32, #tpu.memory_space<hbm>>) dst(%dma_wait3A_332 : memref<80x128xf32, #tpu.memory_space<vmem>>)
      %dma_wait3A_339 = arith.constant 0 : i32
      %dma_wait3A_340 = arith.constant 0 : i32
      %dma_wait3A_341 = arith.constant 0 : i32
      %dma_wait3A_342 = arith.constant 0 : i32
      %dma_wait3A_343 = tpu.memref_slice %arg11[%dma_wait3A_340, %dma_wait3A_341, %dma_wait3A_342] : memref<3x80x16xf32, #tpu.memory_space<vmem>> -> memref<1x80x16xf32, #tpu.memory_space<vmem>>
      %dma_wait3A_344 = tpu.memref_squeeze %dma_wait3A_343 : memref<1x80x16xf32, #tpu.memory_space<vmem>> -> memref<80x16xf32, #tpu.memory_space<vmem>>
      %dma_wait3A_345 = arith.constant 0 : i32
      %dma_wait3A_346 = tpu.memref_slice %arg8[%dma_wait3A_339, %dma_wait3A_345] : memref<6x80xi32, #tpu.memory_space<vmem>> -> memref<1x80xi32, #tpu.memory_space<vmem>>
      %dma_wait3A_347 = tpu.memref_squeeze %dma_wait3A_346 : memref<1x80xi32, #tpu.memory_space<vmem>> -> memref<80xi32, #tpu.memory_space<vmem>>
      %dma_wait3A_348 = arith.constant 0 : i32
      %dma_wait3A_349 = arith.constant 0 : i32
      %dma_wait3A_350 = tpu.memref_slice %arg5[%dma_wait3A_348, %dma_wait3A_349] : memref<10240x16xf32, #tpu.memory_space<hbm>> -> memref<10240x16xf32, #tpu.memory_space<hbm>>
      tpu.wait_indirect_dma semaphore(%arg15 : memref<!tpu.dma_semaphore, #tpu.memory_space<semaphore_mem>>) src(%dma_wait3A_350 : memref<10240x16xf32, #tpu.memory_space<hbm>>) dst(%dma_wait3A_344 : memref<80x16xf32, #tpu.memory_space<vmem>>)
      %ge3A = arith.constant 1 : i32
      %ge3A_351 = arith.cmpi sge, %scan3A_326, %ge3A : i32
      %convert_element_type3A = arith.extui %ge3A_351 : i1 to i32
      %cond3A = arith.constant 0 : i32
      %cond3A_352 = arith.cmpi ne, %convert_element_type3A, %cond3A : i32
      scf.if %cond3A_352 {
        %dma_wait3A_393 = arith.constant 0 : i32
        %dma_wait3A_394 = arith.constant 0 : i32
        %dma_wait3A_395 = arith.constant 0 : i32
        %dma_wait3A_396 = arith.constant 0 : i32
        %dma_wait3A_397 = tpu.memref_slice %arg10[%dma_wait3A_393, %dma_wait3A_395, %dma_wait3A_396] : memref<3x80x128xf32, #tpu.memory_space<vmem>> -> memref<1x80x128xf32, #tpu.memory_space<vmem>>
        %dma_wait3A_398 = tpu.memref_squeeze %dma_wait3A_397 : memref<1x80x128xf32, #tpu.memory_space<vmem>> -> memref<80x128xf32, #tpu.memory_space<vmem>>
        %dma_wait3A_399 = arith.constant 0 : i32
        %dma_wait3A_400 = tpu.memref_slice %arg9[%dma_wait3A_394, %dma_wait3A_399] : memref<6x80xi32, #tpu.memory_space<vmem>> -> memref<1x80xi32, #tpu.memory_space<vmem>>
        %dma_wait3A_401 = tpu.memref_squeeze %dma_wait3A_400 : memref<1x80xi32, #tpu.memory_space<vmem>> -> memref<80xi32, #tpu.memory_space<vmem>>
        %dma_wait3A_402 = arith.constant 0 : i32
        %dma_wait3A_403 = arith.constant 0 : i32
        %dma_wait3A_404 = tpu.memref_slice %arg12[%dma_wait3A_402, %dma_wait3A_403] : memref<10240x128xf32, #tpu.memory_space<vmem_shared>> -> memref<10240x128xf32, #tpu.memory_space<vmem_shared>>
        tpu.wait_indirect_dma semaphore(%arg16 : memref<!tpu.dma_semaphore, #tpu.memory_space<semaphore_mem>>) src(%dma_wait3A_398 : memref<80x128xf32, #tpu.memory_space<vmem>>) dst(%dma_wait3A_404 : memref<10240x128xf32, #tpu.memory_space<vmem_shared>>)
        %dma_wait3A_405 = arith.constant 0 : i32
        %dma_wait3A_406 = arith.constant 0 : i32
        %dma_wait3A_407 = arith.constant 0 : i32
        %dma_wait3A_408 = arith.constant 0 : i32
        %dma_wait3A_409 = tpu.memref_slice %arg11[%dma_wait3A_405, %dma_wait3A_407, %dma_wait3A_408] : memref<3x80x16xf32, #tpu.memory_space<vmem>> -> memref<1x80x16xf32, #tpu.memory_space<vmem>>
        %dma_wait3A_410 = tpu.memref_squeeze %dma_wait3A_409 : memref<1x80x16xf32, #tpu.memory_space<vmem>> -> memref<80x16xf32, #tpu.memory_space<vmem>>
        %dma_wait3A_411 = arith.constant 0 : i32
        %dma_wait3A_412 = tpu.memref_slice %arg9[%dma_wait3A_406, %dma_wait3A_411] : memref<6x80xi32, #tpu.memory_space<vmem>> -> memref<1x80xi32, #tpu.memory_space<vmem>>
        %dma_wait3A_413 = tpu.memref_squeeze %dma_wait3A_412 : memref<1x80xi32, #tpu.memory_space<vmem>> -> memref<80xi32, #tpu.memory_space<vmem>>
        %dma_wait3A_414 = arith.constant 0 : i32
        %dma_wait3A_415 = arith.constant 0 : i32
        %dma_wait3A_416 = tpu.memref_slice %arg13[%dma_wait3A_414, %dma_wait3A_415] : memref<10240x16xf32, #tpu.memory_space<vmem_shared>> -> memref<10240x16xf32, #tpu.memory_space<vmem_shared>>
        tpu.wait_indirect_dma semaphore(%arg16 : memref<!tpu.dma_semaphore, #tpu.memory_space<semaphore_mem>>) src(%dma_wait3A_410 : memref<80x16xf32, #tpu.memory_space<vmem>>) dst(%dma_wait3A_416 : memref<10240x16xf32, #tpu.memory_space<vmem_shared>>)
      } else {
      }
      %rem3A_353 = arith.constant 3 : i32
      %rem3A_354 = arith.remsi %scan3A_326, %rem3A_353 : i32
      %rem3A_355 = arith.constant 6 : i32
      %rem3A_356 = arith.remsi %scan3A_326, %rem3A_355 : i32
      %dma_start3A_357 = arith.constant 0 : i32
      %dma_start3A_358 = arith.constant 0 : i32
      %dma_start3A_359 = tpu.memref_slice %arg10[%rem3A_354, %dma_start3A_357, %dma_start3A_358] : memref<3x80x128xf32, #tpu.memory_space<vmem>> -> memref<1x80x128xf32, #tpu.memory_space<vmem>>
      %dma_start3A_360 = tpu.memref_squeeze %dma_start3A_359 : memref<1x80x128xf32, #tpu.memory_space<vmem>> -> memref<80x128xf32, #tpu.memory_space<vmem>>
      %dma_start3A_361 = arith.constant 0 : i32
      %dma_start3A_362 = tpu.memref_slice %arg9[%rem3A_356, %dma_start3A_361] : memref<6x80xi32, #tpu.memory_space<vmem>> -> memref<1x80xi32, #tpu.memory_space<vmem>>
      %dma_start3A_363 = tpu.memref_squeeze %dma_start3A_362 : memref<1x80xi32, #tpu.memory_space<vmem>> -> memref<80xi32, #tpu.memory_space<vmem>>
      %dma_start3A_364 = arith.constant 0 : i32
      %dma_start3A_365 = arith.constant 0 : i32
      %dma_start3A_366 = tpu.memref_slice %arg12[%dma_start3A_364, %dma_start3A_365] : memref<10240x128xf32, #tpu.memory_space<vmem_shared>> -> memref<10240x128xf32, #tpu.memory_space<vmem_shared>>
      tpu.enqueue_indirect_dma source(%dma_start3A_360 : memref<80x128xf32, #tpu.memory_space<vmem>>) target(%dma_start3A_366 : memref<10240x128xf32, #tpu.memory_space<vmem_shared>>) offsets(%dma_start3A_363 : memref<80xi32, #tpu.memory_space<vmem>>) semaphore(%arg16 : memref<!tpu.dma_semaphore, #tpu.memory_space<semaphore_mem>>) {add = true}
      %rem3A_367 = arith.constant 6 : i32
      %rem3A_368 = arith.remsi %scan3A_326, %rem3A_367 : i32
      %dma_start3A_369 = arith.constant 0 : i32
      %dma_start3A_370 = arith.constant 0 : i32
      %dma_start3A_371 = tpu.memref_slice %arg11[%rem3A_354, %dma_start3A_369, %dma_start3A_370] : memref<3x80x16xf32, #tpu.memory_space<vmem>> -> memref<1x80x16xf32, #tpu.memory_space<vmem>>
      %dma_start3A_372 = tpu.memref_squeeze %dma_start3A_371 : memref<1x80x16xf32, #tpu.memory_space<vmem>> -> memref<80x16xf32, #tpu.memory_space<vmem>>
      %dma_start3A_373 = arith.constant 0 : i32
      %dma_start3A_374 = tpu.memref_slice %arg9[%rem3A_368, %dma_start3A_373] : memref<6x80xi32, #tpu.memory_space<vmem>> -> memref<1x80xi32, #tpu.memory_space<vmem>>
      %dma_start3A_375 = tpu.memref_squeeze %dma_start3A_374 : memref<1x80xi32, #tpu.memory_space<vmem>> -> memref<80xi32, #tpu.memory_space<vmem>>
      %dma_start3A_376 = arith.constant 0 : i32
      %dma_start3A_377 = arith.constant 0 : i32
      %dma_start3A_378 = tpu.memref_slice %arg13[%dma_start3A_376, %dma_start3A_377] : memref<10240x16xf32, #tpu.memory_space<vmem_shared>> -> memref<10240x16xf32, #tpu.memory_space<vmem_shared>>
      tpu.enqueue_indirect_dma source(%dma_start3A_372 : memref<80x16xf32, #tpu.memory_space<vmem>>) target(%dma_start3A_378 : memref<10240x16xf32, #tpu.memory_space<vmem_shared>>) offsets(%dma_start3A_375 : memref<80xi32, #tpu.memory_space<vmem>>) semaphore(%arg16 : memref<!tpu.dma_semaphore, #tpu.memory_space<semaphore_mem>>) {add = true}
      %add3A_379 = arith.constant 2 : i32
      %add3A_380 = arith.addi %scan3A_326, %add3A_379 : i32
      %lt3A = arith.constant 125 : i32
      %lt3A_381 = arith.cmpi slt, %add3A_380, %lt3A : i32
      %convert_element_type3A_382 = arith.extui %lt3A_381 : i1 to i32
      %cond3A_383 = arith.constant 0 : i32
      %cond3A_384 = arith.cmpi ne, %convert_element_type3A_382, %cond3A_383 : i32
      scf.if %cond3A_384 {
        %add3A_393 = arith.constant 2 : i32
        %add3A_394 = arith.addi %scan3A_326, %add3A_393 : i32
        %rem3A_395 = arith.constant 6 : i32
        %rem3A_396 = arith.remsi %add3A_394, %rem3A_395 : i32
        %dma_wait3A_397 = arith.constant 0 : i32
        %dma_wait3A_398 = arith.constant 0 : i32
        %dma_wait3A_399 = arith.constant 0 : i32
        %dma_wait3A_400 = tpu.memref_slice %arg8[%dma_wait3A_398, %dma_wait3A_399] : memref<6x80xi32, #tpu.memory_space<vmem>> -> memref<1x80xi32, #tpu.memory_space<vmem>>
        %dma_wait3A_401 = tpu.memref_squeeze %dma_wait3A_400 : memref<1x80xi32, #tpu.memory_space<vmem>> -> memref<80xi32, #tpu.memory_space<vmem>>
        %dma_wait3A_402 = arith.constant 0 : i32
        %dma_wait3A_403 = tpu.memref_slice %arg2[%dma_wait3A_397, %dma_wait3A_402] : memref<4000x80xi32, #tpu.memory_space<hbm>> -> memref<1x80xi32, #tpu.memory_space<hbm>>
        %dma_wait3A_404 = tpu.memref_squeeze %dma_wait3A_403 : memref<1x80xi32, #tpu.memory_space<hbm>> -> memref<80xi32, #tpu.memory_space<hbm>>
        %dma_wait3A_405 = tpu.memref_slice %arg14[%rem3A_396] : memref<6x!tpu.dma_semaphore, #tpu.memory_space<semaphore_mem>> -> memref<1x!tpu.dma_semaphore, #tpu.memory_space<semaphore_mem>>
        %dma_wait3A_406 = tpu.memref_squeeze %dma_wait3A_405 : memref<1x!tpu.dma_semaphore, #tpu.memory_space<semaphore_mem>> -> memref<!tpu.dma_semaphore, #tpu.memory_space<semaphore_mem>>
        %dma_wait3A_407 = arith.constant 0 : i32
        %dma_wait3A_408 = tpu.memref_slice %arg8[%dma_wait3A_398, %dma_wait3A_407] : memref<6x80xi32, #tpu.memory_space<vmem>> -> memref<1x80xi32, #tpu.memory_space<vmem>>
        %dma_wait3A_409 = tpu.memref_squeeze %dma_wait3A_408 : memref<1x80xi32, #tpu.memory_space<vmem>> -> memref<80xi32, #tpu.memory_space<vmem>>
        %dma_wait3A_410 = arith.constant 0 : i32
        %dma_wait3A_411 = tpu.memref_slice %arg2[%dma_wait3A_397, %dma_wait3A_410] : memref<4000x80xi32, #tpu.memory_space<hbm>> -> memref<1x80xi32, #tpu.memory_space<hbm>>
        %dma_wait3A_412 = tpu.memref_squeeze %dma_wait3A_411 : memref<1x80xi32, #tpu.memory_space<hbm>> -> memref<80xi32, #tpu.memory_space<hbm>>
        tpu.wait_dma2 semaphore(%dma_wait3A_406 : memref<!tpu.dma_semaphore, #tpu.memory_space<semaphore_mem>>) src(%dma_wait3A_412 : memref<80xi32, #tpu.memory_space<hbm>>) dst(%dma_wait3A_409 : memref<80xi32, #tpu.memory_space<vmem>>)
        %dma_wait3A_413 = arith.constant 0 : i32
        %dma_wait3A_414 = arith.constant 0 : i32
        %dma_wait3A_415 = arith.constant 0 : i32
        %dma_wait3A_416 = tpu.memref_slice %arg9[%dma_wait3A_414, %dma_wait3A_415] : memref<6x80xi32, #tpu.memory_space<vmem>> -> memref<1x80xi32, #tpu.memory_space<vmem>>
        %dma_wait3A_417 = tpu.memref_squeeze %dma_wait3A_416 : memref<1x80xi32, #tpu.memory_space<vmem>> -> memref<80xi32, #tpu.memory_space<vmem>>
        %dma_wait3A_418 = arith.constant 0 : i32
        %dma_wait3A_419 = tpu.memref_slice %arg3[%dma_wait3A_413, %dma_wait3A_418] : memref<4000x80xi32, #tpu.memory_space<hbm>> -> memref<1x80xi32, #tpu.memory_space<hbm>>
        %dma_wait3A_420 = tpu.memref_squeeze %dma_wait3A_419 : memref<1x80xi32, #tpu.memory_space<hbm>> -> memref<80xi32, #tpu.memory_space<hbm>>
        %dma_wait3A_421 = tpu.memref_slice %arg14[%rem3A_396] : memref<6x!tpu.dma_semaphore, #tpu.memory_space<semaphore_mem>> -> memref<1x!tpu.dma_semaphore, #tpu.memory_space<semaphore_mem>>
        %dma_wait3A_422 = tpu.memref_squeeze %dma_wait3A_421 : memref<1x!tpu.dma_semaphore, #tpu.memory_space<semaphore_mem>> -> memref<!tpu.dma_semaphore, #tpu.memory_space<semaphore_mem>>
        %dma_wait3A_423 = arith.constant 0 : i32
        %dma_wait3A_424 = tpu.memref_slice %arg9[%dma_wait3A_414, %dma_wait3A_423] : memref<6x80xi32, #tpu.memory_space<vmem>> -> memref<1x80xi32, #tpu.memory_space<vmem>>
        %dma_wait3A_425 = tpu.memref_squeeze %dma_wait3A_424 : memref<1x80xi32, #tpu.memory_space<vmem>> -> memref<80xi32, #tpu.memory_space<vmem>>
        %dma_wait3A_426 = arith.constant 0 : i32
        %dma_wait3A_427 = tpu.memref_slice %arg3[%dma_wait3A_413, %dma_wait3A_426] : memref<4000x80xi32, #tpu.memory_space<hbm>> -> memref<1x80xi32, #tpu.memory_space<hbm>>
        %dma_wait3A_428 = tpu.memref_squeeze %dma_wait3A_427 : memref<1x80xi32, #tpu.memory_space<hbm>> -> memref<80xi32, #tpu.memory_space<hbm>>
        tpu.wait_dma2 semaphore(%dma_wait3A_422 : memref<!tpu.dma_semaphore, #tpu.memory_space<semaphore_mem>>) src(%dma_wait3A_428 : memref<80xi32, #tpu.memory_space<hbm>>) dst(%dma_wait3A_425 : memref<80xi32, #tpu.memory_space<vmem>>)
        %add3A_429 = arith.constant 2 : i32
        %add3A_430 = arith.addi %scan3A_326, %add3A_429 : i32
        %add3A_431 = arith.constant 2 : i32
        %add3A_432 = arith.addi %scan3A_326, %add3A_431 : i32
        %rem3A_433 = arith.constant 3 : i32
        %rem3A_434 = arith.remsi %add3A_432, %rem3A_433 : i32
        %rem3A_435 = arith.constant 6 : i32
        %rem3A_436 = arith.remsi %add3A_430, %rem3A_435 : i32
        %dma_start3A_437 = arith.constant 0 : i32
        %dma_start3A_438 = arith.constant 0 : i32
        %dma_start3A_439 = tpu.memref_slice %arg10[%rem3A_434, %dma_start3A_437, %dma_start3A_438] : memref<3x80x128xf32, #tpu.memory_space<vmem>> -> memref<1x80x128xf32, #tpu.memory_space<vmem>>
        %dma_start3A_440 = tpu.memref_squeeze %dma_start3A_439 : memref<1x80x128xf32, #tpu.memory_space<vmem>> -> memref<80x128xf32, #tpu.memory_space<vmem>>
        %dma_start3A_441 = arith.constant 0 : i32
        %dma_start3A_442 = tpu.memref_slice %arg8[%rem3A_436, %dma_start3A_441] : memref<6x80xi32, #tpu.memory_space<vmem>> -> memref<1x80xi32, #tpu.memory_space<vmem>>
        %dma_start3A_443 = tpu.memref_squeeze %dma_start3A_442 : memref<1x80xi32, #tpu.memory_space<vmem>> -> memref<80xi32, #tpu.memory_space<vmem>>
        %dma_start3A_444 = arith.constant 0 : i32
        %dma_start3A_445 = arith.constant 0 : i32
        %dma_start3A_446 = tpu.memref_slice %arg4[%dma_start3A_444, %dma_start3A_445] : memref<10240x128xf32, #tpu.memory_space<hbm>> -> memref<10240x128xf32, #tpu.memory_space<hbm>>
        tpu.enqueue_indirect_dma source(%dma_start3A_446 : memref<10240x128xf32, #tpu.memory_space<hbm>>) target(%dma_start3A_440 : memref<80x128xf32, #tpu.memory_space<vmem>>) offsets(%dma_start3A_443 : memref<80xi32, #tpu.memory_space<vmem>>) semaphore(%arg15 : memref<!tpu.dma_semaphore, #tpu.memory_space<semaphore_mem>>)
        %rem3A_447 = arith.constant 6 : i32
        %rem3A_448 = arith.remsi %add3A_430, %rem3A_447 : i32
        %dma_start3A_449 = arith.constant 0 : i32
        %dma_start3A_450 = arith.constant 0 : i32
        %dma_start3A_451 = tpu.memref_slice %arg11[%rem3A_434, %dma_start3A_449, %dma_start3A_450] : memref<3x80x16xf32, #tpu.memory_space<vmem>> -> memref<1x80x16xf32, #tpu.memory_space<vmem>>
        %dma_start3A_452 = tpu.memref_squeeze %dma_start3A_451 : memref<1x80x16xf32, #tpu.memory_space<vmem>> -> memref<80x16xf32, #tpu.memory_space<vmem>>
        %dma_start3A_453 = arith.constant 0 : i32
        %dma_start3A_454 = tpu.memref_slice %arg8[%rem3A_448, %dma_start3A_453] : memref<6x80xi32, #tpu.memory_space<vmem>> -> memref<1x80xi32, #tpu.memory_space<vmem>>
        %dma_start3A_455 = tpu.memref_squeeze %dma_start3A_454 : memref<1x80xi32, #tpu.memory_space<vmem>> -> memref<80xi32, #tpu.memory_space<vmem>>
        %dma_start3A_456 = arith.constant 0 : i32
        %dma_start3A_457 = arith.constant 0 : i32
        %dma_start3A_458 = tpu.memref_slice %arg5[%dma_start3A_456, %dma_start3A_457] : memref<10240x16xf32, #tpu.memory_space<hbm>> -> memref<10240x16xf32, #tpu.memory_space<hbm>>
        tpu.enqueue_indirect_dma source(%dma_start3A_458 : memref<10240x16xf32, #tpu.memory_space<hbm>>) target(%dma_start3A_452 : memref<80x16xf32, #tpu.memory_space<vmem>>) offsets(%dma_start3A_455 : memref<80xi32, #tpu.memory_space<vmem>>) semaphore(%arg15 : memref<!tpu.dma_semaphore, #tpu.memory_space<semaphore_mem>>)
      } else {
      }
      %add3A_385 = arith.constant 6 : i32
      %add3A_386 = arith.addi %scan3A_326, %add3A_385 : i32
      %sub3A = arith.constant 2 : i32
      %sub3A_387 = arith.subi %add3A_386, %sub3A : i32
      %lt3A_388 = arith.constant 125 : i32
      %lt3A_389 = arith.cmpi slt, %sub3A_387, %lt3A_388 : i32
      %convert_element_type3A_390 = arith.extui %lt3A_389 : i1 to i32
      %cond3A_391 = arith.constant 0 : i32
      %cond3A_392 = arith.cmpi ne, %convert_element_type3A_390, %cond3A_391 : i32
      scf.if %cond3A_392 {
        %add3A_393 = arith.constant 6 : i32
        %add3A_394 = arith.addi %scan3A_326, %add3A_393 : i32
        %sub3A_395 = arith.constant 2 : i32
        %sub3A_396 = arith.subi %add3A_394, %sub3A_395 : i32
        %rem3A_397 = arith.constant 6 : i32
        %rem3A_398 = arith.remsi %sub3A_396, %rem3A_397 : i32
        %mul3A_399 = arith.constant 125 : i32
        %mul3A_400 = arith.muli %add3A, %mul3A_399 : i32
        %add3A_401 = arith.addi %mul3A_400, %sub3A_396 : i32
        %dma_start3A_402 = arith.constant 0 : i32
        %dma_start3A_403 = tpu.memref_slice %arg8[%rem3A_398, %dma_start3A_402] : memref<6x80xi32, #tpu.memory_space<vmem>> -> memref<1x80xi32, #tpu.memory_space<vmem>>
        %dma_start3A_404 = tpu.memref_squeeze %dma_start3A_403 : memref<1x80xi32, #tpu.memory_space<vmem>> -> memref<80xi32, #tpu.memory_space<vmem>>
        %dma_start3A_405 = arith.constant 0 : i32
        %dma_start3A_406 = tpu.memref_slice %arg2[%add3A_401, %dma_start3A_405] : memref<4000x80xi32, #tpu.memory_space<hbm>> -> memref<1x80xi32, #tpu.memory_space<hbm>>
        %dma_start3A_407 = tpu.memref_squeeze %dma_start3A_406 : memref<1x80xi32, #tpu.memory_space<hbm>> -> memref<80xi32, #tpu.memory_space<hbm>>
        %dma_start3A_408 = tpu.memref_slice %arg14[%rem3A_398] : memref<6x!tpu.dma_semaphore, #tpu.memory_space<semaphore_mem>> -> memref<1x!tpu.dma_semaphore, #tpu.memory_space<semaphore_mem>>
        %dma_start3A_409 = tpu.memref_squeeze %dma_start3A_408 : memref<1x!tpu.dma_semaphore, #tpu.memory_space<semaphore_mem>> -> memref<!tpu.dma_semaphore, #tpu.memory_space<semaphore_mem>>
        %dma_start3A_410 = arith.constant 0 : i32
        %dma_start3A_411 = tpu.memref_slice %arg8[%rem3A_398, %dma_start3A_410] : memref<6x80xi32, #tpu.memory_space<vmem>> -> memref<1x80xi32, #tpu.memory_space<vmem>>
        %dma_start3A_412 = tpu.memref_squeeze %dma_start3A_411 : memref<1x80xi32, #tpu.memory_space<vmem>> -> memref<80xi32, #tpu.memory_space<vmem>>
        %dma_start3A_413 = arith.constant 0 : i32
        %dma_start3A_414 = tpu.memref_slice %arg2[%add3A_401, %dma_start3A_413] : memref<4000x80xi32, #tpu.memory_space<hbm>> -> memref<1x80xi32, #tpu.memory_space<hbm>>
        %dma_start3A_415 = tpu.memref_squeeze %dma_start3A_414 : memref<1x80xi32, #tpu.memory_space<hbm>> -> memref<80xi32, #tpu.memory_space<hbm>>
        tpu.enqueue_dma source(%dma_start3A_415 : memref<80xi32, #tpu.memory_space<hbm>>) target(%dma_start3A_412 : memref<80xi32, #tpu.memory_space<vmem>>) target_semaphore(%dma_start3A_409 : memref<!tpu.dma_semaphore, #tpu.memory_space<semaphore_mem>>)
        %mul3A_416 = arith.constant 125 : i32
        %mul3A_417 = arith.muli %add3A, %mul3A_416 : i32
        %add3A_418 = arith.addi %mul3A_417, %sub3A_396 : i32
        %dma_start3A_419 = arith.constant 0 : i32
        %dma_start3A_420 = tpu.memref_slice %arg9[%rem3A_398, %dma_start3A_419] : memref<6x80xi32, #tpu.memory_space<vmem>> -> memref<1x80xi32, #tpu.memory_space<vmem>>
        %dma_start3A_421 = tpu.memref_squeeze %dma_start3A_420 : memref<1x80xi32, #tpu.memory_space<vmem>> -> memref<80xi32, #tpu.memory_space<vmem>>
        %dma_start3A_422 = arith.constant 0 : i32
        %dma_start3A_423 = tpu.memref_slice %arg3[%add3A_418, %dma_start3A_422] : memref<4000x80xi32, #tpu.memory_space<hbm>> -> memref<1x80xi32, #tpu.memory_space<hbm>>
        %dma_start3A_424 = tpu.memref_squeeze %dma_start3A_423 : memref<1x80xi32, #tpu.memory_space<hbm>> -> memref<80xi32, #tpu.memory_space<hbm>>
        %dma_start3A_425 = tpu.memref_slice %arg14[%rem3A_398] : memref<6x!tpu.dma_semaphore, #tpu.memory_space<semaphore_mem>> -> memref<1x!tpu.dma_semaphore, #tpu.memory_space<semaphore_mem>>
        %dma_start3A_426 = tpu.memref_squeeze %dma_start3A_425 : memref<1x!tpu.dma_semaphore, #tpu.memory_space<semaphore_mem>> -> memref<!tpu.dma_semaphore, #tpu.memory_space<semaphore_mem>>
        %dma_start3A_427 = arith.constant 0 : i32
        %dma_start3A_428 = tpu.memref_slice %arg9[%rem3A_398, %dma_start3A_427] : memref<6x80xi32, #tpu.memory_space<vmem>> -> memref<1x80xi32, #tpu.memory_space<vmem>>
        %dma_start3A_429 = tpu.memref_squeeze %dma_start3A_428 : memref<1x80xi32, #tpu.memory_space<vmem>> -> memref<80xi32, #tpu.memory_space<vmem>>
        %dma_start3A_430 = arith.constant 0 : i32
        %dma_start3A_431 = tpu.memref_slice %arg3[%add3A_418, %dma_start3A_430] : memref<4000x80xi32, #tpu.memory_space<hbm>> -> memref<1x80xi32, #tpu.memory_space<hbm>>
        %dma_start3A_432 = tpu.memref_squeeze %dma_start3A_431 : memref<1x80xi32, #tpu.memory_space<hbm>> -> memref<80xi32, #tpu.memory_space<hbm>>
        tpu.enqueue_dma source(%dma_start3A_432 : memref<80xi32, #tpu.memory_space<hbm>>) target(%dma_start3A_429 : memref<80xi32, #tpu.memory_space<vmem>>) target_semaphore(%dma_start3A_426 : memref<!tpu.dma_semaphore, #tpu.memory_space<semaphore_mem>>)
      } else {
      }
    }
    %scan3A_292 = arith.constant 125 : i32
    %dma_wait3A_293 = arith.constant 0 : i32
    %dma_wait3A_294 = arith.constant 0 : i32
    %dma_wait3A_295 = arith.constant 0 : i32
    %dma_wait3A_296 = arith.constant 0 : i32
    %dma_wait3A_297 = tpu.memref_slice %arg10[%dma_wait3A_293, %dma_wait3A_295, %dma_wait3A_296] : memref<3x80x128xf32, #tpu.memory_space<vmem>> -> memref<1x80x128xf32, #tpu.memory_space<vmem>>
    %dma_wait3A_298 = tpu.memref_squeeze %dma_wait3A_297 : memref<1x80x128xf32, #tpu.memory_space<vmem>> -> memref<80x128xf32, #tpu.memory_space<vmem>>
    %dma_wait3A_299 = arith.constant 0 : i32
    %dma_wait3A_300 = tpu.memref_slice %arg9[%dma_wait3A_294, %dma_wait3A_299] : memref<6x80xi32, #tpu.memory_space<vmem>> -> memref<1x80xi32, #tpu.memory_space<vmem>>
    %dma_wait3A_301 = tpu.memref_squeeze %dma_wait3A_300 : memref<1x80xi32, #tpu.memory_space<vmem>> -> memref<80xi32, #tpu.memory_space<vmem>>
    %dma_wait3A_302 = arith.constant 0 : i32
    %dma_wait3A_303 = arith.constant 0 : i32
    %dma_wait3A_304 = tpu.memref_slice %arg12[%dma_wait3A_302, %dma_wait3A_303] : memref<10240x128xf32, #tpu.memory_space<vmem_shared>> -> memref<10240x128xf32, #tpu.memory_space<vmem_shared>>
    tpu.wait_indirect_dma semaphore(%arg16 : memref<!tpu.dma_semaphore, #tpu.memory_space<semaphore_mem>>) src(%dma_wait3A_298 : memref<80x128xf32, #tpu.memory_space<vmem>>) dst(%dma_wait3A_304 : memref<10240x128xf32, #tpu.memory_space<vmem_shared>>)
    %dma_wait3A_305 = arith.constant 0 : i32
    %dma_wait3A_306 = arith.constant 0 : i32
    %dma_wait3A_307 = arith.constant 0 : i32
    %dma_wait3A_308 = arith.constant 0 : i32
    %dma_wait3A_309 = tpu.memref_slice %arg11[%dma_wait3A_305, %dma_wait3A_307, %dma_wait3A_308] : memref<3x80x16xf32, #tpu.memory_space<vmem>> -> memref<1x80x16xf32, #tpu.memory_space<vmem>>
    %dma_wait3A_310 = tpu.memref_squeeze %dma_wait3A_309 : memref<1x80x16xf32, #tpu.memory_space<vmem>> -> memref<80x16xf32, #tpu.memory_space<vmem>>
    %dma_wait3A_311 = arith.constant 0 : i32
    %dma_wait3A_312 = tpu.memref_slice %arg9[%dma_wait3A_306, %dma_wait3A_311] : memref<6x80xi32, #tpu.memory_space<vmem>> -> memref<1x80xi32, #tpu.memory_space<vmem>>
    %dma_wait3A_313 = tpu.memref_squeeze %dma_wait3A_312 : memref<1x80xi32, #tpu.memory_space<vmem>> -> memref<80xi32, #tpu.memory_space<vmem>>
    %dma_wait3A_314 = arith.constant 0 : i32
    %dma_wait3A_315 = arith.constant 0 : i32
    %dma_wait3A_316 = tpu.memref_slice %arg13[%dma_wait3A_314, %dma_wait3A_315] : memref<10240x16xf32, #tpu.memory_space<vmem_shared>> -> memref<10240x16xf32, #tpu.memory_space<vmem_shared>>
    tpu.wait_indirect_dma semaphore(%arg16 : memref<!tpu.dma_semaphore, #tpu.memory_space<semaphore_mem>>) src(%dma_wait3A_310 : memref<80x16xf32, #tpu.memory_space<vmem>>) dst(%dma_wait3A_316 : memref<10240x16xf32, #tpu.memory_space<vmem_shared>>)
    %barrier3A_317 = arith.constant 0 : index
    tpu.barrier barrier_id(%barrier3A_317)
    %mul3A_318 = arith.constant 640 : i32
    %mul3A_319 = arith.muli %arg1, %mul3A_318 : i32
    %mul3A_320 = arith.constant 640 : i32
    %mul3A_321 = arith.muli %arg1, %mul3A_320 : i32
    "tpu.region"() ({
      %run_scoped3A = tpu.sem_alloc : memref<!tpu.dma_semaphore, #tpu.memory_space<semaphore_mem>>
      %dma_start3A_326 = arith.constant 0 : i32
      %dma_start3A_327 = tpu.memref_slice %arg6[%arg0, %mul3A_321, %dma_start3A_326] : memref<2x10240x128xf32, #tpu.memory_space<hbm>> -> memref<1x640x128xf32, #tpu.memory_space<hbm>>
      %dma_start3A_328 = tpu.memref_squeeze %dma_start3A_327 : memref<1x640x128xf32, #tpu.memory_space<hbm>> -> memref<640x128xf32, #tpu.memory_space<hbm>>
      %dma_start3A_329 = arith.constant 0 : i32
      %dma_start3A_330 = tpu.memref_slice %arg12[%mul3A_319, %dma_start3A_329] : memref<10240x128xf32, #tpu.memory_space<vmem_shared>> -> memref<640x128xf32, #tpu.memory_space<vmem_shared>>
      tpu.enqueue_dma source(%dma_start3A_330 : memref<640x128xf32, #tpu.memory_space<vmem_shared>>) target(%dma_start3A_328 : memref<640x128xf32, #tpu.memory_space<hbm>>) target_semaphore(%run_scoped3A : memref<!tpu.dma_semaphore, #tpu.memory_space<semaphore_mem>>)
      %dma_wait3A_331 = arith.constant 0 : i32
      %dma_wait3A_332 = tpu.memref_slice %arg6[%arg0, %mul3A_321, %dma_wait3A_331] : memref<2x10240x128xf32, #tpu.memory_space<hbm>> -> memref<1x640x128xf32, #tpu.memory_space<hbm>>
      %dma_wait3A_333 = tpu.memref_squeeze %dma_wait3A_332 : memref<1x640x128xf32, #tpu.memory_space<hbm>> -> memref<640x128xf32, #tpu.memory_space<hbm>>
      %dma_wait3A_334 = arith.constant 0 : i32
      %dma_wait3A_335 = tpu.memref_slice %arg12[%mul3A_319, %dma_wait3A_334] : memref<10240x128xf32, #tpu.memory_space<vmem_shared>> -> memref<640x128xf32, #tpu.memory_space<vmem_shared>>
      tpu.wait_dma2 semaphore(%run_scoped3A : memref<!tpu.dma_semaphore, #tpu.memory_space<semaphore_mem>>) src(%dma_wait3A_335 : memref<640x128xf32, #tpu.memory_space<vmem_shared>>) dst(%dma_wait3A_333 : memref<640x128xf32, #tpu.memory_space<hbm>>)
      tpu.yield
    }) : () -> ()
    %mul3A_322 = arith.constant 640 : i32
    %mul3A_323 = arith.muli %arg1, %mul3A_322 : i32
    %mul3A_324 = arith.constant 640 : i32
    %mul3A_325 = arith.muli %arg1, %mul3A_324 : i32
    "tpu.region"() ({
      %run_scoped3A = tpu.sem_alloc : memref<!tpu.dma_semaphore, #tpu.memory_space<semaphore_mem>>
      %dma_start3A_326 = arith.constant 0 : i32
      %dma_start3A_327 = tpu.memref_slice %arg7[%arg0, %mul3A_325, %dma_start3A_326] : memref<2x10240x16xf32, #tpu.memory_space<hbm>> -> memref<1x640x16xf32, #tpu.memory_space<hbm>>
      %dma_start3A_328 = tpu.memref_squeeze %dma_start3A_327 : memref<1x640x16xf32, #tpu.memory_space<hbm>> -> memref<640x16xf32, #tpu.memory_space<hbm>>
      %dma_start3A_329 = arith.constant 0 : i32
      %dma_start3A_330 = tpu.memref_slice %arg13[%mul3A_323, %dma_start3A_329] : memref<10240x16xf32, #tpu.memory_space<vmem_shared>> -> memref<640x16xf32, #tpu.memory_space<vmem_shared>>
      tpu.enqueue_dma source(%dma_start3A_330 : memref<640x16xf32, #tpu.memory_space<vmem_shared>>) target(%dma_start3A_328 : memref<640x16xf32, #tpu.memory_space<hbm>>) target_semaphore(%run_scoped3A : memref<!tpu.dma_semaphore, #tpu.memory_space<semaphore_mem>>)
      %dma_wait3A_331 = arith.constant 0 : i32
      %dma_wait3A_332 = tpu.memref_slice %arg7[%arg0, %mul3A_325, %dma_wait3A_331] : memref<2x10240x16xf32, #tpu.memory_space<hbm>> -> memref<1x640x16xf32, #tpu.memory_space<hbm>>
      %dma_wait3A_333 = tpu.memref_squeeze %dma_wait3A_332 : memref<1x640x16xf32, #tpu.memory_space<hbm>> -> memref<640x16xf32, #tpu.memory_space<hbm>>
      %dma_wait3A_334 = arith.constant 0 : i32
      %dma_wait3A_335 = tpu.memref_slice %arg13[%mul3A_323, %dma_wait3A_334] : memref<10240x16xf32, #tpu.memory_space<vmem_shared>> -> memref<640x16xf32, #tpu.memory_space<vmem_shared>>
      tpu.wait_dma2 semaphore(%run_scoped3A : memref<!tpu.dma_semaphore, #tpu.memory_space<semaphore_mem>>) src(%dma_wait3A_335 : memref<640x16xf32, #tpu.memory_space<vmem_shared>>) dst(%dma_wait3A_333 : memref<640x16xf32, #tpu.memory_space<hbm>>)
      tpu.yield
    }) : () -> ()
    return
  }
}

module attributes {stable_mosaic.version = 14 : i64} {
  func.func @_prep_body(%arg0: i32, %arg1: memref<2x2560xf32, #tpu.memory_space<vmem>>, %arg2: memref<2560x128xf32, #tpu.memory_space<vmem>>, %arg3: memref<2560x16xf32, #tpu.memory_space<vmem>>, %arg4: memref<128x128xf32, #tpu.memory_space<vmem>>, %arg5: memref<2560x128xf32, #tpu.memory_space<vmem>>, %arg6: memref<2560x128xf32, #tpu.memory_space<vmem>>, %arg7: memref<2560x16xf32, #tpu.memory_space<vmem>>) attributes {dimension_semantics = [#tpu.dimension_semantics<arbitrary>], iteration_bounds = array<i64: 4>, scalar_prefetch = 0 : i64, scratch_operands = 0 : i64, tpu.core_type = #tpu.core_type<tc>, window_params = [{transform_indices = @transform_0, window_bounds = array<i64: 2, 2560>}, {transform_indices = @transform_1, window_bounds = array<i64: 2560, 128>}, {transform_indices = @transform_2, window_bounds = array<i64: 2560, 16>}, {pipeline_mode = #tpu.pipeline_mode<synchronous>, transform_indices = @transform_3, window_bounds = array<i64: 128, 128>}, {transform_indices = @transform_4, window_bounds = array<i64: 2560, 128>}, {transform_indices = @transform_5, window_bounds = array<i64: 2560, 128>}, {transform_indices = @transform_6, window_bounds = array<i64: 2560, 16>}]} {
    %get3A = arith.constant 0 : index
    %get3A_0 = arith.constant 0 : index
    %get3A_1 = vector.load %arg1[%get3A, %get3A_0] : memref<2x2560xf32, #tpu.memory_space<vmem>>, vector<1x2560xf32>
    %get3A_2 = vector.shape_cast %get3A_1 : vector<1x2560xf32> to vector<2560xf32>
    %get3A_3 = arith.constant 1 : index
    %get3A_4 = arith.constant 0 : index
    %get3A_5 = vector.load %arg1[%get3A_3, %get3A_4] : memref<2x2560xf32, #tpu.memory_space<vmem>>, vector<1x2560xf32>
    %get3A_6 = vector.shape_cast %get3A_5 : vector<1x2560xf32> to vector<2560xf32>
    %add3A = arith.addf %get3A_2, %get3A_6 : vector<2560xf32>
    %add3A_7 = arith.constant 1.000000e+00 : f32
    %add3A_8 = vector.broadcast %add3A_7 : f32 to vector<2560xf32>
    %add3A_9 = arith.addf %add3A, %add3A_8 : vector<2560xf32>
    %rsqrt3A = math.rsqrt %add3A_9 : vector<2560xf32>
    %broadcast_in_dim3A = vector.shape_cast %rsqrt3A : vector<2560xf32> to vector<2560x1xf32>
    %broadcast_in_dim3A_10 = vector.shape_cast %broadcast_in_dim3A : vector<2560x1xf32> to vector<2560x1xf32>
    %broadcast_in_dim3A_11 = vector.broadcast %broadcast_in_dim3A_10 : vector<2560x1xf32> to vector<2560x128xf32>
    %swap3A = arith.constant 0 : index
    %swap3A_12 = arith.constant 0 : index
    %swap3A_13 = vector.load %arg5[%swap3A, %swap3A_12] : memref<2560x128xf32, #tpu.memory_space<vmem>>, vector<2560x128xf32>
    tpu.vector_store %arg5[%swap3A, %swap3A_12], %broadcast_in_dim3A_11 {strides = array<i32>} : memref<2560x128xf32, #tpu.memory_space<vmem>>, vector<2560x128xf32>,
    %get3A_14 = arith.constant 0 : index
    %get3A_15 = arith.constant 0 : index
    %get3A_16 = vector.load %arg2[%get3A_14, %get3A_15] : memref<2560x128xf32, #tpu.memory_space<vmem>>, vector<2560x128xf32>
    %get3A_17 = arith.constant 0 : index
    %get3A_18 = arith.constant 0 : index
    %get3A_19 = vector.load %arg4[%get3A_17, %get3A_18] : memref<128x128xf32, #tpu.memory_space<vmem>>, vector<128x128xf32>
    %dot_general3A = arith.constant dense<0.000000e+00> : vector<2560x128xf32>
    %dot_general3A_20 = tpu.matmul %get3A_16, %get3A_19, %dot_general3A {dimension_numbers = #tpu.dot_dimension_numbers<[1], [0], [0], [1], [0, 0, 1, 1], [], []>, transpose_lhs_hint = false} : vector<2560x128xf32>, vector<128x128xf32>, vector<2560x128xf32> -> vector<2560x128xf32>
    %mul3A = arith.mulf %broadcast_in_dim3A_11, %dot_general3A_20 : vector<2560x128xf32>
    %swap3A_21 = arith.constant 0 : index
    %swap3A_22 = arith.constant 0 : index
    %swap3A_23 = vector.load %arg6[%swap3A_21, %swap3A_22] : memref<2560x128xf32, #tpu.memory_space<vmem>>, vector<2560x128xf32>
    tpu.vector_store %arg6[%swap3A_21, %swap3A_22], %mul3A {strides = array<i32>} : memref<2560x128xf32, #tpu.memory_space<vmem>>, vector<2560x128xf32>,
    %slice3A = vector.extract_strided_slice %broadcast_in_dim3A_11 {offsets = [0, 0], sizes = [2560, 16], strides = [1, 1]} : vector<2560x128xf32> to vector<2560x16xf32>
    %get3A_24 = arith.constant 0 : index
    %get3A_25 = arith.constant 0 : index
    %get3A_26 = vector.load %arg3[%get3A_24, %get3A_25] : memref<2560x16xf32, #tpu.memory_space<vmem>>, vector<2560x16xf32>
    %mul3A_27 = arith.mulf %slice3A, %get3A_26 : vector<2560x16xf32>
    %swap3A_28 = arith.constant 0 : index
    %swap3A_29 = arith.constant 0 : index
    %swap3A_30 = vector.load %arg7[%swap3A_28, %swap3A_29] : memref<2560x16xf32, #tpu.memory_space<vmem>>, vector<2560x16xf32>
    tpu.vector_store %arg7[%swap3A_28, %swap3A_29], %mul3A_27 {strides = array<i32>} : memref<2560x16xf32, #tpu.memory_space<vmem>>, vector<2560x16xf32>,
    return
  }
  func.func @transform_0(%arg0: i32) -> (i32, i32) {
    %c0_i32 = arith.constant 0 : i32
    %c0_i32_0 = arith.constant 0 : i32
    return %c0_i32, %arg0 : i32, i32
  }
  func.func @transform_1(%arg0: i32) -> (i32, i32) {
    %c0_i32 = arith.constant 0 : i32
    %c0_i32_0 = arith.constant 0 : i32
    return %arg0, %c0_i32 : i32, i32
  }
  func.func @transform_2(%arg0: i32) -> (i32, i32) {
    %c0_i32 = arith.constant 0 : i32
    %c0_i32_0 = arith.constant 0 : i32
    return %arg0, %c0_i32 : i32, i32
  }
  func.func @transform_3(%arg0: i32) -> (i32, i32) {
    %c0_i32 = arith.constant 0 : i32
    %c0_i32_0 = arith.constant 0 : i32
    %c0_i32_1 = arith.constant 0 : i32
    return %c0_i32, %c0_i32_0 : i32, i32
  }
  func.func @transform_4(%arg0: i32) -> (i32, i32) {
    %c0_i32 = arith.constant 0 : i32
    %c0_i32_0 = arith.constant 0 : i32
    return %arg0, %c0_i32 : i32, i32
  }
  func.func @transform_5(%arg0: i32) -> (i32, i32) {
    %c0_i32 = arith.constant 0 : i32
    %c0_i32_0 = arith.constant 0 : i32
    return %arg0, %c0_i32 : i32, i32
  }
  func.func @transform_6(%arg0: i32) -> (i32, i32) {
    %c0_i32 = arith.constant 0 : i32
    %c0_i32_0 = arith.constant 0 : i32
    return %arg0, %c0_i32 : i32, i32
  }
}

module attributes {stable_mosaic.version = 14 : i64} {
  func.func @_mid_body(%arg0: i32, %arg1: memref<2560x128xf32, #tpu.memory_space<vmem>>, %arg2: memref<2x2560x128xf32, #tpu.memory_space<vmem>>, %arg3: memref<2560x128xf32, #tpu.memory_space<vmem>>, %arg4: memref<2x2560x16xf32, #tpu.memory_space<vmem>>, %arg5: memref<2560x16xf32, #tpu.memory_space<vmem>>, %arg6: memref<16x128xf32, #tpu.memory_space<vmem>>, %arg7: memref<2x128x128xf32, #tpu.memory_space<vmem>>, %arg8: memref<1x128xf32, #tpu.memory_space<vmem>>, %arg9: memref<1x128xf32, #tpu.memory_space<vmem>>, %arg10: memref<2560x128xf32, #tpu.memory_space<vmem>>) attributes {dimension_semantics = [#tpu.dimension_semantics<arbitrary>], iteration_bounds = array<i64: 4>, scalar_prefetch = 0 : i64, scratch_operands = 0 : i64, tpu.core_type = #tpu.core_type<tc>, window_params = [{transform_indices = @transform_0, window_bounds = array<i64: 2560, 128>}, {transform_indices = @transform_1, window_bounds = array<i64: 2, 2560, 128>}, {transform_indices = @transform_2, window_bounds = array<i64: 2560, 128>}, {transform_indices = @transform_3, window_bounds = array<i64: 2, 2560, 16>}, {transform_indices = @transform_4, window_bounds = array<i64: 2560, 16>}, {pipeline_mode = #tpu.pipeline_mode<synchronous>, transform_indices = @transform_5, window_bounds = array<i64: 16, 128>}, {pipeline_mode = #tpu.pipeline_mode<synchronous>, transform_indices = @transform_6, window_bounds = array<i64: 2, 128, 128>}, {pipeline_mode = #tpu.pipeline_mode<synchronous>, transform_indices = @transform_7, window_bounds = array<i64: 1, 128>}, {pipeline_mode = #tpu.pipeline_mode<synchronous>, transform_indices = @transform_8, window_bounds = array<i64: 1, 128>}, {transform_indices = @transform_9, window_bounds = array<i64: 2560, 128>}]} {
    %get3A = arith.constant 0 : index
    %get3A_0 = arith.constant 0 : index
    %get3A_1 = vector.load %arg1[%get3A, %get3A_0] : memref<2560x128xf32, #tpu.memory_space<vmem>>, vector<2560x128xf32>
    %get3A_2 = arith.constant 0 : index
    %get3A_3 = arith.constant 0 : index
    %get3A_4 = arith.constant 0 : index
    %get3A_5 = vector.load %arg2[%get3A_2, %get3A_3, %get3A_4] : memref<2x2560x128xf32, #tpu.memory_space<vmem>>, vector<1x2560x128xf32>
    %get3A_6 = vector.shape_cast %get3A_5 : vector<1x2560x128xf32> to vector<2560x128xf32>
    %get3A_7 = arith.constant 1 : index
    %get3A_8 = arith.constant 0 : index
    %get3A_9 = arith.constant 0 : index
    %get3A_10 = vector.load %arg2[%get3A_7, %get3A_8, %get3A_9] : memref<2x2560x128xf32, #tpu.memory_space<vmem>>, vector<1x2560x128xf32>
    %get3A_11 = vector.shape_cast %get3A_10 : vector<1x2560x128xf32> to vector<2560x128xf32>
    %add3A = arith.addf %get3A_6, %get3A_11 : vector<2560x128xf32>
    %get3A_12 = arith.constant 0 : index
    %get3A_13 = arith.constant 0 : index
    %get3A_14 = vector.load %arg3[%get3A_12, %get3A_13] : memref<2560x128xf32, #tpu.memory_space<vmem>>, vector<2560x128xf32>
    %sub3A = arith.subf %add3A, %get3A_14 : vector<2560x128xf32>
    %mul3A = arith.mulf %get3A_1, %sub3A : vector<2560x128xf32>
    %get3A_15 = arith.constant 0 : index
    %get3A_16 = arith.constant 0 : index
    %get3A_17 = vector.load %arg8[%get3A_15, %get3A_16] : memref<1x128xf32, #tpu.memory_space<vmem>>, vector<1x128xf32>
    %add3A_18 = vector.broadcast %get3A_17 : vector<1x128xf32> to vector<2560x128xf32>
    %add3A_19 = arith.addf %mul3A, %add3A_18 : vector<2560x128xf32>
    %tanh3A = math.tanh %add3A_19 : vector<2560x128xf32>
    %slice3A = vector.extract_strided_slice %get3A_1 {offsets = [0, 0], sizes = [2560, 16], strides = [1, 1]} : vector<2560x128xf32> to vector<2560x16xf32>
    %get3A_20 = arith.constant 0 : index
    %get3A_21 = arith.constant 0 : index
    %get3A_22 = arith.constant 0 : index
    %get3A_23 = vector.load %arg4[%get3A_20, %get3A_21, %get3A_22] : memref<2x2560x16xf32, #tpu.memory_space<vmem>>, vector<1x2560x16xf32>
    %get3A_24 = vector.shape_cast %get3A_23 : vector<1x2560x16xf32> to vector<2560x16xf32>
    %get3A_25 = arith.constant 1 : index
    %get3A_26 = arith.constant 0 : index
    %get3A_27 = arith.constant 0 : index
    %get3A_28 = vector.load %arg4[%get3A_25, %get3A_26, %get3A_27] : memref<2x2560x16xf32, #tpu.memory_space<vmem>>, vector<1x2560x16xf32>
    %get3A_29 = vector.shape_cast %get3A_28 : vector<1x2560x16xf32> to vector<2560x16xf32>
    %add3A_30 = arith.addf %get3A_24, %get3A_29 : vector<2560x16xf32>
    %get3A_31 = arith.constant 0 : index
    %get3A_32 = arith.constant 0 : index
    %get3A_33 = vector.load %arg5[%get3A_31, %get3A_32] : memref<2560x16xf32, #tpu.memory_space<vmem>>, vector<2560x16xf32>
    %sub3A_34 = arith.subf %add3A_30, %get3A_33 : vector<2560x16xf32>
    %mul3A_35 = arith.mulf %slice3A, %sub3A_34 : vector<2560x16xf32>
    %get3A_36 = arith.constant 0 : index
    %get3A_37 = arith.constant 0 : index
    %get3A_38 = vector.load %arg6[%get3A_36, %get3A_37] : memref<16x128xf32, #tpu.memory_space<vmem>>, vector<16x128xf32>
    %dot_general3A = arith.constant dense<0.000000e+00> : vector<2560x128xf32>
    %dot_general3A_39 = tpu.matmul %mul3A_35, %get3A_38, %dot_general3A {dimension_numbers = #tpu.dot_dimension_numbers<[1], [0], [0], [1], [0, 0, 1, 1], [], []>, transpose_lhs_hint = false} : vector<2560x16xf32>, vector<16x128xf32>, vector<2560x128xf32> -> vector<2560x128xf32>
    %get3A_40 = arith.constant 0 : index
    %get3A_41 = arith.constant 0 : index
    %get3A_42 = vector.load %arg9[%get3A_40, %get3A_41] : memref<1x128xf32, #tpu.memory_space<vmem>>, vector<1x128xf32>
    %add3A_43 = vector.broadcast %get3A_42 : vector<1x128xf32> to vector<2560x128xf32>
    %add3A_44 = arith.addf %dot_general3A_39, %add3A_43 : vector<2560x128xf32>
    %tanh3A_45 = math.tanh %add3A_44 : vector<2560x128xf32>
    %get3A_46 = arith.constant 0 : index
    %get3A_47 = arith.constant 0 : index
    %get3A_48 = arith.constant 0 : index
    %get3A_49 = vector.load %arg7[%get3A_46, %get3A_47, %get3A_48] : memref<2x128x128xf32, #tpu.memory_space<vmem>>, vector<1x128x128xf32>
    %get3A_50 = vector.shape_cast %get3A_49 : vector<1x128x128xf32> to vector<128x128xf32>
    %dot_general3A_51 = arith.constant dense<0.000000e+00> : vector<2560x128xf32>
    %dot_general3A_52 = tpu.matmul %tanh3A, %get3A_50, %dot_general3A_51 {dimension_numbers = #tpu.dot_dimension_numbers<[1], [0], [0], [1], [0, 0, 1, 1], [], []>, transpose_lhs_hint = false} : vector<2560x128xf32>, vector<128x128xf32>, vector<2560x128xf32> -> vector<2560x128xf32>
    %get3A_53 = arith.constant 1 : index
    %get3A_54 = arith.constant 0 : index
    %get3A_55 = arith.constant 0 : index
    %get3A_56 = vector.load %arg7[%get3A_53, %get3A_54, %get3A_55] : memref<2x128x128xf32, #tpu.memory_space<vmem>>, vector<1x128x128xf32>
    %get3A_57 = vector.shape_cast %get3A_56 : vector<1x128x128xf32> to vector<128x128xf32>
    %dot_general3A_58 = arith.constant dense<0.000000e+00> : vector<2560x128xf32>
    %dot_general3A_59 = tpu.matmul %tanh3A_45, %get3A_57, %dot_general3A_58 {dimension_numbers = #tpu.dot_dimension_numbers<[1], [0], [0], [1], [0, 0, 1, 1], [], []>, transpose_lhs_hint = false} : vector<2560x128xf32>, vector<128x128xf32>, vector<2560x128xf32> -> vector<2560x128xf32>
    %add3A_60 = arith.addf %dot_general3A_52, %dot_general3A_59 : vector<2560x128xf32>
    %mul3A_61 = arith.mulf %get3A_1, %add3A_60 : vector<2560x128xf32>
    %swap3A = arith.constant 0 : index
    %swap3A_62 = arith.constant 0 : index
    %swap3A_63 = vector.load %arg10[%swap3A, %swap3A_62] : memref<2560x128xf32, #tpu.memory_space<vmem>>, vector<2560x128xf32>
    tpu.vector_store %arg10[%swap3A, %swap3A_62], %mul3A_61 {strides = array<i32>} : memref<2560x128xf32, #tpu.memory_space<vmem>>, vector<2560x128xf32>,
    return
  }
  func.func @transform_0(%arg0: i32) -> (i32, i32) {
    %c0_i32 = arith.constant 0 : i32
    %c0_i32_0 = arith.constant 0 : i32
    return %arg0, %c0_i32 : i32, i32
  }
  func.func @transform_1(%arg0: i32) -> (i32, i32, i32) {
    %c0_i32 = arith.constant 0 : i32
    %c0_i32_0 = arith.constant 0 : i32
    %c0_i32_1 = arith.constant 0 : i32
    return %c0_i32, %arg0, %c0_i32_0 : i32, i32, i32
  }
  func.func @transform_2(%arg0: i32) -> (i32, i32) {
    %c0_i32 = arith.constant 0 : i32
    %c0_i32_0 = arith.constant 0 : i32
    return %arg0, %c0_i32 : i32, i32
  }
  func.func @transform_3(%arg0: i32) -> (i32, i32, i32) {
    %c0_i32 = arith.constant 0 : i32
    %c0_i32_0 = arith.constant 0 : i32
    %c0_i32_1 = arith.constant 0 : i32
    return %c0_i32, %arg0, %c0_i32_0 : i32, i32, i32
  }
  func.func @transform_4(%arg0: i32) -> (i32, i32) {
    %c0_i32 = arith.constant 0 : i32
    %c0_i32_0 = arith.constant 0 : i32
    return %arg0, %c0_i32 : i32, i32
  }
  func.func @transform_5(%arg0: i32) -> (i32, i32) {
    %c0_i32 = arith.constant 0 : i32
    %c0_i32_0 = arith.constant 0 : i32
    %c0_i32_1 = arith.constant 0 : i32
    return %c0_i32, %c0_i32_0 : i32, i32
  }
  func.func @transform_6(%arg0: i32) -> (i32, i32, i32) {
    %c0_i32 = arith.constant 0 : i32
    %c0_i32_0 = arith.constant 0 : i32
    %c0_i32_1 = arith.constant 0 : i32
    %c0_i32_2 = arith.constant 0 : i32
    return %c0_i32, %c0_i32_0, %c0_i32_1 : i32, i32, i32
  }
  func.func @transform_7(%arg0: i32) -> (i32, i32) {
    %c0_i32 = arith.constant 0 : i32
    %c0_i32_0 = arith.constant 0 : i32
    %c0_i32_1 = arith.constant 0 : i32
    return %c0_i32, %c0_i32_0 : i32, i32
  }
  func.func @transform_8(%arg0: i32) -> (i32, i32) {
    %c0_i32 = arith.constant 0 : i32
    %c0_i32_0 = arith.constant 0 : i32
    %c0_i32_1 = arith.constant 0 : i32
    return %c0_i32, %c0_i32_0 : i32, i32
  }
  func.func @transform_9(%arg0: i32) -> (i32, i32) {
    %c0_i32 = arith.constant 0 : i32
    %c0_i32_0 = arith.constant 0 : i32
    return %arg0, %c0_i32 : i32, i32
  }
}

module attributes {stable_mosaic.version = 14 : i64} {
  func.func @_lat_body(%arg0: i32, %arg1: memref<2560x128xf32, #tpu.memory_space<vmem>>, %arg2: memref<2x2560x128xf32, #tpu.memory_space<vmem>>, %arg3: memref<2560x128xf32, #tpu.memory_space<vmem>>, %arg4: memref<128x64xf32, #tpu.memory_space<vmem>>, %arg5: memref<1x128xf32, #tpu.memory_space<vmem>>, %arg6: memref<2560x64xf32, #tpu.memory_space<vmem>>) attributes {dimension_semantics = [#tpu.dimension_semantics<arbitrary>], iteration_bounds = array<i64: 4>, scalar_prefetch = 0 : i64, scratch_operands = 0 : i64, tpu.core_type = #tpu.core_type<tc>, window_params = [{transform_indices = @transform_0, window_bounds = array<i64: 2560, 128>}, {transform_indices = @transform_1, window_bounds = array<i64: 2, 2560, 128>}, {transform_indices = @transform_2, window_bounds = array<i64: 2560, 128>}, {pipeline_mode = #tpu.pipeline_mode<synchronous>, transform_indices = @transform_3, window_bounds = array<i64: 128, 64>}, {pipeline_mode = #tpu.pipeline_mode<synchronous>, transform_indices = @transform_4, window_bounds = array<i64: 1, 128>}, {transform_indices = @transform_5, window_bounds = array<i64: 2560, 64>}]} {
    %get3A = arith.constant 0 : index
    %get3A_0 = arith.constant 0 : index
    %get3A_1 = vector.load %arg1[%get3A, %get3A_0] : memref<2560x128xf32, #tpu.memory_space<vmem>>, vector<2560x128xf32>
    %get3A_2 = arith.constant 0 : index
    %get3A_3 = arith.constant 0 : index
    %get3A_4 = arith.constant 0 : index
    %get3A_5 = vector.load %arg2[%get3A_2, %get3A_3, %get3A_4] : memref<2x2560x128xf32, #tpu.memory_space<vmem>>, vector<1x2560x128xf32>
    %get3A_6 = vector.shape_cast %get3A_5 : vector<1x2560x128xf32> to vector<2560x128xf32>
    %get3A_7 = arith.constant 1 : index
    %get3A_8 = arith.constant 0 : index
    %get3A_9 = arith.constant 0 : index
    %get3A_10 = vector.load %arg2[%get3A_7, %get3A_8, %get3A_9] : memref<2x2560x128xf32, #tpu.memory_space<vmem>>, vector<1x2560x128xf32>
    %get3A_11 = vector.shape_cast %get3A_10 : vector<1x2560x128xf32> to vector<2560x128xf32>
    %add3A = arith.addf %get3A_6, %get3A_11 : vector<2560x128xf32>
    %get3A_12 = arith.constant 0 : index
    %get3A_13 = arith.constant 0 : index
    %get3A_14 = vector.load %arg3[%get3A_12, %get3A_13] : memref<2560x128xf32, #tpu.memory_space<vmem>>, vector<2560x128xf32>
    %sub3A = arith.subf %add3A, %get3A_14 : vector<2560x128xf32>
    %mul3A = arith.mulf %get3A_1, %sub3A : vector<2560x128xf32>
    %get3A_15 = arith.constant 0 : index
    %get3A_16 = arith.constant 0 : index
    %get3A_17 = vector.load %arg5[%get3A_15, %get3A_16] : memref<1x128xf32, #tpu.memory_space<vmem>>, vector<1x128xf32>
    %add3A_18 = vector.broadcast %get3A_17 : vector<1x128xf32> to vector<2560x128xf32>
    %add3A_19 = arith.addf %mul3A, %add3A_18 : vector<2560x128xf32>
    %tanh3A = math.tanh %add3A_19 : vector<2560x128xf32>
    %slice3A = vector.extract_strided_slice %get3A_1 {offsets = [0, 0], sizes = [2560, 64], strides = [1, 1]} : vector<2560x128xf32> to vector<2560x64xf32>
    %get3A_20 = arith.constant 0 : index
    %get3A_21 = arith.constant 0 : index
    %get3A_22 = vector.load %arg4[%get3A_20, %get3A_21] : memref<128x64xf32, #tpu.memory_space<vmem>>, vector<128x64xf32>
    %dot_general3A = arith.constant dense<0.000000e+00> : vector<2560x64xf32>
    %dot_general3A_23 = tpu.matmul %tanh3A, %get3A_22, %dot_general3A {dimension_numbers = #tpu.dot_dimension_numbers<[1], [0], [0], [1], [0, 0, 1, 1], [], []>, transpose_lhs_hint = false} : vector<2560x128xf32>, vector<128x64xf32>, vector<2560x64xf32> -> vector<2560x64xf32>
    %mul3A_24 = arith.mulf %slice3A, %dot_general3A_23 : vector<2560x64xf32>
    %swap3A = arith.constant 0 : index
    %swap3A_25 = arith.constant 0 : index
    %swap3A_26 = vector.load %arg6[%swap3A, %swap3A_25] : memref<2560x64xf32, #tpu.memory_space<vmem>>, vector<2560x64xf32>
    tpu.vector_store %arg6[%swap3A, %swap3A_25], %mul3A_24 {strides = array<i32>} : memref<2560x64xf32, #tpu.memory_space<vmem>>, vector<2560x64xf32>,
    return
  }
  func.func @transform_0(%arg0: i32) -> (i32, i32) {
    %c0_i32 = arith.constant 0 : i32
    %c0_i32_0 = arith.constant 0 : i32
    return %arg0, %c0_i32 : i32, i32
  }
  func.func @transform_1(%arg0: i32) -> (i32, i32, i32) {
    %c0_i32 = arith.constant 0 : i32
    %c0_i32_0 = arith.constant 0 : i32
    %c0_i32_1 = arith.constant 0 : i32
    return %c0_i32, %arg0, %c0_i32_0 : i32, i32, i32
  }
  func.func @transform_2(%arg0: i32) -> (i32, i32) {
    %c0_i32 = arith.constant 0 : i32
    %c0_i32_0 = arith.constant 0 : i32
    return %arg0, %c0_i32 : i32, i32
  }
  func.func @transform_3(%arg0: i32) -> (i32, i32) {
    %c0_i32 = arith.constant 0 : i32
    %c0_i32_0 = arith.constant 0 : i32
    %c0_i32_1 = arith.constant 0 : i32
    return %c0_i32, %c0_i32_0 : i32, i32
  }
  func.func @transform_4(%arg0: i32) -> (i32, i32) {
    %c0_i32 = arith.constant 0 : i32
    %c0_i32_0 = arith.constant 0 : i32
    %c0_i32_1 = arith.constant 0 : i32
    return %c0_i32, %c0_i32_0 : i32, i32
  }
  func.func @transform_5(%arg0: i32) -> (i32, i32) {
    %c0_i32 = arith.constant 0 : i32
    %c0_i32_0 = arith.constant 0 : i32
    return %arg0, %c0_i32 : i32, i32
  }
}

module attributes {stable_mosaic.version = 14 : i64} {
  func.func @_fin_body(%arg0: i32, %arg1: memref<2560x128xf32, #tpu.memory_space<vmem>>, %arg2: memref<2x2560x64xf32, #tpu.memory_space<vmem>>, %arg3: memref<2560x64xf32, #tpu.memory_space<vmem>>, %arg4: memref<1x64xf32, #tpu.memory_space<vmem>>, %arg5: memref<2560x64xf32, #tpu.memory_space<vmem>>) attributes {dimension_semantics = [#tpu.dimension_semantics<arbitrary>], iteration_bounds = array<i64: 4>, scalar_prefetch = 0 : i64, scratch_operands = 0 : i64, tpu.core_type = #tpu.core_type<tc>, window_params = [{transform_indices = @transform_0, window_bounds = array<i64: 2560, 128>}, {transform_indices = @transform_1, window_bounds = array<i64: 2, 2560, 64>}, {transform_indices = @transform_2, window_bounds = array<i64: 2560, 64>}, {pipeline_mode = #tpu.pipeline_mode<synchronous>, transform_indices = @transform_3, window_bounds = array<i64: 1, 64>}, {transform_indices = @transform_4, window_bounds = array<i64: 2560, 64>}]} {
    %get3A = arith.constant 0 : index
    %get3A_0 = arith.constant 0 : index
    %get3A_1 = vector.load %arg1[%get3A, %get3A_0] : memref<2560x128xf32, #tpu.memory_space<vmem>>, vector<2560x64xf32>
    %get3A_2 = arith.constant 0 : index
    %get3A_3 = arith.constant 0 : index
    %get3A_4 = arith.constant 0 : index
    %get3A_5 = vector.load %arg2[%get3A_2, %get3A_3, %get3A_4] : memref<2x2560x64xf32, #tpu.memory_space<vmem>>, vector<1x2560x64xf32>
    %get3A_6 = vector.shape_cast %get3A_5 : vector<1x2560x64xf32> to vector<2560x64xf32>
    %get3A_7 = arith.constant 1 : index
    %get3A_8 = arith.constant 0 : index
    %get3A_9 = arith.constant 0 : index
    %get3A_10 = vector.load %arg2[%get3A_7, %get3A_8, %get3A_9] : memref<2x2560x64xf32, #tpu.memory_space<vmem>>, vector<1x2560x64xf32>
    %get3A_11 = vector.shape_cast %get3A_10 : vector<1x2560x64xf32> to vector<2560x64xf32>
    %add3A = arith.addf %get3A_6, %get3A_11 : vector<2560x64xf32>
    %get3A_12 = arith.constant 0 : index
    %get3A_13 = arith.constant 0 : index
    %get3A_14 = vector.load %arg3[%get3A_12, %get3A_13] : memref<2560x64xf32, #tpu.memory_space<vmem>>, vector<2560x64xf32>
    %sub3A = arith.subf %add3A, %get3A_14 : vector<2560x64xf32>
    %mul3A = arith.mulf %get3A_1, %sub3A : vector<2560x64xf32>
    %get3A_15 = arith.constant 0 : index
    %get3A_16 = arith.constant 0 : index
    %get3A_17 = vector.load %arg4[%get3A_15, %get3A_16] : memref<1x64xf32, #tpu.memory_space<vmem>>, vector<1x64xf32>
    %add3A_18 = vector.broadcast %get3A_17 : vector<1x64xf32> to vector<2560x64xf32>
    %add3A_19 = arith.addf %mul3A, %add3A_18 : vector<2560x64xf32>
    %swap3A = arith.constant 0 : index
    %swap3A_20 = arith.constant 0 : index
    %swap3A_21 = vector.load %arg5[%swap3A, %swap3A_20] : memref<2560x64xf32, #tpu.memory_space<vmem>>, vector<2560x64xf32>
    tpu.vector_store %arg5[%swap3A, %swap3A_20], %add3A_19 {strides = array<i32>} : memref<2560x64xf32, #tpu.memory_space<vmem>>, vector<2560x64xf32>,
    return
  }
  func.func @transform_0(%arg0: i32) -> (i32, i32) {
    %c0_i32 = arith.constant 0 : i32
    %c0_i32_0 = arith.constant 0 : i32
    return %arg0, %c0_i32 : i32, i32
  }
  func.func @transform_1(%arg0: i32) -> (i32, i32, i32) {
    %c0_i32 = arith.constant 0 : i32
    %c0_i32_0 = arith.constant 0 : i32
    %c0_i32_1 = arith.constant 0 : i32
    return %c0_i32, %arg0, %c0_i32_0 : i32, i32, i32
  }
  func.func @transform_2(%arg0: i32) -> (i32, i32) {
    %c0_i32 = arith.constant 0 : i32
    %c0_i32_0 = arith.constant 0 : i32
    return %arg0, %c0_i32 : i32, i32
  }
  func.func @transform_3(%arg0: i32) -> (i32, i32) {
    %c0_i32 = arith.constant 0 : i32
    %c0_i32_0 = arith.constant 0 : i32
    %c0_i32_1 = arith.constant 0 : i32
    return %c0_i32, %c0_i32_0 : i32, i32
  }
  func.func @transform_4(%arg0: i32) -> (i32, i32) {
    %c0_i32 = arith.constant 0 : i32
    %c0_i32_0 = arith.constant 0 : i32
    return %arg0, %c0_i32 : i32, i32
  }
}

</mosaic_0001>

<sc_bundles>
// kernel: kernel.10.cloned.1.call-start
scs
__scs_entry_jumppad:
0x0: {  	(pc) =	sbr.rel $0x88, $3  }
0x1: {  	(tag) =	ssettag $0x0;
	lr =	simm.s32 $0x1  }
0x2: {  	[smem:$0x3F96] =	sst lr;
	_ =	strace $0xD0000000  }
0x3: {  	_ = 	snop  }
0x4: {  	_ = 	snop  }
0x5: {  	_ = 	snop  }
0x6: {  	_ = 	snop  }
0x7: {  	_ = 	snop  }
__scs_overlays_trampoline_lowered:
0x8: {  	[smem:$0x3FA5] =	sst s0  }
0x9: {  	[smem:$0x3FA6] =	sst s1  }
0xa: {  	[smem:$0x3FA7] =	sst s2  }
0xb: {  	[smem:$0x3FA8] =	sst s3  }
0xc: {  	[smem:$0x3FA9] =	sst s4  }
0xd: {  	[smem:$0x3FAA] =	sst s5  }
0xe: {  	[smem:$0x3FAB] =	sst s6  }
0xf: {  	[smem:$0x3FAC] =	sst s7  }
0x10: {  	[smem:$0x3FAD] =	sst s8  }
0x11: {  	[smem:$0x3FAE] =	sst s9;
	s0 =	simm.s32 @!p0 $0x0  }
0x12: {  	s1 =	sld [smem:$0x3F94];
	s0 =	simm.s32 @p0 $0x1  }
0x13: {  	[smem:$0x3FAF] =	sst s0;
	s0 =	simm.s32 @!p1 $0x0  }
0x14: {  	s2 =	sld [smem:$0x3F93];
	s0 =	simm.s32 @p1 $0x1  }
0x15: {  	[smem:$0x3FB0] =	sst s0;
	s0 =	simm.s32 @!p2 $0x0  }
0x16: {  	s3 =	sld [smem:$0x3FDB];
	s0 =	simm.s32 @p2 $0x1  }
0x17: {  	s4 =	simm.s32 $0x1BF5;
	[smem:$0x3FB2] =	sst s0  }
0x18: {  	s0 =	sld [smem:$0x3F95];
	_ =	swait.ge [sflag:s4], $0x0  }
0x19: {  	s7 =	sld [smem:$0x3F96]  }
0x1a: {  	s8 =	sadd.s32 $0xFFFFE003, lr  }
0x1b: {  	s9 =	sadd.s32 $0xFFFFFEF7, lr;
	s5 =	simm.s32 $0xFFFFFFFF;
	p2 =	slt.u32 s8, $0xFFFFF086  }
0x1c: {  	p1 =	slt.u32 s9, $0xF7A;
	s5 =	simm.s32 @!p2 $0x0  }
0x1d: {  	s5 =	simm.s32 @p1 $0x1;
	p0 =	seq.s32 s7, s2  }
0x1e: {  	s7 =	smul.u32 @!p0 $0xF7A, s2;
	p2 =	seq.s32 @!p0 s5, $0x0  }
0x1f: {  	s9 =	smul.u32 $0xF7A, s1;
	s8 =	simm.s32 @!p0 $0x1BF5;
	p2 =	por !p2, p0  }
0x20: {  	[sflag:s8] =	ssyncset.s32 @!p0 $0xFFFFF086;
	s6 =	sadd.s32 @!p0 s3, s7;
	s7 =	simm.s32 @!p0 $0x108  }
0x21: {  	s3 =	sadd.s32 s3, s9;
	s6 =	sadd.s32 @!p0 $0x88, s6;
	s7 =	simm.s32 @p2 $0x1082  }
0x22: {  	[simem:s7], [sflag:s8] =	dma.local @!p0 [hbm:s6], $0xF7A  }
0x23: {  	s9 =	sor.u32 $0xD0000000, s2;
	s6 =	simm.s32 $0x108;
	_ =	swait.ge @!p0 [sflag:s8], $0x0  }
0x24: {  	s3 =	sadd.s32 $0x88, s3;
	s6 =	simm.s32 @!p1 $0x1082;
	[sflag:s4] =	ssyncset.s32 $0xFFFFF086  }
0x25: {  	[simem:s6], [sflag:s4] =	dma.local [hbm:s3], $0xF7A  }
0x26: {  	[smem:$0x3F96] =	sst s1;
	(tag) =	ssettag s2;
	_ =	strace s9  }
0x27: {  	s1 =	sld [smem:$0x3FA6]  }
0x28: {  	s2 =	sld [smem:$0x3FA7]  }
0x29: {  	s4 =	sld [smem:$0x3FA9]  }
0x2a: {  	p0 =	seq.s32 s5, $0x0;
	s5 =	sld [smem:$0x3FAA]  }
0x2b: {  	s6 =	sld [smem:$0x3FAB]  }
0x2c: {  	s7 =	sld [smem:$0x3FAC]  }
0x2d: {  	s3 =	simm.s32 $0x108;
	s8 =	sld [smem:$0x3FAD]  }
0x2e: {  	s3 =	simm.s32 @!p0 $0x1082;
	s9 =	sld [smem:$0x3FAE]  }
0x2f: {  	lr =	sadd.s32 s0, s3;
	s0 =	sld [smem:$0x3FA5]  }
0x30: {  	s3 =	sld [smem:$0x3FA8]  }
0x31: {  	[smem:$0x3FB1] =	sst s10  }
0x32: {  	s10 =	sld [smem:$0x3FAF];
	_ =	sdelay $0x3  }
0x33: {  	p0 =	seq.s32 s10, $0x1;
	s10 =	sld [smem:$0x3FB1];
	_ =	sdelay $0x3  }
0x34: {  	[smem:$0x3FB1] =	sst s10  }
0x35: {  	s10 =	sld [smem:$0x3FB0];
	_ =	sdelay $0x3  }
0x36: {  	p1 =	seq.s32 s10, $0x1;
	s10 =	sld [smem:$0x3FB1];
	_ =	sdelay $0x3  }
0x37: {  	[smem:$0x3FB1] =	sst s10  }
0x38: {  	s10 =	sld [smem:$0x3FB2]  }
0x39: {  	_ = 	snop;
	(pc) =	sbr.ind lr, $3  }
0x3a: {  	_ = 	snop  }
0x3b: {  	_ = 	snop  }
0x3c: {  	p2 =	seq.s32 s10, $0x1;
	s10 =	sld [smem:$0x3FB1]  }
0x3d: {  	_ =	shalt  }
0x3e: {  	_ =	shalt  }
0x3f: {  	_ =	shalt  }
0x40: {  	_ =	shalt  }
0x41: {  	_ =	shalt  }
0x42: {  	_ =	shalt  }
0x43: {  	_ =	shalt  }
0x44: {  	_ =	shalt  }
0x45: {  	_ =	shalt  }
0x46: {  	_ =	shalt  }
0x47: {  	_ =	shalt  }
0x48: {  	_ =	shalt  }
0x49: {  	_ =	shalt  }
0x4a: {  	_ =	shalt  }
0x4b: {  	_ =	shalt  }
0x4c: {  	_ =	shalt  }
0x4d: {  	_ =	shalt  }
0x4e: {  	_ =	shalt  }
0x4f: {  	_ =	shalt  }
0x50: {  	_ =	shalt  }
0x51: {  	_ =	shalt  }
0x52: {  	_ =	shalt  }
0x53: {  	_ =	shalt  }
0x54: {  	_ =	shalt  }
0x55: {  	_ =	shalt  }
0x56: {  	_ =	shalt  }
0x57: {  	_ =	shalt  }
0x58: {  	_ =	shalt  }
0x59: {  	_ =	shalt  }
0x5a: {  	_ =	shalt  }
0x5b: {  	_ =	shalt  }
0x5c: {  	_ =	shalt  }
0x5d: {  	_ =	shalt  }
0x5e: {  	_ =	shalt  }
0x5f: {  	_ =	shalt  }
0x60: {  	_ =	shalt  }
0x61: {  	_ =	shalt  }
0x62: {  	_ =	shalt  }
0x63: {  	_ =	shalt  }
0x64: {  	_ =	shalt  }
0x65: {  	_ =	shalt  }
0x66: {  	_ =	shalt  }
0x67: {  	_ =	shalt  }
0x68: {  	_ =	shalt  }
0x69: {  	_ =	shalt  }
0x6a: {  	_ =	shalt  }
0x6b: {  	_ =	shalt  }
0x6c: {  	_ =	shalt  }
0x6d: {  	_ =	shalt  }
0x6e: {  	_ =	shalt  }
0x6f: {  	_ =	shalt  }
0x70: {  	_ =	shalt  }
0x71: {  	_ =	shalt  }
0x72: {  	_ =	shalt  }
0x73: {  	_ =	shalt  }
0x74: {  	_ =	shalt  }
0x75: {  	_ =	shalt  }
0x76: {  	_ =	shalt  }
0x77: {  	_ =	shalt  }
0x78: {  	_ =	shalt  }
0x79: {  	_ =	shalt  }
0x7a: {  	_ =	shalt  }
0x7b: {  	_ =	shalt  }
0x7c: {  	_ =	shalt  }
0x7d: {  	_ =	shalt  }
0x7e: {  	_ =	shalt  }
0x7f: {  	_ =	shalt  }
0x80: {  	_ =	shalt  }
0x81: {  	_ =	shalt  }
0x82: {  	_ =	shalt  }
0x83: {  	_ =	shalt  }
0x84: {  	_ =	shalt  }
0x85: {  	_ =	shalt  }
0x86: {  	_ =	shalt  }
0x87: {  	_ =	shalt  }
.Lfunc_end0:
.L_simem_size_0:
called_computation_lowered:
.L_overlay_start_0:
0x88: {  	s2 =	sld [smem:$0x3FD9]  }
0x89: {  	s3 =	sld [smem:$0x3FFE];
	_ =	sdelay $0x1  }
0x8a: {  	s1 =	srdreg.scid  }
0x8b: {  	s0 =	sand.u32 $0x1, s1  }
0x8c: {  	s17 =	sshll.u32 s0, $0xA;
	s2 =	sadd.s32 s3, s2  }
0x8d: {  	s2 =	sadd.s32 s2, s17  }
0x8e: {  	[smem:$0x3FBD] =	sst s2  }
0x8f: {  	_ = 	snop  }
0x90: {  	s2 =	sld [smem:$0x3FD0];
	(tm) =	ssettm $0x1  }
0x91: {  	s18 =	sld [smem:$0x3FFB];
	_ =	sdelay $0x3  }
0x92: {  	_ =	strace s18  }
0x93: {  	s3 =	sld [smem:$0x3FFC];
	_ =	sdelay $0x3  }
0x94: {  	_ =	strace s3  }
0x95: {  	s3 =	sld [smem:$0x3FFD];
	_ =	sdelay $0x3  }
0x96: {  	_ =	strace s3  }
0x97: {  	_ =	strace $0x8FFFFFFF  }
0x98: {  	s19 =	sld [smem:$0x3FDB];
	_ =	sdelay $0x1  }
0x99: {  	s4 =	simm.s32 $_scs_section_size  }
0x9a: {  	s5 =	simm.s32 $_size__tile_overlayer_lowered;
	s6 =	simm.s32 $_tile_overlayer_lowered  }
0x9b: {  	s22 =	simm.s32 $0x1BFF;
	s21 =	sshll.u32 s6, $0x1;
	s3 =	sadd.s32 s4, s19  }
0x9c: {  	s7 =	simm.s32 $0x0;
	s20 =	sshll.u32 s5, $0x1;
	s5 =	sadd.s32 s21, s3  }
0x9d: {  	[timem:s7], [sflag:s22] =	dma.local [hbm:s5], s20  }
0x9e: {  	_ =	swait.ge [sflag:s22], s20  }
0x9f: {  	s4 =	ssub.s32 $0x0, s20;
	[sflag:s22] =	ssyncset.done $0x0  }
0xa0: {  	[sflag:s22] =	ssyncadd.s32 s4;
	_ =	sdelay $0x1  }
0xa1: {  	s23 =	simm.s32 $0x1B8B  }
0xa2: {  	_ =	swait.ge [sflag:s23], $0x1  }
0xa3: {  	[sflag:s23] =	ssyncset.done $0x0  }
0xa4: {  	s25 =	simm.s32 $0x1B8E;
	s24 =	sld [smem:$0x3FFE];
	[sflag:s23] =	ssyncadd.s32 $0xFFFFFFFF  }
0xa5: {  	s26 =	simm.s32 $execute0_lowered;
	[smem:$0x3FD2] =	sst s25  }
0xa6: {  	s5 =	sshll.u32 s26, $0x1;
	_ =	strace $0x80000046;
	[dreg:$0x1] =	wrdreg $0xFFFFFFFF  }
0xa7: {  	s28 =	simm.s32 $_size_execute0_lowered;
	s3 =	sadd.s32 s3, s5;
	[dreg:$0x0] =	wrdreg $0x0  }
0xa8: {  	s5 =	sshll.u32 s28, $0x1;
	[dreg:$0x2] =	wrdreg s3  }
0xa9: {  	[dreg:$0x3] =	wrdreg s5  }
0xaa: {  	[dreg:$0x4] =	wrdreg $0xC0  }
0xab: {  	_ =	task [dreg:s7], $0x5FFFF  }
0xac: {  	[dreg:$0x1] =	wrdreg $0xFFFFFFFF  }
0xad: {  	[dreg:$0x0] =	wrdreg $0x60  }
0xae: {  	[dreg:$0x2] =	wrdreg s24  }
0xaf: {  	[dreg:$0x3] =	wrdreg s2  }
0xb0: {  	[dreg:$0x4] =	wrdreg $0x2A580  }
0xb1: {  	[dreg:$0x5] =	wrdreg $0x9  }
0xb2: {  	_ =	task.clear_ibuf [dreg:s7], $0x6FFFF;
	_ =	strace $0x90000046  }
0xb3: {  	s29 =	simm.s32 $0x9;
	_ =	strace $0x80000048  }
0xb4: {  	_ =	swait.ge [sflag:s29], $0x1  }
0xb5: {  	[sflag:s29] =	ssyncadd.s32 $0xFFFFFFFF  }
0xb6: {  	_ =	strace $0x90000048  }
0xb7: {  	_ =	sfence  }
0xb8: {  	s30 =	sld [smem:$0x0];
	_ =	sdelay $0x2  }
0xb9: {  	s31 =	sshll.u32 s1, $0xD;
	s1 =	sshrl.u32 s1, $0x2  }
0xba: {  	s3 =	sand.u32 $0x4000, s31;
	s1 =	sadd.s32 s1, s30  }
0xbb: {  	s0 =	sor.u32 s3, s0;
	s1 =	sshll.u32 s1, $0x11  }
0xbc: {  	s0 =	sor.u32 s1, s0  }
0xbd: {  	s0 =	sadd.s32 $0x8F2B, s0  }
0xbe: {  	[sflag:s0] =	ssyncadd.remote.s32 $0x1  }
0xbf: {  	_ =	sfence.sel $0xFFFF  }
0xc0: {  	[dreg:$0x0] =	wrdreg $0xFFFFFFFF;
	(pc) =	sbr.abs _section_cstart, $3  }
0xc1: {  	[dreg:$0x1] =	wrdreg $0xFFFFFFFF  }
0xc2: {  	_ =	task.clear_ibuf [dreg:s7], $0x2FFFF;
	_ =	strace $0x9FFFFFFF  }
0xc3: {  	(tm) =	ssettm $0x7FFFFFFF  }
tec
execute0_lowered:
.L_overlay_start_1:
0x0: {  	(tag) =	ssettag $0x1  }
0x1: {  	s4 =	rddreg [dreg:$0x0]  }
0x2: {  	s1 =	srdreg.scid;
	s7 =	rddreg [dreg:$0x1]  }
0x3: {  	s0 =	stileid.u32;
	s2 =	rddreg [dreg:$0x2]  }
0x4: {  	s3 =	simm.s32 $0x0;
	s11 =	simm.s32 $0x2760;
	s12 =	simm.s32 $0x78  }
0x5: {  	s13 =	simm.s32 $0x1;
	s16 =	simm.s32 $0x0;
	s5 =	sand.u32 $0x1, s1  }
0x6: {  	s30 =	sshll.u32 s0, $0x1;
	s8 =	smul.u32 $0x280, s0;
	[smem:$0x7FF] =	sst s3  }
0x7: {  	s14 =	sshll.u32 s0, $0x6;
	s1 =	sor.u32 s5, s30;
	s9 =	smul.u32 $0x2800, s5  }
0x8: {  	s5 =	ssub.s32 $0x2, s5;
	s14 =	sor.u32 $0x1C02, s14;
	s6 =	smul.u32 $0x4EC, s1  }
0x9: {  	s1 =	rddreg [dreg:$0x3];
	_ =	strace $0x80000047;
	s10 =	sshrl.u32 s5, $0x1  }
0xa: {  	s9 =	sadd.s32 s8, s9;
	s10 =	ssub.s32 s5, s10;
	s5 =	sadd.s32 s8, s2  }
0xb: {  	s6 =	sadd.s32 s6, s4;
	s4 =	sadd.s32 $0x2C000, s4;
	s31 =	sshrl.u32 s9, $0x3  }
0xc: {  	s8 =	smax.u32 s10, $0x1;
	s9 =	simm.s32 $0x27D8;
	s10 =	simm.s32 $0x2  }
0xd: {  	v0 =	vimm.f32 $0.0e+00;
	s15 =	sshrl.u32 s5, $0x3;
	s6 =	sadd.s32 $0x18400, s6;
	s7 =	sadd.s32 s7, s31  }
.LBB2_1:
0xe: {  	[tilespmem:$0x27D8] =	vst v0  }
0xf: {  	[tilespmem:$0x27E8] =	vst v0  }
0x10: {  	[tilespmem:$0x27F8] =	vst v0  }
0x11: {  	[tilespmem:$0x2808] =	vst v0  }
0x12: {  	[tilespmem:$0x2818] =	vst v0  }
0x13: {  	[tilespmem:$0x2828] =	vst v0  }
0x14: {  	[tilespmem:$0x2838] =	vst v0  }
0x15: {  	[tilespmem:$0x2848] =	vst v0  }
0x16: {  	[tilespmem:$0x2858] =	vst v0  }
0x17: {  	[tilespmem:$0x2868] =	vst v0  }
0x18: {  	[tilespmem:$0x2878] =	vst v0  }
0x19: {  	[tilespmem:$0x2888] =	vst v0  }
0x1a: {  	[tilespmem:$0x2898] =	vst v0  }
0x1b: {  	[tilespmem:$0x28A8] =	vst v0  }
0x1c: {  	[tilespmem:$0x28B8] =	vst v0  }
0x1d: {  	[tilespmem:$0x28C8] =	vst v0  }
0x1e: {  	[tilespmem:$0x28D8] =	vst v0  }
0x1f: {  	[tilespmem:$0x28E8] =	vst v0  }
0x20: {  	[tilespmem:$0x28F8] =	vst v0  }
0x21: {  	[tilespmem:$0x2908] =	vst v0  }
0x22: {  	[tilespmem:$0x2918] =	vst v0  }
0x23: {  	[tilespmem:$0x2928] =	vst v0  }
0x24: {  	[tilespmem:$0x2938] =	vst v0  }
0x25: {  	[tilespmem:$0x2948] =	vst v0  }
0x26: {  	[tilespmem:$0x2958] =	vst v0  }
0x27: {  	[tilespmem:$0x2968] =	vst v0  }
0x28: {  	[tilespmem:$0x2978] =	vst v0  }
0x29: {  	[tilespmem:$0x2988] =	vst v0  }
0x2a: {  	[tilespmem:$0x2998] =	vst v0  }
0x2b: {  	[tilespmem:$0x29A8] =	vst v0  }
0x2c: {  	[tilespmem:$0x29B8] =	vst v0  }
0x2d: {  	[tilespmem:$0x29C8] =	vst v0  }
0x2e: {  	[tilespmem:$0x29D8] =	vst v0  }
0x2f: {  	[tilespmem:$0x29E8] =	vst v0  }
0x30: {  	[tilespmem:$0x29F8] =	vst v0  }
0x31: {  	[tilespmem:$0x2A08] =	vst v0  }
0x32: {  	[tilespmem:$0x2A18] =	vst v0  }
0x33: {  	[tilespmem:$0x2A28] =	vst v0  }
0x34: {  	[tilespmem:$0x2A38] =	vst v0  }
0x35: {  	[tilespmem:$0x2A48] =	vst v0  }
0x36: {  	[spmem:s5] =	stream.linear.scatter [tilespmem:s9], [sflag:$0x2], $0x280, $0x38;
	[tilespmem:$0x2CD8] =	vst v63  }
0x37: {  	_ =	swait.ge [sflag:s10], $0x280  }
0x38: {  	[sflag:s10] =	ssyncset.done $0x0  }
0x39: {  	[sflag:s10] =	ssyncadd.s32 $0xFFFFFD80  }
0x3a: {  	[tilespmem:s11], [sflag:$0x2] =	stream.linear.gather [hbm4b:s4+s3], $0x78, $0x38;
	[tilespmem:$0x2CD8] =	vst v63  }
0x3b: {  	_ =	swait.ge [sflag:s10], $0x78  }
0x3c: {  	[sflag:s10] =	ssyncset.done $0x0  }
0x3d: {  	[sflag:s10] =	ssyncadd.s32 $0xFFFFFF88  }
0x3e: {  	[tilespmem:s3], [sflag:$0x2] =	stream.linear.gather [hbm4b:s6+s3], $0x2760, $0x38;
	[tilespmem:$0x2CD8] =	vst v63  }
0x3f: {  	_ =	swait.ge [sflag:s10], $0x2760  }
0x40: {  	[sflag:s10] =	ssyncset.done $0x0  }
0x41: {  	[sflag:s10] =	ssyncadd.s32 $0xFFFFD8A0  }
0x42: {  	s17 =	simm.s32 $0x0;
	[bflag:$0x0] =	sbarrier.arrive $0xFFFF  }
.LBB2_2:
0x43: {  	p0 =	sne.s32 s17, $0x9BA0  }
.Ltmp0:
0x44: {  	_ = 	snop;
	(pc) =	sbr.rel @p0 .LBB2_2-.Ltmp0, $3  }
0x45: {  	_ =	sdelay $0x1  }
0x46: {  	s18 =	sshra.s32 s17, $0x2;
	s17 =	sadd.s32 $0x1E0, s17  }
0x47: {  	[spmem:s2] =	stream.indirect.scatter.add.f32 [tilespmem:s11], [sflag:$0x1], $0x1, s18, s12, $0xb8;
	[tilespmem:$0x2CD8] =	vst v63  }
0x48: {  	_ =	swait.ge [sflag:s13], $0x78  }
0x49: {  	s17 =	simm.s32 $0x53;
	[sflag:s13] =	ssyncset.done $0x0  }
.LBB2_4:
0x4a: {  	p0 =	sne.s32 s17, $0x1;
	s17 =	sadd.s32 $0xFFFFFFFF, s17;
	[sflag:s13] =	ssyncadd.s32 $0xFFFFFF88  }
.Ltmp1:
0x4b: {  	(pc) =	sbr.rel @p0 .LBB2_4-.Ltmp1, $3  }
0x4c: {  	_ =	sdelay $0x1  }
0x4d: {  	_ =	swait.ge [sflag:s13], $0x78  }
0x4e: {  	[sflag:s13] =	ssyncset.done $0x0  }
0x4f: {  	s16 =	sadd.s32 $0x1, s16  }
0x50: {  	[sflag:s13] =	ssyncadd.s32 $0xFFFFFF88;
	p0 =	sne.s32 s16, s8  }
.Ltmp2:
0x51: {  	[bflag:$0x0] =	sbarrier.arrive $0xFFFF;
	(pc) =	sbr.rel @p0 .LBB2_1-.Ltmp2, $4  }
0x52: {  	[hbm:s7], [sflag:s14] =	dma.local [spmem:s15], $0x50  }
0x53: {  	_ =	swait.ge [sflag:s10], $0x50  }
0x54: {  	[sflag:s10] =	ssyncset.done $0x0  }
0x55: {  	[sflag:s10] =	ssyncadd.s32 $0xFFFFFFB0  }
0x56: {  	_ =	sfence.sel $0x180000  }
0x57: {  	[bflag:$0x0] =	sbarrier.arrive $0xFFFF  }
0x58: {  	p0 =	sne.s32 s0, $0x0;
	_ =	strace $0x90000047  }
0x59: {  	s0 =	sadd.s32 @!p0 $0x100000, s1;
	[bflag:$0x2] =	sbarrier.arrive $0xFFFF  }
0x5a: {  	[sflag:s0] =	ssyncadd.tile.s32 @!p0 $0x1;
	_ =	shalt  }
.Lfunc_end2:
_tile_overlayer_lowered:
.L_overlay_start_2:
0x5b: {  	(tag) =	ssettag $0x2  }
0x5c: {  	s0 =	rddreg [dreg:$0x0];
	s2 =	stileid.u32  }
0x5d: {  	s1 =	rddreg [dreg:$0x1];
	p0 =	sne.s32 s2, $0x0  }
0x5e: {  	s3 =	rddreg [dreg:$0x2];
	[bflag:$0x3] =	sbarrier.arrive $0xFFFF;
	s2 =	simm.s32 @!p0 $0x1C02  }
0x5f: {  	[timem:s3], [sflag:s2] =	dma.local @!p0 [hbm:s0], s1  }
0x60: {  	s0 =	simm.s32 @!p0 $0x2  }
0x61: {  	_ =	swait.ge @!p0 [sflag:s0], s1  }
0x62: {  	s1 =	ssub.s32 @!p0 $0x0, s1;
	[sflag:s0] =	ssyncset.done @!p0 $0x0  }
0x63: {  	[sflag:s0] =	ssyncadd.s32 @!p0 s1  }
0x64: {  	[bflag:$0x3] =	sbarrier.arrive $0xFFFF  }
0x65: {  	_ =	shalt  }

// kernel: kernel.13.cloned.1.call-start
scs
__scs_entry_jumppad:
0x0: {  	(pc) =	sbr.rel $0x88, $3  }
0x1: {  	(tag) =	ssettag $0x0;
	lr =	simm.s32 $0x1  }
0x2: {  	[smem:$0x3F96] =	sst lr;
	_ =	strace $0xD0000000  }
0x3: {  	_ = 	snop  }
0x4: {  	_ = 	snop  }
0x5: {  	_ = 	snop  }
0x6: {  	_ = 	snop  }
0x7: {  	_ = 	snop  }
__scs_overlays_trampoline_lowered:
0x8: {  	[smem:$0x3FA5] =	sst s0  }
0x9: {  	[smem:$0x3FA6] =	sst s1  }
0xa: {  	[smem:$0x3FA7] =	sst s2  }
0xb: {  	[smem:$0x3FA8] =	sst s3  }
0xc: {  	[smem:$0x3FA9] =	sst s4  }
0xd: {  	[smem:$0x3FAA] =	sst s5  }
0xe: {  	[smem:$0x3FAB] =	sst s6  }
0xf: {  	[smem:$0x3FAC] =	sst s7  }
0x10: {  	[smem:$0x3FAD] =	sst s8  }
0x11: {  	[smem:$0x3FAE] =	sst s9;
	s0 =	simm.s32 @!p0 $0x0  }
0x12: {  	s1 =	sld [smem:$0x3F94];
	s0 =	simm.s32 @p0 $0x1  }
0x13: {  	[smem:$0x3FAF] =	sst s0;
	s0 =	simm.s32 @!p1 $0x0  }
0x14: {  	s2 =	sld [smem:$0x3F93];
	s0 =	simm.s32 @p1 $0x1  }
0x15: {  	[smem:$0x3FB0] =	sst s0;
	s0 =	simm.s32 @!p2 $0x0  }
0x16: {  	s3 =	sld [smem:$0x3FDB];
	s0 =	simm.s32 @p2 $0x1  }
0x17: {  	s4 =	simm.s32 $0x1BF5;
	[smem:$0x3FB2] =	sst s0  }
0x18: {  	s0 =	sld [smem:$0x3F95];
	_ =	swait.ge [sflag:s4], $0x0  }
0x19: {  	s7 =	sld [smem:$0x3F96]  }
0x1a: {  	s8 =	sadd.s32 $0xFFFFE003, lr  }
0x1b: {  	s9 =	sadd.s32 $0xFFFFFEF7, lr;
	s5 =	simm.s32 $0xFFFFFFFF;
	p2 =	slt.u32 s8, $0xFFFFF086  }
0x1c: {  	p1 =	slt.u32 s9, $0xF7A;
	s5 =	simm.s32 @!p2 $0x0  }
0x1d: {  	s5 =	simm.s32 @p1 $0x1;
	p0 =	seq.s32 s7, s2  }
0x1e: {  	s7 =	smul.u32 @!p0 $0xF7A, s2;
	p2 =	seq.s32 @!p0 s5, $0x0  }
0x1f: {  	s9 =	smul.u32 $0xF7A, s1;
	s8 =	simm.s32 @!p0 $0x1BF5;
	p2 =	por !p2, p0  }
0x20: {  	[sflag:s8] =	ssyncset.s32 @!p0 $0xFFFFF086;
	s6 =	sadd.s32 @!p0 s3, s7;
	s7 =	simm.s32 @!p0 $0x108  }
0x21: {  	s3 =	sadd.s32 s3, s9;
	s6 =	sadd.s32 @!p0 $0x88, s6;
	s7 =	simm.s32 @p2 $0x1082  }
0x22: {  	[simem:s7], [sflag:s8] =	dma.local @!p0 [hbm:s6], $0xF7A  }
0x23: {  	s9 =	sor.u32 $0xD0000000, s2;
	s6 =	simm.s32 $0x108;
	_ =	swait.ge @!p0 [sflag:s8], $0x0  }
0x24: {  	s3 =	sadd.s32 $0x88, s3;
	s6 =	simm.s32 @!p1 $0x1082;
	[sflag:s4] =	ssyncset.s32 $0xFFFFF086  }
0x25: {  	[simem:s6], [sflag:s4] =	dma.local [hbm:s3], $0xF7A  }
0x26: {  	[smem:$0x3F96] =	sst s1;
	(tag) =	ssettag s2;
	_ =	strace s9  }
0x27: {  	s1 =	sld [smem:$0x3FA6]  }
0x28: {  	s2 =	sld [smem:$0x3FA7]  }
0x29: {  	s4 =	sld [smem:$0x3FA9]  }
0x2a: {  	p0 =	seq.s32 s5, $0x0;
	s5 =	sld [smem:$0x3FAA]  }
0x2b: {  	s6 =	sld [smem:$0x3FAB]  }
0x2c: {  	s7 =	sld [smem:$0x3FAC]  }
0x2d: {  	s3 =	simm.s32 $0x108;
	s8 =	sld [smem:$0x3FAD]  }
0x2e: {  	s3 =	simm.s32 @!p0 $0x1082;
	s9 =	sld [smem:$0x3FAE]  }
0x2f: {  	lr =	sadd.s32 s0, s3;
	s0 =	sld [smem:$0x3FA5]  }
0x30: {  	s3 =	sld [smem:$0x3FA8]  }
0x31: {  	[smem:$0x3FB1] =	sst s10  }
0x32: {  	s10 =	sld [smem:$0x3FAF];
	_ =	sdelay $0x3  }
0x33: {  	p0 =	seq.s32 s10, $0x1;
	s10 =	sld [smem:$0x3FB1];
	_ =	sdelay $0x3  }
0x34: {  	[smem:$0x3FB1] =	sst s10  }
0x35: {  	s10 =	sld [smem:$0x3FB0];
	_ =	sdelay $0x3  }
0x36: {  	p1 =	seq.s32 s10, $0x1;
	s10 =	sld [smem:$0x3FB1];
	_ =	sdelay $0x3  }
0x37: {  	[smem:$0x3FB1] =	sst s10  }
0x38: {  	s10 =	sld [smem:$0x3FB2]  }
0x39: {  	_ = 	snop;
	(pc) =	sbr.ind lr, $3  }
0x3a: {  	_ = 	snop  }
0x3b: {  	_ = 	snop  }
0x3c: {  	p2 =	seq.s32 s10, $0x1;
	s10 =	sld [smem:$0x3FB1]  }
0x3d: {  	_ =	shalt  }
0x3e: {  	_ =	shalt  }
0x3f: {  	_ =	shalt  }
0x40: {  	_ =	shalt  }
0x41: {  	_ =	shalt  }
0x42: {  	_ =	shalt  }
0x43: {  	_ =	shalt  }
0x44: {  	_ =	shalt  }
0x45: {  	_ =	shalt  }
0x46: {  	_ =	shalt  }
0x47: {  	_ =	shalt  }
0x48: {  	_ =	shalt  }
0x49: {  	_ =	shalt  }
0x4a: {  	_ =	shalt  }
0x4b: {  	_ =	shalt  }
0x4c: {  	_ =	shalt  }
0x4d: {  	_ =	shalt  }
0x4e: {  	_ =	shalt  }
0x4f: {  	_ =	shalt  }
0x50: {  	_ =	shalt  }
0x51: {  	_ =	shalt  }
0x52: {  	_ =	shalt  }
0x53: {  	_ =	shalt  }
0x54: {  	_ =	shalt  }
0x55: {  	_ =	shalt  }
0x56: {  	_ =	shalt  }
0x57: {  	_ =	shalt  }
0x58: {  	_ =	shalt  }
0x59: {  	_ =	shalt  }
0x5a: {  	_ =	shalt  }
0x5b: {  	_ =	shalt  }
0x5c: {  	_ =	shalt  }
0x5d: {  	_ =	shalt  }
0x5e: {  	_ =	shalt  }
0x5f: {  	_ =	shalt  }
0x60: {  	_ =	shalt  }
0x61: {  	_ =	shalt  }
0x62: {  	_ =	shalt  }
0x63: {  	_ =	shalt  }
0x64: {  	_ =	shalt  }
0x65: {  	_ =	shalt  }
0x66: {  	_ =	shalt  }
0x67: {  	_ =	shalt  }
0x68: {  	_ =	shalt  }
0x69: {  	_ =	shalt  }
0x6a: {  	_ =	shalt  }
0x6b: {  	_ =	shalt  }
0x6c: {  	_ =	shalt  }
0x6d: {  	_ =	shalt  }
0x6e: {  	_ =	shalt  }
0x6f: {  	_ =	shalt  }
0x70: {  	_ =	shalt  }
0x71: {  	_ =	shalt  }
0x72: {  	_ =	shalt  }
0x73: {  	_ =	shalt  }
0x74: {  	_ =	shalt  }
0x75: {  	_ =	shalt  }
0x76: {  	_ =	shalt  }
0x77: {  	_ =	shalt  }
0x78: {  	_ =	shalt  }
0x79: {  	_ =	shalt  }
0x7a: {  	_ =	shalt  }
0x7b: {  	_ =	shalt  }
0x7c: {  	_ =	shalt  }
0x7d: {  	_ =	shalt  }
0x7e: {  	_ =	shalt  }
0x7f: {  	_ =	shalt  }
0x80: {  	_ =	shalt  }
0x81: {  	_ =	shalt  }
0x82: {  	_ =	shalt  }
0x83: {  	_ =	shalt  }
0x84: {  	_ =	shalt  }
0x85: {  	_ =	shalt  }
0x86: {  	_ =	shalt  }
0x87: {  	_ =	shalt  }
.Lfunc_end0:
.L_simem_size_0:
called_computation.1_lowered:
.L_overlay_start_0:
0x88: {  	s2 =	sld [smem:$0x3FD9]  }
0x89: {  	s3 =	sld [smem:$0x3FFE];
	_ =	sdelay $0x1  }
0x8a: {  	s1 =	srdreg.scid  }
0x8b: {  	s0 =	sand.u32 $0x1, s1  }
0x8c: {  	s16 =	sshll.u32 s0, $0xA;
	s2 =	sadd.s32 s3, s2  }
0x8d: {  	s2 =	sadd.s32 s2, s16  }
0x8e: {  	[smem:$0x3FBD] =	sst s2  }
0x8f: {  	_ = 	snop  }
0x90: {  	(tm) =	ssettm $0x1  }
0x91: {  	s17 =	sld [smem:$0x3FFB];
	_ =	sdelay $0x3  }
0x92: {  	_ =	strace s17  }
0x93: {  	s2 =	sld [smem:$0x3FFC];
	_ =	sdelay $0x3  }
0x94: {  	_ =	strace s2  }
0x95: {  	s2 =	sld [smem:$0x3FFD];
	_ =	sdelay $0x3  }
0x96: {  	_ =	strace s2  }
0x97: {  	_ =	strace $0x8FFFFFFF  }
0x98: {  	s18 =	sld [smem:$0x3FDB];
	_ =	sdelay $0x1  }
0x99: {  	s19 =	simm.s32 $_scs_section_size  }
0x9a: {  	s4 =	simm.s32 $_size__tile_overlayer_lowered;
	s5 =	simm.s32 $_tile_overlayer_lowered  }
0x9b: {  	s22 =	simm.s32 $0x1BFF;
	s21 =	sshll.u32 s5, $0x1;
	s2 =	sadd.s32 s19, s18  }
0x9c: {  	s6 =	simm.s32 $0x0;
	s20 =	sshll.u32 s4, $0x1;
	s4 =	sadd.s32 s21, s2  }
0x9d: {  	[timem:s6], [sflag:s22] =	dma.local [hbm:s4], s20  }
0x9e: {  	_ =	swait.ge [sflag:s22], s20  }
0x9f: {  	s3 =	ssub.s32 $0x0, s20;
	[sflag:s22] =	ssyncset.done $0x0  }
0xa0: {  	[sflag:s22] =	ssyncadd.s32 s3;
	_ =	sdelay $0x1  }
0xa1: {  	s23 =	simm.s32 $0x1B8B  }
0xa2: {  	_ =	swait.ge [sflag:s23], $0x1  }
0xa3: {  	[sflag:s23] =	ssyncset.done $0x0  }
0xa4: {  	s25 =	simm.s32 $0x1B8E;
	s24 =	sld [smem:$0x3FFE];
	[sflag:s23] =	ssyncadd.s32 $0xFFFFFFFF  }
0xa5: {  	s26 =	simm.s32 $execute0_lowered;
	[smem:$0x3FD2] =	sst s25  }
0xa6: {  	s4 =	sshll.u32 s26, $0x1;
	_ =	strace $0x80000049;
	[dreg:$0x1] =	wrdreg $0xFFFFFFFF  }
0xa7: {  	s28 =	simm.s32 $_size_execute0_lowered;
	s2 =	sadd.s32 s2, s4;
	[dreg:$0x0] =	wrdreg $0x0  }
0xa8: {  	s4 =	sshll.u32 s28, $0x1;
	[dreg:$0x2] =	wrdreg s2  }
0xa9: {  	[dreg:$0x3] =	wrdreg s4  }
0xaa: {  	[dreg:$0x4] =	wrdreg $0xC0  }
0xab: {  	_ =	task [dreg:s6], $0x5FFFF  }
0xac: {  	[dreg:$0x1] =	wrdreg $0xFFFFFFFF  }
0xad: {  	[dreg:$0x0] =	wrdreg $0x60  }
0xae: {  	[dreg:$0x2] =	wrdreg s24  }
0xaf: {  	[dreg:$0x3] =	wrdreg $0x8AC00  }
0xb0: {  	[dreg:$0x4] =	wrdreg $0x1CAC00  }
0xb1: {  	[dreg:$0x5] =	wrdreg $0x9  }
0xb2: {  	_ =	task.clear_ibuf [dreg:s6], $0x6FFFF;
	_ =	strace $0x90000049  }
0xb3: {  	s29 =	simm.s32 $0x9;
	_ =	strace $0x8000004B  }
0xb4: {  	_ =	swait.ge [sflag:s29], $0x1  }
0xb5: {  	[sflag:s29] =	ssyncadd.s32 $0xFFFFFFFF  }
0xb6: {  	_ =	strace $0x9000004B  }
0xb7: {  	_ =	sfence  }
0xb8: {  	s30 =	sld [smem:$0x0];
	_ =	sdelay $0x2  }
0xb9: {  	s31 =	sshll.u32 s1, $0xD;
	s1 =	sshrl.u32 s1, $0x2  }
0xba: {  	s3 =	sand.u32 $0x4000, s31;
	s1 =	sadd.s32 s1, s30  }
0xbb: {  	s0 =	sor.u32 s3, s0;
	s1 =	sshll.u32 s1, $0x11  }
0xbc: {  	s0 =	sor.u32 s1, s0  }
0xbd: {  	s0 =	sadd.s32 $0x8F2B, s0  }
0xbe: {  	[sflag:s0] =	ssyncadd.remote.s32 $0x1  }
0xbf: {  	_ =	sfence.sel $0xFFFF  }
0xc0: {  	[dreg:$0x0] =	wrdreg $0xFFFFFFFF;
	(pc) =	sbr.abs _section_cstart, $3  }
0xc1: {  	[dreg:$0x1] =	wrdreg $0xFFFFFFFF  }
0xc2: {  	_ =	task.clear_ibuf [dreg:s6], $0x2FFFF;
	_ =	strace $0x9FFFFFFF  }
0xc3: {  	(tm) =	ssettm $0x7FFFFFFF  }
tec
execute0_lowered:
.L_overlay_start_1:
0x0: {  	(tag) =	ssettag $0x1  }
0x1: {  	s0 =	rddreg [dreg:$0x0]  }
0x2: {  	s2 =	rddreg [dreg:$0x1]  }
0x3: {  	s3 =	rddreg [dreg:$0x2];
	s1 =	srdreg.scid  }
0x4: {  	s17 =	stileid.u32;
	s4 =	simm.s32 $0x0;
	s28 =	simm.s32 $0x50  }
0x5: {  	s31 =	simm.s32 $0x2;
	s29 =	simm.s32 $0x7;
	s7 =	smul.u32 $0x14000, s17  }
0x6: {  	s30 =	simm.s32 $0x8;
	s1 =	sand.u32 $0x1, s1;
	s10 =	smul.u32 $0x2800, s17  }
0x7: {  	[smem:$0x7FF] =	sst s4;
	s8 =	sadd.s32 $0x4800, s0;
	s18 =	smul.u32 $0x9C4, s17  }
0x8: {  	s9 =	sadd.s32 $0xE600, s0;
	s13 =	sshll.u32 s17, $0x1;
	s5 =	smul.u32 $0x140000, s1  }
0x9: {  	s22 =	sshll.u32 s17, $0x6;
	_ =	strace $0x8000004A;
	s12 =	smul.u32 $0x28000, s1  }
0xa: {  	s14 =	ssub.s32 $0x2, s1;
	s13 =	sor.u32 s1, s13;
	s1 =	smul.u32 $0x4E2, s1  }
0xb: {  	s17 =	sor.u32 $0x1C09, s22;
	s15 =	sshrl.u32 s14, $0x1;
	s16 =	smul.u32 $0x2710, s13  }
0xc: {  	s20 =	sadd.s32 s7, s2;
	s13 =	smul.u32 $0x4E2, s13;
	s22 =	sadd.s32 s10, s3  }
0xd: {  	s6 =	sadd.s32 s7, s5;
	s5 =	sadd.s32 $0x54000, s0;
	[dreg:$0x4] =	wrdreg s20  }
0xe: {  	s12 =	sadd.s32 s10, s12;
	s7 =	sshrl.u32 s7, $0x3;
	[dreg:$0xe] =	wrdreg s22  }
0xf: {  	s11 =	sshrl.u32 s6, $0x3;
	s6 =	sadd.s32 $0x7C000, s0;
	s12 =	sshrl.u32 s12, $0x3  }
0x10: {  	s21 =	sshrl.u32 s16, $0x3;
	s7 =	sadd.s32 s5, s7;
	s24 =	sadd.s32 s8, s13  }
0x11: {  	s13 =	sadd.s32 s9, s13;
	s11 =	sadd.s32 s11, s0;
	[dreg:$0x5] =	wrdreg s7  }
0x12: {  	s0 =	sadd.s32 s12, s0;
	s23 =	sadd.s32 $0xA, s21;
	[dreg:$0x6] =	wrdreg s24  }
0x13: {  	s12 =	ssub.s32 s14, s15;
	[dreg:$0x7] =	wrdreg s13;
	s25 =	sadd.s32 s8, s23  }
0x14: {  	s15 =	sadd.s32 $0x14, s21;
	s26 =	sadd.s32 s9, s23;
	[dreg:$0x8] =	wrdreg s25  }
0x15: {  	s20 =	sadd.s32 $0x1E, s21;
	s19 =	sadd.s32 s8, s15;
	[dreg:$0x9] =	wrdreg s26  }
0x16: {  	s21 =	sshrl.u32 s10, $0x3;
	s13 =	sadd.s32 s9, s15;
	[dreg:$0xa] =	wrdreg s19  }
0x17: {  	s14 =	sadd.s32 s8, s20;
	s8 =	sadd.s32 s18, s8;
	[dreg:$0xb] =	wrdreg s13  }
0x18: {  	s23 =	sadd.s32 s6, s21;
	s24 =	sadd.s32 $0x8B000, s11;
	[dreg:$0xc] =	wrdreg s14  }
0x19: {  	s0 =	sadd.s32 $0x81000, s0;
	s22 =	smax.u32 s12, $0x1;
	[dreg:$0xf] =	wrdreg s23  }
0x1a: {  	s13 =	sadd.s32 s9, s20;
	s9 =	sadd.s32 s18, s9;
	[dreg:$0x10] =	wrdreg s24  }
0x1b: {  	[dreg:$0x11] =	wrdreg s0;
	s25 =	sadd.s32 s1, s8;
	s0 =	simm.s32 $0x0  }
0x1c: {  	[dreg:$0xd] =	wrdreg s13;
	s12 =	sadd.s32 $0x28, s25;
	s26 =	sadd.s32 s1, s9  }
0x1d: {  	s25 =	simm.s32 $0x9;
	s15 =	sadd.s32 $0x28, s26;
	s26 =	simm.s32 $0x1  }
.LBB2_1:
0x1e: {  	s1 =	rddreg [dreg:$0x4]  }
0x1f: {  	s7 =	rddreg [dreg:$0x5];
	s1 =	sshrl.u32 s1, $0x3  }
0x20: {  	[spmem:s1], [sflag:s17] =	dma.local [hbm:s7], $0x2800  }
0x21: {  	_ =	swait.ge [sflag:s25], $0x2800  }
0x22: {  	[sflag:s25] =	ssyncset.done $0x0;
	s11 =	rddreg [dreg:$0xe]  }
0x23: {  	s8 =	rddreg [dreg:$0xf];
	[sflag:s25] =	ssyncadd.s32 $0xFFFFD800;
	s7 =	sshrl.u32 s11, $0x3  }
0x24: {  	[spmem:s7], [sflag:s17] =	dma.local [hbm:s8], $0x500  }
0x25: {  	_ =	swait.ge [sflag:s25], $0x500  }
0x26: {  	[sflag:s25] =	ssyncset.done $0x0  }
0x27: {  	s13 =	rddreg [dreg:$0x6];
	[sflag:s25] =	ssyncadd.s32 $0xFFFFFB00  }
0x28: {  	[tilespmem:s4], [sflag:$0x1] =	stream.linear.gather [hbm4b:s13+s4], $0x50, $0x38;
	[tilespmem:$0x1F2C0] =	vst v63  }
0x29: {  	s9 =	simm.s32 $0x1E0;
	s14 =	rddreg [dreg:$0x7]  }
0x2a: {  	[tilespmem:s9], [sflag:$0x1] =	stream.linear.gather [hbm4b:s14+s4], $0x50, $0x38;
	[tilespmem:$0x1F2C0] =	vst v63  }
0x2b: {  	s16 =	rddreg [dreg:$0x8]  }
0x2c: {  	[tilespmem:s28], [sflag:$0x2] =	stream.linear.gather [hbm4b:s16+s4], $0x50, $0x38;
	[tilespmem:$0x1F2C0] =	vst v63  }
0x2d: {  	s19 =	simm.s32 $0x230;
	s18 =	rddreg [dreg:$0x9]  }
0x2e: {  	[tilespmem:s19], [sflag:$0x2] =	stream.linear.gather [hbm4b:s18+s4], $0x50, $0x38;
	[tilespmem:$0x1F2C0] =	vst v63  }
0x2f: {  	s21 =	simm.s32 $0xA0;
	s20 =	rddreg [dreg:$0xa]  }
0x30: {  	[tilespmem:s21], [sflag:$0x3] =	stream.linear.gather [hbm4b:s20+s4], $0x50, $0x38;
	[tilespmem:$0x1F2C0] =	vst v63  }
0x31: {  	s24 =	simm.s32 $0x280;
	s23 =	rddreg [dreg:$0xb]  }
0x32: {  	[tilespmem:s24], [sflag:$0x3] =	stream.linear.gather [hbm4b:s23+s4], $0x50, $0x38;
	[tilespmem:$0x1F2C0] =	vst v63  }
0x33: {  	s10 =	simm.s32 $0xF0;
	s9 =	rddreg [dreg:$0xc]  }
0x34: {  	[tilespmem:s10], [sflag:$0x4] =	stream.linear.gather [hbm4b:s9+s4], $0x50, $0x38;
	[tilespmem:$0x1F2C0] =	vst v63  }
0x35: {  	s11 =	rddreg [dreg:$0xd];
	s13 =	simm.s32 $0x2D0  }
0x36: {  	[tilespmem:s13], [sflag:$0x4] =	stream.linear.gather [hbm4b:s11+s4], $0x50, $0x38;
	[tilespmem:$0x1F2C0] =	vst v63  }
0x37: {  	[bflag:$0x0] =	sbarrier.arrive $0xFFFF  }
0x38: {  	_ =	swait.ge [sflag:s26], $0x50  }
0x39: {  	[sflag:s26] =	ssyncset.done $0x0  }
0x3a: {  	[sflag:s26] =	ssyncadd.s32 $0xFFFFFFB0  }
0x3b: {  	_ =	swait.ge [sflag:s26], $0x50  }
0x3c: {  	[sflag:s26] =	ssyncset.done $0x0  }
0x3d: {  	s14 =	simm.s32 $0x3C0;
	[sflag:s26] =	ssyncadd.s32 $0xFFFFFFB0  }
0x3e: {  	[tilespmem:s14], [sflag:$0x7] =	stream.indirect.gather [hbm4b:s5+s28], $0x80, s4, s28, $0xb8;
	[tilespmem:$0x1F2C0] =	vst v63  }
0x3f: {  	p0 =	por $0x0, $0x0;
	s16 =	simm.s32 $0x7BC0  }
0x40: {  	[tilespmem:s16], [sflag:$0x7] =	stream.indirect.gather [hbm4b:s6+s28], $0x10, s4, s28, $0xb8;
	[tilespmem:$0x1F2C0] =	vst v63  }
0x41: {  	p1 =	por $0x1, $0x1;
	p2 =	por @!p0 $0x0, $0x0;
	_ =	swait.ge [sflag:s31], $0x50  }
0x42: {  	p2 =	por p2, p0;
	s18 =	simm.s32 $0x2BC0;
	[sflag:s31] =	ssyncset.done $0x0  }
0x43: {  	s19 =	simm.s32 $0x80C0;
	s20 =	simm.s32 $0x0;
	[sflag:s31] =	ssyncadd.s32 $0xFFFFFFB0  }
0x44: {  	s8 =	smul.u32 $0xAB, s20;
	s10 =	simm.s32 @!p0 $0x2;
	_ =	swait.ge [sflag:s31], $0x50  }
0x45: {  	s9 =	simm.s32 $0x4;
	s10 =	sand.u32 @!p0 $0xFF, s10;
	[sflag:s31] =	ssyncset.done $0x0  }
0x46: {  	s9 =	smul.u32 @!p2 $0xAB, s9;
	s13 =	sshrl.u32 s8, $0x9;
	[sflag:s31] =	ssyncadd.s32 $0xFFFFFFB0  }
0x47: {  	[tilespmem:s18], [sflag:$0x7] =	stream.indirect.gather [hbm4b:s5+s28], $0x80, s28, s28, $0xb8;
	[tilespmem:$0x1F2C0] =	vst v63  }
0x48: {  	s11 =	sshrl.u32 s8, $0xA;
	s10 =	smul.u32 @!p0 $0xAB, s10;
	s13 =	sand.u32 $0x7F, s13  }
0x49: {  	[tilespmem:s19], [sflag:$0x7] =	stream.indirect.gather [hbm4b:s6+s28], $0x10, s28, s28, $0xb8;
	[tilespmem:$0x1F2C0] =	vst v63  }
0x4a: {  	s8 =	simm.s32 @!p0 $0x50;
	s13 =	smul.u32 $0x3, s13;
	_ =	swait.ge [sflag:s29], $0x2800  }
0x4b: {  	s21 =	sand.u32 $0x3F, s11;
	s11 =	simm.s32 @!p1 $0x8;
	[sflag:s29] =	ssyncset.done $0x0  }
0x4c: {  	s13 =	ssub.s32 $0x0, s13;
	s14 =	smul.u32 $0x6, s21;
	[sflag:s29] =	ssyncadd.s32 $0xFFFFD800  }
0x4d: {  	s9 =	sshrl.u32 @!p2 s9, $0xA;
	s13 =	sand.u32 $0xFF, s13;
	_ =	swait.ge [sflag:s29], $0x500  }
0x4e: {  	s16 =	sshrl.u32 @!p0 s10, $0xA;
	s14 =	ssub.s32 $0x0, s14;
	[sflag:s29] =	ssyncset.done $0x0  }
0x4f: {  	s14 =	sand.u32 $0xFF, s14;
	s16 =	smul.u32 @!p0 $0x6, s16;
	[sflag:s29] =	ssyncadd.s32 $0xFFFFFB00  }
0x50: {  	s10 =	sshrl.u32 @!p0 s10, $0x9;
	s14 =	smul.u32 $0x140, s14;
	_ =	swait.ge @!p1 [sflag:s11], $0x2800  }
0x51: {  	s10 =	smul.u32 @!p0 $0x3, s10;
	s16 =	ssub.s32 @!p0 $0x2, s16;
	[sflag:s11] =	ssyncset.done @!p1 $0x0  }
0x52: {  	s14 =	sshrl.u32 s14, $0x2;
	s18 =	smul.u32 $0xA000, s13;
	[sflag:s11] =	ssyncadd.s32 @!p1 $0xFFFFD800  }
0x53: {  	s16 =	sand.u32 @!p0 $0xFF, s16;
	s13 =	smul.u32 $0x1400, s13;
	_ =	swait.ge @!p1 [sflag:s11], $0x500  }
0x54: {  	s14 =	sadd.s32 $0x1E0, s14;
	s18 =	sshrl.u32 s18, $0x2;
	[sflag:s11] =	ssyncset.done @!p1 $0x0  }
0x55: {  	s13 =	sshrl.u32 s13, $0x2;
	s23 =	sor.u32 $0x3C0, s18;
	[sflag:s11] =	ssyncadd.s32 @!p1 $0xFFFFFB00  }
0x56: {  	[spmem:s2] =	stream.indirect.scatter.add.f32 [tilespmem:s23], [sflag:$0x8], $0x80, s14, s28, $0xb8;
	[tilespmem:$0x1F2C0] =	vst v63  }
0x57: {  	s10 =	ssub.s32 @!p0 $0x2, s10;
	s24 =	sadd.s32 $0x7BC0, s13;
	s13 =	sadd.s32 @!p0 $0x1, s16  }
0x58: {  	[spmem:s3] =	stream.indirect.scatter.add.f32 [tilespmem:s24], [sflag:$0x8], $0x10, s14, s28, $0xb8;
	[tilespmem:$0x1F2C0] =	vst v63  }
0x59: {  	s10 =	sand.u32 @!p0 $0xFF, s10;
	s11 =	smul.u32 @!p0 $0x140, s16;
	_ =	swait.ge @!p0 [sflag:s13], $0x50  }
0x5a: {  	s9 =	sand.u32 @!p2 $0x3F, s9;
	s14 =	smul.u32 @!p0 $0xA000, s10;
	[sflag:s13] =	ssyncset.done @!p0 $0x0  }
0x5b: {  	s23 =	smov.u32 s12;
	s10 =	smul.u32 @!p0 $0x1400, s10;
	[sflag:s13] =	ssyncadd.s32 @!p0 $0xFFFFFFB0  }
0x5c: {  	s24 =	smov.u32 s15;
	s16 =	sshrl.u32 @!p0 s14, $0x2;
	_ =	swait.ge @!p0 [sflag:s13], $0x50  }
0x5d: {  	s14 =	sshrl.u32 @!p0 s11, $0x2;
	s10 =	sshrl.u32 @!p0 s10, $0x2;
	[sflag:s13] =	ssyncset.done @!p0 $0x0  }
0x5e: {  	s11 =	sor.u32 @!p0 $0x3C0, s16;
	[sflag:s13] =	ssyncadd.s32 @!p0 $0xFFFFFFB0;
	s13 =	smul.u32 @!p2 $0x6, s9  }
0x5f: {  	[tilespmem:s11], [sflag:$0x7] =	stream.indirect.gather @!p0 [hbm4b:s5+s8], $0x80, s14, s8, $0xb8;
	[tilespmem:$0x1F2C0] =	vst v63  }
0x60: {  	s16 =	sadd.s32 @!p0 $0x7BC0, s10;
	s10 =	smov.u32 s12;
	s11 =	ssub.s32 @!p2 $0x4, s13  }
0x61: {  	s9 =	simm.s32 $0x5;
	s18 =	sand.u32 @!p2 $0xFF, s11;
	s11 =	sadd.s32 $0xA, s15  }
.LBB2_2:
0x62: {  	s19 =	smul.u32 @!p2 $0x50, s18  }
0x63: {  	s10 =	sadd.s32 $0xA, s10;
	s13 =	smov.u32 s9;
	s9 =	sadd.s32 $0x1, s9  }
0x64: {  	s18 =	sadd.s32 @!p2 $0x1, s18;
	s20 =	simm.s32 @!p2 $0x0;
	p1 =	sne.s32 s9, $0x81  }
0x65: {  	[tilespmem:s16], [sflag:$0x7] =	stream.indirect.gather @!p0 [hbm4b:s6+s8], $0x10, s14, s8, $0xb8;
	[tilespmem:$0x1F2C0] =	vst v63  }
0x66: {  	s16 =	sadd.s32 $0xFFFFFFFC, s13  }
0x67: {  	s8 =	sadd.s32 @!p2 $0x1E0, s19;
	p0 =	sgt.u32 s16, $0x7A  }
0x68: {  	[tilespmem:s19], [sflag:s18] =	stream.linear.gather @!p2 [hbm4b:s23+s20], $0x50, $0x38;
	[tilespmem:$0x1F2C0] =	vst v63  }
0x69: {  	s23 =	smov.u32 s10;
	s14 =	sadd.s32 @!p0 $0x2, s16  }
0x6a: {  	[tilespmem:s8], [sflag:s18] =	stream.linear.gather @!p2 [hbm4b:s24+s20], $0x50, $0x38;
	[tilespmem:$0x1F2C0] =	vst v63  }
0x6b: {  	s19 =	sand.u32 @!p0 $0xFF, s14;
	s8 =	smul.u32 $0xAB, s16;
	_ =	swait.ge [sflag:s29], $0x2800  }
0x6c: {  	p2 =	seq.s32 s13, $0x4;
	s19 =	smul.u32 @!p0 $0xAB, s19;
	[sflag:s29] =	ssyncset.done $0x0  }
0x6d: {  	s18 =	sshrl.u32 s8, $0xA;
	s20 =	sshrl.u32 s8, $0x9;
	[sflag:s29] =	ssyncadd.s32 $0xFFFFD800  }
0x6e: {  	s21 =	sshrl.u32 @!p0 s19, $0xA;
	s8 =	sand.u32 $0x3F, s18;
	_ =	swait.ge [sflag:s29], $0x500  }
0x6f: {  	s19 =	sshrl.u32 @!p0 s19, $0x9;
	s18 =	simm.s32 @!p2 $0x8;
	[sflag:s29] =	ssyncset.done $0x0  }
0x70: {  	s24 =	smul.u32 $0x6, s8;
	s8 =	simm.s32 @!p0 $0x50;
	[sflag:s29] =	ssyncadd.s32 $0xFFFFFB00  }
0x71: {  	s20 =	sand.u32 $0x7F, s20;
	s21 =	smul.u32 @!p0 $0x6, s21;
	_ =	swait.ge @!p2 [sflag:s18], $0x2800  }
0x72: {  	s20 =	smul.u32 $0x3, s20;
	s24 =	ssub.s32 s16, s24;
	[sflag:s18] =	ssyncset.done @!p2 $0x0  }
0x73: {  	s19 =	smul.u32 @!p0 $0x3, s19;
	s24 =	sand.u32 $0xFF, s24;
	[sflag:s18] =	ssyncadd.s32 @!p2 $0xFFFFD800  }
0x74: {  	p3 =	sgt.u32 @!p0 s16, $0x78;
	s20 =	ssub.s32 s16, s20;
	s24 =	smul.u32 $0x140, s24  }
0x75: {  	s21 =	ssub.s32 @!p0 s14, s21;
	s14 =	ssub.s32 @!p0 s14, s19;
	s20 =	sand.u32 $0xFF, s20  }
0x76: {  	s21 =	sand.u32 @!p0 $0xFF, s21;
	s16 =	smul.u32 $0xA000, s20;
	s24 =	sshrl.u32 s24, $0x2  }
0x77: {  	s20 =	smul.u32 $0x1400, s20;
	s24 =	sadd.s32 $0x1E0, s24;
	_ =	swait.ge @!p2 [sflag:s18], $0x500  }
0x78: {  	s19 =	smul.u32 @!p0 $0x140, s21;
	s16 =	sshrl.u32 s16, $0x2;
	[sflag:s18] =	ssyncset.done @!p2 $0x0  }
0x79: {  	s16 =	sor.u32 $0x3C0, s16;
	[sflag:s18] =	ssyncadd.s32 @!p2 $0xFFFFFB00;
	s18 =	sshrl.u32 s20, $0x2  }
0x7a: {  	[spmem:s2] =	stream.indirect.scatter.add.f32 [tilespmem:s16], [sflag:$0x8], $0x80, s24, s28, $0xb8;
	[tilespmem:$0x1F2C0] =	vst v63  }
0x7b: {  	p2 =	por p3, p0;
	s16 =	sadd.s32 $0x7BC0, s18;
	s18 =	sadd.s32 @!p0 $0x1, s21  }
0x7c: {  	[spmem:s3] =	stream.indirect.scatter.add.f32 [tilespmem:s16], [sflag:$0x8], $0x10, s24, s28, $0xb8;
	[tilespmem:$0x1F2C0] =	vst v63  }
0x7d: {  	s14 =	sand.u32 @!p0 $0xFF, s14;
	s16 =	smul.u32 @!p2 $0xAB, s13;
	_ =	swait.ge @!p0 [sflag:s18], $0x50  }
0x7e: {  	s20 =	smul.u32 @!p0 $0xA000, s14;
	[sflag:s18] =	ssyncset.done @!p0 $0x0  }
0x7f: {  	s21 =	smul.u32 @!p0 $0x1400, s14;
	s16 =	sshrl.u32 @!p2 s16, $0xA;
	[sflag:s18] =	ssyncadd.s32 @!p0 $0xFFFFFFB0  }
0x80: {  	s14 =	sshrl.u32 @!p0 s19, $0x2;
	s16 =	sand.u32 @!p2 $0x3F, s16;
	_ =	swait.ge @!p0 [sflag:s18], $0x50  }
.Ltmp0:
0x81: {  	s20 =	sshrl.u32 @!p0 s20, $0x2;
	[sflag:s18] =	ssyncset.done @!p0 $0x0;
	(pc) =	sbr.rel @p1 .LBB2_2-.Ltmp0, $4  }
0x82: {  	s16 =	smul.u32 @!p2 $0x6, s16;
	[sflag:s18] =	ssyncadd.s32 @!p0 $0xFFFFFFB0;
	s18 =	sor.u32 @!p0 $0x3C0, s20  }
0x83: {  	[tilespmem:s18], [sflag:$0x7] =	stream.indirect.gather @!p0 [hbm4b:s5+s8], $0x80, s14, s8, $0xb8;
	[tilespmem:$0x1F2C0] =	vst v63  }
0x84: {  	s24 =	smov.u32 s11;
	s13 =	ssub.s32 @!p2 s13, s16;
	s18 =	sshrl.u32 @!p0 s21, $0x2  }
0x85: {  	s11 =	sadd.s32 $0xA, s11;
	s16 =	sadd.s32 @!p0 $0x7BC0, s18;
	s18 =	sand.u32 @!p2 $0xFF, s13  }
0x86: {  	s9 =	smul.u32 @!p2 $0x50, s18  }
0x87: {  	[tilespmem:s16], [sflag:$0x7] =	stream.indirect.gather @!p0 [hbm4b:s6+s8], $0x10, s14, s8, $0xb8;
	[tilespmem:$0x1F2C0] =	vst v63  }
0x88: {  	s8 =	sadd.s32 @!p2 $0x1, s18;
	s10 =	simm.s32 @!p2 $0x0  }
0x89: {  	[tilespmem:s9], [sflag:s8] =	stream.linear.gather @!p2 [hbm4b:s23+s10], $0x50, $0x38;
	[tilespmem:$0x1F2C0] =	vst v63  }
0x8a: {  	s9 =	sadd.s32 @!p2 $0x1E0, s9  }
0x8b: {  	[tilespmem:s9], [sflag:s8] =	stream.linear.gather @!p2 [hbm4b:s24+s10], $0x50, $0x38;
	[tilespmem:$0x1F2C0] =	vst v63  }
0x8c: {  	_ =	swait.ge [sflag:s30], $0x2800  }
0x8d: {  	[sflag:s30] =	ssyncset.done $0x0  }
0x8e: {  	[sflag:s30] =	ssyncadd.s32 $0xFFFFD800  }
0x8f: {  	_ =	swait.ge [sflag:s30], $0x500  }
0x90: {  	[sflag:s30] =	ssyncset.done $0x0  }
0x91: {  	[sflag:s30] =	ssyncadd.s32 $0xFFFFFB00  }
0x92: {  	[bflag:$0x0] =	sbarrier.arrive $0xFFFF  }
0x93: {  	s23 =	rddreg [dreg:$0x10]  }
0x94: {  	[hbm:s23], [sflag:s17] =	dma.local [spmem:s1], $0x2800  }
0x95: {  	s0 =	sadd.s32 $0x1, s0;
	_ =	swait.ge [sflag:s25], $0x2800  }
0x96: {  	p0 =	sne.s32 s0, s22;
	[sflag:s25] =	ssyncset.done $0x0  }
.Ltmp1:
0x97: {  	s24 =	rddreg [dreg:$0x11];
	[sflag:s25] =	ssyncadd.s32 $0xFFFFD800;
	(pc) =	sbr.rel @p0 .LBB2_1-.Ltmp1, $4  }
0x98: {  	[hbm:s24], [sflag:s17] =	dma.local [spmem:s7], $0x500  }
0x99: {  	_ =	swait.ge [sflag:s25], $0x500  }
0x9a: {  	[sflag:s25] =	ssyncset.done $0x0  }
0x9b: {  	[sflag:s25] =	ssyncadd.s32 $0xFFFFFB00  }
0x9c: {  	_ =	sfence.sel $0x180000  }
0x9d: {  	[bflag:$0x0] =	sbarrier.arrive $0xFFFF  }
0x9e: {  	_ =	strace $0x9000004A  }
0x9f: {  	s0 =	stileid.u32;
	[bflag:$0x2] =	sbarrier.arrive $0xFFFF  }
0xa0: {  	p0 =	sne.s32 s0, $0x0;
	s0 =	rddreg [dreg:$0x3]  }
0xa1: {  	s0 =	sadd.s32 @!p0 $0x100000, s0  }
0xa2: {  	[sflag:s0] =	ssyncadd.tile.s32 @!p0 $0x1;
	_ =	shalt  }
.Lfunc_end2:
_tile_overlayer_lowered:
.L_overlay_start_2:
0xa3: {  	(tag) =	ssettag $0x2  }
0xa4: {  	s0 =	rddreg [dreg:$0x0];
	s2 =	stileid.u32  }
0xa5: {  	s1 =	rddreg [dreg:$0x1];
	p0 =	sne.s32 s2, $0x0  }
0xa6: {  	s3 =	rddreg [dreg:$0x2];
	[bflag:$0x3] =	sbarrier.arrive $0xFFFF;
	s2 =	simm.s32 @!p0 $0x1C09  }
0xa7: {  	[timem:s3], [sflag:s2] =	dma.local @!p0 [hbm:s0], s1  }
0xa8: {  	s0 =	simm.s32 @!p0 $0x9  }
0xa9: {  	_ =	swait.ge @!p0 [sflag:s0], s1  }
0xaa: {  	s1 =	ssub.s32 @!p0 $0x0, s1;
	[sflag:s0] =	ssyncset.done @!p0 $0x0  }
0xab: {  	[sflag:s0] =	ssyncadd.s32 @!p0 s1  }
0xac: {  	[bflag:$0x3] =	sbarrier.arrive $0xFFFF  }
0xad: {  	_ =	shalt  }

// kernel: kernel.16.cloned.1.call-start
scs
__scs_entry_jumppad:
0x0: {  	(pc) =	sbr.rel $0x88, $3  }
0x1: {  	(tag) =	ssettag $0x0;
	lr =	simm.s32 $0x1  }
0x2: {  	[smem:$0x3F96] =	sst lr;
	_ =	strace $0xD0000000  }
0x3: {  	_ = 	snop  }
0x4: {  	_ = 	snop  }
0x5: {  	_ = 	snop  }
0x6: {  	_ = 	snop  }
0x7: {  	_ = 	snop  }
__scs_overlays_trampoline_lowered:
0x8: {  	[smem:$0x3FA5] =	sst s0  }
0x9: {  	[smem:$0x3FA6] =	sst s1  }
0xa: {  	[smem:$0x3FA7] =	sst s2  }
0xb: {  	[smem:$0x3FA8] =	sst s3  }
0xc: {  	[smem:$0x3FA9] =	sst s4  }
0xd: {  	[smem:$0x3FAA] =	sst s5  }
0xe: {  	[smem:$0x3FAB] =	sst s6  }
0xf: {  	[smem:$0x3FAC] =	sst s7  }
0x10: {  	[smem:$0x3FAD] =	sst s8  }
0x11: {  	[smem:$0x3FAE] =	sst s9;
	s0 =	simm.s32 @!p0 $0x0  }
0x12: {  	s1 =	sld [smem:$0x3F94];
	s0 =	simm.s32 @p0 $0x1  }
0x13: {  	[smem:$0x3FAF] =	sst s0;
	s0 =	simm.s32 @!p1 $0x0  }
0x14: {  	s2 =	sld [smem:$0x3F93];
	s0 =	simm.s32 @p1 $0x1  }
0x15: {  	[smem:$0x3FB0] =	sst s0;
	s0 =	simm.s32 @!p2 $0x0  }
0x16: {  	s3 =	sld [smem:$0x3FDB];
	s0 =	simm.s32 @p2 $0x1  }
0x17: {  	s4 =	simm.s32 $0x1BF5;
	[smem:$0x3FB2] =	sst s0  }
0x18: {  	s0 =	sld [smem:$0x3F95];
	_ =	swait.ge [sflag:s4], $0x0  }
0x19: {  	s7 =	sld [smem:$0x3F96]  }
0x1a: {  	s8 =	sadd.s32 $0xFFFFE003, lr  }
0x1b: {  	s9 =	sadd.s32 $0xFFFFFEF7, lr;
	s5 =	simm.s32 $0xFFFFFFFF;
	p2 =	slt.u32 s8, $0xFFFFF086  }
0x1c: {  	p1 =	slt.u32 s9, $0xF7A;
	s5 =	simm.s32 @!p2 $0x0  }
0x1d: {  	s5 =	simm.s32 @p1 $0x1;
	p0 =	seq.s32 s7, s2  }
0x1e: {  	s7 =	smul.u32 @!p0 $0xF7A, s2;
	p2 =	seq.s32 @!p0 s5, $0x0  }
0x1f: {  	s9 =	smul.u32 $0xF7A, s1;
	s8 =	simm.s32 @!p0 $0x1BF5;
	p2 =	por !p2, p0  }
0x20: {  	[sflag:s8] =	ssyncset.s32 @!p0 $0xFFFFF086;
	s6 =	sadd.s32 @!p0 s3, s7;
	s7 =	simm.s32 @!p0 $0x108  }
0x21: {  	s3 =	sadd.s32 s3, s9;
	s6 =	sadd.s32 @!p0 $0x88, s6;
	s7 =	simm.s32 @p2 $0x1082  }
0x22: {  	[simem:s7], [sflag:s8] =	dma.local @!p0 [hbm:s6], $0xF7A  }
0x23: {  	s9 =	sor.u32 $0xD0000000, s2;
	s6 =	simm.s32 $0x108;
	_ =	swait.ge @!p0 [sflag:s8], $0x0  }
0x24: {  	s3 =	sadd.s32 $0x88, s3;
	s6 =	simm.s32 @!p1 $0x1082;
	[sflag:s4] =	ssyncset.s32 $0xFFFFF086  }
0x25: {  	[simem:s6], [sflag:s4] =	dma.local [hbm:s3], $0xF7A  }
0x26: {  	[smem:$0x3F96] =	sst s1;
	(tag) =	ssettag s2;
	_ =	strace s9  }
0x27: {  	s1 =	sld [smem:$0x3FA6]  }
0x28: {  	s2 =	sld [smem:$0x3FA7]  }
0x29: {  	s4 =	sld [smem:$0x3FA9]  }
0x2a: {  	p0 =	seq.s32 s5, $0x0;
	s5 =	sld [smem:$0x3FAA]  }
0x2b: {  	s6 =	sld [smem:$0x3FAB]  }
0x2c: {  	s7 =	sld [smem:$0x3FAC]  }
0x2d: {  	s3 =	simm.s32 $0x108;
	s8 =	sld [smem:$0x3FAD]  }
0x2e: {  	s3 =	simm.s32 @!p0 $0x1082;
	s9 =	sld [smem:$0x3FAE]  }
0x2f: {  	lr =	sadd.s32 s0, s3;
	s0 =	sld [smem:$0x3FA5]  }
0x30: {  	s3 =	sld [smem:$0x3FA8]  }
0x31: {  	[smem:$0x3FB1] =	sst s10  }
0x32: {  	s10 =	sld [smem:$0x3FAF];
	_ =	sdelay $0x3  }
0x33: {  	p0 =	seq.s32 s10, $0x1;
	s10 =	sld [smem:$0x3FB1];
	_ =	sdelay $0x3  }
0x34: {  	[smem:$0x3FB1] =	sst s10  }
0x35: {  	s10 =	sld [smem:$0x3FB0];
	_ =	sdelay $0x3  }
0x36: {  	p1 =	seq.s32 s10, $0x1;
	s10 =	sld [smem:$0x3FB1];
	_ =	sdelay $0x3  }
0x37: {  	[smem:$0x3FB1] =	sst s10  }
0x38: {  	s10 =	sld [smem:$0x3FB2]  }
0x39: {  	_ = 	snop;
	(pc) =	sbr.ind lr, $3  }
0x3a: {  	_ = 	snop  }
0x3b: {  	_ = 	snop  }
0x3c: {  	p2 =	seq.s32 s10, $0x1;
	s10 =	sld [smem:$0x3FB1]  }
0x3d: {  	_ =	shalt  }
0x3e: {  	_ =	shalt  }
0x3f: {  	_ =	shalt  }
0x40: {  	_ =	shalt  }
0x41: {  	_ =	shalt  }
0x42: {  	_ =	shalt  }
0x43: {  	_ =	shalt  }
0x44: {  	_ =	shalt  }
0x45: {  	_ =	shalt  }
0x46: {  	_ =	shalt  }
0x47: {  	_ =	shalt  }
0x48: {  	_ =	shalt  }
0x49: {  	_ =	shalt  }
0x4a: {  	_ =	shalt  }
0x4b: {  	_ =	shalt  }
0x4c: {  	_ =	shalt  }
0x4d: {  	_ =	shalt  }
0x4e: {  	_ =	shalt  }
0x4f: {  	_ =	shalt  }
0x50: {  	_ =	shalt  }
0x51: {  	_ =	shalt  }
0x52: {  	_ =	shalt  }
0x53: {  	_ =	shalt  }
0x54: {  	_ =	shalt  }
0x55: {  	_ =	shalt  }
0x56: {  	_ =	shalt  }
0x57: {  	_ =	shalt  }
0x58: {  	_ =	shalt  }
0x59: {  	_ =	shalt  }
0x5a: {  	_ =	shalt  }
0x5b: {  	_ =	shalt  }
0x5c: {  	_ =	shalt  }
0x5d: {  	_ =	shalt  }
0x5e: {  	_ =	shalt  }
0x5f: {  	_ =	shalt  }
0x60: {  	_ =	shalt  }
0x61: {  	_ =	shalt  }
0x62: {  	_ =	shalt  }
0x63: {  	_ =	shalt  }
0x64: {  	_ =	shalt  }
0x65: {  	_ =	shalt  }
0x66: {  	_ =	shalt  }
0x67: {  	_ =	shalt  }
0x68: {  	_ =	shalt  }
0x69: {  	_ =	shalt  }
0x6a: {  	_ =	shalt  }
0x6b: {  	_ =	shalt  }
0x6c: {  	_ =	shalt  }
0x6d: {  	_ =	shalt  }
0x6e: {  	_ =	shalt  }
0x6f: {  	_ =	shalt  }
0x70: {  	_ =	shalt  }
0x71: {  	_ =	shalt  }
0x72: {  	_ =	shalt  }
0x73: {  	_ =	shalt  }
0x74: {  	_ =	shalt  }
0x75: {  	_ =	shalt  }
0x76: {  	_ =	shalt  }
0x77: {  	_ =	shalt  }
0x78: {  	_ =	shalt  }
0x79: {  	_ =	shalt  }
0x7a: {  	_ =	shalt  }
0x7b: {  	_ =	shalt  }
0x7c: {  	_ =	shalt  }
0x7d: {  	_ =	shalt  }
0x7e: {  	_ =	shalt  }
0x7f: {  	_ =	shalt  }
0x80: {  	_ =	shalt  }
0x81: {  	_ =	shalt  }
0x82: {  	_ =	shalt  }
0x83: {  	_ =	shalt  }
0x84: {  	_ =	shalt  }
0x85: {  	_ =	shalt  }
0x86: {  	_ =	shalt  }
0x87: {  	_ =	shalt  }
.Lfunc_end0:
.L_simem_size_0:
called_computation.2_lowered:
.L_overlay_start_0:
0x88: {  	s2 =	sld [smem:$0x3FD9]  }
0x89: {  	s3 =	sld [smem:$0x3FFE];
	_ =	sdelay $0x1  }
0x8a: {  	s1 =	srdreg.scid  }
0x8b: {  	s0 =	sand.u32 $0x1, s1  }
0x8c: {  	s17 =	sshll.u32 s0, $0xA;
	s2 =	sadd.s32 s3, s2  }
0x8d: {  	s2 =	sadd.s32 s2, s17  }
0x8e: {  	[smem:$0x3FBD] =	sst s2  }
0x8f: {  	_ = 	snop  }
0x90: {  	s2 =	sld [smem:$0x3FD0];
	(tm) =	ssettm $0x1  }
0x91: {  	s18 =	sld [smem:$0x3FFB];
	_ =	sdelay $0x3  }
0x92: {  	_ =	strace s18  }
0x93: {  	s3 =	sld [smem:$0x3FFC];
	_ =	sdelay $0x3  }
0x94: {  	_ =	strace s3  }
0x95: {  	s3 =	sld [smem:$0x3FFD];
	_ =	sdelay $0x3  }
0x96: {  	_ =	strace s3  }
0x97: {  	_ =	strace $0x8FFFFFFF  }
0x98: {  	s19 =	sld [smem:$0x3FDB];
	_ =	sdelay $0x1  }
0x99: {  	s4 =	simm.s32 $_scs_section_size  }
0x9a: {  	s5 =	simm.s32 $_size__tile_overlayer_lowered;
	s6 =	simm.s32 $_tile_overlayer_lowered  }
0x9b: {  	s22 =	simm.s32 $0x1BFF;
	s21 =	sshll.u32 s6, $0x1;
	s3 =	sadd.s32 s4, s19  }
0x9c: {  	s7 =	simm.s32 $0x0;
	s20 =	sshll.u32 s5, $0x1;
	s5 =	sadd.s32 s21, s3  }
0x9d: {  	[timem:s7], [sflag:s22] =	dma.local [hbm:s5], s20  }
0x9e: {  	_ =	swait.ge [sflag:s22], s20  }
0x9f: {  	s4 =	ssub.s32 $0x0, s20;
	[sflag:s22] =	ssyncset.done $0x0  }
0xa0: {  	[sflag:s22] =	ssyncadd.s32 s4;
	_ =	sdelay $0x1  }
0xa1: {  	s23 =	simm.s32 $0x1B8B  }
0xa2: {  	_ =	swait.ge [sflag:s23], $0x1  }
0xa3: {  	[sflag:s23] =	ssyncset.done $0x0  }
0xa4: {  	s25 =	simm.s32 $0x1B8E;
	s24 =	sld [smem:$0x3FFE];
	[sflag:s23] =	ssyncadd.s32 $0xFFFFFFFF  }
0xa5: {  	s26 =	simm.s32 $execute0_lowered;
	[smem:$0x3FD2] =	sst s25  }
0xa6: {  	s5 =	sshll.u32 s26, $0x1;
	_ =	strace $0x8000004C;
	[dreg:$0x1] =	wrdreg $0xFFFFFFFF  }
0xa7: {  	s28 =	simm.s32 $_size_execute0_lowered;
	s3 =	sadd.s32 s3, s5;
	[dreg:$0x0] =	wrdreg $0x0  }
0xa8: {  	s5 =	sshll.u32 s28, $0x1;
	[dreg:$0x2] =	wrdreg s3  }
0xa9: {  	[dreg:$0x3] =	wrdreg s5  }
0xaa: {  	[dreg:$0x4] =	wrdreg $0xC0  }
0xab: {  	_ =	task [dreg:s7], $0x5FFFF  }
0xac: {  	[dreg:$0x1] =	wrdreg $0xFFFFFFFF  }
0xad: {  	[dreg:$0x0] =	wrdreg $0x60  }
0xae: {  	[dreg:$0x2] =	wrdreg s2  }
0xaf: {  	[dreg:$0x3] =	wrdreg s24  }
0xb0: {  	[dreg:$0x4] =	wrdreg $0xBC000  }
0xb1: {  	[dreg:$0x5] =	wrdreg $0x9  }
0xb2: {  	_ =	task.clear_ibuf [dreg:s7], $0x6FFFF;
	_ =	strace $0x9000004C  }
0xb3: {  	s29 =	simm.s32 $0x9;
	_ =	strace $0x8000004E  }
0xb4: {  	_ =	swait.ge [sflag:s29], $0x1  }
0xb5: {  	[sflag:s29] =	ssyncadd.s32 $0xFFFFFFFF  }
0xb6: {  	_ =	strace $0x9000004E  }
0xb7: {  	_ =	sfence  }
0xb8: {  	s30 =	sld [smem:$0x0];
	_ =	sdelay $0x2  }
0xb9: {  	s31 =	sshll.u32 s1, $0xD;
	s1 =	sshrl.u32 s1, $0x2  }
0xba: {  	s3 =	sand.u32 $0x4000, s31;
	s1 =	sadd.s32 s1, s30  }
0xbb: {  	s0 =	sor.u32 s3, s0;
	s1 =	sshll.u32 s1, $0x11  }
0xbc: {  	s0 =	sor.u32 s1, s0  }
0xbd: {  	s0 =	sadd.s32 $0x8F2B, s0  }
0xbe: {  	[sflag:s0] =	ssyncadd.remote.s32 $0x1  }
0xbf: {  	_ =	sfence.sel $0xFFFF  }
0xc0: {  	[dreg:$0x0] =	wrdreg $0xFFFFFFFF;
	(pc) =	sbr.abs _section_cstart, $3  }
0xc1: {  	[dreg:$0x1] =	wrdreg $0xFFFFFFFF  }
0xc2: {  	_ =	task.clear_ibuf [dreg:s7], $0x2FFFF;
	_ =	strace $0x9FFFFFFF  }
0xc3: {  	(tm) =	ssettm $0x7FFFFFFF  }
tec
execute0_lowered:
.L_overlay_start_1:
0x0: {  	(tag) =	ssettag $0x1  }
0x1: {  	s0 =	rddreg [dreg:$0x0]  }
0x2: {  	s1 =	rddreg [dreg:$0x1]  }
0x3: {  	s2 =	rddreg [dreg:$0x2];
	s4 =	srdreg.scid  }
0x4: {  	s13 =	stileid.u32;
	s3 =	simm.s32 $0x0;
	s29 =	simm.s32 $0x1  }
0x5: {  	s30 =	simm.s32 $0x78;
	s5 =	sand.u32 $0x1, s4;
	s6 =	smul.u32 $0x14000, s13  }
0x6: {  	[smem:$0x7FF] =	sst s3;
	s8 =	sadd.s32 $0xDB000, s1;
	s11 =	smul.u32 $0x50000, s13  }
0x7: {  	s4 =	sadd.s32 $0x2C000, s1;
	s9 =	sshll.u32 s13, $0x1;
	s20 =	smul.u32 $0xA8, s13  }
0x8: {  	s17 =	sshll.u32 s13, $0x6;
	s7 =	smul.u32 $0x140000, s5;
	s10 =	ssub.s32 $0x2, s5  }
0x9: {  	s9 =	sor.u32 s5, s9;
	s16 =	sshll.u32 s5, $0x9;
	s5 =	smul.u32 $0x54, s5  }
0xa: {  	_ =	strace $0x8000004D;
	s12 =	sshrl.u32 s10, $0x1;
	s9 =	smul.u32 $0x2A00, s9  }
0xb: {  	s14 =	sshrl.u32 s11, $0x2;
	s7 =	sadd.s32 s6, s7;
	s10 =	ssub.s32 s10, s12  }
0xc: {  	s6 =	sshrl.u32 s6, $0x3;
	s5 =	sadd.s32 s5, s20;
	s20 =	simm.s32 $0x9  }
0xd: {  	s7 =	sshrl.u32 s7, $0x3;
	s15 =	sand.u32 $0x7FC00, s9;
	s6 =	sadd.s32 s4, s6  }
0xe: {  	s5 =	sshll.u32 s5, $0x4;
	s28 =	smax.u32 s10, $0x1;
	[dreg:$0x5] =	wrdreg s6  }
0xf: {  	s1 =	sadd.s32 s7, s1;
	s7 =	sadd.s32 s14, s2;
	[dreg:$0xf] =	wrdreg s28  }
0x10: {  	s9 =	sor.u32 s16, s15;
	s5 =	sadd.s32 $0x40, s5;
	[dreg:$0x4] =	wrdreg s7  }
0x11: {  	s7 =	sor.u32 $0x1C09, s17;
	s18 =	sshrl.u32 s9, $0x3;
	s1 =	sadd.s32 $0x54000, s1  }
0x12: {  	s31 =	sadd.s32 s5, s0;
	s9 =	sadd.s32 s0, s18;
	[dreg:$0xe] =	wrdreg s1  }
0x13: {  	s19 =	sadd.s32 s8, s18;
	s21 =	sor.u32 $0x10, s18;
	[dreg:$0x6] =	wrdreg s9  }
0x14: {  	s22 =	sor.u32 $0x20, s18;
	[dreg:$0x7] =	wrdreg s19;
	s23 =	sadd.s32 s0, s21  }
0x15: {  	s6 =	sor.u32 $0x30, s18;
	s11 =	sadd.s32 s8, s21;
	[dreg:$0x8] =	wrdreg s23  }
0x16: {  	s1 =	sadd.s32 s5, s8;
	s24 =	sadd.s32 s0, s22;
	[dreg:$0x9] =	wrdreg s11  }
0x17: {  	s25 =	sadd.s32 s8, s22;
	s26 =	sadd.s32 s0, s6;
	[dreg:$0xa] =	wrdreg s24  }
0x18: {  	s6 =	sadd.s32 s8, s6;
	s22 =	simm.s32 $0x80;
	[dreg:$0xb] =	wrdreg s25  }
0x19: {  	s0 =	simm.s32 $0x2;
	s21 =	simm.s32 $0x7;
	[dreg:$0xc] =	wrdreg s26  }
0x1a: {  	[dreg:$0xd] =	wrdreg s6;
	s23 =	simm.s32 $0x8;
	s24 =	simm.s32 $0x0  }
.LBB2_1:
0x1b: {  	s5 =	rddreg [dreg:$0x4]  }
0x1c: {  	s15 =	rddreg [dreg:$0x5];
	s25 =	sshrl.u32 s5, $0x3  }
0x1d: {  	[spmem:s25], [sflag:s7] =	dma.local [hbm:s15], $0x2800  }
0x1e: {  	_ =	swait.ge [sflag:s20], $0x2800  }
0x1f: {  	[sflag:s20] =	ssyncset.done $0x0  }
0x20: {  	s16 =	rddreg [dreg:$0x6];
	[sflag:s20] =	ssyncadd.s32 $0xFFFFD800  }
0x21: {  	[tilespmem:s3], [sflag:$0x1] =	stream.linear.gather [hbm4b:s16+s3], $0x80, $0x38;
	[tilespmem:$0x1FC00] =	vst v63  }
0x22: {  	s6 =	simm.s32 $0x400;
	s17 =	rddreg [dreg:$0x7]  }
0x23: {  	[tilespmem:s6], [sflag:$0x1] =	stream.linear.gather [hbm4b:s17+s3], $0x80, $0x38;
	[tilespmem:$0x1FC00] =	vst v63  }
0x24: {  	s26 =	simm.s32 $0x480;
	s9 =	simm.s32 $0x100;
	s18 =	rddreg [dreg:$0x8]  }
0x25: {  	[tilespmem:s22], [sflag:$0x2] =	stream.linear.gather [hbm4b:s18+s3], $0x80, $0x38;
	[tilespmem:$0x1FC00] =	vst v63  }
0x26: {  	s11 =	simm.s32 $0x500;
	s13 =	simm.s32 $0x180;
	s19 =	rddreg [dreg:$0x9]  }
0x27: {  	[tilespmem:s26], [sflag:$0x2] =	stream.linear.gather [hbm4b:s19+s3], $0x80, $0x38;
	[tilespmem:$0x1FC00] =	vst v63  }
0x28: {  	p0 =	por $0x0, $0x0;
	s28 =	sadd.s32 $0x10, s31;
	s8 =	rddreg [dreg:$0xa]  }
0x29: {  	[tilespmem:s9], [sflag:$0x3] =	stream.linear.gather [hbm4b:s8+s3], $0x80, $0x38;
	[tilespmem:$0x1FC00] =	vst v63  }
0x2a: {  	p2 =	por $0x1, $0x1;
	p1 =	por @!p0 $0x0, $0x0;
	s10 =	rddreg [dreg:$0xb]  }
0x2b: {  	[tilespmem:s11], [sflag:$0x3] =	stream.linear.gather [hbm4b:s10+s3], $0x80, $0x38;
	[tilespmem:$0x1FC00] =	vst v63  }
0x2c: {  	s15 =	simm.s32 $0x580;
	p1 =	por p1, p0;
	s12 =	rddreg [dreg:$0xc]  }
0x2d: {  	[tilespmem:s13], [sflag:$0x4] =	stream.linear.gather [hbm4b:s12+s3], $0x80, $0x38;
	[tilespmem:$0x1FC00] =	vst v63  }
0x2e: {  	s14 =	rddreg [dreg:$0xd];
	s16 =	simm.s32 $0x800;
	s18 =	smul.u32 $0xAB, s3  }
0x2f: {  	[tilespmem:s15], [sflag:$0x4] =	stream.linear.gather [hbm4b:s14+s3], $0x80, $0x38;
	[tilespmem:$0x1FC00] =	vst v63  }
0x30: {  	s17 =	simm.s32 $0x4400;
	s26 =	simm.s32 $0x1;
	[bflag:$0x0] =	sbarrier.arrive $0xFFFF  }
0x31: {  	s19 =	sshrl.u32 s18, $0x9;
	s5 =	sshrl.u32 s18, $0xA;
	_ =	swait.ge [sflag:s29], $0x80  }
0x32: {  	s6 =	sand.u32 $0x7F, s19;
	s5 =	sand.u32 $0x3F, s5;
	[sflag:s29] =	ssyncset.done $0x0  }
0x33: {  	s6 =	smul.u32 $0x3, s6;
	s8 =	simm.s32 @!p0 $0x2;
	[sflag:s29] =	ssyncadd.s32 $0xFFFFFF80  }
0x34: {  	s5 =	smul.u32 $0x6, s5;
	s9 =	simm.s32 @!p1 $0x4;
	_ =	swait.ge [sflag:s29], $0x80  }
0x35: {  	s8 =	sand.u32 @!p0 $0xFF, s8;
	s9 =	smul.u32 @!p1 $0xAB, s9;
	[sflag:s29] =	ssyncset.done $0x0  }
0x36: {  	s6 =	ssub.s32 $0x0, s6;
	s8 =	smul.u32 @!p0 $0xAB, s8;
	[sflag:s29] =	ssyncadd.s32 $0xFFFFFF80  }
0x37: {  	[tilespmem:s16], [sflag:$0x7] =	stream.indirect.gather [hbm4b:s4+s30], $0x80, s3, s30, $0xb8;
	[tilespmem:$0x1FC00] =	vst v63  }
0x38: {  	s5 =	ssub.s32 $0x0, s5;
	s11 =	simm.s32 @!p2 $0x8;
	_ =	swait.ge [sflag:s0], $0x80  }
0x39: {  	s6 =	sand.u32 $0xFF, s6;
	s5 =	sand.u32 $0xF7, s5;
	[sflag:s0] =	ssyncset.done $0x0  }
0x3a: {  	s9 =	sshrl.u32 @!p1 s9, $0xA;
	s6 =	smul.u32 $0xF000, s6;
	[sflag:s0] =	ssyncadd.s32 $0xFFFFFF80  }
0x3b: {  	s10 =	sshrl.u32 @!p0 s8, $0xA;
	s8 =	sshrl.u32 @!p0 s8, $0x9;
	_ =	swait.ge [sflag:s0], $0x80  }
0x3c: {  	s5 =	sshll.u32 s5, $0x7;
	s10 =	smul.u32 @!p0 $0x6, s10;
	[sflag:s0] =	ssyncset.done $0x0  }
0x3d: {  	s9 =	sand.u32 @!p1 $0x3F, s9;
	s8 =	smul.u32 @!p0 $0x3, s8;
	[sflag:s0] =	ssyncadd.s32 $0xFFFFFF80  }
0x3e: {  	[tilespmem:s17], [sflag:$0x7] =	stream.indirect.gather [hbm4b:s4+s30], $0x80, s22, s30, $0xb8;
	[tilespmem:$0x1FC00] =	vst v63  }
0x3f: {  	s9 =	smul.u32 @!p1 $0x6, s9;
	s5 =	sor.u32 $0x400, s5;
	_ =	swait.ge [sflag:s21], $0x3C00  }
0x40: {  	s6 =	sshrl.u32 s6, $0x2;
	s10 =	ssub.s32 @!p0 $0x2, s10;
	[sflag:s21] =	ssyncset.done $0x0  }
0x41: {  	s8 =	ssub.s32 @!p0 $0x2, s8;
	s18 =	ssub.s32 @!p1 $0x4, s9;
	[sflag:s21] =	ssyncadd.s32 $0xFFFFC400  }
0x42: {  	s6 =	sadd.s32 $0x800, s6;
	s8 =	sand.u32 @!p0 $0xFF, s8;
	_ =	swait.ge @!p2 [sflag:s11], $0x3C00  }
0x43: {  	s10 =	sand.u32 @!p0 $0xFF, s10;
	s19 =	smul.u32 @!p0 $0xF000, s8;
	[sflag:s11] =	ssyncset.done @!p2 $0x0  }
0x44: {  	s9 =	sadd.s32 @!p0 $0x1, s10;
	s8 =	sshll.u32 @!p0 s10, $0x7;
	[sflag:s11] =	ssyncadd.s32 @!p2 $0xFFFFC400  }
0x45: {  	[spmem:s2] =	stream.indirect.scatter.add.f32 [tilespmem:s6], [sflag:$0x8], $0x80, s5, s30, $0xb8;
	[tilespmem:$0x1FC00] =	vst v63  }
0x46: {  	s11 =	sand.u32 @!p1 $0xFF, s18;
	s18 =	smov.u32 s1;
	s5 =	sadd.s32 $0x10, s1  }
0x47: {  	s10 =	sshll.u32 @!p1 s11, $0x7;
	s6 =	sshrl.u32 @!p0 s19, $0x2;
	s19 =	smov.u32 s31  }
.LBB2_2:
0x48: {  	_ =	swait.ge @!p0 [sflag:s9], $0x80  }
0x49: {  	s12 =	sadd.s32 @!p0 $0x800, s6;
	s13 =	sor.u32 @!p1 $0x400, s10;
	s6 =	smov.u32 s26  }
0x4a: {  	s14 =	smov.u32 s19;
	s19 =	smov.u32 s28;
	p3 =	por p1, p1  }
0x4b: {  	s26 =	sadd.s32 $0x1, s26;
	s15 =	smov.u32 s18;
	[sflag:s9] =	ssyncset.done @!p0 $0x0  }
0x4c: {  	s18 =	smov.u32 s5;
	p2 =	sne.s32 s26, $0x54;
	[sflag:s9] =	ssyncadd.s32 @!p0 $0xFFFFFF80  }
0x4d: {  	_ =	swait.ge @!p0 [sflag:s9], $0x80  }
0x4e: {  	s17 =	simm.s32 @!p0 $0x78;
	s16 =	smul.u32 $0xAB, s6;
	[sflag:s9] =	ssyncset.done @!p0 $0x0  }
0x4f: {  	[sflag:s9] =	ssyncadd.s32 @!p0 $0xFFFFFF80;
	s9 =	sadd.s32 @!p3 $0x1, s11;
	s11 =	simm.s32 @!p3 $0x0  }
0x50: {  	[tilespmem:s12], [sflag:$0x7] =	stream.indirect.gather @!p0 [hbm4b:s4+s17], $0x80, s8, s17, $0xb8;
	[tilespmem:$0x1FC00] =	vst v63  }
0x51: {  	s8 =	sshrl.u32 s16, $0x9  }
0x52: {  	s12 =	sshrl.u32 s16, $0xA;
	p0 =	sgt.u32 s6, $0x51;
	s8 =	sand.u32 $0x7F, s8  }
0x53: {  	[tilespmem:s10], [sflag:s9] =	stream.linear.gather @!p3 [hbm4b:s14+s11], $0x80, $0x38;
	[tilespmem:$0x1FC00] =	vst v63  }
0x54: {  	p1 =	sgt.u32 @!p0 s6, $0x4F;
	s10 =	sand.u32 $0x3F, s12;
	s8 =	smul.u32 $0x3, s8  }
0x55: {  	s28 =	sadd.s32 $0x10, s28;
	s12 =	sadd.s32 @!p0 $0x2, s6;
	p1 =	por p1, p0  }
0x56: {  	s10 =	smul.u32 $0x6, s10;
	s14 =	sand.u32 @!p0 $0xFF, s12;
	s8 =	ssub.s32 s6, s8  }
0x57: {  	s5 =	sadd.s32 $0x10, s5;
	s14 =	smul.u32 @!p0 $0xAB, s14;
	s8 =	sand.u32 $0xFF, s8  }
0x58: {  	[tilespmem:s13], [sflag:s9] =	stream.linear.gather @!p3 [hbm4b:s15+s11], $0x80, $0x38;
	[tilespmem:$0x1FC00] =	vst v63  }
0x59: {  	s8 =	smul.u32 $0xF000, s8;
	s9 =	ssub.s32 s6, s10  }
0x5a: {  	s10 =	sadd.s32 @!p1 $0x4, s6;
	s11 =	sshrl.u32 @!p0 s14, $0xA;
	_ =	swait.ge [sflag:s21], $0x3C00  }
0x5b: {  	s13 =	smul.u32 @!p1 $0xAB, s10;
	s9 =	sand.u32 $0xF7, s9;
	[sflag:s21] =	ssyncset.done $0x0  }
0x5c: {  	s15 =	sshrl.u32 s8, $0x2;
	s8 =	smul.u32 @!p0 $0x6, s11;
	[sflag:s21] =	ssyncadd.s32 $0xFFFFC400  }
0x5d: {  	p3 =	seq.s32 s6, $0x0;
	s16 =	sshll.u32 s9, $0x7  }
0x5e: {  	s9 =	sshrl.u32 @!p0 s14, $0x9;
	s11 =	sshrl.u32 @!p1 s13, $0xA;
	s8 =	ssub.s32 @!p0 s12, s8  }
0x5f: {  	s13 =	smul.u32 @!p0 $0x3, s9;
	s9 =	sand.u32 @!p1 $0x3F, s11;
	s6 =	sand.u32 @!p0 $0xFF, s8  }
0x60: {  	s11 =	smul.u32 @!p1 $0x6, s9;
	s9 =	sadd.s32 @!p0 $0x1, s6  }
0x61: {  	s12 =	ssub.s32 @!p0 s12, s13;
	s8 =	sshll.u32 @!p0 s6, $0x7;
	s6 =	simm.s32 @!p3 $0x8  }
.Ltmp0:
0x62: {  	s12 =	sand.u32 @!p0 $0xFF, s12;
	s10 =	ssub.s32 @!p1 s10, s11;
	(pc) =	sbr.rel @p2 .LBB2_2-.Ltmp0, $4  }
0x63: {  	s12 =	smul.u32 @!p0 $0xF000, s12;
	s11 =	sand.u32 @!p1 $0xFF, s10;
	_ =	swait.ge @!p3 [sflag:s6], $0x3C00  }
0x64: {  	s13 =	sadd.s32 $0x800, s15;
	s10 =	sshll.u32 @!p1 s11, $0x7;
	[sflag:s6] =	ssyncset.done @!p3 $0x0  }
0x65: {  	s14 =	sor.u32 $0x400, s16;
	[sflag:s6] =	ssyncadd.s32 @!p3 $0xFFFFC400;
	s6 =	sshrl.u32 @!p0 s12, $0x2  }
0x66: {  	[spmem:s2] =	stream.indirect.scatter.add.f32 [tilespmem:s13], [sflag:$0x8], $0x80, s14, s30, $0xb8;
	[tilespmem:$0x1FC00] =	vst v63  }
0x67: {  	_ =	swait.ge @!p0 [sflag:s9], $0x80  }
0x68: {  	[sflag:s9] =	ssyncset.done @!p0 $0x0  }
0x69: {  	[sflag:s9] =	ssyncadd.s32 @!p0 $0xFFFFFF80  }
0x6a: {  	_ =	swait.ge @!p0 [sflag:s9], $0x80  }
0x6b: {  	[sflag:s9] =	ssyncset.done @!p0 $0x0  }
0x6c: {  	s5 =	sadd.s32 @!p0 $0x800, s6;
	s6 =	simm.s32 @!p0 $0x78;
	[sflag:s9] =	ssyncadd.s32 @!p0 $0xFFFFFF80  }
0x6d: {  	[tilespmem:s5], [sflag:$0x7] =	stream.indirect.gather @!p0 [hbm4b:s4+s6], $0x80, s8, s6, $0xb8;
	[tilespmem:$0x1FC00] =	vst v63  }
0x6e: {  	p0 =	por p1, p1  }
0x6f: {  	s5 =	sadd.s32 @!p0 $0x1, s11;
	s6 =	simm.s32 @!p0 $0x0  }
0x70: {  	[tilespmem:s10], [sflag:s5] =	stream.linear.gather @!p0 [hbm4b:s19+s6], $0x80, $0x38;
	[tilespmem:$0x1FC00] =	vst v63  }
0x71: {  	s8 =	sor.u32 @!p1 $0x400, s10  }
0x72: {  	[tilespmem:s8], [sflag:s5] =	stream.linear.gather @!p0 [hbm4b:s18+s6], $0x80, $0x38;
	[tilespmem:$0x1FC00] =	vst v63  }
0x73: {  	_ =	swait.ge [sflag:s23], $0x3C00  }
0x74: {  	[sflag:s23] =	ssyncset.done $0x0  }
0x75: {  	[sflag:s23] =	ssyncadd.s32 $0xFFFFC400  }
0x76: {  	[bflag:$0x0] =	sbarrier.arrive $0xFFFF  }
0x77: {  	s26 =	rddreg [dreg:$0xe]  }
0x78: {  	[hbm:s26], [sflag:s7] =	dma.local [spmem:s25], $0x2800  }
0x79: {  	_ =	swait.ge [sflag:s20], $0x2800  }
0x7a: {  	s24 =	sadd.s32 $0x1, s24;
	s28 =	rddreg [dreg:$0xf]  }
0x7b: {  	p0 =	sne.s32 s24, s28  }
.Ltmp1:
0x7c: {  	_ = 	snop;
	(pc) =	sbr.rel @p0 .LBB2_1-.Ltmp1, $3  }
0x7d: {  	_ =	sdelay $0x1  }
0x7e: {  	[sflag:s20] =	ssyncset.done $0x0  }
0x7f: {  	[sflag:s20] =	ssyncadd.s32 $0xFFFFD800  }
0x80: {  	_ =	sfence.sel $0x180000  }
0x81: {  	[bflag:$0x0] =	sbarrier.arrive $0xFFFF  }
0x82: {  	_ =	strace $0x9000004D  }
0x83: {  	s0 =	stileid.u32;
	[bflag:$0x2] =	sbarrier.arrive $0xFFFF  }
0x84: {  	p0 =	sne.s32 s0, $0x0;
	s0 =	rddreg [dreg:$0x3]  }
0x85: {  	s0 =	sadd.s32 @!p0 $0x100000, s0  }
0x86: {  	[sflag:s0] =	ssyncadd.tile.s32 @!p0 $0x1;
	_ =	shalt  }
.Lfunc_end2:
_tile_overlayer_lowered:
.L_overlay_start_2:
0x87: {  	(tag) =	ssettag $0x2  }
0x88: {  	s0 =	rddreg [dreg:$0x0];
	s2 =	stileid.u32  }
0x89: {  	s1 =	rddreg [dreg:$0x1];
	p0 =	sne.s32 s2, $0x0  }
0x8a: {  	s3 =	rddreg [dreg:$0x2];
	[bflag:$0x3] =	sbarrier.arrive $0xFFFF;
	s2 =	simm.s32 @!p0 $0x1C09  }
0x8b: {  	[timem:s3], [sflag:s2] =	dma.local @!p0 [hbm:s0], s1  }
0x8c: {  	s0 =	simm.s32 @!p0 $0x9  }
0x8d: {  	_ =	swait.ge @!p0 [sflag:s0], s1  }
0x8e: {  	s1 =	ssub.s32 @!p0 $0x0, s1;
	[sflag:s0] =	ssyncset.done @!p0 $0x0  }
0x8f: {  	[sflag:s0] =	ssyncadd.s32 @!p0 s1  }
0x90: {  	[bflag:$0x3] =	sbarrier.arrive $0xFFFF  }
0x91: {  	_ =	shalt  }

// kernel: kernel.19.cloned.1.call-start
scs
__scs_entry_jumppad:
0x0: {  	(pc) =	sbr.rel $0x88, $3  }
0x1: {  	(tag) =	ssettag $0x0;
	lr =	simm.s32 $0x1  }
0x2: {  	[smem:$0x3F96] =	sst lr;
	_ =	strace $0xD0000000  }
0x3: {  	_ = 	snop  }
0x4: {  	_ = 	snop  }
0x5: {  	_ = 	snop  }
0x6: {  	_ = 	snop  }
0x7: {  	_ = 	snop  }
__scs_overlays_trampoline_lowered:
0x8: {  	[smem:$0x3FA5] =	sst s0  }
0x9: {  	[smem:$0x3FA6] =	sst s1  }
0xa: {  	[smem:$0x3FA7] =	sst s2  }
0xb: {  	[smem:$0x3FA8] =	sst s3  }
0xc: {  	[smem:$0x3FA9] =	sst s4  }
0xd: {  	[smem:$0x3FAA] =	sst s5  }
0xe: {  	[smem:$0x3FAB] =	sst s6  }
0xf: {  	[smem:$0x3FAC] =	sst s7  }
0x10: {  	[smem:$0x3FAD] =	sst s8  }
0x11: {  	[smem:$0x3FAE] =	sst s9;
	s0 =	simm.s32 @!p0 $0x0  }
0x12: {  	s1 =	sld [smem:$0x3F94];
	s0 =	simm.s32 @p0 $0x1  }
0x13: {  	[smem:$0x3FAF] =	sst s0;
	s0 =	simm.s32 @!p1 $0x0  }
0x14: {  	s2 =	sld [smem:$0x3F93];
	s0 =	simm.s32 @p1 $0x1  }
0x15: {  	[smem:$0x3FB0] =	sst s0;
	s0 =	simm.s32 @!p2 $0x0  }
0x16: {  	s3 =	sld [smem:$0x3FDB];
	s0 =	simm.s32 @p2 $0x1  }
0x17: {  	s4 =	simm.s32 $0x1BF5;
	[smem:$0x3FB2] =	sst s0  }
0x18: {  	s0 =	sld [smem:$0x3F95];
	_ =	swait.ge [sflag:s4], $0x0  }
0x19: {  	s7 =	sld [smem:$0x3F96]  }
0x1a: {  	s8 =	sadd.s32 $0xFFFFE003, lr  }
0x1b: {  	s9 =	sadd.s32 $0xFFFFFEF7, lr;
	s5 =	simm.s32 $0xFFFFFFFF;
	p2 =	slt.u32 s8, $0xFFFFF086  }
0x1c: {  	p1 =	slt.u32 s9, $0xF7A;
	s5 =	simm.s32 @!p2 $0x0  }
0x1d: {  	s5 =	simm.s32 @p1 $0x1;
	p0 =	seq.s32 s7, s2  }
0x1e: {  	s7 =	smul.u32 @!p0 $0xF7A, s2;
	p2 =	seq.s32 @!p0 s5, $0x0  }
0x1f: {  	s9 =	smul.u32 $0xF7A, s1;
	s8 =	simm.s32 @!p0 $0x1BF5;
	p2 =	por !p2, p0  }
0x20: {  	[sflag:s8] =	ssyncset.s32 @!p0 $0xFFFFF086;
	s6 =	sadd.s32 @!p0 s3, s7;
	s7 =	simm.s32 @!p0 $0x108  }
0x21: {  	s3 =	sadd.s32 s3, s9;
	s6 =	sadd.s32 @!p0 $0x88, s6;
	s7 =	simm.s32 @p2 $0x1082  }
0x22: {  	[simem:s7], [sflag:s8] =	dma.local @!p0 [hbm:s6], $0xF7A  }
0x23: {  	s9 =	sor.u32 $0xD0000000, s2;
	s6 =	simm.s32 $0x108;
	_ =	swait.ge @!p0 [sflag:s8], $0x0  }
0x24: {  	s3 =	sadd.s32 $0x88, s3;
	s6 =	simm.s32 @!p1 $0x1082;
	[sflag:s4] =	ssyncset.s32 $0xFFFFF086  }
0x25: {  	[simem:s6], [sflag:s4] =	dma.local [hbm:s3], $0xF7A  }
0x26: {  	[smem:$0x3F96] =	sst s1;
	(tag) =	ssettag s2;
	_ =	strace s9  }
0x27: {  	s1 =	sld [smem:$0x3FA6]  }
0x28: {  	s2 =	sld [smem:$0x3FA7]  }
0x29: {  	s4 =	sld [smem:$0x3FA9]  }
0x2a: {  	p0 =	seq.s32 s5, $0x0;
	s5 =	sld [smem:$0x3FAA]  }
0x2b: {  	s6 =	sld [smem:$0x3FAB]  }
0x2c: {  	s7 =	sld [smem:$0x3FAC]  }
0x2d: {  	s3 =	simm.s32 $0x108;
	s8 =	sld [smem:$0x3FAD]  }
0x2e: {  	s3 =	simm.s32 @!p0 $0x1082;
	s9 =	sld [smem:$0x3FAE]  }
0x2f: {  	lr =	sadd.s32 s0, s3;
	s0 =	sld [smem:$0x3FA5]  }
0x30: {  	s3 =	sld [smem:$0x3FA8]  }
0x31: {  	[smem:$0x3FB1] =	sst s10  }
0x32: {  	s10 =	sld [smem:$0x3FAF];
	_ =	sdelay $0x3  }
0x33: {  	p0 =	seq.s32 s10, $0x1;
	s10 =	sld [smem:$0x3FB1];
	_ =	sdelay $0x3  }
0x34: {  	[smem:$0x3FB1] =	sst s10  }
0x35: {  	s10 =	sld [smem:$0x3FB0];
	_ =	sdelay $0x3  }
0x36: {  	p1 =	seq.s32 s10, $0x1;
	s10 =	sld [smem:$0x3FB1];
	_ =	sdelay $0x3  }
0x37: {  	[smem:$0x3FB1] =	sst s10  }
0x38: {  	s10 =	sld [smem:$0x3FB2]  }
0x39: {  	_ = 	snop;
	(pc) =	sbr.ind lr, $3  }
0x3a: {  	_ = 	snop  }
0x3b: {  	_ = 	snop  }
0x3c: {  	p2 =	seq.s32 s10, $0x1;
	s10 =	sld [smem:$0x3FB1]  }
0x3d: {  	_ =	shalt  }
0x3e: {  	_ =	shalt  }
0x3f: {  	_ =	shalt  }
0x40: {  	_ =	shalt  }
0x41: {  	_ =	shalt  }
0x42: {  	_ =	shalt  }
0x43: {  	_ =	shalt  }
0x44: {  	_ =	shalt  }
0x45: {  	_ =	shalt  }
0x46: {  	_ =	shalt  }
0x47: {  	_ =	shalt  }
0x48: {  	_ =	shalt  }
0x49: {  	_ =	shalt  }
0x4a: {  	_ =	shalt  }
0x4b: {  	_ =	shalt  }
0x4c: {  	_ =	shalt  }
0x4d: {  	_ =	shalt  }
0x4e: {  	_ =	shalt  }
0x4f: {  	_ =	shalt  }
0x50: {  	_ =	shalt  }
0x51: {  	_ =	shalt  }
0x52: {  	_ =	shalt  }
0x53: {  	_ =	shalt  }
0x54: {  	_ =	shalt  }
0x55: {  	_ =	shalt  }
0x56: {  	_ =	shalt  }
0x57: {  	_ =	shalt  }
0x58: {  	_ =	shalt  }
0x59: {  	_ =	shalt  }
0x5a: {  	_ =	shalt  }
0x5b: {  	_ =	shalt  }
0x5c: {  	_ =	shalt  }
0x5d: {  	_ =	shalt  }
0x5e: {  	_ =	shalt  }
0x5f: {  	_ =	shalt  }
0x60: {  	_ =	shalt  }
0x61: {  	_ =	shalt  }
0x62: {  	_ =	shalt  }
0x63: {  	_ =	shalt  }
0x64: {  	_ =	shalt  }
0x65: {  	_ =	shalt  }
0x66: {  	_ =	shalt  }
0x67: {  	_ =	shalt  }
0x68: {  	_ =	shalt  }
0x69: {  	_ =	shalt  }
0x6a: {  	_ =	shalt  }
0x6b: {  	_ =	shalt  }
0x6c: {  	_ =	shalt  }
0x6d: {  	_ =	shalt  }
0x6e: {  	_ =	shalt  }
0x6f: {  	_ =	shalt  }
0x70: {  	_ =	shalt  }
0x71: {  	_ =	shalt  }
0x72: {  	_ =	shalt  }
0x73: {  	_ =	shalt  }
0x74: {  	_ =	shalt  }
0x75: {  	_ =	shalt  }
0x76: {  	_ =	shalt  }
0x77: {  	_ =	shalt  }
0x78: {  	_ =	shalt  }
0x79: {  	_ =	shalt  }
0x7a: {  	_ =	shalt  }
0x7b: {  	_ =	shalt  }
0x7c: {  	_ =	shalt  }
0x7d: {  	_ =	shalt  }
0x7e: {  	_ =	shalt  }
0x7f: {  	_ =	shalt  }
0x80: {  	_ =	shalt  }
0x81: {  	_ =	shalt  }
0x82: {  	_ =	shalt  }
0x83: {  	_ =	shalt  }
0x84: {  	_ =	shalt  }
0x85: {  	_ =	shalt  }
0x86: {  	_ =	shalt  }
0x87: {  	_ =	shalt  }
.Lfunc_end0:
.L_simem_size_0:
called_computation.3_lowered:
.L_overlay_start_0:
0x88: {  	s2 =	sld [smem:$0x3FD9]  }
0x89: {  	s3 =	sld [smem:$0x3FFE];
	_ =	sdelay $0x1  }
0x8a: {  	s1 =	srdreg.scid  }
0x8b: {  	s0 =	sand.u32 $0x1, s1  }
0x8c: {  	s16 =	sshll.u32 s0, $0xA;
	s2 =	sadd.s32 s3, s2  }
0x8d: {  	s2 =	sadd.s32 s2, s16  }
0x8e: {  	[smem:$0x3FBD] =	sst s2  }
0x8f: {  	_ = 	snop  }
0x90: {  	(tm) =	ssettm $0x1  }
0x91: {  	s17 =	sld [smem:$0x3FFB];
	_ =	sdelay $0x3  }
0x92: {  	_ =	strace s17  }
0x93: {  	s2 =	sld [smem:$0x3FFC];
	_ =	sdelay $0x3  }
0x94: {  	_ =	strace s2  }
0x95: {  	s2 =	sld [smem:$0x3FFD];
	_ =	sdelay $0x3  }
0x96: {  	_ =	strace s2  }
0x97: {  	_ =	strace $0x8FFFFFFF  }
0x98: {  	s18 =	sld [smem:$0x3FDB];
	_ =	sdelay $0x1  }
0x99: {  	s19 =	simm.s32 $_scs_section_size  }
0x9a: {  	s4 =	simm.s32 $_size__tile_overlayer_lowered;
	s5 =	simm.s32 $_tile_overlayer_lowered  }
0x9b: {  	s22 =	simm.s32 $0x1BFF;
	s21 =	sshll.u32 s5, $0x1;
	s2 =	sadd.s32 s19, s18  }
0x9c: {  	s6 =	simm.s32 $0x0;
	s20 =	sshll.u32 s4, $0x1;
	s4 =	sadd.s32 s21, s2  }
0x9d: {  	[timem:s6], [sflag:s22] =	dma.local [hbm:s4], s20  }
0x9e: {  	_ =	swait.ge [sflag:s22], s20  }
0x9f: {  	s3 =	ssub.s32 $0x0, s20;
	[sflag:s22] =	ssyncset.done $0x0  }
0xa0: {  	[sflag:s22] =	ssyncadd.s32 s3;
	_ =	sdelay $0x1  }
0xa1: {  	s23 =	simm.s32 $0x1B8B  }
0xa2: {  	_ =	swait.ge [sflag:s23], $0x1  }
0xa3: {  	[sflag:s23] =	ssyncset.done $0x0  }
0xa4: {  	s25 =	simm.s32 $0x1B8E;
	s24 =	sld [smem:$0x3FFE];
	[sflag:s23] =	ssyncadd.s32 $0xFFFFFFFF  }
0xa5: {  	s26 =	simm.s32 $execute0_lowered;
	[smem:$0x3FD2] =	sst s25  }
0xa6: {  	s4 =	sshll.u32 s26, $0x1;
	_ =	strace $0x8000004F;
	[dreg:$0x1] =	wrdreg $0xFFFFFFFF  }
0xa7: {  	s28 =	simm.s32 $_size_execute0_lowered;
	s2 =	sadd.s32 s2, s4;
	[dreg:$0x0] =	wrdreg $0x0  }
0xa8: {  	s4 =	sshll.u32 s28, $0x1;
	[dreg:$0x2] =	wrdreg s2  }
0xa9: {  	[dreg:$0x3] =	wrdreg s4  }
0xaa: {  	[dreg:$0x4] =	wrdreg $0xC0  }
0xab: {  	_ =	task [dreg:s6], $0x5FFFF  }
0xac: {  	[dreg:$0x1] =	wrdreg $0xFFFFFFFF  }
0xad: {  	[dreg:$0x0] =	wrdreg $0x60  }
0xae: {  	[dreg:$0x2] =	wrdreg s24  }
0xaf: {  	[dreg:$0x3] =	wrdreg $0x7DA00  }
0xb0: {  	[dreg:$0x4] =	wrdreg $0x9  }
0xb1: {  	_ =	task.clear_ibuf [dreg:s6], $0x5FFFF;
	_ =	strace $0x9000004F  }
0xb2: {  	s29 =	simm.s32 $0x9;
	_ =	strace $0x80000051  }
0xb3: {  	_ =	swait.ge [sflag:s29], $0x1  }
0xb4: {  	[sflag:s29] =	ssyncadd.s32 $0xFFFFFFFF  }
0xb5: {  	_ =	strace $0x90000051  }
0xb6: {  	_ =	sfence  }
0xb7: {  	s30 =	sld [smem:$0x0];
	_ =	sdelay $0x2  }
0xb8: {  	s31 =	sshll.u32 s1, $0xD;
	s1 =	sshrl.u32 s1, $0x2  }
0xb9: {  	s3 =	sand.u32 $0x4000, s31;
	s1 =	sadd.s32 s1, s30  }
0xba: {  	s0 =	sor.u32 s3, s0;
	s1 =	sshll.u32 s1, $0x11  }
0xbb: {  	s0 =	sor.u32 s1, s0  }
0xbc: {  	s0 =	sadd.s32 $0x8F2B, s0  }
0xbd: {  	[sflag:s0] =	ssyncadd.remote.s32 $0x1  }
0xbe: {  	_ =	sfence.sel $0xFFFF  }
0xbf: {  	[dreg:$0x0] =	wrdreg $0xFFFFFFFF;
	(pc) =	sbr.abs _section_cstart, $3  }
0xc0: {  	[dreg:$0x1] =	wrdreg $0xFFFFFFFF  }
0xc1: {  	_ =	task.clear_ibuf [dreg:s6], $0x2FFFF;
	_ =	strace $0x9FFFFFFF  }
0xc2: {  	(tm) =	ssettm $0x7FFFFFFF  }
0xc3: {  	_ =	shalt  }
tec
execute0_lowered:
.L_overlay_start_1:
0x0: {  	(tag) =	ssettag $0x1  }
0x1: {  	s0 =	rddreg [dreg:$0x0]  }
0x2: {  	s2 =	rddreg [dreg:$0x1];
	s1 =	srdreg.scid  }
0x3: {  	s12 =	stileid.u32;
	s3 =	simm.s32 $0x0;
	s29 =	simm.s32 $0x1  }
0x4: {  	s31 =	simm.s32 $0x2;
	s1 =	sand.u32 $0x1, s1;
	s5 =	smul.u32 $0xA000, s12  }
0x5: {  	[smem:$0x7FF] =	sst s3;
	s8 =	sadd.s32 $0x22200, s0;
	s9 =	sadd.s32 $0x18400, s0  }
0x6: {  	s4 =	sadd.s32 $0x2C000, s0;
	s7 =	sshll.u32 s12, $0x1;
	s23 =	smul.u32 $0x9D8, s12  }
0x7: {  	s15 =	sshll.u32 s12, $0x6;
	s6 =	smul.u32 $0xA0000, s1;
	_ =	strace $0x80000050  }
0x8: {  	s10 =	ssub.s32 $0x2, s1;
	s7 =	sor.u32 s1, s7;
	s1 =	smul.u32 $0x4EC, s1  }
0x9: {  	s28 =	sshrl.u32 s10, $0x1;
	s11 =	smul.u32 $0x4EC, s7;
	s30 =	sshrl.u32 s5, $0x3  }
0xa: {  	s13 =	smul.u32 $0x2760, s7;
	s7 =	sor.u32 $0x1C09, s15;
	s25 =	sadd.s32 s23, s8  }
0xb: {  	s6 =	sadd.s32 s5, s6;
	s5 =	sadd.s32 s5, s2;
	s14 =	sadd.s32 s4, s30  }
0xc: {  	s26 =	sadd.s32 s1, s25;
	s25 =	simm.s32 $0x8;
	[dreg:$0x3] =	wrdreg s5  }
0xd: {  	s6 =	sshrl.u32 s6, $0x3;
	[dreg:$0x4] =	wrdreg s14;
	s16 =	sadd.s32 s8, s11  }
0xe: {  	s17 =	sadd.s32 $0x78, s13;
	s18 =	sadd.s32 s9, s11;
	s19 =	sshrl.u32 s13, $0x3  }
0xf: {  	s22 =	sadd.s32 $0x168, s13;
	s0 =	sadd.s32 s6, s0;
	[dreg:$0x5] =	wrdreg s16  }
0x10: {  	s6 =	ssub.s32 s10, s28;
	[dreg:$0x6] =	wrdreg s18;
	s5 =	sshrl.u32 s17, $0x3  }
0x11: {  	s21 =	sadd.s32 $0x1E, s19;
	s24 =	sshrl.u32 s22, $0x3;
	s28 =	sadd.s32 s23, s9  }
0x12: {  	s22 =	simm.s32 $0x78;
	s23 =	simm.s32 $0x7;
	s20 =	sadd.s32 s8, s5  }
0x13: {  	s5 =	sadd.s32 s9, s5;
	s10 =	sadd.s32 s8, s21;
	s14 =	sadd.s32 s8, s24  }
0x14: {  	s15 =	sadd.s32 s9, s24;
	s16 =	sadd.s32 $0x40000, s0;
	s17 =	smax.u32 s6, $0x1  }
0x15: {  	s8 =	sadd.s32 $0x3C, s26;
	s30 =	sadd.s32 s1, s28;
	[dreg:$0x7] =	wrdreg s20  }
0x16: {  	s24 =	simm.s32 $0xF0;
	s1 =	simm.s32 $0x3;
	[dreg:$0x8] =	wrdreg s5  }
0x17: {  	s26 =	simm.s32 $0x0;
	[dreg:$0x9] =	wrdreg s10;
	s5 =	sadd.s32 s9, s21  }
0x18: {  	s9 =	sadd.s32 $0x3C, s30;
	s20 =	simm.s32 $0x9;
	[dreg:$0xa] =	wrdreg s5  }
.LBB2_1:
0x19: {  	s0 =	rddreg [dreg:$0x3]  }
0x1a: {  	s11 =	rddreg [dreg:$0x4];
	s28 =	sshrl.u32 s0, $0x3  }
0x1b: {  	[spmem:s28], [sflag:s7] =	dma.local [hbm:s11], $0x1400  }
0x1c: {  	_ =	swait.ge [sflag:s20], $0x1400  }
0x1d: {  	[sflag:s20] =	ssyncset.done $0x0  }
0x1e: {  	s12 =	rddreg [dreg:$0x5];
	[sflag:s20] =	ssyncadd.s32 $0xFFFFEC00  }
0x1f: {  	[tilespmem:s3], [sflag:$0x1] =	stream.linear.gather [hbm4b:s12+s3], $0x78, $0x38;
	[tilespmem:$0x11DA0] =	vst v63  }
0x20: {  	s5 =	simm.s32 $0x2D0;
	s13 =	rddreg [dreg:$0x6]  }
0x21: {  	[tilespmem:s5], [sflag:$0x1] =	stream.linear.gather [hbm4b:s13+s3], $0x78, $0x38;
	[tilespmem:$0x11DA0] =	vst v63  }
0x22: {  	s18 =	rddreg [dreg:$0x7]  }
0x23: {  	[tilespmem:s22], [sflag:$0x2] =	stream.linear.gather [hbm4b:s18+s3], $0x78, $0x38;
	[tilespmem:$0x11DA0] =	vst v63  }
0x24: {  	s21 =	simm.s32 $0x348;
	s19 =	rddreg [dreg:$0x8]  }
0x25: {  	[tilespmem:s21], [sflag:$0x2] =	stream.linear.gather [hbm4b:s19+s3], $0x78, $0x38;
	[tilespmem:$0x11DA0] =	vst v63  }
0x26: {  	s5 =	rddreg [dreg:$0x9]  }
0x27: {  	[tilespmem:s24], [sflag:$0x3] =	stream.linear.gather [hbm4b:s5+s3], $0x78, $0x38;
	[tilespmem:$0x11DA0] =	vst v63  }
0x28: {  	s10 =	simm.s32 $0x3C0;
	s6 =	rddreg [dreg:$0xa]  }
0x29: {  	[tilespmem:s10], [sflag:$0x3] =	stream.linear.gather [hbm4b:s6+s3], $0x78, $0x38;
	[tilespmem:$0x11DA0] =	vst v63  }
0x2a: {  	s11 =	simm.s32 $0x168  }
0x2b: {  	[tilespmem:s11], [sflag:$0x4] =	stream.linear.gather [hbm4b:s14+s3], $0x78, $0x38;
	[tilespmem:$0x11DA0] =	vst v63  }
0x2c: {  	s12 =	simm.s32 $0x438  }
0x2d: {  	[tilespmem:s12], [sflag:$0x4] =	stream.linear.gather [hbm4b:s15+s3], $0x78, $0x38;
	[tilespmem:$0x11DA0] =	vst v63  }
0x2e: {  	[bflag:$0x0] =	sbarrier.arrive $0xFFFF  }
0x2f: {  	_ =	swait.ge [sflag:s29], $0x78  }
0x30: {  	[sflag:s29] =	ssyncset.done $0x0  }
0x31: {  	[sflag:s29] =	ssyncadd.s32 $0xFFFFFF88  }
0x32: {  	_ =	swait.ge [sflag:s29], $0x78  }
0x33: {  	[sflag:s29] =	ssyncset.done $0x0  }
0x34: {  	s13 =	simm.s32 $0x5A0;
	[sflag:s29] =	ssyncadd.s32 $0xFFFFFF88  }
0x35: {  	[tilespmem:s13], [sflag:$0x7] =	stream.indirect.gather [hbm4b:s4+s22], $0x40, s3, s22, $0xb8;
	[tilespmem:$0x11DA0] =	vst v63  }
0x36: {  	_ =	swait.ge [sflag:s31], $0x78  }
0x37: {  	[sflag:s31] =	ssyncset.done $0x0  }
0x38: {  	[sflag:s31] =	ssyncadd.s32 $0xFFFFFF88  }
0x39: {  	_ =	swait.ge [sflag:s31], $0x78  }
0x3a: {  	[sflag:s31] =	ssyncset.done $0x0  }
0x3b: {  	s18 =	simm.s32 $0x23A0;
	[sflag:s31] =	ssyncadd.s32 $0xFFFFFF88  }
0x3c: {  	[tilespmem:s18], [sflag:$0x7] =	stream.indirect.gather [hbm4b:s4+s22], $0x40, s22, s22, $0xb8;
	[tilespmem:$0x11DA0] =	vst v63  }
0x3d: {  	_ =	swait.ge [sflag:s1], $0x78  }
0x3e: {  	s19 =	simm.s32 $0x0;
	[sflag:s1] =	ssyncset.done $0x0  }
0x3f: {  	s21 =	smul.u32 $0xAB, s19;
	[sflag:s1] =	ssyncadd.s32 $0xFFFFFF88  }
0x40: {  	p1 =	por $0x0, $0x0;
	s0 =	sand.u32 $0x3, s19;
	_ =	swait.ge [sflag:s1], $0x78  }
0x41: {  	s0 =	smul.u32 $0x7800, s0;
	s5 =	sshrl.u32 s21, $0xA;
	[sflag:s1] =	ssyncset.done $0x0  }
0x42: {  	s6 =	simm.s32 $0x41A0;
	s5 =	sand.u32 $0x3F, s5;
	[sflag:s1] =	ssyncadd.s32 $0xFFFFFF88  }
0x43: {  	[tilespmem:s6], [sflag:$0x7] =	stream.indirect.gather [hbm4b:s4+s22], $0x40, s24, s22, $0xb8;
	[tilespmem:$0x11DA0] =	vst v63  }
0x44: {  	p2 =	por $0x1, $0x1;
	s5 =	smul.u32 $0x6, s5;
	s6 =	simm.s32 @!p1 $0x3  }
0x45: {  	s30 =	simm.s32 $0x5;
	p0 =	por @!p1 $0x0, $0x0;
	s10 =	smul.u32 @!p1 $0xAB, s6  }
0x46: {  	s11 =	simm.s32 @!p2 $0x8;
	s5 =	ssub.s32 $0x0, s5;
	_ =	swait.ge [sflag:s23], $0x1E00  }
0x47: {  	s5 =	sand.u32 $0xFF, s5;
	[sflag:s23] =	ssyncset.done $0x0;
	s10 =	sshrl.u32 @!p1 s10, $0xA  }
0x48: {  	s5 =	smul.u32 $0x1E0, s5;
	[sflag:s23] =	ssyncadd.s32 $0xFFFFE200;
	s10 =	sand.u32 @!p1 $0x3F, s10  }
0x49: {  	s0 =	sshrl.u32 s0, $0x2;
	_ =	swait.ge @!p2 [sflag:s11], $0x1E00;
	s10 =	smul.u32 @!p1 $0x6, s10  }
0x4a: {  	s0 =	sadd.s32 $0x5A0, s0;
	s5 =	sshrl.u32 s5, $0x2;
	[sflag:s11] =	ssyncset.done @!p2 $0x0  }
0x4b: {  	s5 =	sadd.s32 $0x2D0, s5;
	[sflag:s11] =	ssyncadd.s32 @!p2 $0xFFFFE200;
	s10 =	ssub.s32 @!p1 $0x3, s10  }
0x4c: {  	[spmem:s2] =	stream.indirect.scatter.add.f32 [tilespmem:s0], [sflag:$0x8], $0x40, s5, s22, $0xb8;
	[tilespmem:$0x11DA0] =	vst v63  }
0x4d: {  	p0 =	por p0, p1;
	s0 =	simm.s32 $0x4;
	s5 =	sand.u32 @!p1 $0xFF, s10  }
0x4e: {  	s19 =	smov.u32 s9;
	s0 =	smul.u32 @!p0 $0xAB, s0;
	s10 =	sadd.s32 @!p1 $0x1, s5  }
0x4f: {  	s21 =	smov.u32 s8;
	s6 =	sand.u32 @!p1 $0x3, s6;
	_ =	swait.ge @!p1 [sflag:s10], $0x78  }
0x50: {  	s6 =	smul.u32 @!p1 $0x7800, s6;
	s0 =	sshrl.u32 @!p0 s0, $0xA;
	[sflag:s10] =	ssyncset.done @!p1 $0x0  }
0x51: {  	s5 =	smul.u32 @!p1 $0x1E0, s5;
	s0 =	sand.u32 @!p0 $0x3F, s0;
	[sflag:s10] =	ssyncadd.s32 @!p1 $0xFFFFFF88  }
0x52: {  	s6 =	sshrl.u32 @!p1 s6, $0x2;
	s0 =	smul.u32 @!p0 $0x6, s0;
	_ =	swait.ge @!p1 [sflag:s10], $0x78  }
0x53: {  	s6 =	sadd.s32 @!p1 $0x5A0, s6;
	s5 =	sshrl.u32 @!p1 s5, $0x2;
	[sflag:s10] =	ssyncset.done @!p1 $0x0  }
0x54: {  	s0 =	ssub.s32 @!p0 $0x4, s0;
	[sflag:s10] =	ssyncadd.s32 @!p1 $0xFFFFFF88;
	s10 =	simm.s32 @!p1 $0x78  }
0x55: {  	[tilespmem:s6], [sflag:$0x7] =	stream.indirect.gather @!p1 [hbm4b:s4+s10], $0x40, s5, s10, $0xb8;
	[tilespmem:$0x11DA0] =	vst v63  }
0x56: {  	s18 =	smov.u32 s8;
	s0 =	sand.u32 @!p0 $0xFF, s0;
	s6 =	simm.s32 @!p0 $0x0  }
0x57: {  	s10 =	sadd.s32 @!p0 $0x1, s0;
	s11 =	smul.u32 @!p0 $0x78, s0;
	s0 =	sadd.s32 $0xF, s9  }
.LBB2_2:
0x58: {  	s12 =	sadd.s32 $0xFFFFFFFC, s30  }
0x59: {  	s18 =	sadd.s32 $0xF, s18;
	s5 =	smov.u32 s30;
	s30 =	sadd.s32 $0x1, s30  }
0x5a: {  	[tilespmem:s11], [sflag:s10] =	stream.linear.gather @!p0 [hbm4b:s21+s6], $0x78, $0x38;
	[tilespmem:$0x11DA0] =	vst v63  }
0x5b: {  	s21 =	sand.u32 $0x3, s12;
	s13 =	smul.u32 $0xAB, s12;
	s11 =	sadd.s32 @!p0 $0x2D0, s11  }
0x5c: {  	[tilespmem:s11], [sflag:s10] =	stream.linear.gather @!p0 [hbm4b:s19+s6], $0x78, $0x38;
	[tilespmem:$0x11DA0] =	vst v63  }
0x5d: {  	p1 =	sgt.u32 s12, $0x50;
	s6 =	sshrl.u32 s13, $0xA;
	_ =	swait.ge [sflag:s23], $0x1E00  }
0x5e: {  	s10 =	sadd.s32 @!p1 $0xFFFFFFFF, s5;
	s6 =	sand.u32 $0x3F, s6;
	[sflag:s23] =	ssyncset.done $0x0  }
0x5f: {  	p0 =	seq.s32 @!p1 s5, $0x54;
	s6 =	smul.u32 $0x6, s6;
	[sflag:s23] =	ssyncadd.s32 $0xFFFFE200  }
0x60: {  	p2 =	sne.s32 s30, $0x58;
	s11 =	smul.u32 @!p1 $0xAB, s10;
	s13 =	sand.u32 @!p1 $0x3, s10  }
0x61: {  	p0 =	por p0, p1;
	s6 =	ssub.s32 s12, s6;
	s12 =	smul.u32 $0x7800, s21  }
0x62: {  	p3 =	seq.s32 s5, $0x4;
	s11 =	sshrl.u32 @!p1 s11, $0xA;
	s6 =	sand.u32 $0xFF, s6  }
0x63: {  	s19 =	simm.s32 @!p3 $0x8;
	s11 =	sand.u32 @!p1 $0x3F, s11;
	s6 =	smul.u32 $0x1E0, s6  }
0x64: {  	s11 =	smul.u32 @!p1 $0x6, s11;
	s12 =	sshrl.u32 s12, $0x2;
	_ =	swait.ge @!p3 [sflag:s19], $0x1E00  }
0x65: {  	s12 =	sadd.s32 $0x5A0, s12;
	s6 =	sshrl.u32 s6, $0x2;
	[sflag:s19] =	ssyncset.done @!p3 $0x0  }
0x66: {  	s10 =	ssub.s32 @!p1 s10, s11;
	s6 =	sadd.s32 $0x2D0, s6;
	[sflag:s19] =	ssyncadd.s32 @!p3 $0xFFFFE200  }
0x67: {  	[spmem:s2] =	stream.indirect.scatter.add.f32 [tilespmem:s12], [sflag:$0x8], $0x40, s6, s22, $0xb8;
	[tilespmem:$0x11DA0] =	vst v63  }
0x68: {  	s11 =	smul.u32 @!p0 $0xAB, s5;
	s10 =	sand.u32 @!p1 $0xFF, s10;
	s6 =	simm.s32 @!p0 $0x0  }
0x69: {  	s21 =	smov.u32 s18;
	s12 =	sadd.s32 @!p1 $0x1, s10;
	s10 =	smul.u32 @!p1 $0x1E0, s10  }
0x6a: {  	s13 =	smul.u32 @!p1 $0x7800, s13;
	s11 =	sshrl.u32 @!p0 s11, $0xA;
	_ =	swait.ge @!p1 [sflag:s12], $0x78  }
0x6b: {  	s11 =	sand.u32 @!p0 $0x3F, s11;
	s10 =	sshrl.u32 @!p1 s10, $0x2;
	[sflag:s12] =	ssyncset.done @!p1 $0x0  }
0x6c: {  	s13 =	sshrl.u32 @!p1 s13, $0x2;
	s11 =	smul.u32 @!p0 $0x6, s11;
	[sflag:s12] =	ssyncadd.s32 @!p1 $0xFFFFFF88  }
.Ltmp0:
0x6d: {  	s13 =	sadd.s32 @!p1 $0x5A0, s13;
	_ =	swait.ge @!p1 [sflag:s12], $0x78;
	(pc) =	sbr.rel @p2 .LBB2_2-.Ltmp0, $4  }
0x6e: {  	s19 =	smov.u32 s0;
	s5 =	ssub.s32 @!p0 s5, s11;
	[sflag:s12] =	ssyncset.done @!p1 $0x0  }
0x6f: {  	s11 =	simm.s32 @!p1 $0x78;
	s5 =	sand.u32 @!p0 $0xFF, s5;
	[sflag:s12] =	ssyncadd.s32 @!p1 $0xFFFFFF88  }
0x70: {  	[tilespmem:s13], [sflag:$0x7] =	stream.indirect.gather @!p1 [hbm4b:s4+s11], $0x40, s10, s11, $0xb8;
	[tilespmem:$0x11DA0] =	vst v63  }
0x71: {  	s0 =	sadd.s32 $0xF, s0;
	s10 =	sadd.s32 @!p0 $0x1, s5;
	s11 =	smul.u32 @!p0 $0x78, s5  }
0x72: {  	_ = 	snop  }
0x73: {  	[tilespmem:s11], [sflag:s10] =	stream.linear.gather @!p0 [hbm4b:s21+s6], $0x78, $0x38;
	[tilespmem:$0x11DA0] =	vst v63  }
0x74: {  	s0 =	sadd.s32 @!p0 $0x2D0, s11  }
0x75: {  	[tilespmem:s0], [sflag:s10] =	stream.linear.gather @!p0 [hbm4b:s19+s6], $0x78, $0x38;
	[tilespmem:$0x11DA0] =	vst v63  }
0x76: {  	_ =	swait.ge [sflag:s25], $0x1E00  }
0x77: {  	s26 =	sadd.s32 $0x1, s26;
	[sflag:s25] =	ssyncset.done $0x0  }
0x78: {  	p0 =	sne.s32 s26, s17;
	[sflag:s25] =	ssyncadd.s32 $0xFFFFE200  }
.Ltmp1:
0x79: {  	[bflag:$0x0] =	sbarrier.arrive $0xFFFF;
	(pc) =	sbr.rel @p0 .LBB2_1-.Ltmp1, $4  }
0x7a: {  	[hbm:s16], [sflag:s7] =	dma.local [spmem:s28], $0x1400  }
0x7b: {  	_ =	swait.ge [sflag:s20], $0x1400  }
0x7c: {  	[sflag:s20] =	ssyncset.done $0x0  }
0x7d: {  	[sflag:s20] =	ssyncadd.s32 $0xFFFFEC00  }
0x7e: {  	_ =	sfence.sel $0x180000  }
0x7f: {  	[bflag:$0x0] =	sbarrier.arrive $0xFFFF  }
0x80: {  	_ =	strace $0x90000050  }
0x81: {  	s0 =	stileid.u32;
	[bflag:$0x2] =	sbarrier.arrive $0xFFFF  }
0x82: {  	p0 =	sne.s32 s0, $0x0;
	s0 =	rddreg [dreg:$0x2]  }
0x83: {  	s0 =	sadd.s32 @!p0 $0x100000, s0  }
0x84: {  	[sflag:s0] =	ssyncadd.tile.s32 @!p0 $0x1;
	_ =	shalt  }
.Lfunc_end2:
_tile_overlayer_lowered:
.L_overlay_start_2:
0x85: {  	(tag) =	ssettag $0x2  }
0x86: {  	s0 =	rddreg [dreg:$0x0];
	s2 =	stileid.u32  }
0x87: {  	s1 =	rddreg [dreg:$0x1];
	p0 =	sne.s32 s2, $0x0  }
0x88: {  	s3 =	rddreg [dreg:$0x2];
	[bflag:$0x3] =	sbarrier.arrive $0xFFFF;
	s2 =	simm.s32 @!p0 $0x1C09  }
0x89: {  	[timem:s3], [sflag:s2] =	dma.local @!p0 [hbm:s0], s1  }
0x8a: {  	s0 =	simm.s32 @!p0 $0x9  }
0x8b: {  	_ =	swait.ge @!p0 [sflag:s0], s1  }
0x8c: {  	s1 =	ssub.s32 @!p0 $0x0, s1;
	[sflag:s0] =	ssyncset.done @!p0 $0x0  }
0x8d: {  	[sflag:s0] =	ssyncadd.s32 @!p0 s1  }
0x8e: {  	[bflag:$0x3] =	sbarrier.arrive $0xFFFF  }
0x8f: {  	_ =	shalt  }

</sc_bundles>
